<compile_context>
chip_gen: v7x
topology: tpu7x:2x2x1
jax: 0.10.2.dev20260603
libtpu: 0.0.44.dev20260713+nightly
codegen_flags: <defaults>
</compile_context>

<pallas_src>
import functools

import jax
import jax.numpy as jnp
from jax import lax
from jax.experimental import pallas as pl
from jax.experimental.pallas import tpu as pltpu
from jax.experimental.pallas import tpu_sc as plsc

B = 16384
V = 1000000
D = 16
L = 16
U = 8


def _scalar(vec, j):
    return jnp.reshape(lax.slice(vec, (j,), (j + 1,)), ())


@functools.cache
def _build(num_cores, num_subcores):
    nw = num_cores * num_subcores
    b_per_w = B // nw
    units = b_per_w // U
    mesh = plsc.VectorSubcoreMesh(
        core_axis_name="c", subcore_axis_name="s",
        num_cores=num_cores, num_subcores=num_subcores)

    @functools.partial(
        pl.kernel,
        out_type=jax.ShapeDtypeStruct((B,), jnp.float32),
        mesh=mesh,
        scratch_types=[
            pltpu.VMEM((b_per_w + U,), jnp.int32),
            pltpu.VMEM((b_per_w + U,), jnp.int32),
            pltpu.VMEM((3, U, D, 128), jnp.float32),
            pltpu.VMEM((3, U, D, 128), jnp.float32),
            pltpu.VMEM((D * L,), jnp.float32),
            pltpu.VMEM((b_per_w,), jnp.float32),
            pltpu.SemaphoreType.DMA,
            pltpu.SemaphoreType.DMA,
            pltpu.SemaphoreType.DMA,
            pltpu.SemaphoreType.DMA,
            pltpu.SemaphoreType.DMA,
            pltpu.SemaphoreType.DMA,
        ],
        compiler_params=pltpu.CompilerParams(
            needs_layout_passes=False, use_tc_tiling_on_sc=True),
    )
    def mf_kernel(uids_hbm, iids_hbm, utab_hbm, itab_hbm, out_hbm,
                  uidx_v, iidx_v, ubuf_v, ibuf_v, prod_v, out_v,
                  su0, si0, su1, si1, su2, si2):
        wid = lax.axis_index("s") * num_cores + lax.axis_index("c")
        base = wid * b_per_w
        pltpu.sync_copy(uids_hbm.at[pl.ds(base, b_per_w)],
                        uidx_v.at[pl.ds(0, b_per_w)])
        pltpu.sync_copy(iids_hbm.at[pl.ds(base, b_per_w)],
                        iidx_v.at[pl.ds(0, b_per_w)])

        lanes = lax.iota(jnp.int32, L)
        sems = ((su0, si0), (su1, si1), (su2, si2))

        def issue_unit(u, b):
            sem_u, sem_i = sems[b]
            uvec = uidx_v[pl.ds(u * U, L)]
            ivec = iidx_v[pl.ds(u * U, L)]
            ublk = (uvec >> 7) << 7
            iblk = (ivec >> 7) << 7
            for j in range(U):
                cu = pl.multiple_of(_scalar(ublk, j), 128)
                ci = pl.multiple_of(_scalar(iblk, j), 128)
                pltpu.async_copy(utab_hbm.at[:, pl.ds(cu, 128)],
                                 ubuf_v.at[b, j], sem_u)
                pltpu.async_copy(itab_hbm.at[:, pl.ds(ci, 128)],
                                 ibuf_v.at[b, j], sem_i)

        def compute_unit(u, b, parity):
            sem_u, sem_i = sems[b]
            for _ in range(U):
                pltpu.make_async_copy(utab_hbm.at[:, pl.ds(0, 128)],
                                      ubuf_v.at[b, 0], sem_u).wait()
                pltpu.make_async_copy(itab_hbm.at[:, pl.ds(0, 128)],
                                      ibuf_v.at[b, 0], sem_i).wait()
            uvec = uidx_v[pl.ds(u * U, L)] & 127
            ivec = iidx_v[pl.ds(u * U, L)] & 127
            for j in range(U):
                wu = jnp.full((L,), _scalar(uvec, j), jnp.int32)
                wi = jnp.full((L,), _scalar(ivec, j), jnp.int32)
                uv = plsc.load_gather(ubuf_v.at[b, j], [lanes, wu])
                iv = plsc.load_gather(ibuf_v.at[b, j], [lanes, wi])
                plsc.store_scatter(prod_v, [lanes * L + (parity * U + j)],
                                   uv * iv)
            @pl.when(parity == 1)
            def _():
                acc = jnp.zeros((L,), jnp.float32)
                for d in range(D):
                    acc2 = acc + prod_v[pl.ds(d * L, L)]
                    acc = acc2
                out_v[pl.ds((u - 1) * U, L)] = acc

        issue_unit(0, 0)
        issue_unit(1, 1)

        def body(k, carry):
            u = 3 * k
            compute_unit(u, 0, u % 2)

            @pl.when(u + 2 < units)
            def _():
                issue_unit(u + 2, 2)
            compute_unit(u + 1, 1, (u + 1) % 2)

            @pl.when(u + 3 < units)
            def _():
                issue_unit(u + 3, 0)
            compute_unit(u + 2, 2, (u + 2) % 2)

            @pl.when(u + 4 < units)
            def _():
                issue_unit(u + 4, 1)
            return carry

        lax.fori_loop(0, units // 3, body, 0)
        compute_unit(units - 1, (units - 1) % 3, (units - 1) % 2)

        pltpu.sync_copy(out_v, out_hbm.at[pl.ds(base, b_per_w)])

    return mf_kernel


def kernel(user_ids, item_ids, user_table, item_table):
    try:
        info = plsc.get_sparse_core_info()
        nc, ns = info.num_cores, info.num_subcores
    except Exception:
        nc, ns = 2, 16
    return _build(nc, ns)(user_ids, item_ids, user_table.T, item_table.T)

# --- scband reference (transcript-rebuilt; emitter-appended) ---
"""Pipeline reference for scband-mf-19774029431533 (READ-ONLY COPY).

The authoritative reference and input builder live on the scoring server;
editing this copy changes nothing except your own understanding.
"""

import jax, jax.numpy as jnp
import numpy as np

B = 16384
V = 1000000
D = 16

def setup_inputs(seed: int = 0) -> dict:
    key = jax.random.key(seed)
    k1, k2, k3, k4 = jax.random.split(key, 4)
    user_ids = jax.random.randint(k1, (B,), 0, V, dtype=jnp.int64 if jax.config.jax_enable_x64 else jnp.int32).astype(jnp.int32)
    item_ids = jax.random.randint(k2, (B,), 0, V, dtype=jnp.int64 if jax.config.jax_enable_x64 else jnp.int32).astype(jnp.int32)
    user_table = jax.random.normal(k3, (V, D), dtype=jnp.float32) * 0.01
    item_table = jax.random.normal(k4, (V, D), dtype=jnp.float32) * 0.01
    return {"user_ids": user_ids, "item_ids": item_ids, "user_table": user_table, "item_table": item_table}

def reference(user_ids, item_ids, user_table, item_table):
    # EmbeddingLayer: per-field sparse embedding lookup (squeeze_dim=False)
    eu = jnp.take(user_table, user_ids, axis=0)  # [B, D]
    ei = jnp.take(item_table, item_ids, axis=0)  # [B, D]
    # MF score: elementwise product summed over embedding dim
    score = jnp.sum(eu * ei, axis=1)  # [B]
    return score

if __name__ == "__main__":
    import jax
    _d = setup_inputs()
    print(jax.jit(kernel)(*tuple(_d.values())))

</pallas_src>

<mosaic_0001>
#map = affine_map<(d0, d1) -> (0)>
#map1 = affine_map<(d0, d1) -> (0, 0)>
module attributes {stable_mosaic.version = 14 : i64} {
  func.func @mf_kernel(%arg0: i32, %arg1: i32, %arg2: memref<16384xi32, #tpu.memory_space<hbm>>, %arg3: memref<16384xi32, #tpu.memory_space<hbm>>, %arg4: memref<16x1000000xf32, #tpu.memory_space<hbm>>, %arg5: memref<16x1000000xf32, #tpu.memory_space<hbm>>, %arg6: memref<16384xf32, #tpu.memory_space<hbm>>, %arg7: memref<520xi32, #tpu.memory_space<vmem>>, %arg8: memref<520xi32, #tpu.memory_space<vmem>>, %arg9: memref<3x8x16x128xf32, #tpu.memory_space<vmem>>, %arg10: memref<3x8x16x128xf32, #tpu.memory_space<vmem>>, %arg11: memref<256xf32, #tpu.memory_space<vmem>>, %arg12: memref<512xf32, #tpu.memory_space<vmem>>, %arg13: memref<!tpu.dma_semaphore, #tpu.memory_space<semaphore_mem>>, %arg14: memref<!tpu.dma_semaphore, #tpu.memory_space<semaphore_mem>>, %arg15: memref<!tpu.dma_semaphore, #tpu.memory_space<semaphore_mem>>, %arg16: memref<!tpu.dma_semaphore, #tpu.memory_space<semaphore_mem>>, %arg17: memref<!tpu.dma_semaphore, #tpu.memory_space<semaphore_mem>>, %arg18: memref<!tpu.dma_semaphore, #tpu.memory_space<semaphore_mem>>) attributes {dimension_semantics = [#tpu.dimension_semantics<core_parallel>, #tpu.dimension_semantics<subcore_parallel>], iteration_bounds = array<i64: 2, 16>, scalar_prefetch = 0 : i64, scratch_operands = 12 : i64, tpu.core_type = #tpu.core_type<sc_vector_subcore>, window_params = [{transform_indices = #map}, {transform_indices = #map}, {transform_indices = #map1}, {transform_indices = #map1}, {transform_indices = #map}]} {
    %mul3A = arith.constant 2 : i32
    %mul3A_0 = arith.muli %arg1, %mul3A : i32
    %add3A = arith.addi %mul3A_0, %arg0 : i32
    %mul3A_1 = arith.constant 512 : i32
    %mul3A_2 = arith.muli %add3A, %mul3A_1 : i32
    "tpu.region"() ({
      %run_scoped3A = tpu.sem_alloc : memref<!tpu.dma_semaphore, #tpu.memory_space<semaphore_mem>>
      %dma_start3A_1106 = arith.constant 0 : i32
      %dma_start3A_1107 = tpu.memref_slice %arg7[%dma_start3A_1106] : memref<520xi32, #tpu.memory_space<vmem>> -> memref<512xi32, #tpu.memory_space<vmem>>
      %dma_start3A_1108 = tpu.memref_slice %arg2[%mul3A_2] : memref<16384xi32, #tpu.memory_space<hbm>> -> memref<512xi32, #tpu.memory_space<hbm>>
      %dma_start3A_1109 = arith.constant 0 : i32
      %dma_start3A_1110 = tpu.memref_slice %arg7[%dma_start3A_1109] : memref<520xi32, #tpu.memory_space<vmem>> -> memref<512xi32, #tpu.memory_space<vmem>>
      %dma_start3A_1111 = tpu.memref_slice %arg2[%mul3A_2] : memref<16384xi32, #tpu.memory_space<hbm>> -> memref<512xi32, #tpu.memory_space<hbm>>
      tpu.enqueue_dma source(%dma_start3A_1111 : memref<512xi32, #tpu.memory_space<hbm>>) target(%dma_start3A_1110 : memref<512xi32, #tpu.memory_space<vmem>>) target_semaphore(%run_scoped3A : memref<!tpu.dma_semaphore, #tpu.memory_space<semaphore_mem>>)
      %dma_wait3A_1112 = arith.constant 0 : i32
      %dma_wait3A_1113 = tpu.memref_slice %arg7[%dma_wait3A_1112] : memref<520xi32, #tpu.memory_space<vmem>> -> memref<512xi32, #tpu.memory_space<vmem>>
      %dma_wait3A_1114 = tpu.memref_slice %arg2[%mul3A_2] : memref<16384xi32, #tpu.memory_space<hbm>> -> memref<512xi32, #tpu.memory_space<hbm>>
      %dma_wait3A_1115 = arith.constant 0 : i32
      %dma_wait3A_1116 = tpu.memref_slice %arg7[%dma_wait3A_1115] : memref<520xi32, #tpu.memory_space<vmem>> -> memref<512xi32, #tpu.memory_space<vmem>>
      %dma_wait3A_1117 = tpu.memref_slice %arg2[%mul3A_2] : memref<16384xi32, #tpu.memory_space<hbm>> -> memref<512xi32, #tpu.memory_space<hbm>>
      tpu.wait_dma2 semaphore(%run_scoped3A : memref<!tpu.dma_semaphore, #tpu.memory_space<semaphore_mem>>) src(%dma_wait3A_1117 : memref<512xi32, #tpu.memory_space<hbm>>) dst(%dma_wait3A_1116 : memref<512xi32, #tpu.memory_space<vmem>>)
      tpu.yield
    }) : () -> ()
    "tpu.region"() ({
      %run_scoped3A = tpu.sem_alloc : memref<!tpu.dma_semaphore, #tpu.memory_space<semaphore_mem>>
      %dma_start3A_1106 = arith.constant 0 : i32
      %dma_start3A_1107 = tpu.memref_slice %arg8[%dma_start3A_1106] : memref<520xi32, #tpu.memory_space<vmem>> -> memref<512xi32, #tpu.memory_space<vmem>>
      %dma_start3A_1108 = tpu.memref_slice %arg3[%mul3A_2] : memref<16384xi32, #tpu.memory_space<hbm>> -> memref<512xi32, #tpu.memory_space<hbm>>
      %dma_start3A_1109 = arith.constant 0 : i32
      %dma_start3A_1110 = tpu.memref_slice %arg8[%dma_start3A_1109] : memref<520xi32, #tpu.memory_space<vmem>> -> memref<512xi32, #tpu.memory_space<vmem>>
      %dma_start3A_1111 = tpu.memref_slice %arg3[%mul3A_2] : memref<16384xi32, #tpu.memory_space<hbm>> -> memref<512xi32, #tpu.memory_space<hbm>>
      tpu.enqueue_dma source(%dma_start3A_1111 : memref<512xi32, #tpu.memory_space<hbm>>) target(%dma_start3A_1110 : memref<512xi32, #tpu.memory_space<vmem>>) target_semaphore(%run_scoped3A : memref<!tpu.dma_semaphore, #tpu.memory_space<semaphore_mem>>)
      %dma_wait3A_1112 = arith.constant 0 : i32
      %dma_wait3A_1113 = tpu.memref_slice %arg8[%dma_wait3A_1112] : memref<520xi32, #tpu.memory_space<vmem>> -> memref<512xi32, #tpu.memory_space<vmem>>
      %dma_wait3A_1114 = tpu.memref_slice %arg3[%mul3A_2] : memref<16384xi32, #tpu.memory_space<hbm>> -> memref<512xi32, #tpu.memory_space<hbm>>
      %dma_wait3A_1115 = arith.constant 0 : i32
      %dma_wait3A_1116 = tpu.memref_slice %arg8[%dma_wait3A_1115] : memref<520xi32, #tpu.memory_space<vmem>> -> memref<512xi32, #tpu.memory_space<vmem>>
      %dma_wait3A_1117 = tpu.memref_slice %arg3[%mul3A_2] : memref<16384xi32, #tpu.memory_space<hbm>> -> memref<512xi32, #tpu.memory_space<hbm>>
      tpu.wait_dma2 semaphore(%run_scoped3A : memref<!tpu.dma_semaphore, #tpu.memory_space<semaphore_mem>>) src(%dma_wait3A_1117 : memref<512xi32, #tpu.memory_space<hbm>>) dst(%dma_wait3A_1116 : memref<512xi32, #tpu.memory_space<vmem>>)
      tpu.yield
    }) : () -> ()
    %iota3A = tpu.iota {dimensions = array<i32: 0>} : vector<16xi32>
    %get3A = arith.constant 0 : index
    %get3A_3 = tpu.vector_load %arg7[%get3A] {strides = array<i32>} : memref<520xi32, #tpu.memory_space<vmem>>, vector<16xi32>,
    %get3A_4 = arith.constant 0 : index
    %get3A_5 = tpu.vector_load %arg8[%get3A_4] {strides = array<i32>} : memref<520xi32, #tpu.memory_space<vmem>>, vector<16xi32>,
    %shift_right_arithmetic3A = arith.constant 7 : i32
    %shift_right_arithmetic3A_6 = vector.broadcast %shift_right_arithmetic3A : i32 to vector<16xi32>
    %shift_right_arithmetic3A_7 = arith.shrsi %get3A_3, %shift_right_arithmetic3A_6 : vector<16xi32>
    %shift_left3A = arith.constant 7 : i32
    %shift_left3A_8 = vector.broadcast %shift_left3A : i32 to vector<16xi32>
    %shift_left3A_9 = arith.shli %shift_right_arithmetic3A_7, %shift_left3A_8 : vector<16xi32>
    %shift_right_arithmetic3A_10 = arith.constant 7 : i32
    %shift_right_arithmetic3A_11 = vector.broadcast %shift_right_arithmetic3A_10 : i32 to vector<16xi32>
    %shift_right_arithmetic3A_12 = arith.shrsi %get3A_5, %shift_right_arithmetic3A_11 : vector<16xi32>
    %shift_left3A_13 = arith.constant 7 : i32
    %shift_left3A_14 = vector.broadcast %shift_left3A_13 : i32 to vector<16xi32>
    %shift_left3A_15 = arith.shli %shift_right_arithmetic3A_12, %shift_left3A_14 : vector<16xi32>
    %slice3A = vector.extract_strided_slice %shift_left3A_9 {offsets = [0], sizes = [1], strides = [1]} : vector<16xi32> to vector<1xi32>
    %reshape3A = vector.extract %slice3A[0] : i32 from vector<1xi32>
    %multiple_of3A = tpu.assume_multiple %reshape3A, 128 : i32
    %slice3A_16 = vector.extract_strided_slice %shift_left3A_15 {offsets = [0], sizes = [1], strides = [1]} : vector<16xi32> to vector<1xi32>
    %reshape3A_17 = vector.extract %slice3A_16[0] : i32 from vector<1xi32>
    %multiple_of3A_18 = tpu.assume_multiple %reshape3A_17, 128 : i32
    %dma_start3A = arith.constant 0 : i32
    %dma_start3A_19 = arith.constant 0 : i32
    %dma_start3A_20 = arith.constant 0 : i32
    %dma_start3A_21 = arith.constant 0 : i32
    %dma_start3A_22 = tpu.memref_slice %arg9[%dma_start3A, %dma_start3A_19, %dma_start3A_20, %dma_start3A_21] : memref<3x8x16x128xf32, #tpu.memory_space<vmem>> -> memref<1x1x16x128xf32, #tpu.memory_space<vmem>>
    %dma_start3A_23 = tpu.memref_squeeze %dma_start3A_22 : memref<1x1x16x128xf32, #tpu.memory_space<vmem>> -> memref<16x128xf32, #tpu.memory_space<vmem>>
    %dma_start3A_24 = arith.constant 0 : i32
    %dma_start3A_25 = tpu.memref_slice %arg4[%dma_start3A_24, %multiple_of3A] : memref<16x1000000xf32, #tpu.memory_space<hbm>> -> memref<16x128xf32, #tpu.memory_space<hbm>>
    %dma_start3A_26 = arith.constant 0 : i32
    %dma_start3A_27 = arith.constant 0 : i32
    %dma_start3A_28 = tpu.memref_slice %arg9[%dma_start3A, %dma_start3A_19, %dma_start3A_26, %dma_start3A_27] : memref<3x8x16x128xf32, #tpu.memory_space<vmem>> -> memref<1x1x16x128xf32, #tpu.memory_space<vmem>>
    %dma_start3A_29 = tpu.memref_squeeze %dma_start3A_28 : memref<1x1x16x128xf32, #tpu.memory_space<vmem>> -> memref<16x128xf32, #tpu.memory_space<vmem>>
    %dma_start3A_30 = arith.constant 0 : i32
    %dma_start3A_31 = tpu.memref_slice %arg4[%dma_start3A_30, %multiple_of3A] : memref<16x1000000xf32, #tpu.memory_space<hbm>> -> memref<16x128xf32, #tpu.memory_space<hbm>>
    tpu.enqueue_dma source(%dma_start3A_31 : memref<16x128xf32, #tpu.memory_space<hbm>>) target(%dma_start3A_29 : memref<16x128xf32, #tpu.memory_space<vmem>>) target_semaphore(%arg13 : memref<!tpu.dma_semaphore, #tpu.memory_space<semaphore_mem>>)
    %dma_start3A_32 = arith.constant 0 : i32
    %dma_start3A_33 = arith.constant 0 : i32
    %dma_start3A_34 = arith.constant 0 : i32
    %dma_start3A_35 = arith.constant 0 : i32
    %dma_start3A_36 = tpu.memref_slice %arg10[%dma_start3A_32, %dma_start3A_33, %dma_start3A_34, %dma_start3A_35] : memref<3x8x16x128xf32, #tpu.memory_space<vmem>> -> memref<1x1x16x128xf32, #tpu.memory_space<vmem>>
    %dma_start3A_37 = tpu.memref_squeeze %dma_start3A_36 : memref<1x1x16x128xf32, #tpu.memory_space<vmem>> -> memref<16x128xf32, #tpu.memory_space<vmem>>
    %dma_start3A_38 = arith.constant 0 : i32
    %dma_start3A_39 = tpu.memref_slice %arg5[%dma_start3A_38, %multiple_of3A_18] : memref<16x1000000xf32, #tpu.memory_space<hbm>> -> memref<16x128xf32, #tpu.memory_space<hbm>>
    %dma_start3A_40 = arith.constant 0 : i32
    %dma_start3A_41 = arith.constant 0 : i32
    %dma_start3A_42 = tpu.memref_slice %arg10[%dma_start3A_32, %dma_start3A_33, %dma_start3A_40, %dma_start3A_41] : memref<3x8x16x128xf32, #tpu.memory_space<vmem>> -> memref<1x1x16x128xf32, #tpu.memory_space<vmem>>
    %dma_start3A_43 = tpu.memref_squeeze %dma_start3A_42 : memref<1x1x16x128xf32, #tpu.memory_space<vmem>> -> memref<16x128xf32, #tpu.memory_space<vmem>>
    %dma_start3A_44 = arith.constant 0 : i32
    %dma_start3A_45 = tpu.memref_slice %arg5[%dma_start3A_44, %multiple_of3A_18] : memref<16x1000000xf32, #tpu.memory_space<hbm>> -> memref<16x128xf32, #tpu.memory_space<hbm>>
    tpu.enqueue_dma source(%dma_start3A_45 : memref<16x128xf32, #tpu.memory_space<hbm>>) target(%dma_start3A_43 : memref<16x128xf32, #tpu.memory_space<vmem>>) target_semaphore(%arg14 : memref<!tpu.dma_semaphore, #tpu.memory_space<semaphore_mem>>)
    %slice3A_46 = vector.extract_strided_slice %shift_left3A_9 {offsets = [1], sizes = [1], strides = [1]} : vector<16xi32> to vector<1xi32>
    %reshape3A_47 = vector.extract %slice3A_46[0] : i32 from vector<1xi32>
    %multiple_of3A_48 = tpu.assume_multiple %reshape3A_47, 128 : i32
    %slice3A_49 = vector.extract_strided_slice %shift_left3A_15 {offsets = [1], sizes = [1], strides = [1]} : vector<16xi32> to vector<1xi32>
    %reshape3A_50 = vector.extract %slice3A_49[0] : i32 from vector<1xi32>
    %multiple_of3A_51 = tpu.assume_multiple %reshape3A_50, 128 : i32
    %dma_start3A_52 = arith.constant 0 : i32
    %dma_start3A_53 = arith.constant 1 : i32
    %dma_start3A_54 = arith.constant 0 : i32
    %dma_start3A_55 = arith.constant 0 : i32
    %dma_start3A_56 = tpu.memref_slice %arg9[%dma_start3A_52, %dma_start3A_53, %dma_start3A_54, %dma_start3A_55] : memref<3x8x16x128xf32, #tpu.memory_space<vmem>> -> memref<1x1x16x128xf32, #tpu.memory_space<vmem>>
    %dma_start3A_57 = tpu.memref_squeeze %dma_start3A_56 : memref<1x1x16x128xf32, #tpu.memory_space<vmem>> -> memref<16x128xf32, #tpu.memory_space<vmem>>
    %dma_start3A_58 = arith.constant 0 : i32
    %dma_start3A_59 = tpu.memref_slice %arg4[%dma_start3A_58, %multiple_of3A_48] : memref<16x1000000xf32, #tpu.memory_space<hbm>> -> memref<16x128xf32, #tpu.memory_space<hbm>>
    %dma_start3A_60 = arith.constant 0 : i32
    %dma_start3A_61 = arith.constant 0 : i32
    %dma_start3A_62 = tpu.memref_slice %arg9[%dma_start3A_52, %dma_start3A_53, %dma_start3A_60, %dma_start3A_61] : memref<3x8x16x128xf32, #tpu.memory_space<vmem>> -> memref<1x1x16x128xf32, #tpu.memory_space<vmem>>
    %dma_start3A_63 = tpu.memref_squeeze %dma_start3A_62 : memref<1x1x16x128xf32, #tpu.memory_space<vmem>> -> memref<16x128xf32, #tpu.memory_space<vmem>>
    %dma_start3A_64 = arith.constant 0 : i32
    %dma_start3A_65 = tpu.memref_slice %arg4[%dma_start3A_64, %multiple_of3A_48] : memref<16x1000000xf32, #tpu.memory_space<hbm>> -> memref<16x128xf32, #tpu.memory_space<hbm>>
    tpu.enqueue_dma source(%dma_start3A_65 : memref<16x128xf32, #tpu.memory_space<hbm>>) target(%dma_start3A_63 : memref<16x128xf32, #tpu.memory_space<vmem>>) target_semaphore(%arg13 : memref<!tpu.dma_semaphore, #tpu.memory_space<semaphore_mem>>)
    %dma_start3A_66 = arith.constant 0 : i32
    %dma_start3A_67 = arith.constant 1 : i32
    %dma_start3A_68 = arith.constant 0 : i32
    %dma_start3A_69 = arith.constant 0 : i32
    %dma_start3A_70 = tpu.memref_slice %arg10[%dma_start3A_66, %dma_start3A_67, %dma_start3A_68, %dma_start3A_69] : memref<3x8x16x128xf32, #tpu.memory_space<vmem>> -> memref<1x1x16x128xf32, #tpu.memory_space<vmem>>
    %dma_start3A_71 = tpu.memref_squeeze %dma_start3A_70 : memref<1x1x16x128xf32, #tpu.memory_space<vmem>> -> memref<16x128xf32, #tpu.memory_space<vmem>>
    %dma_start3A_72 = arith.constant 0 : i32
    %dma_start3A_73 = tpu.memref_slice %arg5[%dma_start3A_72, %multiple_of3A_51] : memref<16x1000000xf32, #tpu.memory_space<hbm>> -> memref<16x128xf32, #tpu.memory_space<hbm>>
    %dma_start3A_74 = arith.constant 0 : i32
    %dma_start3A_75 = arith.constant 0 : i32
    %dma_start3A_76 = tpu.memref_slice %arg10[%dma_start3A_66, %dma_start3A_67, %dma_start3A_74, %dma_start3A_75] : memref<3x8x16x128xf32, #tpu.memory_space<vmem>> -> memref<1x1x16x128xf32, #tpu.memory_space<vmem>>
    %dma_start3A_77 = tpu.memref_squeeze %dma_start3A_76 : memref<1x1x16x128xf32, #tpu.memory_space<vmem>> -> memref<16x128xf32, #tpu.memory_space<vmem>>
    %dma_start3A_78 = arith.constant 0 : i32
    %dma_start3A_79 = tpu.memref_slice %arg5[%dma_start3A_78, %multiple_of3A_51] : memref<16x1000000xf32, #tpu.memory_space<hbm>> -> memref<16x128xf32, #tpu.memory_space<hbm>>
    tpu.enqueue_dma source(%dma_start3A_79 : memref<16x128xf32, #tpu.memory_space<hbm>>) target(%dma_start3A_77 : memref<16x128xf32, #tpu.memory_space<vmem>>) target_semaphore(%arg14 : memref<!tpu.dma_semaphore, #tpu.memory_space<semaphore_mem>>)
    %slice3A_80 = vector.extract_strided_slice %shift_left3A_9 {offsets = [2], sizes = [1], strides = [1]} : vector<16xi32> to vector<1xi32>
    %reshape3A_81 = vector.extract %slice3A_80[0] : i32 from vector<1xi32>
    %multiple_of3A_82 = tpu.assume_multiple %reshape3A_81, 128 : i32
    %slice3A_83 = vector.extract_strided_slice %shift_left3A_15 {offsets = [2], sizes = [1], strides = [1]} : vector<16xi32> to vector<1xi32>
    %reshape3A_84 = vector.extract %slice3A_83[0] : i32 from vector<1xi32>
    %multiple_of3A_85 = tpu.assume_multiple %reshape3A_84, 128 : i32
    %dma_start3A_86 = arith.constant 0 : i32
    %dma_start3A_87 = arith.constant 2 : i32
    %dma_start3A_88 = arith.constant 0 : i32
    %dma_start3A_89 = arith.constant 0 : i32
    %dma_start3A_90 = tpu.memref_slice %arg9[%dma_start3A_86, %dma_start3A_87, %dma_start3A_88, %dma_start3A_89] : memref<3x8x16x128xf32, #tpu.memory_space<vmem>> -> memref<1x1x16x128xf32, #tpu.memory_space<vmem>>
    %dma_start3A_91 = tpu.memref_squeeze %dma_start3A_90 : memref<1x1x16x128xf32, #tpu.memory_space<vmem>> -> memref<16x128xf32, #tpu.memory_space<vmem>>
    %dma_start3A_92 = arith.constant 0 : i32
    %dma_start3A_93 = tpu.memref_slice %arg4[%dma_start3A_92, %multiple_of3A_82] : memref<16x1000000xf32, #tpu.memory_space<hbm>> -> memref<16x128xf32, #tpu.memory_space<hbm>>
    %dma_start3A_94 = arith.constant 0 : i32
    %dma_start3A_95 = arith.constant 0 : i32
    %dma_start3A_96 = tpu.memref_slice %arg9[%dma_start3A_86, %dma_start3A_87, %dma_start3A_94, %dma_start3A_95] : memref<3x8x16x128xf32, #tpu.memory_space<vmem>> -> memref<1x1x16x128xf32, #tpu.memory_space<vmem>>
    %dma_start3A_97 = tpu.memref_squeeze %dma_start3A_96 : memref<1x1x16x128xf32, #tpu.memory_space<vmem>> -> memref<16x128xf32, #tpu.memory_space<vmem>>
    %dma_start3A_98 = arith.constant 0 : i32
    %dma_start3A_99 = tpu.memref_slice %arg4[%dma_start3A_98, %multiple_of3A_82] : memref<16x1000000xf32, #tpu.memory_space<hbm>> -> memref<16x128xf32, #tpu.memory_space<hbm>>
    tpu.enqueue_dma source(%dma_start3A_99 : memref<16x128xf32, #tpu.memory_space<hbm>>) target(%dma_start3A_97 : memref<16x128xf32, #tpu.memory_space<vmem>>) target_semaphore(%arg13 : memref<!tpu.dma_semaphore, #tpu.memory_space<semaphore_mem>>)
    %dma_start3A_100 = arith.constant 0 : i32
    %dma_start3A_101 = arith.constant 2 : i32
    %dma_start3A_102 = arith.constant 0 : i32
    %dma_start3A_103 = arith.constant 0 : i32
    %dma_start3A_104 = tpu.memref_slice %arg10[%dma_start3A_100, %dma_start3A_101, %dma_start3A_102, %dma_start3A_103] : memref<3x8x16x128xf32, #tpu.memory_space<vmem>> -> memref<1x1x16x128xf32, #tpu.memory_space<vmem>>
    %dma_start3A_105 = tpu.memref_squeeze %dma_start3A_104 : memref<1x1x16x128xf32, #tpu.memory_space<vmem>> -> memref<16x128xf32, #tpu.memory_space<vmem>>
    %dma_start3A_106 = arith.constant 0 : i32
    %dma_start3A_107 = tpu.memref_slice %arg5[%dma_start3A_106, %multiple_of3A_85] : memref<16x1000000xf32, #tpu.memory_space<hbm>> -> memref<16x128xf32, #tpu.memory_space<hbm>>
    %dma_start3A_108 = arith.constant 0 : i32
    %dma_start3A_109 = arith.constant 0 : i32
    %dma_start3A_110 = tpu.memref_slice %arg10[%dma_start3A_100, %dma_start3A_101, %dma_start3A_108, %dma_start3A_109] : memref<3x8x16x128xf32, #tpu.memory_space<vmem>> -> memref<1x1x16x128xf32, #tpu.memory_space<vmem>>
    %dma_start3A_111 = tpu.memref_squeeze %dma_start3A_110 : memref<1x1x16x128xf32, #tpu.memory_space<vmem>> -> memref<16x128xf32, #tpu.memory_space<vmem>>
    %dma_start3A_112 = arith.constant 0 : i32
    %dma_start3A_113 = tpu.memref_slice %arg5[%dma_start3A_112, %multiple_of3A_85] : memref<16x1000000xf32, #tpu.memory_space<hbm>> -> memref<16x128xf32, #tpu.memory_space<hbm>>
    tpu.enqueue_dma source(%dma_start3A_113 : memref<16x128xf32, #tpu.memory_space<hbm>>) target(%dma_start3A_111 : memref<16x128xf32, #tpu.memory_space<vmem>>) target_semaphore(%arg14 : memref<!tpu.dma_semaphore, #tpu.memory_space<semaphore_mem>>)
    %slice3A_114 = vector.extract_strided_slice %shift_left3A_9 {offsets = [3], sizes = [1], strides = [1]} : vector<16xi32> to vector<1xi32>
    %reshape3A_115 = vector.extract %slice3A_114[0] : i32 from vector<1xi32>
    %multiple_of3A_116 = tpu.assume_multiple %reshape3A_115, 128 : i32
    %slice3A_117 = vector.extract_strided_slice %shift_left3A_15 {offsets = [3], sizes = [1], strides = [1]} : vector<16xi32> to vector<1xi32>
    %reshape3A_118 = vector.extract %slice3A_117[0] : i32 from vector<1xi32>
    %multiple_of3A_119 = tpu.assume_multiple %reshape3A_118, 128 : i32
    %dma_start3A_120 = arith.constant 0 : i32
    %dma_start3A_121 = arith.constant 3 : i32
    %dma_start3A_122 = arith.constant 0 : i32
    %dma_start3A_123 = arith.constant 0 : i32
    %dma_start3A_124 = tpu.memref_slice %arg9[%dma_start3A_120, %dma_start3A_121, %dma_start3A_122, %dma_start3A_123] : memref<3x8x16x128xf32, #tpu.memory_space<vmem>> -> memref<1x1x16x128xf32, #tpu.memory_space<vmem>>
    %dma_start3A_125 = tpu.memref_squeeze %dma_start3A_124 : memref<1x1x16x128xf32, #tpu.memory_space<vmem>> -> memref<16x128xf32, #tpu.memory_space<vmem>>
    %dma_start3A_126 = arith.constant 0 : i32
    %dma_start3A_127 = tpu.memref_slice %arg4[%dma_start3A_126, %multiple_of3A_116] : memref<16x1000000xf32, #tpu.memory_space<hbm>> -> memref<16x128xf32, #tpu.memory_space<hbm>>
    %dma_start3A_128 = arith.constant 0 : i32
    %dma_start3A_129 = arith.constant 0 : i32
    %dma_start3A_130 = tpu.memref_slice %arg9[%dma_start3A_120, %dma_start3A_121, %dma_start3A_128, %dma_start3A_129] : memref<3x8x16x128xf32, #tpu.memory_space<vmem>> -> memref<1x1x16x128xf32, #tpu.memory_space<vmem>>
    %dma_start3A_131 = tpu.memref_squeeze %dma_start3A_130 : memref<1x1x16x128xf32, #tpu.memory_space<vmem>> -> memref<16x128xf32, #tpu.memory_space<vmem>>
    %dma_start3A_132 = arith.constant 0 : i32
    %dma_start3A_133 = tpu.memref_slice %arg4[%dma_start3A_132, %multiple_of3A_116] : memref<16x1000000xf32, #tpu.memory_space<hbm>> -> memref<16x128xf32, #tpu.memory_space<hbm>>
    tpu.enqueue_dma source(%dma_start3A_133 : memref<16x128xf32, #tpu.memory_space<hbm>>) target(%dma_start3A_131 : memref<16x128xf32, #tpu.memory_space<vmem>>) target_semaphore(%arg13 : memref<!tpu.dma_semaphore, #tpu.memory_space<semaphore_mem>>)
    %dma_start3A_134 = arith.constant 0 : i32
    %dma_start3A_135 = arith.constant 3 : i32
    %dma_start3A_136 = arith.constant 0 : i32
    %dma_start3A_137 = arith.constant 0 : i32
    %dma_start3A_138 = tpu.memref_slice %arg10[%dma_start3A_134, %dma_start3A_135, %dma_start3A_136, %dma_start3A_137] : memref<3x8x16x128xf32, #tpu.memory_space<vmem>> -> memref<1x1x16x128xf32, #tpu.memory_space<vmem>>
    %dma_start3A_139 = tpu.memref_squeeze %dma_start3A_138 : memref<1x1x16x128xf32, #tpu.memory_space<vmem>> -> memref<16x128xf32, #tpu.memory_space<vmem>>
    %dma_start3A_140 = arith.constant 0 : i32
    %dma_start3A_141 = tpu.memref_slice %arg5[%dma_start3A_140, %multiple_of3A_119] : memref<16x1000000xf32, #tpu.memory_space<hbm>> -> memref<16x128xf32, #tpu.memory_space<hbm>>
    %dma_start3A_142 = arith.constant 0 : i32
    %dma_start3A_143 = arith.constant 0 : i32
    %dma_start3A_144 = tpu.memref_slice %arg10[%dma_start3A_134, %dma_start3A_135, %dma_start3A_142, %dma_start3A_143] : memref<3x8x16x128xf32, #tpu.memory_space<vmem>> -> memref<1x1x16x128xf32, #tpu.memory_space<vmem>>
    %dma_start3A_145 = tpu.memref_squeeze %dma_start3A_144 : memref<1x1x16x128xf32, #tpu.memory_space<vmem>> -> memref<16x128xf32, #tpu.memory_space<vmem>>
    %dma_start3A_146 = arith.constant 0 : i32
    %dma_start3A_147 = tpu.memref_slice %arg5[%dma_start3A_146, %multiple_of3A_119] : memref<16x1000000xf32, #tpu.memory_space<hbm>> -> memref<16x128xf32, #tpu.memory_space<hbm>>
    tpu.enqueue_dma source(%dma_start3A_147 : memref<16x128xf32, #tpu.memory_space<hbm>>) target(%dma_start3A_145 : memref<16x128xf32, #tpu.memory_space<vmem>>) target_semaphore(%arg14 : memref<!tpu.dma_semaphore, #tpu.memory_space<semaphore_mem>>)
    %slice3A_148 = vector.extract_strided_slice %shift_left3A_9 {offsets = [4], sizes = [1], strides = [1]} : vector<16xi32> to vector<1xi32>
    %reshape3A_149 = vector.extract %slice3A_148[0] : i32 from vector<1xi32>
    %multiple_of3A_150 = tpu.assume_multiple %reshape3A_149, 128 : i32
    %slice3A_151 = vector.extract_strided_slice %shift_left3A_15 {offsets = [4], sizes = [1], strides = [1]} : vector<16xi32> to vector<1xi32>
    %reshape3A_152 = vector.extract %slice3A_151[0] : i32 from vector<1xi32>
    %multiple_of3A_153 = tpu.assume_multiple %reshape3A_152, 128 : i32
    %dma_start3A_154 = arith.constant 0 : i32
    %dma_start3A_155 = arith.constant 4 : i32
    %dma_start3A_156 = arith.constant 0 : i32
    %dma_start3A_157 = arith.constant 0 : i32
    %dma_start3A_158 = tpu.memref_slice %arg9[%dma_start3A_154, %dma_start3A_155, %dma_start3A_156, %dma_start3A_157] : memref<3x8x16x128xf32, #tpu.memory_space<vmem>> -> memref<1x1x16x128xf32, #tpu.memory_space<vmem>>
    %dma_start3A_159 = tpu.memref_squeeze %dma_start3A_158 : memref<1x1x16x128xf32, #tpu.memory_space<vmem>> -> memref<16x128xf32, #tpu.memory_space<vmem>>
    %dma_start3A_160 = arith.constant 0 : i32
    %dma_start3A_161 = tpu.memref_slice %arg4[%dma_start3A_160, %multiple_of3A_150] : memref<16x1000000xf32, #tpu.memory_space<hbm>> -> memref<16x128xf32, #tpu.memory_space<hbm>>
    %dma_start3A_162 = arith.constant 0 : i32
    %dma_start3A_163 = arith.constant 0 : i32
    %dma_start3A_164 = tpu.memref_slice %arg9[%dma_start3A_154, %dma_start3A_155, %dma_start3A_162, %dma_start3A_163] : memref<3x8x16x128xf32, #tpu.memory_space<vmem>> -> memref<1x1x16x128xf32, #tpu.memory_space<vmem>>
    %dma_start3A_165 = tpu.memref_squeeze %dma_start3A_164 : memref<1x1x16x128xf32, #tpu.memory_space<vmem>> -> memref<16x128xf32, #tpu.memory_space<vmem>>
    %dma_start3A_166 = arith.constant 0 : i32
    %dma_start3A_167 = tpu.memref_slice %arg4[%dma_start3A_166, %multiple_of3A_150] : memref<16x1000000xf32, #tpu.memory_space<hbm>> -> memref<16x128xf32, #tpu.memory_space<hbm>>
    tpu.enqueue_dma source(%dma_start3A_167 : memref<16x128xf32, #tpu.memory_space<hbm>>) target(%dma_start3A_165 : memref<16x128xf32, #tpu.memory_space<vmem>>) target_semaphore(%arg13 : memref<!tpu.dma_semaphore, #tpu.memory_space<semaphore_mem>>)
    %dma_start3A_168 = arith.constant 0 : i32
    %dma_start3A_169 = arith.constant 4 : i32
    %dma_start3A_170 = arith.constant 0 : i32
    %dma_start3A_171 = arith.constant 0 : i32
    %dma_start3A_172 = tpu.memref_slice %arg10[%dma_start3A_168, %dma_start3A_169, %dma_start3A_170, %dma_start3A_171] : memref<3x8x16x128xf32, #tpu.memory_space<vmem>> -> memref<1x1x16x128xf32, #tpu.memory_space<vmem>>
    %dma_start3A_173 = tpu.memref_squeeze %dma_start3A_172 : memref<1x1x16x128xf32, #tpu.memory_space<vmem>> -> memref<16x128xf32, #tpu.memory_space<vmem>>
    %dma_start3A_174 = arith.constant 0 : i32
    %dma_start3A_175 = tpu.memref_slice %arg5[%dma_start3A_174, %multiple_of3A_153] : memref<16x1000000xf32, #tpu.memory_space<hbm>> -> memref<16x128xf32, #tpu.memory_space<hbm>>
    %dma_start3A_176 = arith.constant 0 : i32
    %dma_start3A_177 = arith.constant 0 : i32
    %dma_start3A_178 = tpu.memref_slice %arg10[%dma_start3A_168, %dma_start3A_169, %dma_start3A_176, %dma_start3A_177] : memref<3x8x16x128xf32, #tpu.memory_space<vmem>> -> memref<1x1x16x128xf32, #tpu.memory_space<vmem>>
    %dma_start3A_179 = tpu.memref_squeeze %dma_start3A_178 : memref<1x1x16x128xf32, #tpu.memory_space<vmem>> -> memref<16x128xf32, #tpu.memory_space<vmem>>
    %dma_start3A_180 = arith.constant 0 : i32
    %dma_start3A_181 = tpu.memref_slice %arg5[%dma_start3A_180, %multiple_of3A_153] : memref<16x1000000xf32, #tpu.memory_space<hbm>> -> memref<16x128xf32, #tpu.memory_space<hbm>>
    tpu.enqueue_dma source(%dma_start3A_181 : memref<16x128xf32, #tpu.memory_space<hbm>>) target(%dma_start3A_179 : memref<16x128xf32, #tpu.memory_space<vmem>>) target_semaphore(%arg14 : memref<!tpu.dma_semaphore, #tpu.memory_space<semaphore_mem>>)
    %slice3A_182 = vector.extract_strided_slice %shift_left3A_9 {offsets = [5], sizes = [1], strides = [1]} : vector<16xi32> to vector<1xi32>
    %reshape3A_183 = vector.extract %slice3A_182[0] : i32 from vector<1xi32>
    %multiple_of3A_184 = tpu.assume_multiple %reshape3A_183, 128 : i32
    %slice3A_185 = vector.extract_strided_slice %shift_left3A_15 {offsets = [5], sizes = [1], strides = [1]} : vector<16xi32> to vector<1xi32>
    %reshape3A_186 = vector.extract %slice3A_185[0] : i32 from vector<1xi32>
    %multiple_of3A_187 = tpu.assume_multiple %reshape3A_186, 128 : i32
    %dma_start3A_188 = arith.constant 0 : i32
    %dma_start3A_189 = arith.constant 5 : i32
    %dma_start3A_190 = arith.constant 0 : i32
    %dma_start3A_191 = arith.constant 0 : i32
    %dma_start3A_192 = tpu.memref_slice %arg9[%dma_start3A_188, %dma_start3A_189, %dma_start3A_190, %dma_start3A_191] : memref<3x8x16x128xf32, #tpu.memory_space<vmem>> -> memref<1x1x16x128xf32, #tpu.memory_space<vmem>>
    %dma_start3A_193 = tpu.memref_squeeze %dma_start3A_192 : memref<1x1x16x128xf32, #tpu.memory_space<vmem>> -> memref<16x128xf32, #tpu.memory_space<vmem>>
    %dma_start3A_194 = arith.constant 0 : i32
    %dma_start3A_195 = tpu.memref_slice %arg4[%dma_start3A_194, %multiple_of3A_184] : memref<16x1000000xf32, #tpu.memory_space<hbm>> -> memref<16x128xf32, #tpu.memory_space<hbm>>
    %dma_start3A_196 = arith.constant 0 : i32
    %dma_start3A_197 = arith.constant 0 : i32
    %dma_start3A_198 = tpu.memref_slice %arg9[%dma_start3A_188, %dma_start3A_189, %dma_start3A_196, %dma_start3A_197] : memref<3x8x16x128xf32, #tpu.memory_space<vmem>> -> memref<1x1x16x128xf32, #tpu.memory_space<vmem>>
    %dma_start3A_199 = tpu.memref_squeeze %dma_start3A_198 : memref<1x1x16x128xf32, #tpu.memory_space<vmem>> -> memref<16x128xf32, #tpu.memory_space<vmem>>
    %dma_start3A_200 = arith.constant 0 : i32
    %dma_start3A_201 = tpu.memref_slice %arg4[%dma_start3A_200, %multiple_of3A_184] : memref<16x1000000xf32, #tpu.memory_space<hbm>> -> memref<16x128xf32, #tpu.memory_space<hbm>>
    tpu.enqueue_dma source(%dma_start3A_201 : memref<16x128xf32, #tpu.memory_space<hbm>>) target(%dma_start3A_199 : memref<16x128xf32, #tpu.memory_space<vmem>>) target_semaphore(%arg13 : memref<!tpu.dma_semaphore, #tpu.memory_space<semaphore_mem>>)
    %dma_start3A_202 = arith.constant 0 : i32
    %dma_start3A_203 = arith.constant 5 : i32
    %dma_start3A_204 = arith.constant 0 : i32
    %dma_start3A_205 = arith.constant 0 : i32
    %dma_start3A_206 = tpu.memref_slice %arg10[%dma_start3A_202, %dma_start3A_203, %dma_start3A_204, %dma_start3A_205] : memref<3x8x16x128xf32, #tpu.memory_space<vmem>> -> memref<1x1x16x128xf32, #tpu.memory_space<vmem>>
    %dma_start3A_207 = tpu.memref_squeeze %dma_start3A_206 : memref<1x1x16x128xf32, #tpu.memory_space<vmem>> -> memref<16x128xf32, #tpu.memory_space<vmem>>
    %dma_start3A_208 = arith.constant 0 : i32
    %dma_start3A_209 = tpu.memref_slice %arg5[%dma_start3A_208, %multiple_of3A_187] : memref<16x1000000xf32, #tpu.memory_space<hbm>> -> memref<16x128xf32, #tpu.memory_space<hbm>>
    %dma_start3A_210 = arith.constant 0 : i32
    %dma_start3A_211 = arith.constant 0 : i32
    %dma_start3A_212 = tpu.memref_slice %arg10[%dma_start3A_202, %dma_start3A_203, %dma_start3A_210, %dma_start3A_211] : memref<3x8x16x128xf32, #tpu.memory_space<vmem>> -> memref<1x1x16x128xf32, #tpu.memory_space<vmem>>
    %dma_start3A_213 = tpu.memref_squeeze %dma_start3A_212 : memref<1x1x16x128xf32, #tpu.memory_space<vmem>> -> memref<16x128xf32, #tpu.memory_space<vmem>>
    %dma_start3A_214 = arith.constant 0 : i32
    %dma_start3A_215 = tpu.memref_slice %arg5[%dma_start3A_214, %multiple_of3A_187] : memref<16x1000000xf32, #tpu.memory_space<hbm>> -> memref<16x128xf32, #tpu.memory_space<hbm>>
    tpu.enqueue_dma source(%dma_start3A_215 : memref<16x128xf32, #tpu.memory_space<hbm>>) target(%dma_start3A_213 : memref<16x128xf32, #tpu.memory_space<vmem>>) target_semaphore(%arg14 : memref<!tpu.dma_semaphore, #tpu.memory_space<semaphore_mem>>)
    %slice3A_216 = vector.extract_strided_slice %shift_left3A_9 {offsets = [6], sizes = [1], strides = [1]} : vector<16xi32> to vector<1xi32>
    %reshape3A_217 = vector.extract %slice3A_216[0] : i32 from vector<1xi32>
    %multiple_of3A_218 = tpu.assume_multiple %reshape3A_217, 128 : i32
    %slice3A_219 = vector.extract_strided_slice %shift_left3A_15 {offsets = [6], sizes = [1], strides = [1]} : vector<16xi32> to vector<1xi32>
    %reshape3A_220 = vector.extract %slice3A_219[0] : i32 from vector<1xi32>
    %multiple_of3A_221 = tpu.assume_multiple %reshape3A_220, 128 : i32
    %dma_start3A_222 = arith.constant 0 : i32
    %dma_start3A_223 = arith.constant 6 : i32
    %dma_start3A_224 = arith.constant 0 : i32
    %dma_start3A_225 = arith.constant 0 : i32
    %dma_start3A_226 = tpu.memref_slice %arg9[%dma_start3A_222, %dma_start3A_223, %dma_start3A_224, %dma_start3A_225] : memref<3x8x16x128xf32, #tpu.memory_space<vmem>> -> memref<1x1x16x128xf32, #tpu.memory_space<vmem>>
    %dma_start3A_227 = tpu.memref_squeeze %dma_start3A_226 : memref<1x1x16x128xf32, #tpu.memory_space<vmem>> -> memref<16x128xf32, #tpu.memory_space<vmem>>
    %dma_start3A_228 = arith.constant 0 : i32
    %dma_start3A_229 = tpu.memref_slice %arg4[%dma_start3A_228, %multiple_of3A_218] : memref<16x1000000xf32, #tpu.memory_space<hbm>> -> memref<16x128xf32, #tpu.memory_space<hbm>>
    %dma_start3A_230 = arith.constant 0 : i32
    %dma_start3A_231 = arith.constant 0 : i32
    %dma_start3A_232 = tpu.memref_slice %arg9[%dma_start3A_222, %dma_start3A_223, %dma_start3A_230, %dma_start3A_231] : memref<3x8x16x128xf32, #tpu.memory_space<vmem>> -> memref<1x1x16x128xf32, #tpu.memory_space<vmem>>
    %dma_start3A_233 = tpu.memref_squeeze %dma_start3A_232 : memref<1x1x16x128xf32, #tpu.memory_space<vmem>> -> memref<16x128xf32, #tpu.memory_space<vmem>>
    %dma_start3A_234 = arith.constant 0 : i32
    %dma_start3A_235 = tpu.memref_slice %arg4[%dma_start3A_234, %multiple_of3A_218] : memref<16x1000000xf32, #tpu.memory_space<hbm>> -> memref<16x128xf32, #tpu.memory_space<hbm>>
    tpu.enqueue_dma source(%dma_start3A_235 : memref<16x128xf32, #tpu.memory_space<hbm>>) target(%dma_start3A_233 : memref<16x128xf32, #tpu.memory_space<vmem>>) target_semaphore(%arg13 : memref<!tpu.dma_semaphore, #tpu.memory_space<semaphore_mem>>)
    %dma_start3A_236 = arith.constant 0 : i32
    %dma_start3A_237 = arith.constant 6 : i32
    %dma_start3A_238 = arith.constant 0 : i32
    %dma_start3A_239 = arith.constant 0 : i32
    %dma_start3A_240 = tpu.memref_slice %arg10[%dma_start3A_236, %dma_start3A_237, %dma_start3A_238, %dma_start3A_239] : memref<3x8x16x128xf32, #tpu.memory_space<vmem>> -> memref<1x1x16x128xf32, #tpu.memory_space<vmem>>
    %dma_start3A_241 = tpu.memref_squeeze %dma_start3A_240 : memref<1x1x16x128xf32, #tpu.memory_space<vmem>> -> memref<16x128xf32, #tpu.memory_space<vmem>>
    %dma_start3A_242 = arith.constant 0 : i32
    %dma_start3A_243 = tpu.memref_slice %arg5[%dma_start3A_242, %multiple_of3A_221] : memref<16x1000000xf32, #tpu.memory_space<hbm>> -> memref<16x128xf32, #tpu.memory_space<hbm>>
    %dma_start3A_244 = arith.constant 0 : i32
    %dma_start3A_245 = arith.constant 0 : i32
    %dma_start3A_246 = tpu.memref_slice %arg10[%dma_start3A_236, %dma_start3A_237, %dma_start3A_244, %dma_start3A_245] : memref<3x8x16x128xf32, #tpu.memory_space<vmem>> -> memref<1x1x16x128xf32, #tpu.memory_space<vmem>>
    %dma_start3A_247 = tpu.memref_squeeze %dma_start3A_246 : memref<1x1x16x128xf32, #tpu.memory_space<vmem>> -> memref<16x128xf32, #tpu.memory_space<vmem>>
    %dma_start3A_248 = arith.constant 0 : i32
    %dma_start3A_249 = tpu.memref_slice %arg5[%dma_start3A_248, %multiple_of3A_221] : memref<16x1000000xf32, #tpu.memory_space<hbm>> -> memref<16x128xf32, #tpu.memory_space<hbm>>
    tpu.enqueue_dma source(%dma_start3A_249 : memref<16x128xf32, #tpu.memory_space<hbm>>) target(%dma_start3A_247 : memref<16x128xf32, #tpu.memory_space<vmem>>) target_semaphore(%arg14 : memref<!tpu.dma_semaphore, #tpu.memory_space<semaphore_mem>>)
    %slice3A_250 = vector.extract_strided_slice %shift_left3A_9 {offsets = [7], sizes = [1], strides = [1]} : vector<16xi32> to vector<1xi32>
    %reshape3A_251 = vector.extract %slice3A_250[0] : i32 from vector<1xi32>
    %multiple_of3A_252 = tpu.assume_multiple %reshape3A_251, 128 : i32
    %slice3A_253 = vector.extract_strided_slice %shift_left3A_15 {offsets = [7], sizes = [1], strides = [1]} : vector<16xi32> to vector<1xi32>
    %reshape3A_254 = vector.extract %slice3A_253[0] : i32 from vector<1xi32>
    %multiple_of3A_255 = tpu.assume_multiple %reshape3A_254, 128 : i32
    %dma_start3A_256 = arith.constant 0 : i32
    %dma_start3A_257 = arith.constant 7 : i32
    %dma_start3A_258 = arith.constant 0 : i32
    %dma_start3A_259 = arith.constant 0 : i32
    %dma_start3A_260 = tpu.memref_slice %arg9[%dma_start3A_256, %dma_start3A_257, %dma_start3A_258, %dma_start3A_259] : memref<3x8x16x128xf32, #tpu.memory_space<vmem>> -> memref<1x1x16x128xf32, #tpu.memory_space<vmem>>
    %dma_start3A_261 = tpu.memref_squeeze %dma_start3A_260 : memref<1x1x16x128xf32, #tpu.memory_space<vmem>> -> memref<16x128xf32, #tpu.memory_space<vmem>>
    %dma_start3A_262 = arith.constant 0 : i32
    %dma_start3A_263 = tpu.memref_slice %arg4[%dma_start3A_262, %multiple_of3A_252] : memref<16x1000000xf32, #tpu.memory_space<hbm>> -> memref<16x128xf32, #tpu.memory_space<hbm>>
    %dma_start3A_264 = arith.constant 0 : i32
    %dma_start3A_265 = arith.constant 0 : i32
    %dma_start3A_266 = tpu.memref_slice %arg9[%dma_start3A_256, %dma_start3A_257, %dma_start3A_264, %dma_start3A_265] : memref<3x8x16x128xf32, #tpu.memory_space<vmem>> -> memref<1x1x16x128xf32, #tpu.memory_space<vmem>>
    %dma_start3A_267 = tpu.memref_squeeze %dma_start3A_266 : memref<1x1x16x128xf32, #tpu.memory_space<vmem>> -> memref<16x128xf32, #tpu.memory_space<vmem>>
    %dma_start3A_268 = arith.constant 0 : i32
    %dma_start3A_269 = tpu.memref_slice %arg4[%dma_start3A_268, %multiple_of3A_252] : memref<16x1000000xf32, #tpu.memory_space<hbm>> -> memref<16x128xf32, #tpu.memory_space<hbm>>
    tpu.enqueue_dma source(%dma_start3A_269 : memref<16x128xf32, #tpu.memory_space<hbm>>) target(%dma_start3A_267 : memref<16x128xf32, #tpu.memory_space<vmem>>) target_semaphore(%arg13 : memref<!tpu.dma_semaphore, #tpu.memory_space<semaphore_mem>>)
    %dma_start3A_270 = arith.constant 0 : i32
    %dma_start3A_271 = arith.constant 7 : i32
    %dma_start3A_272 = arith.constant 0 : i32
    %dma_start3A_273 = arith.constant 0 : i32
    %dma_start3A_274 = tpu.memref_slice %arg10[%dma_start3A_270, %dma_start3A_271, %dma_start3A_272, %dma_start3A_273] : memref<3x8x16x128xf32, #tpu.memory_space<vmem>> -> memref<1x1x16x128xf32, #tpu.memory_space<vmem>>
    %dma_start3A_275 = tpu.memref_squeeze %dma_start3A_274 : memref<1x1x16x128xf32, #tpu.memory_space<vmem>> -> memref<16x128xf32, #tpu.memory_space<vmem>>
    %dma_start3A_276 = arith.constant 0 : i32
    %dma_start3A_277 = tpu.memref_slice %arg5[%dma_start3A_276, %multiple_of3A_255] : memref<16x1000000xf32, #tpu.memory_space<hbm>> -> memref<16x128xf32, #tpu.memory_space<hbm>>
    %dma_start3A_278 = arith.constant 0 : i32
    %dma_start3A_279 = arith.constant 0 : i32
    %dma_start3A_280 = tpu.memref_slice %arg10[%dma_start3A_270, %dma_start3A_271, %dma_start3A_278, %dma_start3A_279] : memref<3x8x16x128xf32, #tpu.memory_space<vmem>> -> memref<1x1x16x128xf32, #tpu.memory_space<vmem>>
    %dma_start3A_281 = tpu.memref_squeeze %dma_start3A_280 : memref<1x1x16x128xf32, #tpu.memory_space<vmem>> -> memref<16x128xf32, #tpu.memory_space<vmem>>
    %dma_start3A_282 = arith.constant 0 : i32
    %dma_start3A_283 = tpu.memref_slice %arg5[%dma_start3A_282, %multiple_of3A_255] : memref<16x1000000xf32, #tpu.memory_space<hbm>> -> memref<16x128xf32, #tpu.memory_space<hbm>>
    tpu.enqueue_dma source(%dma_start3A_283 : memref<16x128xf32, #tpu.memory_space<hbm>>) target(%dma_start3A_281 : memref<16x128xf32, #tpu.memory_space<vmem>>) target_semaphore(%arg14 : memref<!tpu.dma_semaphore, #tpu.memory_space<semaphore_mem>>)
    %get3A_284 = arith.constant 8 : index
    %get3A_285 = tpu.vector_load %arg7[%get3A_284] {strides = array<i32>} : memref<520xi32, #tpu.memory_space<vmem>>, vector<16xi32>,
    %get3A_286 = arith.constant 8 : index
    %get3A_287 = tpu.vector_load %arg8[%get3A_286] {strides = array<i32>} : memref<520xi32, #tpu.memory_space<vmem>>, vector<16xi32>,
    %shift_right_arithmetic3A_288 = arith.constant 7 : i32
    %shift_right_arithmetic3A_289 = vector.broadcast %shift_right_arithmetic3A_288 : i32 to vector<16xi32>
    %shift_right_arithmetic3A_290 = arith.shrsi %get3A_285, %shift_right_arithmetic3A_289 : vector<16xi32>
    %shift_left3A_291 = arith.constant 7 : i32
    %shift_left3A_292 = vector.broadcast %shift_left3A_291 : i32 to vector<16xi32>
    %shift_left3A_293 = arith.shli %shift_right_arithmetic3A_290, %shift_left3A_292 : vector<16xi32>
    %shift_right_arithmetic3A_294 = arith.constant 7 : i32
    %shift_right_arithmetic3A_295 = vector.broadcast %shift_right_arithmetic3A_294 : i32 to vector<16xi32>
    %shift_right_arithmetic3A_296 = arith.shrsi %get3A_287, %shift_right_arithmetic3A_295 : vector<16xi32>
    %shift_left3A_297 = arith.constant 7 : i32
    %shift_left3A_298 = vector.broadcast %shift_left3A_297 : i32 to vector<16xi32>
    %shift_left3A_299 = arith.shli %shift_right_arithmetic3A_296, %shift_left3A_298 : vector<16xi32>
    %slice3A_300 = vector.extract_strided_slice %shift_left3A_293 {offsets = [0], sizes = [1], strides = [1]} : vector<16xi32> to vector<1xi32>
    %reshape3A_301 = vector.extract %slice3A_300[0] : i32 from vector<1xi32>
    %multiple_of3A_302 = tpu.assume_multiple %reshape3A_301, 128 : i32
    %slice3A_303 = vector.extract_strided_slice %shift_left3A_299 {offsets = [0], sizes = [1], strides = [1]} : vector<16xi32> to vector<1xi32>
    %reshape3A_304 = vector.extract %slice3A_303[0] : i32 from vector<1xi32>
    %multiple_of3A_305 = tpu.assume_multiple %reshape3A_304, 128 : i32
    %dma_start3A_306 = arith.constant 1 : i32
    %dma_start3A_307 = arith.constant 0 : i32
    %dma_start3A_308 = arith.constant 0 : i32
    %dma_start3A_309 = arith.constant 0 : i32
    %dma_start3A_310 = tpu.memref_slice %arg9[%dma_start3A_306, %dma_start3A_307, %dma_start3A_308, %dma_start3A_309] : memref<3x8x16x128xf32, #tpu.memory_space<vmem>> -> memref<1x1x16x128xf32, #tpu.memory_space<vmem>>
    %dma_start3A_311 = tpu.memref_squeeze %dma_start3A_310 : memref<1x1x16x128xf32, #tpu.memory_space<vmem>> -> memref<16x128xf32, #tpu.memory_space<vmem>>
    %dma_start3A_312 = arith.constant 0 : i32
    %dma_start3A_313 = tpu.memref_slice %arg4[%dma_start3A_312, %multiple_of3A_302] : memref<16x1000000xf32, #tpu.memory_space<hbm>> -> memref<16x128xf32, #tpu.memory_space<hbm>>
    %dma_start3A_314 = arith.constant 0 : i32
    %dma_start3A_315 = arith.constant 0 : i32
    %dma_start3A_316 = tpu.memref_slice %arg9[%dma_start3A_306, %dma_start3A_307, %dma_start3A_314, %dma_start3A_315] : memref<3x8x16x128xf32, #tpu.memory_space<vmem>> -> memref<1x1x16x128xf32, #tpu.memory_space<vmem>>
    %dma_start3A_317 = tpu.memref_squeeze %dma_start3A_316 : memref<1x1x16x128xf32, #tpu.memory_space<vmem>> -> memref<16x128xf32, #tpu.memory_space<vmem>>
    %dma_start3A_318 = arith.constant 0 : i32
    %dma_start3A_319 = tpu.memref_slice %arg4[%dma_start3A_318, %multiple_of3A_302] : memref<16x1000000xf32, #tpu.memory_space<hbm>> -> memref<16x128xf32, #tpu.memory_space<hbm>>
    tpu.enqueue_dma source(%dma_start3A_319 : memref<16x128xf32, #tpu.memory_space<hbm>>) target(%dma_start3A_317 : memref<16x128xf32, #tpu.memory_space<vmem>>) target_semaphore(%arg15 : memref<!tpu.dma_semaphore, #tpu.memory_space<semaphore_mem>>)
    %dma_start3A_320 = arith.constant 1 : i32
    %dma_start3A_321 = arith.constant 0 : i32
    %dma_start3A_322 = arith.constant 0 : i32
    %dma_start3A_323 = arith.constant 0 : i32
    %dma_start3A_324 = tpu.memref_slice %arg10[%dma_start3A_320, %dma_start3A_321, %dma_start3A_322, %dma_start3A_323] : memref<3x8x16x128xf32, #tpu.memory_space<vmem>> -> memref<1x1x16x128xf32, #tpu.memory_space<vmem>>
    %dma_start3A_325 = tpu.memref_squeeze %dma_start3A_324 : memref<1x1x16x128xf32, #tpu.memory_space<vmem>> -> memref<16x128xf32, #tpu.memory_space<vmem>>
    %dma_start3A_326 = arith.constant 0 : i32
    %dma_start3A_327 = tpu.memref_slice %arg5[%dma_start3A_326, %multiple_of3A_305] : memref<16x1000000xf32, #tpu.memory_space<hbm>> -> memref<16x128xf32, #tpu.memory_space<hbm>>
    %dma_start3A_328 = arith.constant 0 : i32
    %dma_start3A_329 = arith.constant 0 : i32
    %dma_start3A_330 = tpu.memref_slice %arg10[%dma_start3A_320, %dma_start3A_321, %dma_start3A_328, %dma_start3A_329] : memref<3x8x16x128xf32, #tpu.memory_space<vmem>> -> memref<1x1x16x128xf32, #tpu.memory_space<vmem>>
    %dma_start3A_331 = tpu.memref_squeeze %dma_start3A_330 : memref<1x1x16x128xf32, #tpu.memory_space<vmem>> -> memref<16x128xf32, #tpu.memory_space<vmem>>
    %dma_start3A_332 = arith.constant 0 : i32
    %dma_start3A_333 = tpu.memref_slice %arg5[%dma_start3A_332, %multiple_of3A_305] : memref<16x1000000xf32, #tpu.memory_space<hbm>> -> memref<16x128xf32, #tpu.memory_space<hbm>>
    tpu.enqueue_dma source(%dma_start3A_333 : memref<16x128xf32, #tpu.memory_space<hbm>>) target(%dma_start3A_331 : memref<16x128xf32, #tpu.memory_space<vmem>>) target_semaphore(%arg16 : memref<!tpu.dma_semaphore, #tpu.memory_space<semaphore_mem>>)
    %slice3A_334 = vector.extract_strided_slice %shift_left3A_293 {offsets = [1], sizes = [1], strides = [1]} : vector<16xi32> to vector<1xi32>
    %reshape3A_335 = vector.extract %slice3A_334[0] : i32 from vector<1xi32>
    %multiple_of3A_336 = tpu.assume_multiple %reshape3A_335, 128 : i32
    %slice3A_337 = vector.extract_strided_slice %shift_left3A_299 {offsets = [1], sizes = [1], strides = [1]} : vector<16xi32> to vector<1xi32>
    %reshape3A_338 = vector.extract %slice3A_337[0] : i32 from vector<1xi32>
    %multiple_of3A_339 = tpu.assume_multiple %reshape3A_338, 128 : i32
    %dma_start3A_340 = arith.constant 1 : i32
    %dma_start3A_341 = arith.constant 1 : i32
    %dma_start3A_342 = arith.constant 0 : i32
    %dma_start3A_343 = arith.constant 0 : i32
    %dma_start3A_344 = tpu.memref_slice %arg9[%dma_start3A_340, %dma_start3A_341, %dma_start3A_342, %dma_start3A_343] : memref<3x8x16x128xf32, #tpu.memory_space<vmem>> -> memref<1x1x16x128xf32, #tpu.memory_space<vmem>>
    %dma_start3A_345 = tpu.memref_squeeze %dma_start3A_344 : memref<1x1x16x128xf32, #tpu.memory_space<vmem>> -> memref<16x128xf32, #tpu.memory_space<vmem>>
    %dma_start3A_346 = arith.constant 0 : i32
    %dma_start3A_347 = tpu.memref_slice %arg4[%dma_start3A_346, %multiple_of3A_336] : memref<16x1000000xf32, #tpu.memory_space<hbm>> -> memref<16x128xf32, #tpu.memory_space<hbm>>
    %dma_start3A_348 = arith.constant 0 : i32
    %dma_start3A_349 = arith.constant 0 : i32
    %dma_start3A_350 = tpu.memref_slice %arg9[%dma_start3A_340, %dma_start3A_341, %dma_start3A_348, %dma_start3A_349] : memref<3x8x16x128xf32, #tpu.memory_space<vmem>> -> memref<1x1x16x128xf32, #tpu.memory_space<vmem>>
    %dma_start3A_351 = tpu.memref_squeeze %dma_start3A_350 : memref<1x1x16x128xf32, #tpu.memory_space<vmem>> -> memref<16x128xf32, #tpu.memory_space<vmem>>
    %dma_start3A_352 = arith.constant 0 : i32
    %dma_start3A_353 = tpu.memref_slice %arg4[%dma_start3A_352, %multiple_of3A_336] : memref<16x1000000xf32, #tpu.memory_space<hbm>> -> memref<16x128xf32, #tpu.memory_space<hbm>>
    tpu.enqueue_dma source(%dma_start3A_353 : memref<16x128xf32, #tpu.memory_space<hbm>>) target(%dma_start3A_351 : memref<16x128xf32, #tpu.memory_space<vmem>>) target_semaphore(%arg15 : memref<!tpu.dma_semaphore, #tpu.memory_space<semaphore_mem>>)
    %dma_start3A_354 = arith.constant 1 : i32
    %dma_start3A_355 = arith.constant 1 : i32
    %dma_start3A_356 = arith.constant 0 : i32
    %dma_start3A_357 = arith.constant 0 : i32
    %dma_start3A_358 = tpu.memref_slice %arg10[%dma_start3A_354, %dma_start3A_355, %dma_start3A_356, %dma_start3A_357] : memref<3x8x16x128xf32, #tpu.memory_space<vmem>> -> memref<1x1x16x128xf32, #tpu.memory_space<vmem>>
    %dma_start3A_359 = tpu.memref_squeeze %dma_start3A_358 : memref<1x1x16x128xf32, #tpu.memory_space<vmem>> -> memref<16x128xf32, #tpu.memory_space<vmem>>
    %dma_start3A_360 = arith.constant 0 : i32
    %dma_start3A_361 = tpu.memref_slice %arg5[%dma_start3A_360, %multiple_of3A_339] : memref<16x1000000xf32, #tpu.memory_space<hbm>> -> memref<16x128xf32, #tpu.memory_space<hbm>>
    %dma_start3A_362 = arith.constant 0 : i32
    %dma_start3A_363 = arith.constant 0 : i32
    %dma_start3A_364 = tpu.memref_slice %arg10[%dma_start3A_354, %dma_start3A_355, %dma_start3A_362, %dma_start3A_363] : memref<3x8x16x128xf32, #tpu.memory_space<vmem>> -> memref<1x1x16x128xf32, #tpu.memory_space<vmem>>
    %dma_start3A_365 = tpu.memref_squeeze %dma_start3A_364 : memref<1x1x16x128xf32, #tpu.memory_space<vmem>> -> memref<16x128xf32, #tpu.memory_space<vmem>>
    %dma_start3A_366 = arith.constant 0 : i32
    %dma_start3A_367 = tpu.memref_slice %arg5[%dma_start3A_366, %multiple_of3A_339] : memref<16x1000000xf32, #tpu.memory_space<hbm>> -> memref<16x128xf32, #tpu.memory_space<hbm>>
    tpu.enqueue_dma source(%dma_start3A_367 : memref<16x128xf32, #tpu.memory_space<hbm>>) target(%dma_start3A_365 : memref<16x128xf32, #tpu.memory_space<vmem>>) target_semaphore(%arg16 : memref<!tpu.dma_semaphore, #tpu.memory_space<semaphore_mem>>)
    %slice3A_368 = vector.extract_strided_slice %shift_left3A_293 {offsets = [2], sizes = [1], strides = [1]} : vector<16xi32> to vector<1xi32>
    %reshape3A_369 = vector.extract %slice3A_368[0] : i32 from vector<1xi32>
    %multiple_of3A_370 = tpu.assume_multiple %reshape3A_369, 128 : i32
    %slice3A_371 = vector.extract_strided_slice %shift_left3A_299 {offsets = [2], sizes = [1], strides = [1]} : vector<16xi32> to vector<1xi32>
    %reshape3A_372 = vector.extract %slice3A_371[0] : i32 from vector<1xi32>
    %multiple_of3A_373 = tpu.assume_multiple %reshape3A_372, 128 : i32
    %dma_start3A_374 = arith.constant 1 : i32
    %dma_start3A_375 = arith.constant 2 : i32
    %dma_start3A_376 = arith.constant 0 : i32
    %dma_start3A_377 = arith.constant 0 : i32
    %dma_start3A_378 = tpu.memref_slice %arg9[%dma_start3A_374, %dma_start3A_375, %dma_start3A_376, %dma_start3A_377] : memref<3x8x16x128xf32, #tpu.memory_space<vmem>> -> memref<1x1x16x128xf32, #tpu.memory_space<vmem>>
    %dma_start3A_379 = tpu.memref_squeeze %dma_start3A_378 : memref<1x1x16x128xf32, #tpu.memory_space<vmem>> -> memref<16x128xf32, #tpu.memory_space<vmem>>
    %dma_start3A_380 = arith.constant 0 : i32
    %dma_start3A_381 = tpu.memref_slice %arg4[%dma_start3A_380, %multiple_of3A_370] : memref<16x1000000xf32, #tpu.memory_space<hbm>> -> memref<16x128xf32, #tpu.memory_space<hbm>>
    %dma_start3A_382 = arith.constant 0 : i32
    %dma_start3A_383 = arith.constant 0 : i32
    %dma_start3A_384 = tpu.memref_slice %arg9[%dma_start3A_374, %dma_start3A_375, %dma_start3A_382, %dma_start3A_383] : memref<3x8x16x128xf32, #tpu.memory_space<vmem>> -> memref<1x1x16x128xf32, #tpu.memory_space<vmem>>
    %dma_start3A_385 = tpu.memref_squeeze %dma_start3A_384 : memref<1x1x16x128xf32, #tpu.memory_space<vmem>> -> memref<16x128xf32, #tpu.memory_space<vmem>>
    %dma_start3A_386 = arith.constant 0 : i32
    %dma_start3A_387 = tpu.memref_slice %arg4[%dma_start3A_386, %multiple_of3A_370] : memref<16x1000000xf32, #tpu.memory_space<hbm>> -> memref<16x128xf32, #tpu.memory_space<hbm>>
    tpu.enqueue_dma source(%dma_start3A_387 : memref<16x128xf32, #tpu.memory_space<hbm>>) target(%dma_start3A_385 : memref<16x128xf32, #tpu.memory_space<vmem>>) target_semaphore(%arg15 : memref<!tpu.dma_semaphore, #tpu.memory_space<semaphore_mem>>)
    %dma_start3A_388 = arith.constant 1 : i32
    %dma_start3A_389 = arith.constant 2 : i32
    %dma_start3A_390 = arith.constant 0 : i32
    %dma_start3A_391 = arith.constant 0 : i32
    %dma_start3A_392 = tpu.memref_slice %arg10[%dma_start3A_388, %dma_start3A_389, %dma_start3A_390, %dma_start3A_391] : memref<3x8x16x128xf32, #tpu.memory_space<vmem>> -> memref<1x1x16x128xf32, #tpu.memory_space<vmem>>
    %dma_start3A_393 = tpu.memref_squeeze %dma_start3A_392 : memref<1x1x16x128xf32, #tpu.memory_space<vmem>> -> memref<16x128xf32, #tpu.memory_space<vmem>>
    %dma_start3A_394 = arith.constant 0 : i32
    %dma_start3A_395 = tpu.memref_slice %arg5[%dma_start3A_394, %multiple_of3A_373] : memref<16x1000000xf32, #tpu.memory_space<hbm>> -> memref<16x128xf32, #tpu.memory_space<hbm>>
    %dma_start3A_396 = arith.constant 0 : i32
    %dma_start3A_397 = arith.constant 0 : i32
    %dma_start3A_398 = tpu.memref_slice %arg10[%dma_start3A_388, %dma_start3A_389, %dma_start3A_396, %dma_start3A_397] : memref<3x8x16x128xf32, #tpu.memory_space<vmem>> -> memref<1x1x16x128xf32, #tpu.memory_space<vmem>>
    %dma_start3A_399 = tpu.memref_squeeze %dma_start3A_398 : memref<1x1x16x128xf32, #tpu.memory_space<vmem>> -> memref<16x128xf32, #tpu.memory_space<vmem>>
    %dma_start3A_400 = arith.constant 0 : i32
    %dma_start3A_401 = tpu.memref_slice %arg5[%dma_start3A_400, %multiple_of3A_373] : memref<16x1000000xf32, #tpu.memory_space<hbm>> -> memref<16x128xf32, #tpu.memory_space<hbm>>
    tpu.enqueue_dma source(%dma_start3A_401 : memref<16x128xf32, #tpu.memory_space<hbm>>) target(%dma_start3A_399 : memref<16x128xf32, #tpu.memory_space<vmem>>) target_semaphore(%arg16 : memref<!tpu.dma_semaphore, #tpu.memory_space<semaphore_mem>>)
    %slice3A_402 = vector.extract_strided_slice %shift_left3A_293 {offsets = [3], sizes = [1], strides = [1]} : vector<16xi32> to vector<1xi32>
    %reshape3A_403 = vector.extract %slice3A_402[0] : i32 from vector<1xi32>
    %multiple_of3A_404 = tpu.assume_multiple %reshape3A_403, 128 : i32
    %slice3A_405 = vector.extract_strided_slice %shift_left3A_299 {offsets = [3], sizes = [1], strides = [1]} : vector<16xi32> to vector<1xi32>
    %reshape3A_406 = vector.extract %slice3A_405[0] : i32 from vector<1xi32>
    %multiple_of3A_407 = tpu.assume_multiple %reshape3A_406, 128 : i32
    %dma_start3A_408 = arith.constant 1 : i32
    %dma_start3A_409 = arith.constant 3 : i32
    %dma_start3A_410 = arith.constant 0 : i32
    %dma_start3A_411 = arith.constant 0 : i32
    %dma_start3A_412 = tpu.memref_slice %arg9[%dma_start3A_408, %dma_start3A_409, %dma_start3A_410, %dma_start3A_411] : memref<3x8x16x128xf32, #tpu.memory_space<vmem>> -> memref<1x1x16x128xf32, #tpu.memory_space<vmem>>
    %dma_start3A_413 = tpu.memref_squeeze %dma_start3A_412 : memref<1x1x16x128xf32, #tpu.memory_space<vmem>> -> memref<16x128xf32, #tpu.memory_space<vmem>>
    %dma_start3A_414 = arith.constant 0 : i32
    %dma_start3A_415 = tpu.memref_slice %arg4[%dma_start3A_414, %multiple_of3A_404] : memref<16x1000000xf32, #tpu.memory_space<hbm>> -> memref<16x128xf32, #tpu.memory_space<hbm>>
    %dma_start3A_416 = arith.constant 0 : i32
    %dma_start3A_417 = arith.constant 0 : i32
    %dma_start3A_418 = tpu.memref_slice %arg9[%dma_start3A_408, %dma_start3A_409, %dma_start3A_416, %dma_start3A_417] : memref<3x8x16x128xf32, #tpu.memory_space<vmem>> -> memref<1x1x16x128xf32, #tpu.memory_space<vmem>>
    %dma_start3A_419 = tpu.memref_squeeze %dma_start3A_418 : memref<1x1x16x128xf32, #tpu.memory_space<vmem>> -> memref<16x128xf32, #tpu.memory_space<vmem>>
    %dma_start3A_420 = arith.constant 0 : i32
    %dma_start3A_421 = tpu.memref_slice %arg4[%dma_start3A_420, %multiple_of3A_404] : memref<16x1000000xf32, #tpu.memory_space<hbm>> -> memref<16x128xf32, #tpu.memory_space<hbm>>
    tpu.enqueue_dma source(%dma_start3A_421 : memref<16x128xf32, #tpu.memory_space<hbm>>) target(%dma_start3A_419 : memref<16x128xf32, #tpu.memory_space<vmem>>) target_semaphore(%arg15 : memref<!tpu.dma_semaphore, #tpu.memory_space<semaphore_mem>>)
    %dma_start3A_422 = arith.constant 1 : i32
    %dma_start3A_423 = arith.constant 3 : i32
    %dma_start3A_424 = arith.constant 0 : i32
    %dma_start3A_425 = arith.constant 0 : i32
    %dma_start3A_426 = tpu.memref_slice %arg10[%dma_start3A_422, %dma_start3A_423, %dma_start3A_424, %dma_start3A_425] : memref<3x8x16x128xf32, #tpu.memory_space<vmem>> -> memref<1x1x16x128xf32, #tpu.memory_space<vmem>>
    %dma_start3A_427 = tpu.memref_squeeze %dma_start3A_426 : memref<1x1x16x128xf32, #tpu.memory_space<vmem>> -> memref<16x128xf32, #tpu.memory_space<vmem>>
    %dma_start3A_428 = arith.constant 0 : i32
    %dma_start3A_429 = tpu.memref_slice %arg5[%dma_start3A_428, %multiple_of3A_407] : memref<16x1000000xf32, #tpu.memory_space<hbm>> -> memref<16x128xf32, #tpu.memory_space<hbm>>
    %dma_start3A_430 = arith.constant 0 : i32
    %dma_start3A_431 = arith.constant 0 : i32
    %dma_start3A_432 = tpu.memref_slice %arg10[%dma_start3A_422, %dma_start3A_423, %dma_start3A_430, %dma_start3A_431] : memref<3x8x16x128xf32, #tpu.memory_space<vmem>> -> memref<1x1x16x128xf32, #tpu.memory_space<vmem>>
    %dma_start3A_433 = tpu.memref_squeeze %dma_start3A_432 : memref<1x1x16x128xf32, #tpu.memory_space<vmem>> -> memref<16x128xf32, #tpu.memory_space<vmem>>
    %dma_start3A_434 = arith.constant 0 : i32
    %dma_start3A_435 = tpu.memref_slice %arg5[%dma_start3A_434, %multiple_of3A_407] : memref<16x1000000xf32, #tpu.memory_space<hbm>> -> memref<16x128xf32, #tpu.memory_space<hbm>>
    tpu.enqueue_dma source(%dma_start3A_435 : memref<16x128xf32, #tpu.memory_space<hbm>>) target(%dma_start3A_433 : memref<16x128xf32, #tpu.memory_space<vmem>>) target_semaphore(%arg16 : memref<!tpu.dma_semaphore, #tpu.memory_space<semaphore_mem>>)
    %slice3A_436 = vector.extract_strided_slice %shift_left3A_293 {offsets = [4], sizes = [1], strides = [1]} : vector<16xi32> to vector<1xi32>
    %reshape3A_437 = vector.extract %slice3A_436[0] : i32 from vector<1xi32>
    %multiple_of3A_438 = tpu.assume_multiple %reshape3A_437, 128 : i32
    %slice3A_439 = vector.extract_strided_slice %shift_left3A_299 {offsets = [4], sizes = [1], strides = [1]} : vector<16xi32> to vector<1xi32>
    %reshape3A_440 = vector.extract %slice3A_439[0] : i32 from vector<1xi32>
    %multiple_of3A_441 = tpu.assume_multiple %reshape3A_440, 128 : i32
    %dma_start3A_442 = arith.constant 1 : i32
    %dma_start3A_443 = arith.constant 4 : i32
    %dma_start3A_444 = arith.constant 0 : i32
    %dma_start3A_445 = arith.constant 0 : i32
    %dma_start3A_446 = tpu.memref_slice %arg9[%dma_start3A_442, %dma_start3A_443, %dma_start3A_444, %dma_start3A_445] : memref<3x8x16x128xf32, #tpu.memory_space<vmem>> -> memref<1x1x16x128xf32, #tpu.memory_space<vmem>>
    %dma_start3A_447 = tpu.memref_squeeze %dma_start3A_446 : memref<1x1x16x128xf32, #tpu.memory_space<vmem>> -> memref<16x128xf32, #tpu.memory_space<vmem>>
    %dma_start3A_448 = arith.constant 0 : i32
    %dma_start3A_449 = tpu.memref_slice %arg4[%dma_start3A_448, %multiple_of3A_438] : memref<16x1000000xf32, #tpu.memory_space<hbm>> -> memref<16x128xf32, #tpu.memory_space<hbm>>
    %dma_start3A_450 = arith.constant 0 : i32
    %dma_start3A_451 = arith.constant 0 : i32
    %dma_start3A_452 = tpu.memref_slice %arg9[%dma_start3A_442, %dma_start3A_443, %dma_start3A_450, %dma_start3A_451] : memref<3x8x16x128xf32, #tpu.memory_space<vmem>> -> memref<1x1x16x128xf32, #tpu.memory_space<vmem>>
    %dma_start3A_453 = tpu.memref_squeeze %dma_start3A_452 : memref<1x1x16x128xf32, #tpu.memory_space<vmem>> -> memref<16x128xf32, #tpu.memory_space<vmem>>
    %dma_start3A_454 = arith.constant 0 : i32
    %dma_start3A_455 = tpu.memref_slice %arg4[%dma_start3A_454, %multiple_of3A_438] : memref<16x1000000xf32, #tpu.memory_space<hbm>> -> memref<16x128xf32, #tpu.memory_space<hbm>>
    tpu.enqueue_dma source(%dma_start3A_455 : memref<16x128xf32, #tpu.memory_space<hbm>>) target(%dma_start3A_453 : memref<16x128xf32, #tpu.memory_space<vmem>>) target_semaphore(%arg15 : memref<!tpu.dma_semaphore, #tpu.memory_space<semaphore_mem>>)
    %dma_start3A_456 = arith.constant 1 : i32
    %dma_start3A_457 = arith.constant 4 : i32
    %dma_start3A_458 = arith.constant 0 : i32
    %dma_start3A_459 = arith.constant 0 : i32
    %dma_start3A_460 = tpu.memref_slice %arg10[%dma_start3A_456, %dma_start3A_457, %dma_start3A_458, %dma_start3A_459] : memref<3x8x16x128xf32, #tpu.memory_space<vmem>> -> memref<1x1x16x128xf32, #tpu.memory_space<vmem>>
    %dma_start3A_461 = tpu.memref_squeeze %dma_start3A_460 : memref<1x1x16x128xf32, #tpu.memory_space<vmem>> -> memref<16x128xf32, #tpu.memory_space<vmem>>
    %dma_start3A_462 = arith.constant 0 : i32
    %dma_start3A_463 = tpu.memref_slice %arg5[%dma_start3A_462, %multiple_of3A_441] : memref<16x1000000xf32, #tpu.memory_space<hbm>> -> memref<16x128xf32, #tpu.memory_space<hbm>>
    %dma_start3A_464 = arith.constant 0 : i32
    %dma_start3A_465 = arith.constant 0 : i32
    %dma_start3A_466 = tpu.memref_slice %arg10[%dma_start3A_456, %dma_start3A_457, %dma_start3A_464, %dma_start3A_465] : memref<3x8x16x128xf32, #tpu.memory_space<vmem>> -> memref<1x1x16x128xf32, #tpu.memory_space<vmem>>
    %dma_start3A_467 = tpu.memref_squeeze %dma_start3A_466 : memref<1x1x16x128xf32, #tpu.memory_space<vmem>> -> memref<16x128xf32, #tpu.memory_space<vmem>>
    %dma_start3A_468 = arith.constant 0 : i32
    %dma_start3A_469 = tpu.memref_slice %arg5[%dma_start3A_468, %multiple_of3A_441] : memref<16x1000000xf32, #tpu.memory_space<hbm>> -> memref<16x128xf32, #tpu.memory_space<hbm>>
    tpu.enqueue_dma source(%dma_start3A_469 : memref<16x128xf32, #tpu.memory_space<hbm>>) target(%dma_start3A_467 : memref<16x128xf32, #tpu.memory_space<vmem>>) target_semaphore(%arg16 : memref<!tpu.dma_semaphore, #tpu.memory_space<semaphore_mem>>)
    %slice3A_470 = vector.extract_strided_slice %shift_left3A_293 {offsets = [5], sizes = [1], strides = [1]} : vector<16xi32> to vector<1xi32>
    %reshape3A_471 = vector.extract %slice3A_470[0] : i32 from vector<1xi32>
    %multiple_of3A_472 = tpu.assume_multiple %reshape3A_471, 128 : i32
    %slice3A_473 = vector.extract_strided_slice %shift_left3A_299 {offsets = [5], sizes = [1], strides = [1]} : vector<16xi32> to vector<1xi32>
    %reshape3A_474 = vector.extract %slice3A_473[0] : i32 from vector<1xi32>
    %multiple_of3A_475 = tpu.assume_multiple %reshape3A_474, 128 : i32
    %dma_start3A_476 = arith.constant 1 : i32
    %dma_start3A_477 = arith.constant 5 : i32
    %dma_start3A_478 = arith.constant 0 : i32
    %dma_start3A_479 = arith.constant 0 : i32
    %dma_start3A_480 = tpu.memref_slice %arg9[%dma_start3A_476, %dma_start3A_477, %dma_start3A_478, %dma_start3A_479] : memref<3x8x16x128xf32, #tpu.memory_space<vmem>> -> memref<1x1x16x128xf32, #tpu.memory_space<vmem>>
    %dma_start3A_481 = tpu.memref_squeeze %dma_start3A_480 : memref<1x1x16x128xf32, #tpu.memory_space<vmem>> -> memref<16x128xf32, #tpu.memory_space<vmem>>
    %dma_start3A_482 = arith.constant 0 : i32
    %dma_start3A_483 = tpu.memref_slice %arg4[%dma_start3A_482, %multiple_of3A_472] : memref<16x1000000xf32, #tpu.memory_space<hbm>> -> memref<16x128xf32, #tpu.memory_space<hbm>>
    %dma_start3A_484 = arith.constant 0 : i32
    %dma_start3A_485 = arith.constant 0 : i32
    %dma_start3A_486 = tpu.memref_slice %arg9[%dma_start3A_476, %dma_start3A_477, %dma_start3A_484, %dma_start3A_485] : memref<3x8x16x128xf32, #tpu.memory_space<vmem>> -> memref<1x1x16x128xf32, #tpu.memory_space<vmem>>
    %dma_start3A_487 = tpu.memref_squeeze %dma_start3A_486 : memref<1x1x16x128xf32, #tpu.memory_space<vmem>> -> memref<16x128xf32, #tpu.memory_space<vmem>>
    %dma_start3A_488 = arith.constant 0 : i32
    %dma_start3A_489 = tpu.memref_slice %arg4[%dma_start3A_488, %multiple_of3A_472] : memref<16x1000000xf32, #tpu.memory_space<hbm>> -> memref<16x128xf32, #tpu.memory_space<hbm>>
    tpu.enqueue_dma source(%dma_start3A_489 : memref<16x128xf32, #tpu.memory_space<hbm>>) target(%dma_start3A_487 : memref<16x128xf32, #tpu.memory_space<vmem>>) target_semaphore(%arg15 : memref<!tpu.dma_semaphore, #tpu.memory_space<semaphore_mem>>)
    %dma_start3A_490 = arith.constant 1 : i32
    %dma_start3A_491 = arith.constant 5 : i32
    %dma_start3A_492 = arith.constant 0 : i32
    %dma_start3A_493 = arith.constant 0 : i32
    %dma_start3A_494 = tpu.memref_slice %arg10[%dma_start3A_490, %dma_start3A_491, %dma_start3A_492, %dma_start3A_493] : memref<3x8x16x128xf32, #tpu.memory_space<vmem>> -> memref<1x1x16x128xf32, #tpu.memory_space<vmem>>
    %dma_start3A_495 = tpu.memref_squeeze %dma_start3A_494 : memref<1x1x16x128xf32, #tpu.memory_space<vmem>> -> memref<16x128xf32, #tpu.memory_space<vmem>>
    %dma_start3A_496 = arith.constant 0 : i32
    %dma_start3A_497 = tpu.memref_slice %arg5[%dma_start3A_496, %multiple_of3A_475] : memref<16x1000000xf32, #tpu.memory_space<hbm>> -> memref<16x128xf32, #tpu.memory_space<hbm>>
    %dma_start3A_498 = arith.constant 0 : i32
    %dma_start3A_499 = arith.constant 0 : i32
    %dma_start3A_500 = tpu.memref_slice %arg10[%dma_start3A_490, %dma_start3A_491, %dma_start3A_498, %dma_start3A_499] : memref<3x8x16x128xf32, #tpu.memory_space<vmem>> -> memref<1x1x16x128xf32, #tpu.memory_space<vmem>>
    %dma_start3A_501 = tpu.memref_squeeze %dma_start3A_500 : memref<1x1x16x128xf32, #tpu.memory_space<vmem>> -> memref<16x128xf32, #tpu.memory_space<vmem>>
    %dma_start3A_502 = arith.constant 0 : i32
    %dma_start3A_503 = tpu.memref_slice %arg5[%dma_start3A_502, %multiple_of3A_475] : memref<16x1000000xf32, #tpu.memory_space<hbm>> -> memref<16x128xf32, #tpu.memory_space<hbm>>
    tpu.enqueue_dma source(%dma_start3A_503 : memref<16x128xf32, #tpu.memory_space<hbm>>) target(%dma_start3A_501 : memref<16x128xf32, #tpu.memory_space<vmem>>) target_semaphore(%arg16 : memref<!tpu.dma_semaphore, #tpu.memory_space<semaphore_mem>>)
    %slice3A_504 = vector.extract_strided_slice %shift_left3A_293 {offsets = [6], sizes = [1], strides = [1]} : vector<16xi32> to vector<1xi32>
    %reshape3A_505 = vector.extract %slice3A_504[0] : i32 from vector<1xi32>
    %multiple_of3A_506 = tpu.assume_multiple %reshape3A_505, 128 : i32
    %slice3A_507 = vector.extract_strided_slice %shift_left3A_299 {offsets = [6], sizes = [1], strides = [1]} : vector<16xi32> to vector<1xi32>
    %reshape3A_508 = vector.extract %slice3A_507[0] : i32 from vector<1xi32>
    %multiple_of3A_509 = tpu.assume_multiple %reshape3A_508, 128 : i32
    %dma_start3A_510 = arith.constant 1 : i32
    %dma_start3A_511 = arith.constant 6 : i32
    %dma_start3A_512 = arith.constant 0 : i32
    %dma_start3A_513 = arith.constant 0 : i32
    %dma_start3A_514 = tpu.memref_slice %arg9[%dma_start3A_510, %dma_start3A_511, %dma_start3A_512, %dma_start3A_513] : memref<3x8x16x128xf32, #tpu.memory_space<vmem>> -> memref<1x1x16x128xf32, #tpu.memory_space<vmem>>
    %dma_start3A_515 = tpu.memref_squeeze %dma_start3A_514 : memref<1x1x16x128xf32, #tpu.memory_space<vmem>> -> memref<16x128xf32, #tpu.memory_space<vmem>>
    %dma_start3A_516 = arith.constant 0 : i32
    %dma_start3A_517 = tpu.memref_slice %arg4[%dma_start3A_516, %multiple_of3A_506] : memref<16x1000000xf32, #tpu.memory_space<hbm>> -> memref<16x128xf32, #tpu.memory_space<hbm>>
    %dma_start3A_518 = arith.constant 0 : i32
    %dma_start3A_519 = arith.constant 0 : i32
    %dma_start3A_520 = tpu.memref_slice %arg9[%dma_start3A_510, %dma_start3A_511, %dma_start3A_518, %dma_start3A_519] : memref<3x8x16x128xf32, #tpu.memory_space<vmem>> -> memref<1x1x16x128xf32, #tpu.memory_space<vmem>>
    %dma_start3A_521 = tpu.memref_squeeze %dma_start3A_520 : memref<1x1x16x128xf32, #tpu.memory_space<vmem>> -> memref<16x128xf32, #tpu.memory_space<vmem>>
    %dma_start3A_522 = arith.constant 0 : i32
    %dma_start3A_523 = tpu.memref_slice %arg4[%dma_start3A_522, %multiple_of3A_506] : memref<16x1000000xf32, #tpu.memory_space<hbm>> -> memref<16x128xf32, #tpu.memory_space<hbm>>
    tpu.enqueue_dma source(%dma_start3A_523 : memref<16x128xf32, #tpu.memory_space<hbm>>) target(%dma_start3A_521 : memref<16x128xf32, #tpu.memory_space<vmem>>) target_semaphore(%arg15 : memref<!tpu.dma_semaphore, #tpu.memory_space<semaphore_mem>>)
    %dma_start3A_524 = arith.constant 1 : i32
    %dma_start3A_525 = arith.constant 6 : i32
    %dma_start3A_526 = arith.constant 0 : i32
    %dma_start3A_527 = arith.constant 0 : i32
    %dma_start3A_528 = tpu.memref_slice %arg10[%dma_start3A_524, %dma_start3A_525, %dma_start3A_526, %dma_start3A_527] : memref<3x8x16x128xf32, #tpu.memory_space<vmem>> -> memref<1x1x16x128xf32, #tpu.memory_space<vmem>>
    %dma_start3A_529 = tpu.memref_squeeze %dma_start3A_528 : memref<1x1x16x128xf32, #tpu.memory_space<vmem>> -> memref<16x128xf32, #tpu.memory_space<vmem>>
    %dma_start3A_530 = arith.constant 0 : i32
    %dma_start3A_531 = tpu.memref_slice %arg5[%dma_start3A_530, %multiple_of3A_509] : memref<16x1000000xf32, #tpu.memory_space<hbm>> -> memref<16x128xf32, #tpu.memory_space<hbm>>
    %dma_start3A_532 = arith.constant 0 : i32
    %dma_start3A_533 = arith.constant 0 : i32
    %dma_start3A_534 = tpu.memref_slice %arg10[%dma_start3A_524, %dma_start3A_525, %dma_start3A_532, %dma_start3A_533] : memref<3x8x16x128xf32, #tpu.memory_space<vmem>> -> memref<1x1x16x128xf32, #tpu.memory_space<vmem>>
    %dma_start3A_535 = tpu.memref_squeeze %dma_start3A_534 : memref<1x1x16x128xf32, #tpu.memory_space<vmem>> -> memref<16x128xf32, #tpu.memory_space<vmem>>
    %dma_start3A_536 = arith.constant 0 : i32
    %dma_start3A_537 = tpu.memref_slice %arg5[%dma_start3A_536, %multiple_of3A_509] : memref<16x1000000xf32, #tpu.memory_space<hbm>> -> memref<16x128xf32, #tpu.memory_space<hbm>>
    tpu.enqueue_dma source(%dma_start3A_537 : memref<16x128xf32, #tpu.memory_space<hbm>>) target(%dma_start3A_535 : memref<16x128xf32, #tpu.memory_space<vmem>>) target_semaphore(%arg16 : memref<!tpu.dma_semaphore, #tpu.memory_space<semaphore_mem>>)
    %slice3A_538 = vector.extract_strided_slice %shift_left3A_293 {offsets = [7], sizes = [1], strides = [1]} : vector<16xi32> to vector<1xi32>
    %reshape3A_539 = vector.extract %slice3A_538[0] : i32 from vector<1xi32>
    %multiple_of3A_540 = tpu.assume_multiple %reshape3A_539, 128 : i32
    %slice3A_541 = vector.extract_strided_slice %shift_left3A_299 {offsets = [7], sizes = [1], strides = [1]} : vector<16xi32> to vector<1xi32>
    %reshape3A_542 = vector.extract %slice3A_541[0] : i32 from vector<1xi32>
    %multiple_of3A_543 = tpu.assume_multiple %reshape3A_542, 128 : i32
    %dma_start3A_544 = arith.constant 1 : i32
    %dma_start3A_545 = arith.constant 7 : i32
    %dma_start3A_546 = arith.constant 0 : i32
    %dma_start3A_547 = arith.constant 0 : i32
    %dma_start3A_548 = tpu.memref_slice %arg9[%dma_start3A_544, %dma_start3A_545, %dma_start3A_546, %dma_start3A_547] : memref<3x8x16x128xf32, #tpu.memory_space<vmem>> -> memref<1x1x16x128xf32, #tpu.memory_space<vmem>>
    %dma_start3A_549 = tpu.memref_squeeze %dma_start3A_548 : memref<1x1x16x128xf32, #tpu.memory_space<vmem>> -> memref<16x128xf32, #tpu.memory_space<vmem>>
    %dma_start3A_550 = arith.constant 0 : i32
    %dma_start3A_551 = tpu.memref_slice %arg4[%dma_start3A_550, %multiple_of3A_540] : memref<16x1000000xf32, #tpu.memory_space<hbm>> -> memref<16x128xf32, #tpu.memory_space<hbm>>
    %dma_start3A_552 = arith.constant 0 : i32
    %dma_start3A_553 = arith.constant 0 : i32
    %dma_start3A_554 = tpu.memref_slice %arg9[%dma_start3A_544, %dma_start3A_545, %dma_start3A_552, %dma_start3A_553] : memref<3x8x16x128xf32, #tpu.memory_space<vmem>> -> memref<1x1x16x128xf32, #tpu.memory_space<vmem>>
    %dma_start3A_555 = tpu.memref_squeeze %dma_start3A_554 : memref<1x1x16x128xf32, #tpu.memory_space<vmem>> -> memref<16x128xf32, #tpu.memory_space<vmem>>
    %dma_start3A_556 = arith.constant 0 : i32
    %dma_start3A_557 = tpu.memref_slice %arg4[%dma_start3A_556, %multiple_of3A_540] : memref<16x1000000xf32, #tpu.memory_space<hbm>> -> memref<16x128xf32, #tpu.memory_space<hbm>>
    tpu.enqueue_dma source(%dma_start3A_557 : memref<16x128xf32, #tpu.memory_space<hbm>>) target(%dma_start3A_555 : memref<16x128xf32, #tpu.memory_space<vmem>>) target_semaphore(%arg15 : memref<!tpu.dma_semaphore, #tpu.memory_space<semaphore_mem>>)
    %dma_start3A_558 = arith.constant 1 : i32
    %dma_start3A_559 = arith.constant 7 : i32
    %dma_start3A_560 = arith.constant 0 : i32
    %dma_start3A_561 = arith.constant 0 : i32
    %dma_start3A_562 = tpu.memref_slice %arg10[%dma_start3A_558, %dma_start3A_559, %dma_start3A_560, %dma_start3A_561] : memref<3x8x16x128xf32, #tpu.memory_space<vmem>> -> memref<1x1x16x128xf32, #tpu.memory_space<vmem>>
    %dma_start3A_563 = tpu.memref_squeeze %dma_start3A_562 : memref<1x1x16x128xf32, #tpu.memory_space<vmem>> -> memref<16x128xf32, #tpu.memory_space<vmem>>
    %dma_start3A_564 = arith.constant 0 : i32
    %dma_start3A_565 = tpu.memref_slice %arg5[%dma_start3A_564, %multiple_of3A_543] : memref<16x1000000xf32, #tpu.memory_space<hbm>> -> memref<16x128xf32, #tpu.memory_space<hbm>>
    %dma_start3A_566 = arith.constant 0 : i32
    %dma_start3A_567 = arith.constant 0 : i32
    %dma_start3A_568 = tpu.memref_slice %arg10[%dma_start3A_558, %dma_start3A_559, %dma_start3A_566, %dma_start3A_567] : memref<3x8x16x128xf32, #tpu.memory_space<vmem>> -> memref<1x1x16x128xf32, #tpu.memory_space<vmem>>
    %dma_start3A_569 = tpu.memref_squeeze %dma_start3A_568 : memref<1x1x16x128xf32, #tpu.memory_space<vmem>> -> memref<16x128xf32, #tpu.memory_space<vmem>>
    %dma_start3A_570 = arith.constant 0 : i32
    %dma_start3A_571 = tpu.memref_slice %arg5[%dma_start3A_570, %multiple_of3A_543] : memref<16x1000000xf32, #tpu.memory_space<hbm>> -> memref<16x128xf32, #tpu.memory_space<hbm>>
    tpu.enqueue_dma source(%dma_start3A_571 : memref<16x128xf32, #tpu.memory_space<hbm>>) target(%dma_start3A_569 : memref<16x128xf32, #tpu.memory_space<vmem>>) target_semaphore(%arg16 : memref<!tpu.dma_semaphore, #tpu.memory_space<semaphore_mem>>)
    %scan3A = arith.constant 0 : i32
    %scan3A_572 = arith.constant 0 : i32
    %scan3A_573 = arith.constant 21 : i32
    %scan3A_574 = arith.addi %scan3A_572, %scan3A_573 : i32
    %scan3A_575 = arith.constant 1 : i32
    scf.for %scan3A_1106 = %scan3A_572 to %scan3A_574 step %scan3A_575  : i32 {
      %mul3A_1107 = arith.constant 3 : i32
      %mul3A_1108 = arith.muli %mul3A_1107, %scan3A_1106 : i32
      %jit3A = arith.constant 2 : i32
      %eq3A = arith.constant 0 : i32
      %eq3A_1109 = arith.cmpi eq, %jit3A, %eq3A : i32
      %jit3A_1110 = arith.constant 1 : i32
      %select_n3A = arith.select %eq3A_1109, %jit3A_1110, %jit3A : i32
      %rem3A = arith.remsi %mul3A_1108, %select_n3A : i32
      %ne3A = arith.constant 0 : i32
      %ne3A_1111 = arith.cmpi ne, %rem3A, %ne3A : i32
      %lt3A = arith.constant 0 : i32
      %lt3A_1112 = arith.cmpi slt, %rem3A, %lt3A : i32
      %lt3A_1113 = arith.constant 0 : i32
      %lt3A_1114 = arith.cmpi slt, %select_n3A, %lt3A_1113 : i32
      %ne3A_1115 = arith.xori %lt3A_1112, %lt3A_1114 : i1
      %and3A_1116 = arith.andi %ne3A_1115, %ne3A_1111 : i1
      %add3A_1117 = arith.addi %rem3A, %select_n3A : i32
      %select_n3A_1118 = arith.select %and3A_1116, %add3A_1117, %rem3A : i32
      %dma_wait3A_1119 = arith.constant 0 : i32
      %dma_wait3A_1120 = arith.constant 0 : i32
      %dma_wait3A_1121 = arith.constant 0 : i32
      %dma_wait3A_1122 = arith.constant 0 : i32
      %dma_wait3A_1123 = tpu.memref_slice %arg9[%dma_wait3A_1119, %dma_wait3A_1120, %dma_wait3A_1121, %dma_wait3A_1122] : memref<3x8x16x128xf32, #tpu.memory_space<vmem>> -> memref<1x1x16x128xf32, #tpu.memory_space<vmem>>
      %dma_wait3A_1124 = tpu.memref_squeeze %dma_wait3A_1123 : memref<1x1x16x128xf32, #tpu.memory_space<vmem>> -> memref<16x128xf32, #tpu.memory_space<vmem>>
      %dma_wait3A_1125 = arith.constant 0 : i32
      %dma_wait3A_1126 = arith.constant 0 : i32
      %dma_wait3A_1127 = tpu.memref_slice %arg4[%dma_wait3A_1125, %dma_wait3A_1126] : memref<16x1000000xf32, #tpu.memory_space<hbm>> -> memref<16x128xf32, #tpu.memory_space<hbm>>
      %dma_wait3A_1128 = arith.constant 0 : i32
      %dma_wait3A_1129 = arith.constant 0 : i32
      %dma_wait3A_1130 = tpu.memref_slice %arg9[%dma_wait3A_1119, %dma_wait3A_1120, %dma_wait3A_1128, %dma_wait3A_1129] : memref<3x8x16x128xf32, #tpu.memory_space<vmem>> -> memref<1x1x16x128xf32, #tpu.memory_space<vmem>>
      %dma_wait3A_1131 = tpu.memref_squeeze %dma_wait3A_1130 : memref<1x1x16x128xf32, #tpu.memory_space<vmem>> -> memref<16x128xf32, #tpu.memory_space<vmem>>
      %dma_wait3A_1132 = arith.constant 0 : i32
      %dma_wait3A_1133 = arith.constant 0 : i32
      %dma_wait3A_1134 = tpu.memref_slice %arg4[%dma_wait3A_1132, %dma_wait3A_1133] : memref<16x1000000xf32, #tpu.memory_space<hbm>> -> memref<16x128xf32, #tpu.memory_space<hbm>>
      tpu.wait_dma2 semaphore(%arg13 : memref<!tpu.dma_semaphore, #tpu.memory_space<semaphore_mem>>) src(%dma_wait3A_1134 : memref<16x128xf32, #tpu.memory_space<hbm>>) dst(%dma_wait3A_1131 : memref<16x128xf32, #tpu.memory_space<vmem>>)
      %dma_wait3A_1135 = arith.constant 0 : i32
      %dma_wait3A_1136 = arith.constant 0 : i32
      %dma_wait3A_1137 = arith.constant 0 : i32
      %dma_wait3A_1138 = arith.constant 0 : i32
      %dma_wait3A_1139 = tpu.memref_slice %arg10[%dma_wait3A_1135, %dma_wait3A_1136, %dma_wait3A_1137, %dma_wait3A_1138] : memref<3x8x16x128xf32, #tpu.memory_space<vmem>> -> memref<1x1x16x128xf32, #tpu.memory_space<vmem>>
      %dma_wait3A_1140 = tpu.memref_squeeze %dma_wait3A_1139 : memref<1x1x16x128xf32, #tpu.memory_space<vmem>> -> memref<16x128xf32, #tpu.memory_space<vmem>>
      %dma_wait3A_1141 = arith.constant 0 : i32
      %dma_wait3A_1142 = arith.constant 0 : i32
      %dma_wait3A_1143 = tpu.memref_slice %arg5[%dma_wait3A_1141, %dma_wait3A_1142] : memref<16x1000000xf32, #tpu.memory_space<hbm>> -> memref<16x128xf32, #tpu.memory_space<hbm>>
      %dma_wait3A_1144 = arith.constant 0 : i32
      %dma_wait3A_1145 = arith.constant 0 : i32
      %dma_wait3A_1146 = tpu.memref_slice %arg10[%dma_wait3A_1135, %dma_wait3A_1136, %dma_wait3A_1144, %dma_wait3A_1145] : memref<3x8x16x128xf32, #tpu.memory_space<vmem>> -> memref<1x1x16x128xf32, #tpu.memory_space<vmem>>
      %dma_wait3A_1147 = tpu.memref_squeeze %dma_wait3A_1146 : memref<1x1x16x128xf32, #tpu.memory_space<vmem>> -> memref<16x128xf32, #tpu.memory_space<vmem>>
      %dma_wait3A_1148 = arith.constant 0 : i32
      %dma_wait3A_1149 = arith.constant 0 : i32
      %dma_wait3A_1150 = tpu.memref_slice %arg5[%dma_wait3A_1148, %dma_wait3A_1149] : memref<16x1000000xf32, #tpu.memory_space<hbm>> -> memref<16x128xf32, #tpu.memory_space<hbm>>
      tpu.wait_dma2 semaphore(%arg14 : memref<!tpu.dma_semaphore, #tpu.memory_space<semaphore_mem>>) src(%dma_wait3A_1150 : memref<16x128xf32, #tpu.memory_space<hbm>>) dst(%dma_wait3A_1147 : memref<16x128xf32, #tpu.memory_space<vmem>>)
      %dma_wait3A_1151 = arith.constant 0 : i32
      %dma_wait3A_1152 = arith.constant 0 : i32
      %dma_wait3A_1153 = arith.constant 0 : i32
      %dma_wait3A_1154 = arith.constant 0 : i32
      %dma_wait3A_1155 = tpu.memref_slice %arg9[%dma_wait3A_1151, %dma_wait3A_1152, %dma_wait3A_1153, %dma_wait3A_1154] : memref<3x8x16x128xf32, #tpu.memory_space<vmem>> -> memref<1x1x16x128xf32, #tpu.memory_space<vmem>>
      %dma_wait3A_1156 = tpu.memref_squeeze %dma_wait3A_1155 : memref<1x1x16x128xf32, #tpu.memory_space<vmem>> -> memref<16x128xf32, #tpu.memory_space<vmem>>
      %dma_wait3A_1157 = arith.constant 0 : i32
      %dma_wait3A_1158 = arith.constant 0 : i32
      %dma_wait3A_1159 = tpu.memref_slice %arg4[%dma_wait3A_1157, %dma_wait3A_1158] : memref<16x1000000xf32, #tpu.memory_space<hbm>> -> memref<16x128xf32, #tpu.memory_space<hbm>>
      %dma_wait3A_1160 = arith.constant 0 : i32
      %dma_wait3A_1161 = arith.constant 0 : i32
      %dma_wait3A_1162 = tpu.memref_slice %arg9[%dma_wait3A_1151, %dma_wait3A_1152, %dma_wait3A_1160, %dma_wait3A_1161] : memref<3x8x16x128xf32, #tpu.memory_space<vmem>> -> memref<1x1x16x128xf32, #tpu.memory_space<vmem>>
      %dma_wait3A_1163 = tpu.memref_squeeze %dma_wait3A_1162 : memref<1x1x16x128xf32, #tpu.memory_space<vmem>> -> memref<16x128xf32, #tpu.memory_space<vmem>>
      %dma_wait3A_1164 = arith.constant 0 : i32
      %dma_wait3A_1165 = arith.constant 0 : i32
      %dma_wait3A_1166 = tpu.memref_slice %arg4[%dma_wait3A_1164, %dma_wait3A_1165] : memref<16x1000000xf32, #tpu.memory_space<hbm>> -> memref<16x128xf32, #tpu.memory_space<hbm>>
      tpu.wait_dma2 semaphore(%arg13 : memref<!tpu.dma_semaphore, #tpu.memory_space<semaphore_mem>>) src(%dma_wait3A_1166 : memref<16x128xf32, #tpu.memory_space<hbm>>) dst(%dma_wait3A_1163 : memref<16x128xf32, #tpu.memory_space<vmem>>)
      %dma_wait3A_1167 = arith.constant 0 : i32
      %dma_wait3A_1168 = arith.constant 0 : i32
      %dma_wait3A_1169 = arith.constant 0 : i32
      %dma_wait3A_1170 = arith.constant 0 : i32
      %dma_wait3A_1171 = tpu.memref_slice %arg10[%dma_wait3A_1167, %dma_wait3A_1168, %dma_wait3A_1169, %dma_wait3A_1170] : memref<3x8x16x128xf32, #tpu.memory_space<vmem>> -> memref<1x1x16x128xf32, #tpu.memory_space<vmem>>
      %dma_wait3A_1172 = tpu.memref_squeeze %dma_wait3A_1171 : memref<1x1x16x128xf32, #tpu.memory_space<vmem>> -> memref<16x128xf32, #tpu.memory_space<vmem>>
      %dma_wait3A_1173 = arith.constant 0 : i32
      %dma_wait3A_1174 = arith.constant 0 : i32
      %dma_wait3A_1175 = tpu.memref_slice %arg5[%dma_wait3A_1173, %dma_wait3A_1174] : memref<16x1000000xf32, #tpu.memory_space<hbm>> -> memref<16x128xf32, #tpu.memory_space<hbm>>
      %dma_wait3A_1176 = arith.constant 0 : i32
      %dma_wait3A_1177 = arith.constant 0 : i32
      %dma_wait3A_1178 = tpu.memref_slice %arg10[%dma_wait3A_1167, %dma_wait3A_1168, %dma_wait3A_1176, %dma_wait3A_1177] : memref<3x8x16x128xf32, #tpu.memory_space<vmem>> -> memref<1x1x16x128xf32, #tpu.memory_space<vmem>>
      %dma_wait3A_1179 = tpu.memref_squeeze %dma_wait3A_1178 : memref<1x1x16x128xf32, #tpu.memory_space<vmem>> -> memref<16x128xf32, #tpu.memory_space<vmem>>
      %dma_wait3A_1180 = arith.constant 0 : i32
      %dma_wait3A_1181 = arith.constant 0 : i32
      %dma_wait3A_1182 = tpu.memref_slice %arg5[%dma_wait3A_1180, %dma_wait3A_1181] : memref<16x1000000xf32, #tpu.memory_space<hbm>> -> memref<16x128xf32, #tpu.memory_space<hbm>>
      tpu.wait_dma2 semaphore(%arg14 : memref<!tpu.dma_semaphore, #tpu.memory_space<semaphore_mem>>) src(%dma_wait3A_1182 : memref<16x128xf32, #tpu.memory_space<hbm>>) dst(%dma_wait3A_1179 : memref<16x128xf32, #tpu.memory_space<vmem>>)
      %dma_wait3A_1183 = arith.constant 0 : i32
      %dma_wait3A_1184 = arith.constant 0 : i32
      %dma_wait3A_1185 = arith.constant 0 : i32
      %dma_wait3A_1186 = arith.constant 0 : i32
      %dma_wait3A_1187 = tpu.memref_slice %arg9[%dma_wait3A_1183, %dma_wait3A_1184, %dma_wait3A_1185, %dma_wait3A_1186] : memref<3x8x16x128xf32, #tpu.memory_space<vmem>> -> memref<1x1x16x128xf32, #tpu.memory_space<vmem>>
      %dma_wait3A_1188 = tpu.memref_squeeze %dma_wait3A_1187 : memref<1x1x16x128xf32, #tpu.memory_space<vmem>> -> memref<16x128xf32, #tpu.memory_space<vmem>>
      %dma_wait3A_1189 = arith.constant 0 : i32
      %dma_wait3A_1190 = arith.constant 0 : i32
      %dma_wait3A_1191 = tpu.memref_slice %arg4[%dma_wait3A_1189, %dma_wait3A_1190] : memref<16x1000000xf32, #tpu.memory_space<hbm>> -> memref<16x128xf32, #tpu.memory_space<hbm>>
      %dma_wait3A_1192 = arith.constant 0 : i32
      %dma_wait3A_1193 = arith.constant 0 : i32
      %dma_wait3A_1194 = tpu.memref_slice %arg9[%dma_wait3A_1183, %dma_wait3A_1184, %dma_wait3A_1192, %dma_wait3A_1193] : memref<3x8x16x128xf32, #tpu.memory_space<vmem>> -> memref<1x1x16x128xf32, #tpu.memory_space<vmem>>
      %dma_wait3A_1195 = tpu.memref_squeeze %dma_wait3A_1194 : memref<1x1x16x128xf32, #tpu.memory_space<vmem>> -> memref<16x128xf32, #tpu.memory_space<vmem>>
      %dma_wait3A_1196 = arith.constant 0 : i32
      %dma_wait3A_1197 = arith.constant 0 : i32
      %dma_wait3A_1198 = tpu.memref_slice %arg4[%dma_wait3A_1196, %dma_wait3A_1197] : memref<16x1000000xf32, #tpu.memory_space<hbm>> -> memref<16x128xf32, #tpu.memory_space<hbm>>
      tpu.wait_dma2 semaphore(%arg13 : memref<!tpu.dma_semaphore, #tpu.memory_space<semaphore_mem>>) src(%dma_wait3A_1198 : memref<16x128xf32, #tpu.memory_space<hbm>>) dst(%dma_wait3A_1195 : memref<16x128xf32, #tpu.memory_space<vmem>>)
      %dma_wait3A_1199 = arith.constant 0 : i32
      %dma_wait3A_1200 = arith.constant 0 : i32
      %dma_wait3A_1201 = arith.constant 0 : i32
      %dma_wait3A_1202 = arith.constant 0 : i32
      %dma_wait3A_1203 = tpu.memref_slice %arg10[%dma_wait3A_1199, %dma_wait3A_1200, %dma_wait3A_1201, %dma_wait3A_1202] : memref<3x8x16x128xf32, #tpu.memory_space<vmem>> -> memref<1x1x16x128xf32, #tpu.memory_space<vmem>>
      %dma_wait3A_1204 = tpu.memref_squeeze %dma_wait3A_1203 : memref<1x1x16x128xf32, #tpu.memory_space<vmem>> -> memref<16x128xf32, #tpu.memory_space<vmem>>
      %dma_wait3A_1205 = arith.constant 0 : i32
      %dma_wait3A_1206 = arith.constant 0 : i32
      %dma_wait3A_1207 = tpu.memref_slice %arg5[%dma_wait3A_1205, %dma_wait3A_1206] : memref<16x1000000xf32, #tpu.memory_space<hbm>> -> memref<16x128xf32, #tpu.memory_space<hbm>>
      %dma_wait3A_1208 = arith.constant 0 : i32
      %dma_wait3A_1209 = arith.constant 0 : i32
      %dma_wait3A_1210 = tpu.memref_slice %arg10[%dma_wait3A_1199, %dma_wait3A_1200, %dma_wait3A_1208, %dma_wait3A_1209] : memref<3x8x16x128xf32, #tpu.memory_space<vmem>> -> memref<1x1x16x128xf32, #tpu.memory_space<vmem>>
      %dma_wait3A_1211 = tpu.memref_squeeze %dma_wait3A_1210 : memref<1x1x16x128xf32, #tpu.memory_space<vmem>> -> memref<16x128xf32, #tpu.memory_space<vmem>>
      %dma_wait3A_1212 = arith.constant 0 : i32
      %dma_wait3A_1213 = arith.constant 0 : i32
      %dma_wait3A_1214 = tpu.memref_slice %arg5[%dma_wait3A_1212, %dma_wait3A_1213] : memref<16x1000000xf32, #tpu.memory_space<hbm>> -> memref<16x128xf32, #tpu.memory_space<hbm>>
      tpu.wait_dma2 semaphore(%arg14 : memref<!tpu.dma_semaphore, #tpu.memory_space<semaphore_mem>>) src(%dma_wait3A_1214 : memref<16x128xf32, #tpu.memory_space<hbm>>) dst(%dma_wait3A_1211 : memref<16x128xf32, #tpu.memory_space<vmem>>)
      %dma_wait3A_1215 = arith.constant 0 : i32
      %dma_wait3A_1216 = arith.constant 0 : i32
      %dma_wait3A_1217 = arith.constant 0 : i32
      %dma_wait3A_1218 = arith.constant 0 : i32
      %dma_wait3A_1219 = tpu.memref_slice %arg9[%dma_wait3A_1215, %dma_wait3A_1216, %dma_wait3A_1217, %dma_wait3A_1218] : memref<3x8x16x128xf32, #tpu.memory_space<vmem>> -> memref<1x1x16x128xf32, #tpu.memory_space<vmem>>
      %dma_wait3A_1220 = tpu.memref_squeeze %dma_wait3A_1219 : memref<1x1x16x128xf32, #tpu.memory_space<vmem>> -> memref<16x128xf32, #tpu.memory_space<vmem>>
      %dma_wait3A_1221 = arith.constant 0 : i32
      %dma_wait3A_1222 = arith.constant 0 : i32
      %dma_wait3A_1223 = tpu.memref_slice %arg4[%dma_wait3A_1221, %dma_wait3A_1222] : memref<16x1000000xf32, #tpu.memory_space<hbm>> -> memref<16x128xf32, #tpu.memory_space<hbm>>
      %dma_wait3A_1224 = arith.constant 0 : i32
      %dma_wait3A_1225 = arith.constant 0 : i32
      %dma_wait3A_1226 = tpu.memref_slice %arg9[%dma_wait3A_1215, %dma_wait3A_1216, %dma_wait3A_1224, %dma_wait3A_1225] : memref<3x8x16x128xf32, #tpu.memory_space<vmem>> -> memref<1x1x16x128xf32, #tpu.memory_space<vmem>>
      %dma_wait3A_1227 = tpu.memref_squeeze %dma_wait3A_1226 : memref<1x1x16x128xf32, #tpu.memory_space<vmem>> -> memref<16x128xf32, #tpu.memory_space<vmem>>
      %dma_wait3A_1228 = arith.constant 0 : i32
      %dma_wait3A_1229 = arith.constant 0 : i32
      %dma_wait3A_1230 = tpu.memref_slice %arg4[%dma_wait3A_1228, %dma_wait3A_1229] : memref<16x1000000xf32, #tpu.memory_space<hbm>> -> memref<16x128xf32, #tpu.memory_space<hbm>>
      tpu.wait_dma2 semaphore(%arg13 : memref<!tpu.dma_semaphore, #tpu.memory_space<semaphore_mem>>) src(%dma_wait3A_1230 : memref<16x128xf32, #tpu.memory_space<hbm>>) dst(%dma_wait3A_1227 : memref<16x128xf32, #tpu.memory_space<vmem>>)
      %dma_wait3A_1231 = arith.constant 0 : i32
      %dma_wait3A_1232 = arith.constant 0 : i32
      %dma_wait3A_1233 = arith.constant 0 : i32
      %dma_wait3A_1234 = arith.constant 0 : i32
      %dma_wait3A_1235 = tpu.memref_slice %arg10[%dma_wait3A_1231, %dma_wait3A_1232, %dma_wait3A_1233, %dma_wait3A_1234] : memref<3x8x16x128xf32, #tpu.memory_space<vmem>> -> memref<1x1x16x128xf32, #tpu.memory_space<vmem>>
      %dma_wait3A_1236 = tpu.memref_squeeze %dma_wait3A_1235 : memref<1x1x16x128xf32, #tpu.memory_space<vmem>> -> memref<16x128xf32, #tpu.memory_space<vmem>>
      %dma_wait3A_1237 = arith.constant 0 : i32
      %dma_wait3A_1238 = arith.constant 0 : i32
      %dma_wait3A_1239 = tpu.memref_slice %arg5[%dma_wait3A_1237, %dma_wait3A_1238] : memref<16x1000000xf32, #tpu.memory_space<hbm>> -> memref<16x128xf32, #tpu.memory_space<hbm>>
      %dma_wait3A_1240 = arith.constant 0 : i32
      %dma_wait3A_1241 = arith.constant 0 : i32
      %dma_wait3A_1242 = tpu.memref_slice %arg10[%dma_wait3A_1231, %dma_wait3A_1232, %dma_wait3A_1240, %dma_wait3A_1241] : memref<3x8x16x128xf32, #tpu.memory_space<vmem>> -> memref<1x1x16x128xf32, #tpu.memory_space<vmem>>
      %dma_wait3A_1243 = tpu.memref_squeeze %dma_wait3A_1242 : memref<1x1x16x128xf32, #tpu.memory_space<vmem>> -> memref<16x128xf32, #tpu.memory_space<vmem>>
      %dma_wait3A_1244 = arith.constant 0 : i32
      %dma_wait3A_1245 = arith.constant 0 : i32
      %dma_wait3A_1246 = tpu.memref_slice %arg5[%dma_wait3A_1244, %dma_wait3A_1245] : memref<16x1000000xf32, #tpu.memory_space<hbm>> -> memref<16x128xf32, #tpu.memory_space<hbm>>
      tpu.wait_dma2 semaphore(%arg14 : memref<!tpu.dma_semaphore, #tpu.memory_space<semaphore_mem>>) src(%dma_wait3A_1246 : memref<16x128xf32, #tpu.memory_space<hbm>>) dst(%dma_wait3A_1243 : memref<16x128xf32, #tpu.memory_space<vmem>>)
      %dma_wait3A_1247 = arith.constant 0 : i32
      %dma_wait3A_1248 = arith.constant 0 : i32
      %dma_wait3A_1249 = arith.constant 0 : i32
      %dma_wait3A_1250 = arith.constant 0 : i32
      %dma_wait3A_1251 = tpu.memref_slice %arg9[%dma_wait3A_1247, %dma_wait3A_1248, %dma_wait3A_1249, %dma_wait3A_1250] : memref<3x8x16x128xf32, #tpu.memory_space<vmem>> -> memref<1x1x16x128xf32, #tpu.memory_space<vmem>>
      %dma_wait3A_1252 = tpu.memref_squeeze %dma_wait3A_1251 : memref<1x1x16x128xf32, #tpu.memory_space<vmem>> -> memref<16x128xf32, #tpu.memory_space<vmem>>
      %dma_wait3A_1253 = arith.constant 0 : i32
      %dma_wait3A_1254 = arith.constant 0 : i32
      %dma_wait3A_1255 = tpu.memref_slice %arg4[%dma_wait3A_1253, %dma_wait3A_1254] : memref<16x1000000xf32, #tpu.memory_space<hbm>> -> memref<16x128xf32, #tpu.memory_space<hbm>>
      %dma_wait3A_1256 = arith.constant 0 : i32
      %dma_wait3A_1257 = arith.constant 0 : i32
      %dma_wait3A_1258 = tpu.memref_slice %arg9[%dma_wait3A_1247, %dma_wait3A_1248, %dma_wait3A_1256, %dma_wait3A_1257] : memref<3x8x16x128xf32, #tpu.memory_space<vmem>> -> memref<1x1x16x128xf32, #tpu.memory_space<vmem>>
      %dma_wait3A_1259 = tpu.memref_squeeze %dma_wait3A_1258 : memref<1x1x16x128xf32, #tpu.memory_space<vmem>> -> memref<16x128xf32, #tpu.memory_space<vmem>>
      %dma_wait3A_1260 = arith.constant 0 : i32
      %dma_wait3A_1261 = arith.constant 0 : i32
      %dma_wait3A_1262 = tpu.memref_slice %arg4[%dma_wait3A_1260, %dma_wait3A_1261] : memref<16x1000000xf32, #tpu.memory_space<hbm>> -> memref<16x128xf32, #tpu.memory_space<hbm>>
      tpu.wait_dma2 semaphore(%arg13 : memref<!tpu.dma_semaphore, #tpu.memory_space<semaphore_mem>>) src(%dma_wait3A_1262 : memref<16x128xf32, #tpu.memory_space<hbm>>) dst(%dma_wait3A_1259 : memref<16x128xf32, #tpu.memory_space<vmem>>)
      %dma_wait3A_1263 = arith.constant 0 : i32
      %dma_wait3A_1264 = arith.constant 0 : i32
      %dma_wait3A_1265 = arith.constant 0 : i32
      %dma_wait3A_1266 = arith.constant 0 : i32
      %dma_wait3A_1267 = tpu.memref_slice %arg10[%dma_wait3A_1263, %dma_wait3A_1264, %dma_wait3A_1265, %dma_wait3A_1266] : memref<3x8x16x128xf32, #tpu.memory_space<vmem>> -> memref<1x1x16x128xf32, #tpu.memory_space<vmem>>
      %dma_wait3A_1268 = tpu.memref_squeeze %dma_wait3A_1267 : memref<1x1x16x128xf32, #tpu.memory_space<vmem>> -> memref<16x128xf32, #tpu.memory_space<vmem>>
      %dma_wait3A_1269 = arith.constant 0 : i32
      %dma_wait3A_1270 = arith.constant 0 : i32
      %dma_wait3A_1271 = tpu.memref_slice %arg5[%dma_wait3A_1269, %dma_wait3A_1270] : memref<16x1000000xf32, #tpu.memory_space<hbm>> -> memref<16x128xf32, #tpu.memory_space<hbm>>
      %dma_wait3A_1272 = arith.constant 0 : i32
      %dma_wait3A_1273 = arith.constant 0 : i32
      %dma_wait3A_1274 = tpu.memref_slice %arg10[%dma_wait3A_1263, %dma_wait3A_1264, %dma_wait3A_1272, %dma_wait3A_1273] : memref<3x8x16x128xf32, #tpu.memory_space<vmem>> -> memref<1x1x16x128xf32, #tpu.memory_space<vmem>>
      %dma_wait3A_1275 = tpu.memref_squeeze %dma_wait3A_1274 : memref<1x1x16x128xf32, #tpu.memory_space<vmem>> -> memref<16x128xf32, #tpu.memory_space<vmem>>
      %dma_wait3A_1276 = arith.constant 0 : i32
      %dma_wait3A_1277 = arith.constant 0 : i32
      %dma_wait3A_1278 = tpu.memref_slice %arg5[%dma_wait3A_1276, %dma_wait3A_1277] : memref<16x1000000xf32, #tpu.memory_space<hbm>> -> memref<16x128xf32, #tpu.memory_space<hbm>>
      tpu.wait_dma2 semaphore(%arg14 : memref<!tpu.dma_semaphore, #tpu.memory_space<semaphore_mem>>) src(%dma_wait3A_1278 : memref<16x128xf32, #tpu.memory_space<hbm>>) dst(%dma_wait3A_1275 : memref<16x128xf32, #tpu.memory_space<vmem>>)
      %dma_wait3A_1279 = arith.constant 0 : i32
      %dma_wait3A_1280 = arith.constant 0 : i32
      %dma_wait3A_1281 = arith.constant 0 : i32
      %dma_wait3A_1282 = arith.constant 0 : i32
      %dma_wait3A_1283 = tpu.memref_slice %arg9[%dma_wait3A_1279, %dma_wait3A_1280, %dma_wait3A_1281, %dma_wait3A_1282] : memref<3x8x16x128xf32, #tpu.memory_space<vmem>> -> memref<1x1x16x128xf32, #tpu.memory_space<vmem>>
      %dma_wait3A_1284 = tpu.memref_squeeze %dma_wait3A_1283 : memref<1x1x16x128xf32, #tpu.memory_space<vmem>> -> memref<16x128xf32, #tpu.memory_space<vmem>>
      %dma_wait3A_1285 = arith.constant 0 : i32
      %dma_wait3A_1286 = arith.constant 0 : i32
      %dma_wait3A_1287 = tpu.memref_slice %arg4[%dma_wait3A_1285, %dma_wait3A_1286] : memref<16x1000000xf32, #tpu.memory_space<hbm>> -> memref<16x128xf32, #tpu.memory_space<hbm>>
      %dma_wait3A_1288 = arith.constant 0 : i32
      %dma_wait3A_1289 = arith.constant 0 : i32
      %dma_wait3A_1290 = tpu.memref_slice %arg9[%dma_wait3A_1279, %dma_wait3A_1280, %dma_wait3A_1288, %dma_wait3A_1289] : memref<3x8x16x128xf32, #tpu.memory_space<vmem>> -> memref<1x1x16x128xf32, #tpu.memory_space<vmem>>
      %dma_wait3A_1291 = tpu.memref_squeeze %dma_wait3A_1290 : memref<1x1x16x128xf32, #tpu.memory_space<vmem>> -> memref<16x128xf32, #tpu.memory_space<vmem>>
      %dma_wait3A_1292 = arith.constant 0 : i32
      %dma_wait3A_1293 = arith.constant 0 : i32
      %dma_wait3A_1294 = tpu.memref_slice %arg4[%dma_wait3A_1292, %dma_wait3A_1293] : memref<16x1000000xf32, #tpu.memory_space<hbm>> -> memref<16x128xf32, #tpu.memory_space<hbm>>
      tpu.wait_dma2 semaphore(%arg13 : memref<!tpu.dma_semaphore, #tpu.memory_space<semaphore_mem>>) src(%dma_wait3A_1294 : memref<16x128xf32, #tpu.memory_space<hbm>>) dst(%dma_wait3A_1291 : memref<16x128xf32, #tpu.memory_space<vmem>>)
      %dma_wait3A_1295 = arith.constant 0 : i32
      %dma_wait3A_1296 = arith.constant 0 : i32
      %dma_wait3A_1297 = arith.constant 0 : i32
      %dma_wait3A_1298 = arith.constant 0 : i32
      %dma_wait3A_1299 = tpu.memref_slice %arg10[%dma_wait3A_1295, %dma_wait3A_1296, %dma_wait3A_1297, %dma_wait3A_1298] : memref<3x8x16x128xf32, #tpu.memory_space<vmem>> -> memref<1x1x16x128xf32, #tpu.memory_space<vmem>>
      %dma_wait3A_1300 = tpu.memref_squeeze %dma_wait3A_1299 : memref<1x1x16x128xf32, #tpu.memory_space<vmem>> -> memref<16x128xf32, #tpu.memory_space<vmem>>
      %dma_wait3A_1301 = arith.constant 0 : i32
      %dma_wait3A_1302 = arith.constant 0 : i32
      %dma_wait3A_1303 = tpu.memref_slice %arg5[%dma_wait3A_1301, %dma_wait3A_1302] : memref<16x1000000xf32, #tpu.memory_space<hbm>> -> memref<16x128xf32, #tpu.memory_space<hbm>>
      %dma_wait3A_1304 = arith.constant 0 : i32
      %dma_wait3A_1305 = arith.constant 0 : i32
      %dma_wait3A_1306 = tpu.memref_slice %arg10[%dma_wait3A_1295, %dma_wait3A_1296, %dma_wait3A_1304, %dma_wait3A_1305] : memref<3x8x16x128xf32, #tpu.memory_space<vmem>> -> memref<1x1x16x128xf32, #tpu.memory_space<vmem>>
      %dma_wait3A_1307 = tpu.memref_squeeze %dma_wait3A_1306 : memref<1x1x16x128xf32, #tpu.memory_space<vmem>> -> memref<16x128xf32, #tpu.memory_space<vmem>>
      %dma_wait3A_1308 = arith.constant 0 : i32
      %dma_wait3A_1309 = arith.constant 0 : i32
      %dma_wait3A_1310 = tpu.memref_slice %arg5[%dma_wait3A_1308, %dma_wait3A_1309] : memref<16x1000000xf32, #tpu.memory_space<hbm>> -> memref<16x128xf32, #tpu.memory_space<hbm>>
      tpu.wait_dma2 semaphore(%arg14 : memref<!tpu.dma_semaphore, #tpu.memory_space<semaphore_mem>>) src(%dma_wait3A_1310 : memref<16x128xf32, #tpu.memory_space<hbm>>) dst(%dma_wait3A_1307 : memref<16x128xf32, #tpu.memory_space<vmem>>)
      %dma_wait3A_1311 = arith.constant 0 : i32
      %dma_wait3A_1312 = arith.constant 0 : i32
      %dma_wait3A_1313 = arith.constant 0 : i32
      %dma_wait3A_1314 = arith.constant 0 : i32
      %dma_wait3A_1315 = tpu.memref_slice %arg9[%dma_wait3A_1311, %dma_wait3A_1312, %dma_wait3A_1313, %dma_wait3A_1314] : memref<3x8x16x128xf32, #tpu.memory_space<vmem>> -> memref<1x1x16x128xf32, #tpu.memory_space<vmem>>
      %dma_wait3A_1316 = tpu.memref_squeeze %dma_wait3A_1315 : memref<1x1x16x128xf32, #tpu.memory_space<vmem>> -> memref<16x128xf32, #tpu.memory_space<vmem>>
      %dma_wait3A_1317 = arith.constant 0 : i32
      %dma_wait3A_1318 = arith.constant 0 : i32
      %dma_wait3A_1319 = tpu.memref_slice %arg4[%dma_wait3A_1317, %dma_wait3A_1318] : memref<16x1000000xf32, #tpu.memory_space<hbm>> -> memref<16x128xf32, #tpu.memory_space<hbm>>
      %dma_wait3A_1320 = arith.constant 0 : i32
      %dma_wait3A_1321 = arith.constant 0 : i32
      %dma_wait3A_1322 = tpu.memref_slice %arg9[%dma_wait3A_1311, %dma_wait3A_1312, %dma_wait3A_1320, %dma_wait3A_1321] : memref<3x8x16x128xf32, #tpu.memory_space<vmem>> -> memref<1x1x16x128xf32, #tpu.memory_space<vmem>>
      %dma_wait3A_1323 = tpu.memref_squeeze %dma_wait3A_1322 : memref<1x1x16x128xf32, #tpu.memory_space<vmem>> -> memref<16x128xf32, #tpu.memory_space<vmem>>
      %dma_wait3A_1324 = arith.constant 0 : i32
      %dma_wait3A_1325 = arith.constant 0 : i32
      %dma_wait3A_1326 = tpu.memref_slice %arg4[%dma_wait3A_1324, %dma_wait3A_1325] : memref<16x1000000xf32, #tpu.memory_space<hbm>> -> memref<16x128xf32, #tpu.memory_space<hbm>>
      tpu.wait_dma2 semaphore(%arg13 : memref<!tpu.dma_semaphore, #tpu.memory_space<semaphore_mem>>) src(%dma_wait3A_1326 : memref<16x128xf32, #tpu.memory_space<hbm>>) dst(%dma_wait3A_1323 : memref<16x128xf32, #tpu.memory_space<vmem>>)
      %dma_wait3A_1327 = arith.constant 0 : i32
      %dma_wait3A_1328 = arith.constant 0 : i32
      %dma_wait3A_1329 = arith.constant 0 : i32
      %dma_wait3A_1330 = arith.constant 0 : i32
      %dma_wait3A_1331 = tpu.memref_slice %arg10[%dma_wait3A_1327, %dma_wait3A_1328, %dma_wait3A_1329, %dma_wait3A_1330] : memref<3x8x16x128xf32, #tpu.memory_space<vmem>> -> memref<1x1x16x128xf32, #tpu.memory_space<vmem>>
      %dma_wait3A_1332 = tpu.memref_squeeze %dma_wait3A_1331 : memref<1x1x16x128xf32, #tpu.memory_space<vmem>> -> memref<16x128xf32, #tpu.memory_space<vmem>>
      %dma_wait3A_1333 = arith.constant 0 : i32
      %dma_wait3A_1334 = arith.constant 0 : i32
      %dma_wait3A_1335 = tpu.memref_slice %arg5[%dma_wait3A_1333, %dma_wait3A_1334] : memref<16x1000000xf32, #tpu.memory_space<hbm>> -> memref<16x128xf32, #tpu.memory_space<hbm>>
      %dma_wait3A_1336 = arith.constant 0 : i32
      %dma_wait3A_1337 = arith.constant 0 : i32
      %dma_wait3A_1338 = tpu.memref_slice %arg10[%dma_wait3A_1327, %dma_wait3A_1328, %dma_wait3A_1336, %dma_wait3A_1337] : memref<3x8x16x128xf32, #tpu.memory_space<vmem>> -> memref<1x1x16x128xf32, #tpu.memory_space<vmem>>
      %dma_wait3A_1339 = tpu.memref_squeeze %dma_wait3A_1338 : memref<1x1x16x128xf32, #tpu.memory_space<vmem>> -> memref<16x128xf32, #tpu.memory_space<vmem>>
      %dma_wait3A_1340 = arith.constant 0 : i32
      %dma_wait3A_1341 = arith.constant 0 : i32
      %dma_wait3A_1342 = tpu.memref_slice %arg5[%dma_wait3A_1340, %dma_wait3A_1341] : memref<16x1000000xf32, #tpu.memory_space<hbm>> -> memref<16x128xf32, #tpu.memory_space<hbm>>
      tpu.wait_dma2 semaphore(%arg14 : memref<!tpu.dma_semaphore, #tpu.memory_space<semaphore_mem>>) src(%dma_wait3A_1342 : memref<16x128xf32, #tpu.memory_space<hbm>>) dst(%dma_wait3A_1339 : memref<16x128xf32, #tpu.memory_space<vmem>>)
      %dma_wait3A_1343 = arith.constant 0 : i32
      %dma_wait3A_1344 = arith.constant 0 : i32
      %dma_wait3A_1345 = arith.constant 0 : i32
      %dma_wait3A_1346 = arith.constant 0 : i32
      %dma_wait3A_1347 = tpu.memref_slice %arg9[%dma_wait3A_1343, %dma_wait3A_1344, %dma_wait3A_1345, %dma_wait3A_1346] : memref<3x8x16x128xf32, #tpu.memory_space<vmem>> -> memref<1x1x16x128xf32, #tpu.memory_space<vmem>>
      %dma_wait3A_1348 = tpu.memref_squeeze %dma_wait3A_1347 : memref<1x1x16x128xf32, #tpu.memory_space<vmem>> -> memref<16x128xf32, #tpu.memory_space<vmem>>
      %dma_wait3A_1349 = arith.constant 0 : i32
      %dma_wait3A_1350 = arith.constant 0 : i32
      %dma_wait3A_1351 = tpu.memref_slice %arg4[%dma_wait3A_1349, %dma_wait3A_1350] : memref<16x1000000xf32, #tpu.memory_space<hbm>> -> memref<16x128xf32, #tpu.memory_space<hbm>>
      %dma_wait3A_1352 = arith.constant 0 : i32
      %dma_wait3A_1353 = arith.constant 0 : i32
      %dma_wait3A_1354 = tpu.memref_slice %arg9[%dma_wait3A_1343, %dma_wait3A_1344, %dma_wait3A_1352, %dma_wait3A_1353] : memref<3x8x16x128xf32, #tpu.memory_space<vmem>> -> memref<1x1x16x128xf32, #tpu.memory_space<vmem>>
      %dma_wait3A_1355 = tpu.memref_squeeze %dma_wait3A_1354 : memref<1x1x16x128xf32, #tpu.memory_space<vmem>> -> memref<16x128xf32, #tpu.memory_space<vmem>>
      %dma_wait3A_1356 = arith.constant 0 : i32
      %dma_wait3A_1357 = arith.constant 0 : i32
      %dma_wait3A_1358 = tpu.memref_slice %arg4[%dma_wait3A_1356, %dma_wait3A_1357] : memref<16x1000000xf32, #tpu.memory_space<hbm>> -> memref<16x128xf32, #tpu.memory_space<hbm>>
      tpu.wait_dma2 semaphore(%arg13 : memref<!tpu.dma_semaphore, #tpu.memory_space<semaphore_mem>>) src(%dma_wait3A_1358 : memref<16x128xf32, #tpu.memory_space<hbm>>) dst(%dma_wait3A_1355 : memref<16x128xf32, #tpu.memory_space<vmem>>)
      %dma_wait3A_1359 = arith.constant 0 : i32
      %dma_wait3A_1360 = arith.constant 0 : i32
      %dma_wait3A_1361 = arith.constant 0 : i32
      %dma_wait3A_1362 = arith.constant 0 : i32
      %dma_wait3A_1363 = tpu.memref_slice %arg10[%dma_wait3A_1359, %dma_wait3A_1360, %dma_wait3A_1361, %dma_wait3A_1362] : memref<3x8x16x128xf32, #tpu.memory_space<vmem>> -> memref<1x1x16x128xf32, #tpu.memory_space<vmem>>
      %dma_wait3A_1364 = tpu.memref_squeeze %dma_wait3A_1363 : memref<1x1x16x128xf32, #tpu.memory_space<vmem>> -> memref<16x128xf32, #tpu.memory_space<vmem>>
      %dma_wait3A_1365 = arith.constant 0 : i32
      %dma_wait3A_1366 = arith.constant 0 : i32
      %dma_wait3A_1367 = tpu.memref_slice %arg5[%dma_wait3A_1365, %dma_wait3A_1366] : memref<16x1000000xf32, #tpu.memory_space<hbm>> -> memref<16x128xf32, #tpu.memory_space<hbm>>
      %dma_wait3A_1368 = arith.constant 0 : i32
      %dma_wait3A_1369 = arith.constant 0 : i32
      %dma_wait3A_1370 = tpu.memref_slice %arg10[%dma_wait3A_1359, %dma_wait3A_1360, %dma_wait3A_1368, %dma_wait3A_1369] : memref<3x8x16x128xf32, #tpu.memory_space<vmem>> -> memref<1x1x16x128xf32, #tpu.memory_space<vmem>>
      %dma_wait3A_1371 = tpu.memref_squeeze %dma_wait3A_1370 : memref<1x1x16x128xf32, #tpu.memory_space<vmem>> -> memref<16x128xf32, #tpu.memory_space<vmem>>
      %dma_wait3A_1372 = arith.constant 0 : i32
      %dma_wait3A_1373 = arith.constant 0 : i32
      %dma_wait3A_1374 = tpu.memref_slice %arg5[%dma_wait3A_1372, %dma_wait3A_1373] : memref<16x1000000xf32, #tpu.memory_space<hbm>> -> memref<16x128xf32, #tpu.memory_space<hbm>>
      tpu.wait_dma2 semaphore(%arg14 : memref<!tpu.dma_semaphore, #tpu.memory_space<semaphore_mem>>) src(%dma_wait3A_1374 : memref<16x128xf32, #tpu.memory_space<hbm>>) dst(%dma_wait3A_1371 : memref<16x128xf32, #tpu.memory_space<vmem>>)
      %mul3A_1375 = arith.constant 8 : i32
      %mul3A_1376 = arith.muli %mul3A_1108, %mul3A_1375 : i32
      %get3A_1377 = arith.index_cast %mul3A_1376 : i32 to index
      %get3A_1378 = tpu.vector_load %arg7[%get3A_1377] {strides = array<i32>} : memref<520xi32, #tpu.memory_space<vmem>>, vector<16xi32>,
      %and3A_1379 = arith.constant 127 : i32
      %and3A_1380 = vector.broadcast %and3A_1379 : i32 to vector<16xi32>
      %and3A_1381 = arith.andi %get3A_1378, %and3A_1380 : vector<16xi32>
      %mul3A_1382 = arith.constant 8 : i32
      %mul3A_1383 = arith.muli %mul3A_1108, %mul3A_1382 : i32
      %get3A_1384 = arith.index_cast %mul3A_1383 : i32 to index
      %get3A_1385 = tpu.vector_load %arg8[%get3A_1384] {strides = array<i32>} : memref<520xi32, #tpu.memory_space<vmem>>, vector<16xi32>,
      %and3A_1386 = arith.constant 127 : i32
      %and3A_1387 = vector.broadcast %and3A_1386 : i32 to vector<16xi32>
      %and3A_1388 = arith.andi %get3A_1385, %and3A_1387 : vector<16xi32>
      %slice3A_1389 = vector.extract_strided_slice %and3A_1381 {offsets = [0], sizes = [1], strides = [1]} : vector<16xi32> to vector<1xi32>
      %reshape3A_1390 = vector.extract %slice3A_1389[0] : i32 from vector<1xi32>
      %broadcast_in_dim3A_1391 = vector.broadcast %reshape3A_1390 : i32 to vector<16xi32>
      %slice3A_1392 = vector.extract_strided_slice %and3A_1388 {offsets = [0], sizes = [1], strides = [1]} : vector<16xi32> to vector<1xi32>
      %reshape3A_1393 = vector.extract %slice3A_1392[0] : i32 from vector<1xi32>
      %broadcast_in_dim3A_1394 = vector.broadcast %reshape3A_1393 : i32 to vector<16xi32>
      %gather3A_1395 = arith.constant 0 : i32
      %gather3A_1396 = arith.constant 0 : i32
      %gather3A_1397 = arith.constant 0 : i32
      %gather3A_1398 = arith.constant 0 : i32
      %gather3A_1399 = tpu.memref_slice %arg9[%gather3A_1395, %gather3A_1396, %gather3A_1397, %gather3A_1398] : memref<3x8x16x128xf32, #tpu.memory_space<vmem>> -> memref<1x1x16x128xf32, #tpu.memory_space<vmem>>
      %gather3A_1400 = tpu.memref_squeeze %gather3A_1399 : memref<1x1x16x128xf32, #tpu.memory_space<vmem>> -> memref<16x128xf32, #tpu.memory_space<vmem>>
      %gather3A_1401 = tpu.vector_load_idx %gather3A_1400[%iota3A, %broadcast_in_dim3A_1391] : memref<16x128xf32, #tpu.memory_space<vmem>>[vector<16xi32>, vector<16xi32>], vector<16xf32>,
      %gather3A_1402 = arith.constant 0 : i32
      %gather3A_1403 = arith.constant 0 : i32
      %gather3A_1404 = arith.constant 0 : i32
      %gather3A_1405 = arith.constant 0 : i32
      %gather3A_1406 = tpu.memref_slice %arg10[%gather3A_1402, %gather3A_1403, %gather3A_1404, %gather3A_1405] : memref<3x8x16x128xf32, #tpu.memory_space<vmem>> -> memref<1x1x16x128xf32, #tpu.memory_space<vmem>>
      %gather3A_1407 = tpu.memref_squeeze %gather3A_1406 : memref<1x1x16x128xf32, #tpu.memory_space<vmem>> -> memref<16x128xf32, #tpu.memory_space<vmem>>
      %gather3A_1408 = tpu.vector_load_idx %gather3A_1407[%iota3A, %broadcast_in_dim3A_1394] : memref<16x128xf32, #tpu.memory_space<vmem>>[vector<16xi32>, vector<16xi32>], vector<16xf32>,
      %mul3A_1409 = arith.constant 16 : i32
      %mul3A_1410 = vector.broadcast %mul3A_1409 : i32 to vector<16xi32>
      %mul3A_1411 = arith.muli %iota3A, %mul3A_1410 : vector<16xi32>
      %mul3A_1412 = arith.constant 8 : i32
      %mul3A_1413 = arith.muli %select_n3A_1118, %mul3A_1412 : i32
      %add3A_1414 = arith.constant 0 : i32
      %add3A_1415 = arith.addi %mul3A_1413, %add3A_1414 : i32
      %add3A_1416 = vector.broadcast %add3A_1415 : i32 to vector<16xi32>
      %add3A_1417 = arith.addi %mul3A_1411, %add3A_1416 : vector<16xi32>
      %mul3A_1418 = arith.mulf %gather3A_1401, %gather3A_1408 : vector<16xf32>
      tpu.vector_store_idx %arg11[%add3A_1417], %mul3A_1418 : memref<256xf32, #tpu.memory_space<vmem>>[vector<16xi32>], vector<16xf32>,
      %slice3A_1419 = vector.extract_strided_slice %and3A_1381 {offsets = [1], sizes = [1], strides = [1]} : vector<16xi32> to vector<1xi32>
      %reshape3A_1420 = vector.extract %slice3A_1419[0] : i32 from vector<1xi32>
      %broadcast_in_dim3A_1421 = vector.broadcast %reshape3A_1420 : i32 to vector<16xi32>
      %slice3A_1422 = vector.extract_strided_slice %and3A_1388 {offsets = [1], sizes = [1], strides = [1]} : vector<16xi32> to vector<1xi32>
      %reshape3A_1423 = vector.extract %slice3A_1422[0] : i32 from vector<1xi32>
      %broadcast_in_dim3A_1424 = vector.broadcast %reshape3A_1423 : i32 to vector<16xi32>
      %gather3A_1425 = arith.constant 0 : i32
      %gather3A_1426 = arith.constant 1 : i32
      %gather3A_1427 = arith.constant 0 : i32
      %gather3A_1428 = arith.constant 0 : i32
      %gather3A_1429 = tpu.memref_slice %arg9[%gather3A_1425, %gather3A_1426, %gather3A_1427, %gather3A_1428] : memref<3x8x16x128xf32, #tpu.memory_space<vmem>> -> memref<1x1x16x128xf32, #tpu.memory_space<vmem>>
      %gather3A_1430 = tpu.memref_squeeze %gather3A_1429 : memref<1x1x16x128xf32, #tpu.memory_space<vmem>> -> memref<16x128xf32, #tpu.memory_space<vmem>>
      %gather3A_1431 = tpu.vector_load_idx %gather3A_1430[%iota3A, %broadcast_in_dim3A_1421] : memref<16x128xf32, #tpu.memory_space<vmem>>[vector<16xi32>, vector<16xi32>], vector<16xf32>,
      %gather3A_1432 = arith.constant 0 : i32
      %gather3A_1433 = arith.constant 1 : i32
      %gather3A_1434 = arith.constant 0 : i32
      %gather3A_1435 = arith.constant 0 : i32
      %gather3A_1436 = tpu.memref_slice %arg10[%gather3A_1432, %gather3A_1433, %gather3A_1434, %gather3A_1435] : memref<3x8x16x128xf32, #tpu.memory_space<vmem>> -> memref<1x1x16x128xf32, #tpu.memory_space<vmem>>
      %gather3A_1437 = tpu.memref_squeeze %gather3A_1436 : memref<1x1x16x128xf32, #tpu.memory_space<vmem>> -> memref<16x128xf32, #tpu.memory_space<vmem>>
      %gather3A_1438 = tpu.vector_load_idx %gather3A_1437[%iota3A, %broadcast_in_dim3A_1424] : memref<16x128xf32, #tpu.memory_space<vmem>>[vector<16xi32>, vector<16xi32>], vector<16xf32>,
      %mul3A_1439 = arith.constant 16 : i32
      %mul3A_1440 = vector.broadcast %mul3A_1439 : i32 to vector<16xi32>
      %mul3A_1441 = arith.muli %iota3A, %mul3A_1440 : vector<16xi32>
      %mul3A_1442 = arith.constant 8 : i32
      %mul3A_1443 = arith.muli %select_n3A_1118, %mul3A_1442 : i32
      %add3A_1444 = arith.constant 1 : i32
      %add3A_1445 = arith.addi %mul3A_1443, %add3A_1444 : i32
      %add3A_1446 = vector.broadcast %add3A_1445 : i32 to vector<16xi32>
      %add3A_1447 = arith.addi %mul3A_1441, %add3A_1446 : vector<16xi32>
      %mul3A_1448 = arith.mulf %gather3A_1431, %gather3A_1438 : vector<16xf32>
      tpu.vector_store_idx %arg11[%add3A_1447], %mul3A_1448 : memref<256xf32, #tpu.memory_space<vmem>>[vector<16xi32>], vector<16xf32>,
      %slice3A_1449 = vector.extract_strided_slice %and3A_1381 {offsets = [2], sizes = [1], strides = [1]} : vector<16xi32> to vector<1xi32>
      %reshape3A_1450 = vector.extract %slice3A_1449[0] : i32 from vector<1xi32>
      %broadcast_in_dim3A_1451 = vector.broadcast %reshape3A_1450 : i32 to vector<16xi32>
      %slice3A_1452 = vector.extract_strided_slice %and3A_1388 {offsets = [2], sizes = [1], strides = [1]} : vector<16xi32> to vector<1xi32>
      %reshape3A_1453 = vector.extract %slice3A_1452[0] : i32 from vector<1xi32>
      %broadcast_in_dim3A_1454 = vector.broadcast %reshape3A_1453 : i32 to vector<16xi32>
      %gather3A_1455 = arith.constant 0 : i32
      %gather3A_1456 = arith.constant 2 : i32
      %gather3A_1457 = arith.constant 0 : i32
      %gather3A_1458 = arith.constant 0 : i32
      %gather3A_1459 = tpu.memref_slice %arg9[%gather3A_1455, %gather3A_1456, %gather3A_1457, %gather3A_1458] : memref<3x8x16x128xf32, #tpu.memory_space<vmem>> -> memref<1x1x16x128xf32, #tpu.memory_space<vmem>>
      %gather3A_1460 = tpu.memref_squeeze %gather3A_1459 : memref<1x1x16x128xf32, #tpu.memory_space<vmem>> -> memref<16x128xf32, #tpu.memory_space<vmem>>
      %gather3A_1461 = tpu.vector_load_idx %gather3A_1460[%iota3A, %broadcast_in_dim3A_1451] : memref<16x128xf32, #tpu.memory_space<vmem>>[vector<16xi32>, vector<16xi32>], vector<16xf32>,
      %gather3A_1462 = arith.constant 0 : i32
      %gather3A_1463 = arith.constant 2 : i32
      %gather3A_1464 = arith.constant 0 : i32
      %gather3A_1465 = arith.constant 0 : i32
      %gather3A_1466 = tpu.memref_slice %arg10[%gather3A_1462, %gather3A_1463, %gather3A_1464, %gather3A_1465] : memref<3x8x16x128xf32, #tpu.memory_space<vmem>> -> memref<1x1x16x128xf32, #tpu.memory_space<vmem>>
      %gather3A_1467 = tpu.memref_squeeze %gather3A_1466 : memref<1x1x16x128xf32, #tpu.memory_space<vmem>> -> memref<16x128xf32, #tpu.memory_space<vmem>>
      %gather3A_1468 = tpu.vector_load_idx %gather3A_1467[%iota3A, %broadcast_in_dim3A_1454] : memref<16x128xf32, #tpu.memory_space<vmem>>[vector<16xi32>, vector<16xi32>], vector<16xf32>,
      %mul3A_1469 = arith.constant 16 : i32
      %mul3A_1470 = vector.broadcast %mul3A_1469 : i32 to vector<16xi32>
      %mul3A_1471 = arith.muli %iota3A, %mul3A_1470 : vector<16xi32>
      %mul3A_1472 = arith.constant 8 : i32
      %mul3A_1473 = arith.muli %select_n3A_1118, %mul3A_1472 : i32
      %add3A_1474 = arith.constant 2 : i32
      %add3A_1475 = arith.addi %mul3A_1473, %add3A_1474 : i32
      %add3A_1476 = vector.broadcast %add3A_1475 : i32 to vector<16xi32>
      %add3A_1477 = arith.addi %mul3A_1471, %add3A_1476 : vector<16xi32>
      %mul3A_1478 = arith.mulf %gather3A_1461, %gather3A_1468 : vector<16xf32>
      tpu.vector_store_idx %arg11[%add3A_1477], %mul3A_1478 : memref<256xf32, #tpu.memory_space<vmem>>[vector<16xi32>], vector<16xf32>,
      %slice3A_1479 = vector.extract_strided_slice %and3A_1381 {offsets = [3], sizes = [1], strides = [1]} : vector<16xi32> to vector<1xi32>
      %reshape3A_1480 = vector.extract %slice3A_1479[0] : i32 from vector<1xi32>
      %broadcast_in_dim3A_1481 = vector.broadcast %reshape3A_1480 : i32 to vector<16xi32>
      %slice3A_1482 = vector.extract_strided_slice %and3A_1388 {offsets = [3], sizes = [1], strides = [1]} : vector<16xi32> to vector<1xi32>
      %reshape3A_1483 = vector.extract %slice3A_1482[0] : i32 from vector<1xi32>
      %broadcast_in_dim3A_1484 = vector.broadcast %reshape3A_1483 : i32 to vector<16xi32>
      %gather3A_1485 = arith.constant 0 : i32
      %gather3A_1486 = arith.constant 3 : i32
      %gather3A_1487 = arith.constant 0 : i32
      %gather3A_1488 = arith.constant 0 : i32
      %gather3A_1489 = tpu.memref_slice %arg9[%gather3A_1485, %gather3A_1486, %gather3A_1487, %gather3A_1488] : memref<3x8x16x128xf32, #tpu.memory_space<vmem>> -> memref<1x1x16x128xf32, #tpu.memory_space<vmem>>
      %gather3A_1490 = tpu.memref_squeeze %gather3A_1489 : memref<1x1x16x128xf32, #tpu.memory_space<vmem>> -> memref<16x128xf32, #tpu.memory_space<vmem>>
      %gather3A_1491 = tpu.vector_load_idx %gather3A_1490[%iota3A, %broadcast_in_dim3A_1481] : memref<16x128xf32, #tpu.memory_space<vmem>>[vector<16xi32>, vector<16xi32>], vector<16xf32>,
      %gather3A_1492 = arith.constant 0 : i32
      %gather3A_1493 = arith.constant 3 : i32
      %gather3A_1494 = arith.constant 0 : i32
      %gather3A_1495 = arith.constant 0 : i32
      %gather3A_1496 = tpu.memref_slice %arg10[%gather3A_1492, %gather3A_1493, %gather3A_1494, %gather3A_1495] : memref<3x8x16x128xf32, #tpu.memory_space<vmem>> -> memref<1x1x16x128xf32, #tpu.memory_space<vmem>>
      %gather3A_1497 = tpu.memref_squeeze %gather3A_1496 : memref<1x1x16x128xf32, #tpu.memory_space<vmem>> -> memref<16x128xf32, #tpu.memory_space<vmem>>
      %gather3A_1498 = tpu.vector_load_idx %gather3A_1497[%iota3A, %broadcast_in_dim3A_1484] : memref<16x128xf32, #tpu.memory_space<vmem>>[vector<16xi32>, vector<16xi32>], vector<16xf32>,
      %mul3A_1499 = arith.constant 16 : i32
      %mul3A_1500 = vector.broadcast %mul3A_1499 : i32 to vector<16xi32>
      %mul3A_1501 = arith.muli %iota3A, %mul3A_1500 : vector<16xi32>
      %mul3A_1502 = arith.constant 8 : i32
      %mul3A_1503 = arith.muli %select_n3A_1118, %mul3A_1502 : i32
      %add3A_1504 = arith.constant 3 : i32
      %add3A_1505 = arith.addi %mul3A_1503, %add3A_1504 : i32
      %add3A_1506 = vector.broadcast %add3A_1505 : i32 to vector<16xi32>
      %add3A_1507 = arith.addi %mul3A_1501, %add3A_1506 : vector<16xi32>
      %mul3A_1508 = arith.mulf %gather3A_1491, %gather3A_1498 : vector<16xf32>
      tpu.vector_store_idx %arg11[%add3A_1507], %mul3A_1508 : memref<256xf32, #tpu.memory_space<vmem>>[vector<16xi32>], vector<16xf32>,
      %slice3A_1509 = vector.extract_strided_slice %and3A_1381 {offsets = [4], sizes = [1], strides = [1]} : vector<16xi32> to vector<1xi32>
      %reshape3A_1510 = vector.extract %slice3A_1509[0] : i32 from vector<1xi32>
      %broadcast_in_dim3A_1511 = vector.broadcast %reshape3A_1510 : i32 to vector<16xi32>
      %slice3A_1512 = vector.extract_strided_slice %and3A_1388 {offsets = [4], sizes = [1], strides = [1]} : vector<16xi32> to vector<1xi32>
      %reshape3A_1513 = vector.extract %slice3A_1512[0] : i32 from vector<1xi32>
      %broadcast_in_dim3A_1514 = vector.broadcast %reshape3A_1513 : i32 to vector<16xi32>
      %gather3A_1515 = arith.constant 0 : i32
      %gather3A_1516 = arith.constant 4 : i32
      %gather3A_1517 = arith.constant 0 : i32
      %gather3A_1518 = arith.constant 0 : i32
      %gather3A_1519 = tpu.memref_slice %arg9[%gather3A_1515, %gather3A_1516, %gather3A_1517, %gather3A_1518] : memref<3x8x16x128xf32, #tpu.memory_space<vmem>> -> memref<1x1x16x128xf32, #tpu.memory_space<vmem>>
      %gather3A_1520 = tpu.memref_squeeze %gather3A_1519 : memref<1x1x16x128xf32, #tpu.memory_space<vmem>> -> memref<16x128xf32, #tpu.memory_space<vmem>>
      %gather3A_1521 = tpu.vector_load_idx %gather3A_1520[%iota3A, %broadcast_in_dim3A_1511] : memref<16x128xf32, #tpu.memory_space<vmem>>[vector<16xi32>, vector<16xi32>], vector<16xf32>,
      %gather3A_1522 = arith.constant 0 : i32
      %gather3A_1523 = arith.constant 4 : i32
      %gather3A_1524 = arith.constant 0 : i32
      %gather3A_1525 = arith.constant 0 : i32
      %gather3A_1526 = tpu.memref_slice %arg10[%gather3A_1522, %gather3A_1523, %gather3A_1524, %gather3A_1525] : memref<3x8x16x128xf32, #tpu.memory_space<vmem>> -> memref<1x1x16x128xf32, #tpu.memory_space<vmem>>
      %gather3A_1527 = tpu.memref_squeeze %gather3A_1526 : memref<1x1x16x128xf32, #tpu.memory_space<vmem>> -> memref<16x128xf32, #tpu.memory_space<vmem>>
      %gather3A_1528 = tpu.vector_load_idx %gather3A_1527[%iota3A, %broadcast_in_dim3A_1514] : memref<16x128xf32, #tpu.memory_space<vmem>>[vector<16xi32>, vector<16xi32>], vector<16xf32>,
      %mul3A_1529 = arith.constant 16 : i32
      %mul3A_1530 = vector.broadcast %mul3A_1529 : i32 to vector<16xi32>
      %mul3A_1531 = arith.muli %iota3A, %mul3A_1530 : vector<16xi32>
      %mul3A_1532 = arith.constant 8 : i32
      %mul3A_1533 = arith.muli %select_n3A_1118, %mul3A_1532 : i32
      %add3A_1534 = arith.constant 4 : i32
      %add3A_1535 = arith.addi %mul3A_1533, %add3A_1534 : i32
      %add3A_1536 = vector.broadcast %add3A_1535 : i32 to vector<16xi32>
      %add3A_1537 = arith.addi %mul3A_1531, %add3A_1536 : vector<16xi32>
      %mul3A_1538 = arith.mulf %gather3A_1521, %gather3A_1528 : vector<16xf32>
      tpu.vector_store_idx %arg11[%add3A_1537], %mul3A_1538 : memref<256xf32, #tpu.memory_space<vmem>>[vector<16xi32>], vector<16xf32>,
      %slice3A_1539 = vector.extract_strided_slice %and3A_1381 {offsets = [5], sizes = [1], strides = [1]} : vector<16xi32> to vector<1xi32>
      %reshape3A_1540 = vector.extract %slice3A_1539[0] : i32 from vector<1xi32>
      %broadcast_in_dim3A_1541 = vector.broadcast %reshape3A_1540 : i32 to vector<16xi32>
      %slice3A_1542 = vector.extract_strided_slice %and3A_1388 {offsets = [5], sizes = [1], strides = [1]} : vector<16xi32> to vector<1xi32>
      %reshape3A_1543 = vector.extract %slice3A_1542[0] : i32 from vector<1xi32>
      %broadcast_in_dim3A_1544 = vector.broadcast %reshape3A_1543 : i32 to vector<16xi32>
      %gather3A_1545 = arith.constant 0 : i32
      %gather3A_1546 = arith.constant 5 : i32
      %gather3A_1547 = arith.constant 0 : i32
      %gather3A_1548 = arith.constant 0 : i32
      %gather3A_1549 = tpu.memref_slice %arg9[%gather3A_1545, %gather3A_1546, %gather3A_1547, %gather3A_1548] : memref<3x8x16x128xf32, #tpu.memory_space<vmem>> -> memref<1x1x16x128xf32, #tpu.memory_space<vmem>>
      %gather3A_1550 = tpu.memref_squeeze %gather3A_1549 : memref<1x1x16x128xf32, #tpu.memory_space<vmem>> -> memref<16x128xf32, #tpu.memory_space<vmem>>
      %gather3A_1551 = tpu.vector_load_idx %gather3A_1550[%iota3A, %broadcast_in_dim3A_1541] : memref<16x128xf32, #tpu.memory_space<vmem>>[vector<16xi32>, vector<16xi32>], vector<16xf32>,
      %gather3A_1552 = arith.constant 0 : i32
      %gather3A_1553 = arith.constant 5 : i32
      %gather3A_1554 = arith.constant 0 : i32
      %gather3A_1555 = arith.constant 0 : i32
      %gather3A_1556 = tpu.memref_slice %arg10[%gather3A_1552, %gather3A_1553, %gather3A_1554, %gather3A_1555] : memref<3x8x16x128xf32, #tpu.memory_space<vmem>> -> memref<1x1x16x128xf32, #tpu.memory_space<vmem>>
      %gather3A_1557 = tpu.memref_squeeze %gather3A_1556 : memref<1x1x16x128xf32, #tpu.memory_space<vmem>> -> memref<16x128xf32, #tpu.memory_space<vmem>>
      %gather3A_1558 = tpu.vector_load_idx %gather3A_1557[%iota3A, %broadcast_in_dim3A_1544] : memref<16x128xf32, #tpu.memory_space<vmem>>[vector<16xi32>, vector<16xi32>], vector<16xf32>,
      %mul3A_1559 = arith.constant 16 : i32
      %mul3A_1560 = vector.broadcast %mul3A_1559 : i32 to vector<16xi32>
      %mul3A_1561 = arith.muli %iota3A, %mul3A_1560 : vector<16xi32>
      %mul3A_1562 = arith.constant 8 : i32
      %mul3A_1563 = arith.muli %select_n3A_1118, %mul3A_1562 : i32
      %add3A_1564 = arith.constant 5 : i32
      %add3A_1565 = arith.addi %mul3A_1563, %add3A_1564 : i32
      %add3A_1566 = vector.broadcast %add3A_1565 : i32 to vector<16xi32>
      %add3A_1567 = arith.addi %mul3A_1561, %add3A_1566 : vector<16xi32>
      %mul3A_1568 = arith.mulf %gather3A_1551, %gather3A_1558 : vector<16xf32>
      tpu.vector_store_idx %arg11[%add3A_1567], %mul3A_1568 : memref<256xf32, #tpu.memory_space<vmem>>[vector<16xi32>], vector<16xf32>,
      %slice3A_1569 = vector.extract_strided_slice %and3A_1381 {offsets = [6], sizes = [1], strides = [1]} : vector<16xi32> to vector<1xi32>
      %reshape3A_1570 = vector.extract %slice3A_1569[0] : i32 from vector<1xi32>
      %broadcast_in_dim3A_1571 = vector.broadcast %reshape3A_1570 : i32 to vector<16xi32>
      %slice3A_1572 = vector.extract_strided_slice %and3A_1388 {offsets = [6], sizes = [1], strides = [1]} : vector<16xi32> to vector<1xi32>
      %reshape3A_1573 = vector.extract %slice3A_1572[0] : i32 from vector<1xi32>
      %broadcast_in_dim3A_1574 = vector.broadcast %reshape3A_1573 : i32 to vector<16xi32>
      %gather3A_1575 = arith.constant 0 : i32
      %gather3A_1576 = arith.constant 6 : i32
      %gather3A_1577 = arith.constant 0 : i32
      %gather3A_1578 = arith.constant 0 : i32
      %gather3A_1579 = tpu.memref_slice %arg9[%gather3A_1575, %gather3A_1576, %gather3A_1577, %gather3A_1578] : memref<3x8x16x128xf32, #tpu.memory_space<vmem>> -> memref<1x1x16x128xf32, #tpu.memory_space<vmem>>
      %gather3A_1580 = tpu.memref_squeeze %gather3A_1579 : memref<1x1x16x128xf32, #tpu.memory_space<vmem>> -> memref<16x128xf32, #tpu.memory_space<vmem>>
      %gather3A_1581 = tpu.vector_load_idx %gather3A_1580[%iota3A, %broadcast_in_dim3A_1571] : memref<16x128xf32, #tpu.memory_space<vmem>>[vector<16xi32>, vector<16xi32>], vector<16xf32>,
      %gather3A_1582 = arith.constant 0 : i32
      %gather3A_1583 = arith.constant 6 : i32
      %gather3A_1584 = arith.constant 0 : i32
      %gather3A_1585 = arith.constant 0 : i32
      %gather3A_1586 = tpu.memref_slice %arg10[%gather3A_1582, %gather3A_1583, %gather3A_1584, %gather3A_1585] : memref<3x8x16x128xf32, #tpu.memory_space<vmem>> -> memref<1x1x16x128xf32, #tpu.memory_space<vmem>>
      %gather3A_1587 = tpu.memref_squeeze %gather3A_1586 : memref<1x1x16x128xf32, #tpu.memory_space<vmem>> -> memref<16x128xf32, #tpu.memory_space<vmem>>
      %gather3A_1588 = tpu.vector_load_idx %gather3A_1587[%iota3A, %broadcast_in_dim3A_1574] : memref<16x128xf32, #tpu.memory_space<vmem>>[vector<16xi32>, vector<16xi32>], vector<16xf32>,
      %mul3A_1589 = arith.constant 16 : i32
      %mul3A_1590 = vector.broadcast %mul3A_1589 : i32 to vector<16xi32>
      %mul3A_1591 = arith.muli %iota3A, %mul3A_1590 : vector<16xi32>
      %mul3A_1592 = arith.constant 8 : i32
      %mul3A_1593 = arith.muli %select_n3A_1118, %mul3A_1592 : i32
      %add3A_1594 = arith.constant 6 : i32
      %add3A_1595 = arith.addi %mul3A_1593, %add3A_1594 : i32
      %add3A_1596 = vector.broadcast %add3A_1595 : i32 to vector<16xi32>
      %add3A_1597 = arith.addi %mul3A_1591, %add3A_1596 : vector<16xi32>
      %mul3A_1598 = arith.mulf %gather3A_1581, %gather3A_1588 : vector<16xf32>
      tpu.vector_store_idx %arg11[%add3A_1597], %mul3A_1598 : memref<256xf32, #tpu.memory_space<vmem>>[vector<16xi32>], vector<16xf32>,
      %slice3A_1599 = vector.extract_strided_slice %and3A_1381 {offsets = [7], sizes = [1], strides = [1]} : vector<16xi32> to vector<1xi32>
      %reshape3A_1600 = vector.extract %slice3A_1599[0] : i32 from vector<1xi32>
      %broadcast_in_dim3A_1601 = vector.broadcast %reshape3A_1600 : i32 to vector<16xi32>
      %slice3A_1602 = vector.extract_strided_slice %and3A_1388 {offsets = [7], sizes = [1], strides = [1]} : vector<16xi32> to vector<1xi32>
      %reshape3A_1603 = vector.extract %slice3A_1602[0] : i32 from vector<1xi32>
      %broadcast_in_dim3A_1604 = vector.broadcast %reshape3A_1603 : i32 to vector<16xi32>
      %gather3A_1605 = arith.constant 0 : i32
      %gather3A_1606 = arith.constant 7 : i32
      %gather3A_1607 = arith.constant 0 : i32
      %gather3A_1608 = arith.constant 0 : i32
      %gather3A_1609 = tpu.memref_slice %arg9[%gather3A_1605, %gather3A_1606, %gather3A_1607, %gather3A_1608] : memref<3x8x16x128xf32, #tpu.memory_space<vmem>> -> memref<1x1x16x128xf32, #tpu.memory_space<vmem>>
      %gather3A_1610 = tpu.memref_squeeze %gather3A_1609 : memref<1x1x16x128xf32, #tpu.memory_space<vmem>> -> memref<16x128xf32, #tpu.memory_space<vmem>>
      %gather3A_1611 = tpu.vector_load_idx %gather3A_1610[%iota3A, %broadcast_in_dim3A_1601] : memref<16x128xf32, #tpu.memory_space<vmem>>[vector<16xi32>, vector<16xi32>], vector<16xf32>,
      %gather3A_1612 = arith.constant 0 : i32
      %gather3A_1613 = arith.constant 7 : i32
      %gather3A_1614 = arith.constant 0 : i32
      %gather3A_1615 = arith.constant 0 : i32
      %gather3A_1616 = tpu.memref_slice %arg10[%gather3A_1612, %gather3A_1613, %gather3A_1614, %gather3A_1615] : memref<3x8x16x128xf32, #tpu.memory_space<vmem>> -> memref<1x1x16x128xf32, #tpu.memory_space<vmem>>
      %gather3A_1617 = tpu.memref_squeeze %gather3A_1616 : memref<1x1x16x128xf32, #tpu.memory_space<vmem>> -> memref<16x128xf32, #tpu.memory_space<vmem>>
      %gather3A_1618 = tpu.vector_load_idx %gather3A_1617[%iota3A, %broadcast_in_dim3A_1604] : memref<16x128xf32, #tpu.memory_space<vmem>>[vector<16xi32>, vector<16xi32>], vector<16xf32>,
      %mul3A_1619 = arith.constant 16 : i32
      %mul3A_1620 = vector.broadcast %mul3A_1619 : i32 to vector<16xi32>
      %mul3A_1621 = arith.muli %iota3A, %mul3A_1620 : vector<16xi32>
      %mul3A_1622 = arith.constant 8 : i32
      %mul3A_1623 = arith.muli %select_n3A_1118, %mul3A_1622 : i32
      %add3A_1624 = arith.constant 7 : i32
      %add3A_1625 = arith.addi %mul3A_1623, %add3A_1624 : i32
      %add3A_1626 = vector.broadcast %add3A_1625 : i32 to vector<16xi32>
      %add3A_1627 = arith.addi %mul3A_1621, %add3A_1626 : vector<16xi32>
      %mul3A_1628 = arith.mulf %gather3A_1611, %gather3A_1618 : vector<16xf32>
      tpu.vector_store_idx %arg11[%add3A_1627], %mul3A_1628 : memref<256xf32, #tpu.memory_space<vmem>>[vector<16xi32>], vector<16xf32>,
      %eq3A_1629 = arith.constant 1 : i32
      %eq3A_1630 = arith.cmpi eq, %select_n3A_1118, %eq3A_1629 : i32
      %convert_element_type3A = arith.extui %eq3A_1630 : i1 to i32
      %cond3A = arith.constant 0 : i32
      %cond3A_1631 = arith.cmpi ne, %convert_element_type3A, %cond3A : i32
      scf.if %cond3A_1631 {
        %broadcast_in_dim3A_2723 = arith.constant 0.000000e+00 : f32
        %broadcast_in_dim3A_2724 = vector.broadcast %broadcast_in_dim3A_2723 : f32 to vector<16xf32>
        %get3A_2725 = arith.constant 0 : index
        %get3A_2726 = tpu.vector_load %arg11[%get3A_2725] {strides = array<i32>} : memref<256xf32, #tpu.memory_space<vmem>>, vector<16xf32>,
        %add3A_2727 = arith.addf %broadcast_in_dim3A_2724, %get3A_2726 : vector<16xf32>
        %get3A_2728 = arith.constant 16 : index
        %get3A_2729 = tpu.vector_load %arg11[%get3A_2728] {strides = array<i32>} : memref<256xf32, #tpu.memory_space<vmem>>, vector<16xf32>,
        %add3A_2730 = arith.addf %add3A_2727, %get3A_2729 : vector<16xf32>
        %get3A_2731 = arith.constant 32 : index
        %get3A_2732 = tpu.vector_load %arg11[%get3A_2731] {strides = array<i32>} : memref<256xf32, #tpu.memory_space<vmem>>, vector<16xf32>,
        %add3A_2733 = arith.addf %add3A_2730, %get3A_2732 : vector<16xf32>
        %get3A_2734 = arith.constant 48 : index
        %get3A_2735 = tpu.vector_load %arg11[%get3A_2734] {strides = array<i32>} : memref<256xf32, #tpu.memory_space<vmem>>, vector<16xf32>,
        %add3A_2736 = arith.addf %add3A_2733, %get3A_2735 : vector<16xf32>
        %get3A_2737 = arith.constant 64 : index
        %get3A_2738 = tpu.vector_load %arg11[%get3A_2737] {strides = array<i32>} : memref<256xf32, #tpu.memory_space<vmem>>, vector<16xf32>,
        %add3A_2739 = arith.addf %add3A_2736, %get3A_2738 : vector<16xf32>
        %get3A_2740 = arith.constant 80 : index
        %get3A_2741 = tpu.vector_load %arg11[%get3A_2740] {strides = array<i32>} : memref<256xf32, #tpu.memory_space<vmem>>, vector<16xf32>,
        %add3A_2742 = arith.addf %add3A_2739, %get3A_2741 : vector<16xf32>
        %get3A_2743 = arith.constant 96 : index
        %get3A_2744 = tpu.vector_load %arg11[%get3A_2743] {strides = array<i32>} : memref<256xf32, #tpu.memory_space<vmem>>, vector<16xf32>,
        %add3A_2745 = arith.addf %add3A_2742, %get3A_2744 : vector<16xf32>
        %get3A_2746 = arith.constant 112 : index
        %get3A_2747 = tpu.vector_load %arg11[%get3A_2746] {strides = array<i32>} : memref<256xf32, #tpu.memory_space<vmem>>, vector<16xf32>,
        %add3A_2748 = arith.addf %add3A_2745, %get3A_2747 : vector<16xf32>
        %get3A_2749 = arith.constant 128 : index
        %get3A_2750 = tpu.vector_load %arg11[%get3A_2749] {strides = array<i32>} : memref<256xf32, #tpu.memory_space<vmem>>, vector<16xf32>,
        %add3A_2751 = arith.addf %add3A_2748, %get3A_2750 : vector<16xf32>
        %get3A_2752 = arith.constant 144 : index
        %get3A_2753 = tpu.vector_load %arg11[%get3A_2752] {strides = array<i32>} : memref<256xf32, #tpu.memory_space<vmem>>, vector<16xf32>,
        %add3A_2754 = arith.addf %add3A_2751, %get3A_2753 : vector<16xf32>
        %get3A_2755 = arith.constant 160 : index
        %get3A_2756 = tpu.vector_load %arg11[%get3A_2755] {strides = array<i32>} : memref<256xf32, #tpu.memory_space<vmem>>, vector<16xf32>,
        %add3A_2757 = arith.addf %add3A_2754, %get3A_2756 : vector<16xf32>
        %get3A_2758 = arith.constant 176 : index
        %get3A_2759 = tpu.vector_load %arg11[%get3A_2758] {strides = array<i32>} : memref<256xf32, #tpu.memory_space<vmem>>, vector<16xf32>,
        %add3A_2760 = arith.addf %add3A_2757, %get3A_2759 : vector<16xf32>
        %get3A_2761 = arith.constant 192 : index
        %get3A_2762 = tpu.vector_load %arg11[%get3A_2761] {strides = array<i32>} : memref<256xf32, #tpu.memory_space<vmem>>, vector<16xf32>,
        %add3A_2763 = arith.addf %add3A_2760, %get3A_2762 : vector<16xf32>
        %get3A_2764 = arith.constant 208 : index
        %get3A_2765 = tpu.vector_load %arg11[%get3A_2764] {strides = array<i32>} : memref<256xf32, #tpu.memory_space<vmem>>, vector<16xf32>,
        %add3A_2766 = arith.addf %add3A_2763, %get3A_2765 : vector<16xf32>
        %get3A_2767 = arith.constant 224 : index
        %get3A_2768 = tpu.vector_load %arg11[%get3A_2767] {strides = array<i32>} : memref<256xf32, #tpu.memory_space<vmem>>, vector<16xf32>,
        %add3A_2769 = arith.addf %add3A_2766, %get3A_2768 : vector<16xf32>
        %get3A_2770 = arith.constant 240 : index
        %get3A_2771 = tpu.vector_load %arg11[%get3A_2770] {strides = array<i32>} : memref<256xf32, #tpu.memory_space<vmem>>, vector<16xf32>,
        %add3A_2772 = arith.addf %add3A_2769, %get3A_2771 : vector<16xf32>
        %sub3A = arith.constant 1 : i32
        %sub3A_2773 = arith.subi %mul3A_1108, %sub3A : i32
        %mul3A_2774 = arith.constant 8 : i32
        %mul3A_2775 = arith.muli %sub3A_2773, %mul3A_2774 : i32
        %swap3A_2776 = arith.index_cast %mul3A_2775 : i32 to index
        %swap3A_2777 = tpu.vector_load %arg12[%swap3A_2776] {strides = array<i32>} : memref<512xf32, #tpu.memory_space<vmem>>, vector<16xf32>,
        tpu.vector_store %arg12[%swap3A_2776], %add3A_2772 {strides = array<i32>} : memref<512xf32, #tpu.memory_space<vmem>>, vector<16xf32>,
      } else {
      }
      %add3A_1632 = arith.constant 2 : i32
      %add3A_1633 = arith.addi %mul3A_1108, %add3A_1632 : i32
      %lt3A_1634 = arith.constant 64 : i32
      %lt3A_1635 = arith.cmpi slt, %add3A_1633, %lt3A_1634 : i32
      %convert_element_type3A_1636 = arith.extui %lt3A_1635 : i1 to i32
      %cond3A_1637 = arith.constant 0 : i32
      %cond3A_1638 = arith.cmpi ne, %convert_element_type3A_1636, %cond3A_1637 : i32
      scf.if %cond3A_1638 {
        %add3A_2723 = arith.constant 2 : i32
        %add3A_2724 = arith.addi %mul3A_1108, %add3A_2723 : i32
        %mul3A_2725 = arith.constant 8 : i32
        %mul3A_2726 = arith.muli %add3A_2724, %mul3A_2725 : i32
        %get3A_2727 = arith.index_cast %mul3A_2726 : i32 to index
        %get3A_2728 = tpu.vector_load %arg7[%get3A_2727] {strides = array<i32>} : memref<520xi32, #tpu.memory_space<vmem>>, vector<16xi32>,
        %mul3A_2729 = arith.constant 8 : i32
        %mul3A_2730 = arith.muli %add3A_2724, %mul3A_2729 : i32
        %get3A_2731 = arith.index_cast %mul3A_2730 : i32 to index
        %get3A_2732 = tpu.vector_load %arg8[%get3A_2731] {strides = array<i32>} : memref<520xi32, #tpu.memory_space<vmem>>, vector<16xi32>,
        %shift_right_arithmetic3A_2733 = arith.constant 7 : i32
        %shift_right_arithmetic3A_2734 = vector.broadcast %shift_right_arithmetic3A_2733 : i32 to vector<16xi32>
        %shift_right_arithmetic3A_2735 = arith.shrsi %get3A_2728, %shift_right_arithmetic3A_2734 : vector<16xi32>
        %shift_left3A_2736 = arith.constant 7 : i32
        %shift_left3A_2737 = vector.broadcast %shift_left3A_2736 : i32 to vector<16xi32>
        %shift_left3A_2738 = arith.shli %shift_right_arithmetic3A_2735, %shift_left3A_2737 : vector<16xi32>
        %shift_right_arithmetic3A_2739 = arith.constant 7 : i32
        %shift_right_arithmetic3A_2740 = vector.broadcast %shift_right_arithmetic3A_2739 : i32 to vector<16xi32>
        %shift_right_arithmetic3A_2741 = arith.shrsi %get3A_2732, %shift_right_arithmetic3A_2740 : vector<16xi32>
        %shift_left3A_2742 = arith.constant 7 : i32
        %shift_left3A_2743 = vector.broadcast %shift_left3A_2742 : i32 to vector<16xi32>
        %shift_left3A_2744 = arith.shli %shift_right_arithmetic3A_2741, %shift_left3A_2743 : vector<16xi32>
        %slice3A_2745 = vector.extract_strided_slice %shift_left3A_2738 {offsets = [0], sizes = [1], strides = [1]} : vector<16xi32> to vector<1xi32>
        %reshape3A_2746 = vector.extract %slice3A_2745[0] : i32 from vector<1xi32>
        %multiple_of3A_2747 = tpu.assume_multiple %reshape3A_2746, 128 : i32
        %slice3A_2748 = vector.extract_strided_slice %shift_left3A_2744 {offsets = [0], sizes = [1], strides = [1]} : vector<16xi32> to vector<1xi32>
        %reshape3A_2749 = vector.extract %slice3A_2748[0] : i32 from vector<1xi32>
        %multiple_of3A_2750 = tpu.assume_multiple %reshape3A_2749, 128 : i32
        %dma_start3A_2751 = arith.constant 2 : i32
        %dma_start3A_2752 = arith.constant 0 : i32
        %dma_start3A_2753 = arith.constant 0 : i32
        %dma_start3A_2754 = arith.constant 0 : i32
        %dma_start3A_2755 = tpu.memref_slice %arg9[%dma_start3A_2751, %dma_start3A_2752, %dma_start3A_2753, %dma_start3A_2754] : memref<3x8x16x128xf32, #tpu.memory_space<vmem>> -> memref<1x1x16x128xf32, #tpu.memory_space<vmem>>
        %dma_start3A_2756 = tpu.memref_squeeze %dma_start3A_2755 : memref<1x1x16x128xf32, #tpu.memory_space<vmem>> -> memref<16x128xf32, #tpu.memory_space<vmem>>
        %dma_start3A_2757 = arith.constant 0 : i32
        %dma_start3A_2758 = tpu.memref_slice %arg4[%dma_start3A_2757, %multiple_of3A_2747] : memref<16x1000000xf32, #tpu.memory_space<hbm>> -> memref<16x128xf32, #tpu.memory_space<hbm>>
        %dma_start3A_2759 = arith.constant 0 : i32
        %dma_start3A_2760 = arith.constant 0 : i32
        %dma_start3A_2761 = tpu.memref_slice %arg9[%dma_start3A_2751, %dma_start3A_2752, %dma_start3A_2759, %dma_start3A_2760] : memref<3x8x16x128xf32, #tpu.memory_space<vmem>> -> memref<1x1x16x128xf32, #tpu.memory_space<vmem>>
        %dma_start3A_2762 = tpu.memref_squeeze %dma_start3A_2761 : memref<1x1x16x128xf32, #tpu.memory_space<vmem>> -> memref<16x128xf32, #tpu.memory_space<vmem>>
        %dma_start3A_2763 = arith.constant 0 : i32
        %dma_start3A_2764 = tpu.memref_slice %arg4[%dma_start3A_2763, %multiple_of3A_2747] : memref<16x1000000xf32, #tpu.memory_space<hbm>> -> memref<16x128xf32, #tpu.memory_space<hbm>>
        tpu.enqueue_dma source(%dma_start3A_2764 : memref<16x128xf32, #tpu.memory_space<hbm>>) target(%dma_start3A_2762 : memref<16x128xf32, #tpu.memory_space<vmem>>) target_semaphore(%arg17 : memref<!tpu.dma_semaphore, #tpu.memory_space<semaphore_mem>>)
        %dma_start3A_2765 = arith.constant 2 : i32
        %dma_start3A_2766 = arith.constant 0 : i32
        %dma_start3A_2767 = arith.constant 0 : i32
        %dma_start3A_2768 = arith.constant 0 : i32
        %dma_start3A_2769 = tpu.memref_slice %arg10[%dma_start3A_2765, %dma_start3A_2766, %dma_start3A_2767, %dma_start3A_2768] : memref<3x8x16x128xf32, #tpu.memory_space<vmem>> -> memref<1x1x16x128xf32, #tpu.memory_space<vmem>>
        %dma_start3A_2770 = tpu.memref_squeeze %dma_start3A_2769 : memref<1x1x16x128xf32, #tpu.memory_space<vmem>> -> memref<16x128xf32, #tpu.memory_space<vmem>>
        %dma_start3A_2771 = arith.constant 0 : i32
        %dma_start3A_2772 = tpu.memref_slice %arg5[%dma_start3A_2771, %multiple_of3A_2750] : memref<16x1000000xf32, #tpu.memory_space<hbm>> -> memref<16x128xf32, #tpu.memory_space<hbm>>
        %dma_start3A_2773 = arith.constant 0 : i32
        %dma_start3A_2774 = arith.constant 0 : i32
        %dma_start3A_2775 = tpu.memref_slice %arg10[%dma_start3A_2765, %dma_start3A_2766, %dma_start3A_2773, %dma_start3A_2774] : memref<3x8x16x128xf32, #tpu.memory_space<vmem>> -> memref<1x1x16x128xf32, #tpu.memory_space<vmem>>
        %dma_start3A_2776 = tpu.memref_squeeze %dma_start3A_2775 : memref<1x1x16x128xf32, #tpu.memory_space<vmem>> -> memref<16x128xf32, #tpu.memory_space<vmem>>
        %dma_start3A_2777 = arith.constant 0 : i32
        %dma_start3A_2778 = tpu.memref_slice %arg5[%dma_start3A_2777, %multiple_of3A_2750] : memref<16x1000000xf32, #tpu.memory_space<hbm>> -> memref<16x128xf32, #tpu.memory_space<hbm>>
        tpu.enqueue_dma source(%dma_start3A_2778 : memref<16x128xf32, #tpu.memory_space<hbm>>) target(%dma_start3A_2776 : memref<16x128xf32, #tpu.memory_space<vmem>>) target_semaphore(%arg18 : memref<!tpu.dma_semaphore, #tpu.memory_space<semaphore_mem>>)
        %slice3A_2779 = vector.extract_strided_slice %shift_left3A_2738 {offsets = [1], sizes = [1], strides = [1]} : vector<16xi32> to vector<1xi32>
        %reshape3A_2780 = vector.extract %slice3A_2779[0] : i32 from vector<1xi32>
        %multiple_of3A_2781 = tpu.assume_multiple %reshape3A_2780, 128 : i32
        %slice3A_2782 = vector.extract_strided_slice %shift_left3A_2744 {offsets = [1], sizes = [1], strides = [1]} : vector<16xi32> to vector<1xi32>
        %reshape3A_2783 = vector.extract %slice3A_2782[0] : i32 from vector<1xi32>
        %multiple_of3A_2784 = tpu.assume_multiple %reshape3A_2783, 128 : i32
        %dma_start3A_2785 = arith.constant 2 : i32
        %dma_start3A_2786 = arith.constant 1 : i32
        %dma_start3A_2787 = arith.constant 0 : i32
        %dma_start3A_2788 = arith.constant 0 : i32
        %dma_start3A_2789 = tpu.memref_slice %arg9[%dma_start3A_2785, %dma_start3A_2786, %dma_start3A_2787, %dma_start3A_2788] : memref<3x8x16x128xf32, #tpu.memory_space<vmem>> -> memref<1x1x16x128xf32, #tpu.memory_space<vmem>>
        %dma_start3A_2790 = tpu.memref_squeeze %dma_start3A_2789 : memref<1x1x16x128xf32, #tpu.memory_space<vmem>> -> memref<16x128xf32, #tpu.memory_space<vmem>>
        %dma_start3A_2791 = arith.constant 0 : i32
        %dma_start3A_2792 = tpu.memref_slice %arg4[%dma_start3A_2791, %multiple_of3A_2781] : memref<16x1000000xf32, #tpu.memory_space<hbm>> -> memref<16x128xf32, #tpu.memory_space<hbm>>
        %dma_start3A_2793 = arith.constant 0 : i32
        %dma_start3A_2794 = arith.constant 0 : i32
        %dma_start3A_2795 = tpu.memref_slice %arg9[%dma_start3A_2785, %dma_start3A_2786, %dma_start3A_2793, %dma_start3A_2794] : memref<3x8x16x128xf32, #tpu.memory_space<vmem>> -> memref<1x1x16x128xf32, #tpu.memory_space<vmem>>
        %dma_start3A_2796 = tpu.memref_squeeze %dma_start3A_2795 : memref<1x1x16x128xf32, #tpu.memory_space<vmem>> -> memref<16x128xf32, #tpu.memory_space<vmem>>
        %dma_start3A_2797 = arith.constant 0 : i32
        %dma_start3A_2798 = tpu.memref_slice %arg4[%dma_start3A_2797, %multiple_of3A_2781] : memref<16x1000000xf32, #tpu.memory_space<hbm>> -> memref<16x128xf32, #tpu.memory_space<hbm>>
        tpu.enqueue_dma source(%dma_start3A_2798 : memref<16x128xf32, #tpu.memory_space<hbm>>) target(%dma_start3A_2796 : memref<16x128xf32, #tpu.memory_space<vmem>>) target_semaphore(%arg17 : memref<!tpu.dma_semaphore, #tpu.memory_space<semaphore_mem>>)
        %dma_start3A_2799 = arith.constant 2 : i32
        %dma_start3A_2800 = arith.constant 1 : i32
        %dma_start3A_2801 = arith.constant 0 : i32
        %dma_start3A_2802 = arith.constant 0 : i32
        %dma_start3A_2803 = tpu.memref_slice %arg10[%dma_start3A_2799, %dma_start3A_2800, %dma_start3A_2801, %dma_start3A_2802] : memref<3x8x16x128xf32, #tpu.memory_space<vmem>> -> memref<1x1x16x128xf32, #tpu.memory_space<vmem>>
        %dma_start3A_2804 = tpu.memref_squeeze %dma_start3A_2803 : memref<1x1x16x128xf32, #tpu.memory_space<vmem>> -> memref<16x128xf32, #tpu.memory_space<vmem>>
        %dma_start3A_2805 = arith.constant 0 : i32
        %dma_start3A_2806 = tpu.memref_slice %arg5[%dma_start3A_2805, %multiple_of3A_2784] : memref<16x1000000xf32, #tpu.memory_space<hbm>> -> memref<16x128xf32, #tpu.memory_space<hbm>>
        %dma_start3A_2807 = arith.constant 0 : i32
        %dma_start3A_2808 = arith.constant 0 : i32
        %dma_start3A_2809 = tpu.memref_slice %arg10[%dma_start3A_2799, %dma_start3A_2800, %dma_start3A_2807, %dma_start3A_2808] : memref<3x8x16x128xf32, #tpu.memory_space<vmem>> -> memref<1x1x16x128xf32, #tpu.memory_space<vmem>>
        %dma_start3A_2810 = tpu.memref_squeeze %dma_start3A_2809 : memref<1x1x16x128xf32, #tpu.memory_space<vmem>> -> memref<16x128xf32, #tpu.memory_space<vmem>>
        %dma_start3A_2811 = arith.constant 0 : i32
        %dma_start3A_2812 = tpu.memref_slice %arg5[%dma_start3A_2811, %multiple_of3A_2784] : memref<16x1000000xf32, #tpu.memory_space<hbm>> -> memref<16x128xf32, #tpu.memory_space<hbm>>
        tpu.enqueue_dma source(%dma_start3A_2812 : memref<16x128xf32, #tpu.memory_space<hbm>>) target(%dma_start3A_2810 : memref<16x128xf32, #tpu.memory_space<vmem>>) target_semaphore(%arg18 : memref<!tpu.dma_semaphore, #tpu.memory_space<semaphore_mem>>)
        %slice3A_2813 = vector.extract_strided_slice %shift_left3A_2738 {offsets = [2], sizes = [1], strides = [1]} : vector<16xi32> to vector<1xi32>
        %reshape3A_2814 = vector.extract %slice3A_2813[0] : i32 from vector<1xi32>
        %multiple_of3A_2815 = tpu.assume_multiple %reshape3A_2814, 128 : i32
        %slice3A_2816 = vector.extract_strided_slice %shift_left3A_2744 {offsets = [2], sizes = [1], strides = [1]} : vector<16xi32> to vector<1xi32>
        %reshape3A_2817 = vector.extract %slice3A_2816[0] : i32 from vector<1xi32>
        %multiple_of3A_2818 = tpu.assume_multiple %reshape3A_2817, 128 : i32
        %dma_start3A_2819 = arith.constant 2 : i32
        %dma_start3A_2820 = arith.constant 2 : i32
        %dma_start3A_2821 = arith.constant 0 : i32
        %dma_start3A_2822 = arith.constant 0 : i32
        %dma_start3A_2823 = tpu.memref_slice %arg9[%dma_start3A_2819, %dma_start3A_2820, %dma_start3A_2821, %dma_start3A_2822] : memref<3x8x16x128xf32, #tpu.memory_space<vmem>> -> memref<1x1x16x128xf32, #tpu.memory_space<vmem>>
        %dma_start3A_2824 = tpu.memref_squeeze %dma_start3A_2823 : memref<1x1x16x128xf32, #tpu.memory_space<vmem>> -> memref<16x128xf32, #tpu.memory_space<vmem>>
        %dma_start3A_2825 = arith.constant 0 : i32
        %dma_start3A_2826 = tpu.memref_slice %arg4[%dma_start3A_2825, %multiple_of3A_2815] : memref<16x1000000xf32, #tpu.memory_space<hbm>> -> memref<16x128xf32, #tpu.memory_space<hbm>>
        %dma_start3A_2827 = arith.constant 0 : i32
        %dma_start3A_2828 = arith.constant 0 : i32
        %dma_start3A_2829 = tpu.memref_slice %arg9[%dma_start3A_2819, %dma_start3A_2820, %dma_start3A_2827, %dma_start3A_2828] : memref<3x8x16x128xf32, #tpu.memory_space<vmem>> -> memref<1x1x16x128xf32, #tpu.memory_space<vmem>>
        %dma_start3A_2830 = tpu.memref_squeeze %dma_start3A_2829 : memref<1x1x16x128xf32, #tpu.memory_space<vmem>> -> memref<16x128xf32, #tpu.memory_space<vmem>>
        %dma_start3A_2831 = arith.constant 0 : i32
        %dma_start3A_2832 = tpu.memref_slice %arg4[%dma_start3A_2831, %multiple_of3A_2815] : memref<16x1000000xf32, #tpu.memory_space<hbm>> -> memref<16x128xf32, #tpu.memory_space<hbm>>
        tpu.enqueue_dma source(%dma_start3A_2832 : memref<16x128xf32, #tpu.memory_space<hbm>>) target(%dma_start3A_2830 : memref<16x128xf32, #tpu.memory_space<vmem>>) target_semaphore(%arg17 : memref<!tpu.dma_semaphore, #tpu.memory_space<semaphore_mem>>)
        %dma_start3A_2833 = arith.constant 2 : i32
        %dma_start3A_2834 = arith.constant 2 : i32
        %dma_start3A_2835 = arith.constant 0 : i32
        %dma_start3A_2836 = arith.constant 0 : i32
        %dma_start3A_2837 = tpu.memref_slice %arg10[%dma_start3A_2833, %dma_start3A_2834, %dma_start3A_2835, %dma_start3A_2836] : memref<3x8x16x128xf32, #tpu.memory_space<vmem>> -> memref<1x1x16x128xf32, #tpu.memory_space<vmem>>
        %dma_start3A_2838 = tpu.memref_squeeze %dma_start3A_2837 : memref<1x1x16x128xf32, #tpu.memory_space<vmem>> -> memref<16x128xf32, #tpu.memory_space<vmem>>
        %dma_start3A_2839 = arith.constant 0 : i32
        %dma_start3A_2840 = tpu.memref_slice %arg5[%dma_start3A_2839, %multiple_of3A_2818] : memref<16x1000000xf32, #tpu.memory_space<hbm>> -> memref<16x128xf32, #tpu.memory_space<hbm>>
        %dma_start3A_2841 = arith.constant 0 : i32
        %dma_start3A_2842 = arith.constant 0 : i32
        %dma_start3A_2843 = tpu.memref_slice %arg10[%dma_start3A_2833, %dma_start3A_2834, %dma_start3A_2841, %dma_start3A_2842] : memref<3x8x16x128xf32, #tpu.memory_space<vmem>> -> memref<1x1x16x128xf32, #tpu.memory_space<vmem>>
        %dma_start3A_2844 = tpu.memref_squeeze %dma_start3A_2843 : memref<1x1x16x128xf32, #tpu.memory_space<vmem>> -> memref<16x128xf32, #tpu.memory_space<vmem>>
        %dma_start3A_2845 = arith.constant 0 : i32
        %dma_start3A_2846 = tpu.memref_slice %arg5[%dma_start3A_2845, %multiple_of3A_2818] : memref<16x1000000xf32, #tpu.memory_space<hbm>> -> memref<16x128xf32, #tpu.memory_space<hbm>>
        tpu.enqueue_dma source(%dma_start3A_2846 : memref<16x128xf32, #tpu.memory_space<hbm>>) target(%dma_start3A_2844 : memref<16x128xf32, #tpu.memory_space<vmem>>) target_semaphore(%arg18 : memref<!tpu.dma_semaphore, #tpu.memory_space<semaphore_mem>>)
        %slice3A_2847 = vector.extract_strided_slice %shift_left3A_2738 {offsets = [3], sizes = [1], strides = [1]} : vector<16xi32> to vector<1xi32>
        %reshape3A_2848 = vector.extract %slice3A_2847[0] : i32 from vector<1xi32>
        %multiple_of3A_2849 = tpu.assume_multiple %reshape3A_2848, 128 : i32
        %slice3A_2850 = vector.extract_strided_slice %shift_left3A_2744 {offsets = [3], sizes = [1], strides = [1]} : vector<16xi32> to vector<1xi32>
        %reshape3A_2851 = vector.extract %slice3A_2850[0] : i32 from vector<1xi32>
        %multiple_of3A_2852 = tpu.assume_multiple %reshape3A_2851, 128 : i32
        %dma_start3A_2853 = arith.constant 2 : i32
        %dma_start3A_2854 = arith.constant 3 : i32
        %dma_start3A_2855 = arith.constant 0 : i32
        %dma_start3A_2856 = arith.constant 0 : i32
        %dma_start3A_2857 = tpu.memref_slice %arg9[%dma_start3A_2853, %dma_start3A_2854, %dma_start3A_2855, %dma_start3A_2856] : memref<3x8x16x128xf32, #tpu.memory_space<vmem>> -> memref<1x1x16x128xf32, #tpu.memory_space<vmem>>
        %dma_start3A_2858 = tpu.memref_squeeze %dma_start3A_2857 : memref<1x1x16x128xf32, #tpu.memory_space<vmem>> -> memref<16x128xf32, #tpu.memory_space<vmem>>
        %dma_start3A_2859 = arith.constant 0 : i32
        %dma_start3A_2860 = tpu.memref_slice %arg4[%dma_start3A_2859, %multiple_of3A_2849] : memref<16x1000000xf32, #tpu.memory_space<hbm>> -> memref<16x128xf32, #tpu.memory_space<hbm>>
        %dma_start3A_2861 = arith.constant 0 : i32
        %dma_start3A_2862 = arith.constant 0 : i32
        %dma_start3A_2863 = tpu.memref_slice %arg9[%dma_start3A_2853, %dma_start3A_2854, %dma_start3A_2861, %dma_start3A_2862] : memref<3x8x16x128xf32, #tpu.memory_space<vmem>> -> memref<1x1x16x128xf32, #tpu.memory_space<vmem>>
        %dma_start3A_2864 = tpu.memref_squeeze %dma_start3A_2863 : memref<1x1x16x128xf32, #tpu.memory_space<vmem>> -> memref<16x128xf32, #tpu.memory_space<vmem>>
        %dma_start3A_2865 = arith.constant 0 : i32
        %dma_start3A_2866 = tpu.memref_slice %arg4[%dma_start3A_2865, %multiple_of3A_2849] : memref<16x1000000xf32, #tpu.memory_space<hbm>> -> memref<16x128xf32, #tpu.memory_space<hbm>>
        tpu.enqueue_dma source(%dma_start3A_2866 : memref<16x128xf32, #tpu.memory_space<hbm>>) target(%dma_start3A_2864 : memref<16x128xf32, #tpu.memory_space<vmem>>) target_semaphore(%arg17 : memref<!tpu.dma_semaphore, #tpu.memory_space<semaphore_mem>>)
        %dma_start3A_2867 = arith.constant 2 : i32
        %dma_start3A_2868 = arith.constant 3 : i32
        %dma_start3A_2869 = arith.constant 0 : i32
        %dma_start3A_2870 = arith.constant 0 : i32
        %dma_start3A_2871 = tpu.memref_slice %arg10[%dma_start3A_2867, %dma_start3A_2868, %dma_start3A_2869, %dma_start3A_2870] : memref<3x8x16x128xf32, #tpu.memory_space<vmem>> -> memref<1x1x16x128xf32, #tpu.memory_space<vmem>>
        %dma_start3A_2872 = tpu.memref_squeeze %dma_start3A_2871 : memref<1x1x16x128xf32, #tpu.memory_space<vmem>> -> memref<16x128xf32, #tpu.memory_space<vmem>>
        %dma_start3A_2873 = arith.constant 0 : i32
        %dma_start3A_2874 = tpu.memref_slice %arg5[%dma_start3A_2873, %multiple_of3A_2852] : memref<16x1000000xf32, #tpu.memory_space<hbm>> -> memref<16x128xf32, #tpu.memory_space<hbm>>
        %dma_start3A_2875 = arith.constant 0 : i32
        %dma_start3A_2876 = arith.constant 0 : i32
        %dma_start3A_2877 = tpu.memref_slice %arg10[%dma_start3A_2867, %dma_start3A_2868, %dma_start3A_2875, %dma_start3A_2876] : memref<3x8x16x128xf32, #tpu.memory_space<vmem>> -> memref<1x1x16x128xf32, #tpu.memory_space<vmem>>
        %dma_start3A_2878 = tpu.memref_squeeze %dma_start3A_2877 : memref<1x1x16x128xf32, #tpu.memory_space<vmem>> -> memref<16x128xf32, #tpu.memory_space<vmem>>
        %dma_start3A_2879 = arith.constant 0 : i32
        %dma_start3A_2880 = tpu.memref_slice %arg5[%dma_start3A_2879, %multiple_of3A_2852] : memref<16x1000000xf32, #tpu.memory_space<hbm>> -> memref<16x128xf32, #tpu.memory_space<hbm>>
        tpu.enqueue_dma source(%dma_start3A_2880 : memref<16x128xf32, #tpu.memory_space<hbm>>) target(%dma_start3A_2878 : memref<16x128xf32, #tpu.memory_space<vmem>>) target_semaphore(%arg18 : memref<!tpu.dma_semaphore, #tpu.memory_space<semaphore_mem>>)
        %slice3A_2881 = vector.extract_strided_slice %shift_left3A_2738 {offsets = [4], sizes = [1], strides = [1]} : vector<16xi32> to vector<1xi32>
        %reshape3A_2882 = vector.extract %slice3A_2881[0] : i32 from vector<1xi32>
        %multiple_of3A_2883 = tpu.assume_multiple %reshape3A_2882, 128 : i32
        %slice3A_2884 = vector.extract_strided_slice %shift_left3A_2744 {offsets = [4], sizes = [1], strides = [1]} : vector<16xi32> to vector<1xi32>
        %reshape3A_2885 = vector.extract %slice3A_2884[0] : i32 from vector<1xi32>
        %multiple_of3A_2886 = tpu.assume_multiple %reshape3A_2885, 128 : i32
        %dma_start3A_2887 = arith.constant 2 : i32
        %dma_start3A_2888 = arith.constant 4 : i32
        %dma_start3A_2889 = arith.constant 0 : i32
        %dma_start3A_2890 = arith.constant 0 : i32
        %dma_start3A_2891 = tpu.memref_slice %arg9[%dma_start3A_2887, %dma_start3A_2888, %dma_start3A_2889, %dma_start3A_2890] : memref<3x8x16x128xf32, #tpu.memory_space<vmem>> -> memref<1x1x16x128xf32, #tpu.memory_space<vmem>>
        %dma_start3A_2892 = tpu.memref_squeeze %dma_start3A_2891 : memref<1x1x16x128xf32, #tpu.memory_space<vmem>> -> memref<16x128xf32, #tpu.memory_space<vmem>>
        %dma_start3A_2893 = arith.constant 0 : i32
        %dma_start3A_2894 = tpu.memref_slice %arg4[%dma_start3A_2893, %multiple_of3A_2883] : memref<16x1000000xf32, #tpu.memory_space<hbm>> -> memref<16x128xf32, #tpu.memory_space<hbm>>
        %dma_start3A_2895 = arith.constant 0 : i32
        %dma_start3A_2896 = arith.constant 0 : i32
        %dma_start3A_2897 = tpu.memref_slice %arg9[%dma_start3A_2887, %dma_start3A_2888, %dma_start3A_2895, %dma_start3A_2896] : memref<3x8x16x128xf32, #tpu.memory_space<vmem>> -> memref<1x1x16x128xf32, #tpu.memory_space<vmem>>
        %dma_start3A_2898 = tpu.memref_squeeze %dma_start3A_2897 : memref<1x1x16x128xf32, #tpu.memory_space<vmem>> -> memref<16x128xf32, #tpu.memory_space<vmem>>
        %dma_start3A_2899 = arith.constant 0 : i32
        %dma_start3A_2900 = tpu.memref_slice %arg4[%dma_start3A_2899, %multiple_of3A_2883] : memref<16x1000000xf32, #tpu.memory_space<hbm>> -> memref<16x128xf32, #tpu.memory_space<hbm>>
        tpu.enqueue_dma source(%dma_start3A_2900 : memref<16x128xf32, #tpu.memory_space<hbm>>) target(%dma_start3A_2898 : memref<16x128xf32, #tpu.memory_space<vmem>>) target_semaphore(%arg17 : memref<!tpu.dma_semaphore, #tpu.memory_space<semaphore_mem>>)
        %dma_start3A_2901 = arith.constant 2 : i32
        %dma_start3A_2902 = arith.constant 4 : i32
        %dma_start3A_2903 = arith.constant 0 : i32
        %dma_start3A_2904 = arith.constant 0 : i32
        %dma_start3A_2905 = tpu.memref_slice %arg10[%dma_start3A_2901, %dma_start3A_2902, %dma_start3A_2903, %dma_start3A_2904] : memref<3x8x16x128xf32, #tpu.memory_space<vmem>> -> memref<1x1x16x128xf32, #tpu.memory_space<vmem>>
        %dma_start3A_2906 = tpu.memref_squeeze %dma_start3A_2905 : memref<1x1x16x128xf32, #tpu.memory_space<vmem>> -> memref<16x128xf32, #tpu.memory_space<vmem>>
        %dma_start3A_2907 = arith.constant 0 : i32
        %dma_start3A_2908 = tpu.memref_slice %arg5[%dma_start3A_2907, %multiple_of3A_2886] : memref<16x1000000xf32, #tpu.memory_space<hbm>> -> memref<16x128xf32, #tpu.memory_space<hbm>>
        %dma_start3A_2909 = arith.constant 0 : i32
        %dma_start3A_2910 = arith.constant 0 : i32
        %dma_start3A_2911 = tpu.memref_slice %arg10[%dma_start3A_2901, %dma_start3A_2902, %dma_start3A_2909, %dma_start3A_2910] : memref<3x8x16x128xf32, #tpu.memory_space<vmem>> -> memref<1x1x16x128xf32, #tpu.memory_space<vmem>>
        %dma_start3A_2912 = tpu.memref_squeeze %dma_start3A_2911 : memref<1x1x16x128xf32, #tpu.memory_space<vmem>> -> memref<16x128xf32, #tpu.memory_space<vmem>>
        %dma_start3A_2913 = arith.constant 0 : i32
        %dma_start3A_2914 = tpu.memref_slice %arg5[%dma_start3A_2913, %multiple_of3A_2886] : memref<16x1000000xf32, #tpu.memory_space<hbm>> -> memref<16x128xf32, #tpu.memory_space<hbm>>
        tpu.enqueue_dma source(%dma_start3A_2914 : memref<16x128xf32, #tpu.memory_space<hbm>>) target(%dma_start3A_2912 : memref<16x128xf32, #tpu.memory_space<vmem>>) target_semaphore(%arg18 : memref<!tpu.dma_semaphore, #tpu.memory_space<semaphore_mem>>)
        %slice3A_2915 = vector.extract_strided_slice %shift_left3A_2738 {offsets = [5], sizes = [1], strides = [1]} : vector<16xi32> to vector<1xi32>
        %reshape3A_2916 = vector.extract %slice3A_2915[0] : i32 from vector<1xi32>
        %multiple_of3A_2917 = tpu.assume_multiple %reshape3A_2916, 128 : i32
        %slice3A_2918 = vector.extract_strided_slice %shift_left3A_2744 {offsets = [5], sizes = [1], strides = [1]} : vector<16xi32> to vector<1xi32>
        %reshape3A_2919 = vector.extract %slice3A_2918[0] : i32 from vector<1xi32>
        %multiple_of3A_2920 = tpu.assume_multiple %reshape3A_2919, 128 : i32
        %dma_start3A_2921 = arith.constant 2 : i32
        %dma_start3A_2922 = arith.constant 5 : i32
        %dma_start3A_2923 = arith.constant 0 : i32
        %dma_start3A_2924 = arith.constant 0 : i32
        %dma_start3A_2925 = tpu.memref_slice %arg9[%dma_start3A_2921, %dma_start3A_2922, %dma_start3A_2923, %dma_start3A_2924] : memref<3x8x16x128xf32, #tpu.memory_space<vmem>> -> memref<1x1x16x128xf32, #tpu.memory_space<vmem>>
        %dma_start3A_2926 = tpu.memref_squeeze %dma_start3A_2925 : memref<1x1x16x128xf32, #tpu.memory_space<vmem>> -> memref<16x128xf32, #tpu.memory_space<vmem>>
        %dma_start3A_2927 = arith.constant 0 : i32
        %dma_start3A_2928 = tpu.memref_slice %arg4[%dma_start3A_2927, %multiple_of3A_2917] : memref<16x1000000xf32, #tpu.memory_space<hbm>> -> memref<16x128xf32, #tpu.memory_space<hbm>>
        %dma_start3A_2929 = arith.constant 0 : i32
        %dma_start3A_2930 = arith.constant 0 : i32
        %dma_start3A_2931 = tpu.memref_slice %arg9[%dma_start3A_2921, %dma_start3A_2922, %dma_start3A_2929, %dma_start3A_2930] : memref<3x8x16x128xf32, #tpu.memory_space<vmem>> -> memref<1x1x16x128xf32, #tpu.memory_space<vmem>>
        %dma_start3A_2932 = tpu.memref_squeeze %dma_start3A_2931 : memref<1x1x16x128xf32, #tpu.memory_space<vmem>> -> memref<16x128xf32, #tpu.memory_space<vmem>>
        %dma_start3A_2933 = arith.constant 0 : i32
        %dma_start3A_2934 = tpu.memref_slice %arg4[%dma_start3A_2933, %multiple_of3A_2917] : memref<16x1000000xf32, #tpu.memory_space<hbm>> -> memref<16x128xf32, #tpu.memory_space<hbm>>
        tpu.enqueue_dma source(%dma_start3A_2934 : memref<16x128xf32, #tpu.memory_space<hbm>>) target(%dma_start3A_2932 : memref<16x128xf32, #tpu.memory_space<vmem>>) target_semaphore(%arg17 : memref<!tpu.dma_semaphore, #tpu.memory_space<semaphore_mem>>)
        %dma_start3A_2935 = arith.constant 2 : i32
        %dma_start3A_2936 = arith.constant 5 : i32
        %dma_start3A_2937 = arith.constant 0 : i32
        %dma_start3A_2938 = arith.constant 0 : i32
        %dma_start3A_2939 = tpu.memref_slice %arg10[%dma_start3A_2935, %dma_start3A_2936, %dma_start3A_2937, %dma_start3A_2938] : memref<3x8x16x128xf32, #tpu.memory_space<vmem>> -> memref<1x1x16x128xf32, #tpu.memory_space<vmem>>
        %dma_start3A_2940 = tpu.memref_squeeze %dma_start3A_2939 : memref<1x1x16x128xf32, #tpu.memory_space<vmem>> -> memref<16x128xf32, #tpu.memory_space<vmem>>
        %dma_start3A_2941 = arith.constant 0 : i32
        %dma_start3A_2942 = tpu.memref_slice %arg5[%dma_start3A_2941, %multiple_of3A_2920] : memref<16x1000000xf32, #tpu.memory_space<hbm>> -> memref<16x128xf32, #tpu.memory_space<hbm>>
        %dma_start3A_2943 = arith.constant 0 : i32
        %dma_start3A_2944 = arith.constant 0 : i32
        %dma_start3A_2945 = tpu.memref_slice %arg10[%dma_start3A_2935, %dma_start3A_2936, %dma_start3A_2943, %dma_start3A_2944] : memref<3x8x16x128xf32, #tpu.memory_space<vmem>> -> memref<1x1x16x128xf32, #tpu.memory_space<vmem>>
        %dma_start3A_2946 = tpu.memref_squeeze %dma_start3A_2945 : memref<1x1x16x128xf32, #tpu.memory_space<vmem>> -> memref<16x128xf32, #tpu.memory_space<vmem>>
        %dma_start3A_2947 = arith.constant 0 : i32
        %dma_start3A_2948 = tpu.memref_slice %arg5[%dma_start3A_2947, %multiple_of3A_2920] : memref<16x1000000xf32, #tpu.memory_space<hbm>> -> memref<16x128xf32, #tpu.memory_space<hbm>>
        tpu.enqueue_dma source(%dma_start3A_2948 : memref<16x128xf32, #tpu.memory_space<hbm>>) target(%dma_start3A_2946 : memref<16x128xf32, #tpu.memory_space<vmem>>) target_semaphore(%arg18 : memref<!tpu.dma_semaphore, #tpu.memory_space<semaphore_mem>>)
        %slice3A_2949 = vector.extract_strided_slice %shift_left3A_2738 {offsets = [6], sizes = [1], strides = [1]} : vector<16xi32> to vector<1xi32>
        %reshape3A_2950 = vector.extract %slice3A_2949[0] : i32 from vector<1xi32>
        %multiple_of3A_2951 = tpu.assume_multiple %reshape3A_2950, 128 : i32
        %slice3A_2952 = vector.extract_strided_slice %shift_left3A_2744 {offsets = [6], sizes = [1], strides = [1]} : vector<16xi32> to vector<1xi32>
        %reshape3A_2953 = vector.extract %slice3A_2952[0] : i32 from vector<1xi32>
        %multiple_of3A_2954 = tpu.assume_multiple %reshape3A_2953, 128 : i32
        %dma_start3A_2955 = arith.constant 2 : i32
        %dma_start3A_2956 = arith.constant 6 : i32
        %dma_start3A_2957 = arith.constant 0 : i32
        %dma_start3A_2958 = arith.constant 0 : i32
        %dma_start3A_2959 = tpu.memref_slice %arg9[%dma_start3A_2955, %dma_start3A_2956, %dma_start3A_2957, %dma_start3A_2958] : memref<3x8x16x128xf32, #tpu.memory_space<vmem>> -> memref<1x1x16x128xf32, #tpu.memory_space<vmem>>
        %dma_start3A_2960 = tpu.memref_squeeze %dma_start3A_2959 : memref<1x1x16x128xf32, #tpu.memory_space<vmem>> -> memref<16x128xf32, #tpu.memory_space<vmem>>
        %dma_start3A_2961 = arith.constant 0 : i32
        %dma_start3A_2962 = tpu.memref_slice %arg4[%dma_start3A_2961, %multiple_of3A_2951] : memref<16x1000000xf32, #tpu.memory_space<hbm>> -> memref<16x128xf32, #tpu.memory_space<hbm>>
        %dma_start3A_2963 = arith.constant 0 : i32
        %dma_start3A_2964 = arith.constant 0 : i32
        %dma_start3A_2965 = tpu.memref_slice %arg9[%dma_start3A_2955, %dma_start3A_2956, %dma_start3A_2963, %dma_start3A_2964] : memref<3x8x16x128xf32, #tpu.memory_space<vmem>> -> memref<1x1x16x128xf32, #tpu.memory_space<vmem>>
        %dma_start3A_2966 = tpu.memref_squeeze %dma_start3A_2965 : memref<1x1x16x128xf32, #tpu.memory_space<vmem>> -> memref<16x128xf32, #tpu.memory_space<vmem>>
        %dma_start3A_2967 = arith.constant 0 : i32
        %dma_start3A_2968 = tpu.memref_slice %arg4[%dma_start3A_2967, %multiple_of3A_2951] : memref<16x1000000xf32, #tpu.memory_space<hbm>> -> memref<16x128xf32, #tpu.memory_space<hbm>>
        tpu.enqueue_dma source(%dma_start3A_2968 : memref<16x128xf32, #tpu.memory_space<hbm>>) target(%dma_start3A_2966 : memref<16x128xf32, #tpu.memory_space<vmem>>) target_semaphore(%arg17 : memref<!tpu.dma_semaphore, #tpu.memory_space<semaphore_mem>>)
        %dma_start3A_2969 = arith.constant 2 : i32
        %dma_start3A_2970 = arith.constant 6 : i32
        %dma_start3A_2971 = arith.constant 0 : i32
        %dma_start3A_2972 = arith.constant 0 : i32
        %dma_start3A_2973 = tpu.memref_slice %arg10[%dma_start3A_2969, %dma_start3A_2970, %dma_start3A_2971, %dma_start3A_2972] : memref<3x8x16x128xf32, #tpu.memory_space<vmem>> -> memref<1x1x16x128xf32, #tpu.memory_space<vmem>>
        %dma_start3A_2974 = tpu.memref_squeeze %dma_start3A_2973 : memref<1x1x16x128xf32, #tpu.memory_space<vmem>> -> memref<16x128xf32, #tpu.memory_space<vmem>>
        %dma_start3A_2975 = arith.constant 0 : i32
        %dma_start3A_2976 = tpu.memref_slice %arg5[%dma_start3A_2975, %multiple_of3A_2954] : memref<16x1000000xf32, #tpu.memory_space<hbm>> -> memref<16x128xf32, #tpu.memory_space<hbm>>
        %dma_start3A_2977 = arith.constant 0 : i32
        %dma_start3A_2978 = arith.constant 0 : i32
        %dma_start3A_2979 = tpu.memref_slice %arg10[%dma_start3A_2969, %dma_start3A_2970, %dma_start3A_2977, %dma_start3A_2978] : memref<3x8x16x128xf32, #tpu.memory_space<vmem>> -> memref<1x1x16x128xf32, #tpu.memory_space<vmem>>
        %dma_start3A_2980 = tpu.memref_squeeze %dma_start3A_2979 : memref<1x1x16x128xf32, #tpu.memory_space<vmem>> -> memref<16x128xf32, #tpu.memory_space<vmem>>
        %dma_start3A_2981 = arith.constant 0 : i32
        %dma_start3A_2982 = tpu.memref_slice %arg5[%dma_start3A_2981, %multiple_of3A_2954] : memref<16x1000000xf32, #tpu.memory_space<hbm>> -> memref<16x128xf32, #tpu.memory_space<hbm>>
        tpu.enqueue_dma source(%dma_start3A_2982 : memref<16x128xf32, #tpu.memory_space<hbm>>) target(%dma_start3A_2980 : memref<16x128xf32, #tpu.memory_space<vmem>>) target_semaphore(%arg18 : memref<!tpu.dma_semaphore, #tpu.memory_space<semaphore_mem>>)
        %slice3A_2983 = vector.extract_strided_slice %shift_left3A_2738 {offsets = [7], sizes = [1], strides = [1]} : vector<16xi32> to vector<1xi32>
        %reshape3A_2984 = vector.extract %slice3A_2983[0] : i32 from vector<1xi32>
        %multiple_of3A_2985 = tpu.assume_multiple %reshape3A_2984, 128 : i32
        %slice3A_2986 = vector.extract_strided_slice %shift_left3A_2744 {offsets = [7], sizes = [1], strides = [1]} : vector<16xi32> to vector<1xi32>
        %reshape3A_2987 = vector.extract %slice3A_2986[0] : i32 from vector<1xi32>
        %multiple_of3A_2988 = tpu.assume_multiple %reshape3A_2987, 128 : i32
        %dma_start3A_2989 = arith.constant 2 : i32
        %dma_start3A_2990 = arith.constant 7 : i32
        %dma_start3A_2991 = arith.constant 0 : i32
        %dma_start3A_2992 = arith.constant 0 : i32
        %dma_start3A_2993 = tpu.memref_slice %arg9[%dma_start3A_2989, %dma_start3A_2990, %dma_start3A_2991, %dma_start3A_2992] : memref<3x8x16x128xf32, #tpu.memory_space<vmem>> -> memref<1x1x16x128xf32, #tpu.memory_space<vmem>>
        %dma_start3A_2994 = tpu.memref_squeeze %dma_start3A_2993 : memref<1x1x16x128xf32, #tpu.memory_space<vmem>> -> memref<16x128xf32, #tpu.memory_space<vmem>>
        %dma_start3A_2995 = arith.constant 0 : i32
        %dma_start3A_2996 = tpu.memref_slice %arg4[%dma_start3A_2995, %multiple_of3A_2985] : memref<16x1000000xf32, #tpu.memory_space<hbm>> -> memref<16x128xf32, #tpu.memory_space<hbm>>
        %dma_start3A_2997 = arith.constant 0 : i32
        %dma_start3A_2998 = arith.constant 0 : i32
        %dma_start3A_2999 = tpu.memref_slice %arg9[%dma_start3A_2989, %dma_start3A_2990, %dma_start3A_2997, %dma_start3A_2998] : memref<3x8x16x128xf32, #tpu.memory_space<vmem>> -> memref<1x1x16x128xf32, #tpu.memory_space<vmem>>
        %dma_start3A_3000 = tpu.memref_squeeze %dma_start3A_2999 : memref<1x1x16x128xf32, #tpu.memory_space<vmem>> -> memref<16x128xf32, #tpu.memory_space<vmem>>
        %dma_start3A_3001 = arith.constant 0 : i32
        %dma_start3A_3002 = tpu.memref_slice %arg4[%dma_start3A_3001, %multiple_of3A_2985] : memref<16x1000000xf32, #tpu.memory_space<hbm>> -> memref<16x128xf32, #tpu.memory_space<hbm>>
        tpu.enqueue_dma source(%dma_start3A_3002 : memref<16x128xf32, #tpu.memory_space<hbm>>) target(%dma_start3A_3000 : memref<16x128xf32, #tpu.memory_space<vmem>>) target_semaphore(%arg17 : memref<!tpu.dma_semaphore, #tpu.memory_space<semaphore_mem>>)
        %dma_start3A_3003 = arith.constant 2 : i32
        %dma_start3A_3004 = arith.constant 7 : i32
        %dma_start3A_3005 = arith.constant 0 : i32
        %dma_start3A_3006 = arith.constant 0 : i32
        %dma_start3A_3007 = tpu.memref_slice %arg10[%dma_start3A_3003, %dma_start3A_3004, %dma_start3A_3005, %dma_start3A_3006] : memref<3x8x16x128xf32, #tpu.memory_space<vmem>> -> memref<1x1x16x128xf32, #tpu.memory_space<vmem>>
        %dma_start3A_3008 = tpu.memref_squeeze %dma_start3A_3007 : memref<1x1x16x128xf32, #tpu.memory_space<vmem>> -> memref<16x128xf32, #tpu.memory_space<vmem>>
        %dma_start3A_3009 = arith.constant 0 : i32
        %dma_start3A_3010 = tpu.memref_slice %arg5[%dma_start3A_3009, %multiple_of3A_2988] : memref<16x1000000xf32, #tpu.memory_space<hbm>> -> memref<16x128xf32, #tpu.memory_space<hbm>>
        %dma_start3A_3011 = arith.constant 0 : i32
        %dma_start3A_3012 = arith.constant 0 : i32
        %dma_start3A_3013 = tpu.memref_slice %arg10[%dma_start3A_3003, %dma_start3A_3004, %dma_start3A_3011, %dma_start3A_3012] : memref<3x8x16x128xf32, #tpu.memory_space<vmem>> -> memref<1x1x16x128xf32, #tpu.memory_space<vmem>>
        %dma_start3A_3014 = tpu.memref_squeeze %dma_start3A_3013 : memref<1x1x16x128xf32, #tpu.memory_space<vmem>> -> memref<16x128xf32, #tpu.memory_space<vmem>>
        %dma_start3A_3015 = arith.constant 0 : i32
        %dma_start3A_3016 = tpu.memref_slice %arg5[%dma_start3A_3015, %multiple_of3A_2988] : memref<16x1000000xf32, #tpu.memory_space<hbm>> -> memref<16x128xf32, #tpu.memory_space<hbm>>
        tpu.enqueue_dma source(%dma_start3A_3016 : memref<16x128xf32, #tpu.memory_space<hbm>>) target(%dma_start3A_3014 : memref<16x128xf32, #tpu.memory_space<vmem>>) target_semaphore(%arg18 : memref<!tpu.dma_semaphore, #tpu.memory_space<semaphore_mem>>)
      } else {
      }
      %add3A_1639 = arith.constant 1 : i32
      %add3A_1640 = arith.addi %mul3A_1108, %add3A_1639 : i32
      %add3A_1641 = arith.constant 1 : i32
      %add3A_1642 = arith.addi %mul3A_1108, %add3A_1641 : i32
      %jit3A_1643 = arith.constant 2 : i32
      %eq3A_1644 = arith.constant 0 : i32
      %eq3A_1645 = arith.cmpi eq, %jit3A_1643, %eq3A_1644 : i32
      %jit3A_1646 = arith.constant 1 : i32
      %select_n3A_1647 = arith.select %eq3A_1645, %jit3A_1646, %jit3A_1643 : i32
      %rem3A_1648 = arith.remsi %add3A_1642, %select_n3A_1647 : i32
      %ne3A_1649 = arith.constant 0 : i32
      %ne3A_1650 = arith.cmpi ne, %rem3A_1648, %ne3A_1649 : i32
      %lt3A_1651 = arith.constant 0 : i32
      %lt3A_1652 = arith.cmpi slt, %rem3A_1648, %lt3A_1651 : i32
      %lt3A_1653 = arith.constant 0 : i32
      %lt3A_1654 = arith.cmpi slt, %select_n3A_1647, %lt3A_1653 : i32
      %ne3A_1655 = arith.xori %lt3A_1652, %lt3A_1654 : i1
      %and3A_1656 = arith.andi %ne3A_1655, %ne3A_1650 : i1
      %add3A_1657 = arith.addi %rem3A_1648, %select_n3A_1647 : i32
      %select_n3A_1658 = arith.select %and3A_1656, %add3A_1657, %rem3A_1648 : i32
      %dma_wait3A_1659 = arith.constant 1 : i32
      %dma_wait3A_1660 = arith.constant 0 : i32
      %dma_wait3A_1661 = arith.constant 0 : i32
      %dma_wait3A_1662 = arith.constant 0 : i32
      %dma_wait3A_1663 = tpu.memref_slice %arg9[%dma_wait3A_1659, %dma_wait3A_1660, %dma_wait3A_1661, %dma_wait3A_1662] : memref<3x8x16x128xf32, #tpu.memory_space<vmem>> -> memref<1x1x16x128xf32, #tpu.memory_space<vmem>>
      %dma_wait3A_1664 = tpu.memref_squeeze %dma_wait3A_1663 : memref<1x1x16x128xf32, #tpu.memory_space<vmem>> -> memref<16x128xf32, #tpu.memory_space<vmem>>
      %dma_wait3A_1665 = arith.constant 0 : i32
      %dma_wait3A_1666 = arith.constant 0 : i32
      %dma_wait3A_1667 = tpu.memref_slice %arg4[%dma_wait3A_1665, %dma_wait3A_1666] : memref<16x1000000xf32, #tpu.memory_space<hbm>> -> memref<16x128xf32, #tpu.memory_space<hbm>>
      %dma_wait3A_1668 = arith.constant 0 : i32
      %dma_wait3A_1669 = arith.constant 0 : i32
      %dma_wait3A_1670 = tpu.memref_slice %arg9[%dma_wait3A_1659, %dma_wait3A_1660, %dma_wait3A_1668, %dma_wait3A_1669] : memref<3x8x16x128xf32, #tpu.memory_space<vmem>> -> memref<1x1x16x128xf32, #tpu.memory_space<vmem>>
      %dma_wait3A_1671 = tpu.memref_squeeze %dma_wait3A_1670 : memref<1x1x16x128xf32, #tpu.memory_space<vmem>> -> memref<16x128xf32, #tpu.memory_space<vmem>>
      %dma_wait3A_1672 = arith.constant 0 : i32
      %dma_wait3A_1673 = arith.constant 0 : i32
      %dma_wait3A_1674 = tpu.memref_slice %arg4[%dma_wait3A_1672, %dma_wait3A_1673] : memref<16x1000000xf32, #tpu.memory_space<hbm>> -> memref<16x128xf32, #tpu.memory_space<hbm>>
      tpu.wait_dma2 semaphore(%arg15 : memref<!tpu.dma_semaphore, #tpu.memory_space<semaphore_mem>>) src(%dma_wait3A_1674 : memref<16x128xf32, #tpu.memory_space<hbm>>) dst(%dma_wait3A_1671 : memref<16x128xf32, #tpu.memory_space<vmem>>)
      %dma_wait3A_1675 = arith.constant 1 : i32
      %dma_wait3A_1676 = arith.constant 0 : i32
      %dma_wait3A_1677 = arith.constant 0 : i32
      %dma_wait3A_1678 = arith.constant 0 : i32
      %dma_wait3A_1679 = tpu.memref_slice %arg10[%dma_wait3A_1675, %dma_wait3A_1676, %dma_wait3A_1677, %dma_wait3A_1678] : memref<3x8x16x128xf32, #tpu.memory_space<vmem>> -> memref<1x1x16x128xf32, #tpu.memory_space<vmem>>
      %dma_wait3A_1680 = tpu.memref_squeeze %dma_wait3A_1679 : memref<1x1x16x128xf32, #tpu.memory_space<vmem>> -> memref<16x128xf32, #tpu.memory_space<vmem>>
      %dma_wait3A_1681 = arith.constant 0 : i32
      %dma_wait3A_1682 = arith.constant 0 : i32
      %dma_wait3A_1683 = tpu.memref_slice %arg5[%dma_wait3A_1681, %dma_wait3A_1682] : memref<16x1000000xf32, #tpu.memory_space<hbm>> -> memref<16x128xf32, #tpu.memory_space<hbm>>
      %dma_wait3A_1684 = arith.constant 0 : i32
      %dma_wait3A_1685 = arith.constant 0 : i32
      %dma_wait3A_1686 = tpu.memref_slice %arg10[%dma_wait3A_1675, %dma_wait3A_1676, %dma_wait3A_1684, %dma_wait3A_1685] : memref<3x8x16x128xf32, #tpu.memory_space<vmem>> -> memref<1x1x16x128xf32, #tpu.memory_space<vmem>>
      %dma_wait3A_1687 = tpu.memref_squeeze %dma_wait3A_1686 : memref<1x1x16x128xf32, #tpu.memory_space<vmem>> -> memref<16x128xf32, #tpu.memory_space<vmem>>
      %dma_wait3A_1688 = arith.constant 0 : i32
      %dma_wait3A_1689 = arith.constant 0 : i32
      %dma_wait3A_1690 = tpu.memref_slice %arg5[%dma_wait3A_1688, %dma_wait3A_1689] : memref<16x1000000xf32, #tpu.memory_space<hbm>> -> memref<16x128xf32, #tpu.memory_space<hbm>>
      tpu.wait_dma2 semaphore(%arg16 : memref<!tpu.dma_semaphore, #tpu.memory_space<semaphore_mem>>) src(%dma_wait3A_1690 : memref<16x128xf32, #tpu.memory_space<hbm>>) dst(%dma_wait3A_1687 : memref<16x128xf32, #tpu.memory_space<vmem>>)
      %dma_wait3A_1691 = arith.constant 1 : i32
      %dma_wait3A_1692 = arith.constant 0 : i32
      %dma_wait3A_1693 = arith.constant 0 : i32
      %dma_wait3A_1694 = arith.constant 0 : i32
      %dma_wait3A_1695 = tpu.memref_slice %arg9[%dma_wait3A_1691, %dma_wait3A_1692, %dma_wait3A_1693, %dma_wait3A_1694] : memref<3x8x16x128xf32, #tpu.memory_space<vmem>> -> memref<1x1x16x128xf32, #tpu.memory_space<vmem>>
      %dma_wait3A_1696 = tpu.memref_squeeze %dma_wait3A_1695 : memref<1x1x16x128xf32, #tpu.memory_space<vmem>> -> memref<16x128xf32, #tpu.memory_space<vmem>>
      %dma_wait3A_1697 = arith.constant 0 : i32
      %dma_wait3A_1698 = arith.constant 0 : i32
      %dma_wait3A_1699 = tpu.memref_slice %arg4[%dma_wait3A_1697, %dma_wait3A_1698] : memref<16x1000000xf32, #tpu.memory_space<hbm>> -> memref<16x128xf32, #tpu.memory_space<hbm>>
      %dma_wait3A_1700 = arith.constant 0 : i32
      %dma_wait3A_1701 = arith.constant 0 : i32
      %dma_wait3A_1702 = tpu.memref_slice %arg9[%dma_wait3A_1691, %dma_wait3A_1692, %dma_wait3A_1700, %dma_wait3A_1701] : memref<3x8x16x128xf32, #tpu.memory_space<vmem>> -> memref<1x1x16x128xf32, #tpu.memory_space<vmem>>
      %dma_wait3A_1703 = tpu.memref_squeeze %dma_wait3A_1702 : memref<1x1x16x128xf32, #tpu.memory_space<vmem>> -> memref<16x128xf32, #tpu.memory_space<vmem>>
      %dma_wait3A_1704 = arith.constant 0 : i32
      %dma_wait3A_1705 = arith.constant 0 : i32
      %dma_wait3A_1706 = tpu.memref_slice %arg4[%dma_wait3A_1704, %dma_wait3A_1705] : memref<16x1000000xf32, #tpu.memory_space<hbm>> -> memref<16x128xf32, #tpu.memory_space<hbm>>
      tpu.wait_dma2 semaphore(%arg15 : memref<!tpu.dma_semaphore, #tpu.memory_space<semaphore_mem>>) src(%dma_wait3A_1706 : memref<16x128xf32, #tpu.memory_space<hbm>>) dst(%dma_wait3A_1703 : memref<16x128xf32, #tpu.memory_space<vmem>>)
      %dma_wait3A_1707 = arith.constant 1 : i32
      %dma_wait3A_1708 = arith.constant 0 : i32
      %dma_wait3A_1709 = arith.constant 0 : i32
      %dma_wait3A_1710 = arith.constant 0 : i32
      %dma_wait3A_1711 = tpu.memref_slice %arg10[%dma_wait3A_1707, %dma_wait3A_1708, %dma_wait3A_1709, %dma_wait3A_1710] : memref<3x8x16x128xf32, #tpu.memory_space<vmem>> -> memref<1x1x16x128xf32, #tpu.memory_space<vmem>>
      %dma_wait3A_1712 = tpu.memref_squeeze %dma_wait3A_1711 : memref<1x1x16x128xf32, #tpu.memory_space<vmem>> -> memref<16x128xf32, #tpu.memory_space<vmem>>
      %dma_wait3A_1713 = arith.constant 0 : i32
      %dma_wait3A_1714 = arith.constant 0 : i32
      %dma_wait3A_1715 = tpu.memref_slice %arg5[%dma_wait3A_1713, %dma_wait3A_1714] : memref<16x1000000xf32, #tpu.memory_space<hbm>> -> memref<16x128xf32, #tpu.memory_space<hbm>>
      %dma_wait3A_1716 = arith.constant 0 : i32
      %dma_wait3A_1717 = arith.constant 0 : i32
      %dma_wait3A_1718 = tpu.memref_slice %arg10[%dma_wait3A_1707, %dma_wait3A_1708, %dma_wait3A_1716, %dma_wait3A_1717] : memref<3x8x16x128xf32, #tpu.memory_space<vmem>> -> memref<1x1x16x128xf32, #tpu.memory_space<vmem>>
      %dma_wait3A_1719 = tpu.memref_squeeze %dma_wait3A_1718 : memref<1x1x16x128xf32, #tpu.memory_space<vmem>> -> memref<16x128xf32, #tpu.memory_space<vmem>>
      %dma_wait3A_1720 = arith.constant 0 : i32
      %dma_wait3A_1721 = arith.constant 0 : i32
      %dma_wait3A_1722 = tpu.memref_slice %arg5[%dma_wait3A_1720, %dma_wait3A_1721] : memref<16x1000000xf32, #tpu.memory_space<hbm>> -> memref<16x128xf32, #tpu.memory_space<hbm>>
      tpu.wait_dma2 semaphore(%arg16 : memref<!tpu.dma_semaphore, #tpu.memory_space<semaphore_mem>>) src(%dma_wait3A_1722 : memref<16x128xf32, #tpu.memory_space<hbm>>) dst(%dma_wait3A_1719 : memref<16x128xf32, #tpu.memory_space<vmem>>)
      %dma_wait3A_1723 = arith.constant 1 : i32
      %dma_wait3A_1724 = arith.constant 0 : i32
      %dma_wait3A_1725 = arith.constant 0 : i32
      %dma_wait3A_1726 = arith.constant 0 : i32
      %dma_wait3A_1727 = tpu.memref_slice %arg9[%dma_wait3A_1723, %dma_wait3A_1724, %dma_wait3A_1725, %dma_wait3A_1726] : memref<3x8x16x128xf32, #tpu.memory_space<vmem>> -> memref<1x1x16x128xf32, #tpu.memory_space<vmem>>
      %dma_wait3A_1728 = tpu.memref_squeeze %dma_wait3A_1727 : memref<1x1x16x128xf32, #tpu.memory_space<vmem>> -> memref<16x128xf32, #tpu.memory_space<vmem>>
      %dma_wait3A_1729 = arith.constant 0 : i32
      %dma_wait3A_1730 = arith.constant 0 : i32
      %dma_wait3A_1731 = tpu.memref_slice %arg4[%dma_wait3A_1729, %dma_wait3A_1730] : memref<16x1000000xf32, #tpu.memory_space<hbm>> -> memref<16x128xf32, #tpu.memory_space<hbm>>
      %dma_wait3A_1732 = arith.constant 0 : i32
      %dma_wait3A_1733 = arith.constant 0 : i32
      %dma_wait3A_1734 = tpu.memref_slice %arg9[%dma_wait3A_1723, %dma_wait3A_1724, %dma_wait3A_1732, %dma_wait3A_1733] : memref<3x8x16x128xf32, #tpu.memory_space<vmem>> -> memref<1x1x16x128xf32, #tpu.memory_space<vmem>>
      %dma_wait3A_1735 = tpu.memref_squeeze %dma_wait3A_1734 : memref<1x1x16x128xf32, #tpu.memory_space<vmem>> -> memref<16x128xf32, #tpu.memory_space<vmem>>
      %dma_wait3A_1736 = arith.constant 0 : i32
      %dma_wait3A_1737 = arith.constant 0 : i32
      %dma_wait3A_1738 = tpu.memref_slice %arg4[%dma_wait3A_1736, %dma_wait3A_1737] : memref<16x1000000xf32, #tpu.memory_space<hbm>> -> memref<16x128xf32, #tpu.memory_space<hbm>>
      tpu.wait_dma2 semaphore(%arg15 : memref<!tpu.dma_semaphore, #tpu.memory_space<semaphore_mem>>) src(%dma_wait3A_1738 : memref<16x128xf32, #tpu.memory_space<hbm>>) dst(%dma_wait3A_1735 : memref<16x128xf32, #tpu.memory_space<vmem>>)
      %dma_wait3A_1739 = arith.constant 1 : i32
      %dma_wait3A_1740 = arith.constant 0 : i32
      %dma_wait3A_1741 = arith.constant 0 : i32
      %dma_wait3A_1742 = arith.constant 0 : i32
      %dma_wait3A_1743 = tpu.memref_slice %arg10[%dma_wait3A_1739, %dma_wait3A_1740, %dma_wait3A_1741, %dma_wait3A_1742] : memref<3x8x16x128xf32, #tpu.memory_space<vmem>> -> memref<1x1x16x128xf32, #tpu.memory_space<vmem>>
      %dma_wait3A_1744 = tpu.memref_squeeze %dma_wait3A_1743 : memref<1x1x16x128xf32, #tpu.memory_space<vmem>> -> memref<16x128xf32, #tpu.memory_space<vmem>>
      %dma_wait3A_1745 = arith.constant 0 : i32
      %dma_wait3A_1746 = arith.constant 0 : i32
      %dma_wait3A_1747 = tpu.memref_slice %arg5[%dma_wait3A_1745, %dma_wait3A_1746] : memref<16x1000000xf32, #tpu.memory_space<hbm>> -> memref<16x128xf32, #tpu.memory_space<hbm>>
      %dma_wait3A_1748 = arith.constant 0 : i32
      %dma_wait3A_1749 = arith.constant 0 : i32
      %dma_wait3A_1750 = tpu.memref_slice %arg10[%dma_wait3A_1739, %dma_wait3A_1740, %dma_wait3A_1748, %dma_wait3A_1749] : memref<3x8x16x128xf32, #tpu.memory_space<vmem>> -> memref<1x1x16x128xf32, #tpu.memory_space<vmem>>
      %dma_wait3A_1751 = tpu.memref_squeeze %dma_wait3A_1750 : memref<1x1x16x128xf32, #tpu.memory_space<vmem>> -> memref<16x128xf32, #tpu.memory_space<vmem>>
      %dma_wait3A_1752 = arith.constant 0 : i32
      %dma_wait3A_1753 = arith.constant 0 : i32
      %dma_wait3A_1754 = tpu.memref_slice %arg5[%dma_wait3A_1752, %dma_wait3A_1753] : memref<16x1000000xf32, #tpu.memory_space<hbm>> -> memref<16x128xf32, #tpu.memory_space<hbm>>
      tpu.wait_dma2 semaphore(%arg16 : memref<!tpu.dma_semaphore, #tpu.memory_space<semaphore_mem>>) src(%dma_wait3A_1754 : memref<16x128xf32, #tpu.memory_space<hbm>>) dst(%dma_wait3A_1751 : memref<16x128xf32, #tpu.memory_space<vmem>>)
      %dma_wait3A_1755 = arith.constant 1 : i32
      %dma_wait3A_1756 = arith.constant 0 : i32
      %dma_wait3A_1757 = arith.constant 0 : i32
      %dma_wait3A_1758 = arith.constant 0 : i32
      %dma_wait3A_1759 = tpu.memref_slice %arg9[%dma_wait3A_1755, %dma_wait3A_1756, %dma_wait3A_1757, %dma_wait3A_1758] : memref<3x8x16x128xf32, #tpu.memory_space<vmem>> -> memref<1x1x16x128xf32, #tpu.memory_space<vmem>>
      %dma_wait3A_1760 = tpu.memref_squeeze %dma_wait3A_1759 : memref<1x1x16x128xf32, #tpu.memory_space<vmem>> -> memref<16x128xf32, #tpu.memory_space<vmem>>
      %dma_wait3A_1761 = arith.constant 0 : i32
      %dma_wait3A_1762 = arith.constant 0 : i32
      %dma_wait3A_1763 = tpu.memref_slice %arg4[%dma_wait3A_1761, %dma_wait3A_1762] : memref<16x1000000xf32, #tpu.memory_space<hbm>> -> memref<16x128xf32, #tpu.memory_space<hbm>>
      %dma_wait3A_1764 = arith.constant 0 : i32
      %dma_wait3A_1765 = arith.constant 0 : i32
      %dma_wait3A_1766 = tpu.memref_slice %arg9[%dma_wait3A_1755, %dma_wait3A_1756, %dma_wait3A_1764, %dma_wait3A_1765] : memref<3x8x16x128xf32, #tpu.memory_space<vmem>> -> memref<1x1x16x128xf32, #tpu.memory_space<vmem>>
      %dma_wait3A_1767 = tpu.memref_squeeze %dma_wait3A_1766 : memref<1x1x16x128xf32, #tpu.memory_space<vmem>> -> memref<16x128xf32, #tpu.memory_space<vmem>>
      %dma_wait3A_1768 = arith.constant 0 : i32
      %dma_wait3A_1769 = arith.constant 0 : i32
      %dma_wait3A_1770 = tpu.memref_slice %arg4[%dma_wait3A_1768, %dma_wait3A_1769] : memref<16x1000000xf32, #tpu.memory_space<hbm>> -> memref<16x128xf32, #tpu.memory_space<hbm>>
      tpu.wait_dma2 semaphore(%arg15 : memref<!tpu.dma_semaphore, #tpu.memory_space<semaphore_mem>>) src(%dma_wait3A_1770 : memref<16x128xf32, #tpu.memory_space<hbm>>) dst(%dma_wait3A_1767 : memref<16x128xf32, #tpu.memory_space<vmem>>)
      %dma_wait3A_1771 = arith.constant 1 : i32
      %dma_wait3A_1772 = arith.constant 0 : i32
      %dma_wait3A_1773 = arith.constant 0 : i32
      %dma_wait3A_1774 = arith.constant 0 : i32
      %dma_wait3A_1775 = tpu.memref_slice %arg10[%dma_wait3A_1771, %dma_wait3A_1772, %dma_wait3A_1773, %dma_wait3A_1774] : memref<3x8x16x128xf32, #tpu.memory_space<vmem>> -> memref<1x1x16x128xf32, #tpu.memory_space<vmem>>
      %dma_wait3A_1776 = tpu.memref_squeeze %dma_wait3A_1775 : memref<1x1x16x128xf32, #tpu.memory_space<vmem>> -> memref<16x128xf32, #tpu.memory_space<vmem>>
      %dma_wait3A_1777 = arith.constant 0 : i32
      %dma_wait3A_1778 = arith.constant 0 : i32
      %dma_wait3A_1779 = tpu.memref_slice %arg5[%dma_wait3A_1777, %dma_wait3A_1778] : memref<16x1000000xf32, #tpu.memory_space<hbm>> -> memref<16x128xf32, #tpu.memory_space<hbm>>
      %dma_wait3A_1780 = arith.constant 0 : i32
      %dma_wait3A_1781 = arith.constant 0 : i32
      %dma_wait3A_1782 = tpu.memref_slice %arg10[%dma_wait3A_1771, %dma_wait3A_1772, %dma_wait3A_1780, %dma_wait3A_1781] : memref<3x8x16x128xf32, #tpu.memory_space<vmem>> -> memref<1x1x16x128xf32, #tpu.memory_space<vmem>>
      %dma_wait3A_1783 = tpu.memref_squeeze %dma_wait3A_1782 : memref<1x1x16x128xf32, #tpu.memory_space<vmem>> -> memref<16x128xf32, #tpu.memory_space<vmem>>
      %dma_wait3A_1784 = arith.constant 0 : i32
      %dma_wait3A_1785 = arith.constant 0 : i32
      %dma_wait3A_1786 = tpu.memref_slice %arg5[%dma_wait3A_1784, %dma_wait3A_1785] : memref<16x1000000xf32, #tpu.memory_space<hbm>> -> memref<16x128xf32, #tpu.memory_space<hbm>>
      tpu.wait_dma2 semaphore(%arg16 : memref<!tpu.dma_semaphore, #tpu.memory_space<semaphore_mem>>) src(%dma_wait3A_1786 : memref<16x128xf32, #tpu.memory_space<hbm>>) dst(%dma_wait3A_1783 : memref<16x128xf32, #tpu.memory_space<vmem>>)
      %dma_wait3A_1787 = arith.constant 1 : i32
      %dma_wait3A_1788 = arith.constant 0 : i32
      %dma_wait3A_1789 = arith.constant 0 : i32
      %dma_wait3A_1790 = arith.constant 0 : i32
      %dma_wait3A_1791 = tpu.memref_slice %arg9[%dma_wait3A_1787, %dma_wait3A_1788, %dma_wait3A_1789, %dma_wait3A_1790] : memref<3x8x16x128xf32, #tpu.memory_space<vmem>> -> memref<1x1x16x128xf32, #tpu.memory_space<vmem>>
      %dma_wait3A_1792 = tpu.memref_squeeze %dma_wait3A_1791 : memref<1x1x16x128xf32, #tpu.memory_space<vmem>> -> memref<16x128xf32, #tpu.memory_space<vmem>>
      %dma_wait3A_1793 = arith.constant 0 : i32
      %dma_wait3A_1794 = arith.constant 0 : i32
      %dma_wait3A_1795 = tpu.memref_slice %arg4[%dma_wait3A_1793, %dma_wait3A_1794] : memref<16x1000000xf32, #tpu.memory_space<hbm>> -> memref<16x128xf32, #tpu.memory_space<hbm>>
      %dma_wait3A_1796 = arith.constant 0 : i32
      %dma_wait3A_1797 = arith.constant 0 : i32
      %dma_wait3A_1798 = tpu.memref_slice %arg9[%dma_wait3A_1787, %dma_wait3A_1788, %dma_wait3A_1796, %dma_wait3A_1797] : memref<3x8x16x128xf32, #tpu.memory_space<vmem>> -> memref<1x1x16x128xf32, #tpu.memory_space<vmem>>
      %dma_wait3A_1799 = tpu.memref_squeeze %dma_wait3A_1798 : memref<1x1x16x128xf32, #tpu.memory_space<vmem>> -> memref<16x128xf32, #tpu.memory_space<vmem>>
      %dma_wait3A_1800 = arith.constant 0 : i32
      %dma_wait3A_1801 = arith.constant 0 : i32
      %dma_wait3A_1802 = tpu.memref_slice %arg4[%dma_wait3A_1800, %dma_wait3A_1801] : memref<16x1000000xf32, #tpu.memory_space<hbm>> -> memref<16x128xf32, #tpu.memory_space<hbm>>
      tpu.wait_dma2 semaphore(%arg15 : memref<!tpu.dma_semaphore, #tpu.memory_space<semaphore_mem>>) src(%dma_wait3A_1802 : memref<16x128xf32, #tpu.memory_space<hbm>>) dst(%dma_wait3A_1799 : memref<16x128xf32, #tpu.memory_space<vmem>>)
      %dma_wait3A_1803 = arith.constant 1 : i32
      %dma_wait3A_1804 = arith.constant 0 : i32
      %dma_wait3A_1805 = arith.constant 0 : i32
      %dma_wait3A_1806 = arith.constant 0 : i32
      %dma_wait3A_1807 = tpu.memref_slice %arg10[%dma_wait3A_1803, %dma_wait3A_1804, %dma_wait3A_1805, %dma_wait3A_1806] : memref<3x8x16x128xf32, #tpu.memory_space<vmem>> -> memref<1x1x16x128xf32, #tpu.memory_space<vmem>>
      %dma_wait3A_1808 = tpu.memref_squeeze %dma_wait3A_1807 : memref<1x1x16x128xf32, #tpu.memory_space<vmem>> -> memref<16x128xf32, #tpu.memory_space<vmem>>
      %dma_wait3A_1809 = arith.constant 0 : i32
      %dma_wait3A_1810 = arith.constant 0 : i32
      %dma_wait3A_1811 = tpu.memref_slice %arg5[%dma_wait3A_1809, %dma_wait3A_1810] : memref<16x1000000xf32, #tpu.memory_space<hbm>> -> memref<16x128xf32, #tpu.memory_space<hbm>>
      %dma_wait3A_1812 = arith.constant 0 : i32
      %dma_wait3A_1813 = arith.constant 0 : i32
      %dma_wait3A_1814 = tpu.memref_slice %arg10[%dma_wait3A_1803, %dma_wait3A_1804, %dma_wait3A_1812, %dma_wait3A_1813] : memref<3x8x16x128xf32, #tpu.memory_space<vmem>> -> memref<1x1x16x128xf32, #tpu.memory_space<vmem>>
      %dma_wait3A_1815 = tpu.memref_squeeze %dma_wait3A_1814 : memref<1x1x16x128xf32, #tpu.memory_space<vmem>> -> memref<16x128xf32, #tpu.memory_space<vmem>>
      %dma_wait3A_1816 = arith.constant 0 : i32
      %dma_wait3A_1817 = arith.constant 0 : i32
      %dma_wait3A_1818 = tpu.memref_slice %arg5[%dma_wait3A_1816, %dma_wait3A_1817] : memref<16x1000000xf32, #tpu.memory_space<hbm>> -> memref<16x128xf32, #tpu.memory_space<hbm>>
      tpu.wait_dma2 semaphore(%arg16 : memref<!tpu.dma_semaphore, #tpu.memory_space<semaphore_mem>>) src(%dma_wait3A_1818 : memref<16x128xf32, #tpu.memory_space<hbm>>) dst(%dma_wait3A_1815 : memref<16x128xf32, #tpu.memory_space<vmem>>)
      %dma_wait3A_1819 = arith.constant 1 : i32
      %dma_wait3A_1820 = arith.constant 0 : i32
      %dma_wait3A_1821 = arith.constant 0 : i32
      %dma_wait3A_1822 = arith.constant 0 : i32
      %dma_wait3A_1823 = tpu.memref_slice %arg9[%dma_wait3A_1819, %dma_wait3A_1820, %dma_wait3A_1821, %dma_wait3A_1822] : memref<3x8x16x128xf32, #tpu.memory_space<vmem>> -> memref<1x1x16x128xf32, #tpu.memory_space<vmem>>
      %dma_wait3A_1824 = tpu.memref_squeeze %dma_wait3A_1823 : memref<1x1x16x128xf32, #tpu.memory_space<vmem>> -> memref<16x128xf32, #tpu.memory_space<vmem>>
      %dma_wait3A_1825 = arith.constant 0 : i32
      %dma_wait3A_1826 = arith.constant 0 : i32
      %dma_wait3A_1827 = tpu.memref_slice %arg4[%dma_wait3A_1825, %dma_wait3A_1826] : memref<16x1000000xf32, #tpu.memory_space<hbm>> -> memref<16x128xf32, #tpu.memory_space<hbm>>
      %dma_wait3A_1828 = arith.constant 0 : i32
      %dma_wait3A_1829 = arith.constant 0 : i32
      %dma_wait3A_1830 = tpu.memref_slice %arg9[%dma_wait3A_1819, %dma_wait3A_1820, %dma_wait3A_1828, %dma_wait3A_1829] : memref<3x8x16x128xf32, #tpu.memory_space<vmem>> -> memref<1x1x16x128xf32, #tpu.memory_space<vmem>>
      %dma_wait3A_1831 = tpu.memref_squeeze %dma_wait3A_1830 : memref<1x1x16x128xf32, #tpu.memory_space<vmem>> -> memref<16x128xf32, #tpu.memory_space<vmem>>
      %dma_wait3A_1832 = arith.constant 0 : i32
      %dma_wait3A_1833 = arith.constant 0 : i32
      %dma_wait3A_1834 = tpu.memref_slice %arg4[%dma_wait3A_1832, %dma_wait3A_1833] : memref<16x1000000xf32, #tpu.memory_space<hbm>> -> memref<16x128xf32, #tpu.memory_space<hbm>>
      tpu.wait_dma2 semaphore(%arg15 : memref<!tpu.dma_semaphore, #tpu.memory_space<semaphore_mem>>) src(%dma_wait3A_1834 : memref<16x128xf32, #tpu.memory_space<hbm>>) dst(%dma_wait3A_1831 : memref<16x128xf32, #tpu.memory_space<vmem>>)
      %dma_wait3A_1835 = arith.constant 1 : i32
      %dma_wait3A_1836 = arith.constant 0 : i32
      %dma_wait3A_1837 = arith.constant 0 : i32
      %dma_wait3A_1838 = arith.constant 0 : i32
      %dma_wait3A_1839 = tpu.memref_slice %arg10[%dma_wait3A_1835, %dma_wait3A_1836, %dma_wait3A_1837, %dma_wait3A_1838] : memref<3x8x16x128xf32, #tpu.memory_space<vmem>> -> memref<1x1x16x128xf32, #tpu.memory_space<vmem>>
      %dma_wait3A_1840 = tpu.memref_squeeze %dma_wait3A_1839 : memref<1x1x16x128xf32, #tpu.memory_space<vmem>> -> memref<16x128xf32, #tpu.memory_space<vmem>>
      %dma_wait3A_1841 = arith.constant 0 : i32
      %dma_wait3A_1842 = arith.constant 0 : i32
      %dma_wait3A_1843 = tpu.memref_slice %arg5[%dma_wait3A_1841, %dma_wait3A_1842] : memref<16x1000000xf32, #tpu.memory_space<hbm>> -> memref<16x128xf32, #tpu.memory_space<hbm>>
      %dma_wait3A_1844 = arith.constant 0 : i32
      %dma_wait3A_1845 = arith.constant 0 : i32
      %dma_wait3A_1846 = tpu.memref_slice %arg10[%dma_wait3A_1835, %dma_wait3A_1836, %dma_wait3A_1844, %dma_wait3A_1845] : memref<3x8x16x128xf32, #tpu.memory_space<vmem>> -> memref<1x1x16x128xf32, #tpu.memory_space<vmem>>
      %dma_wait3A_1847 = tpu.memref_squeeze %dma_wait3A_1846 : memref<1x1x16x128xf32, #tpu.memory_space<vmem>> -> memref<16x128xf32, #tpu.memory_space<vmem>>
      %dma_wait3A_1848 = arith.constant 0 : i32
      %dma_wait3A_1849 = arith.constant 0 : i32
      %dma_wait3A_1850 = tpu.memref_slice %arg5[%dma_wait3A_1848, %dma_wait3A_1849] : memref<16x1000000xf32, #tpu.memory_space<hbm>> -> memref<16x128xf32, #tpu.memory_space<hbm>>
      tpu.wait_dma2 semaphore(%arg16 : memref<!tpu.dma_semaphore, #tpu.memory_space<semaphore_mem>>) src(%dma_wait3A_1850 : memref<16x128xf32, #tpu.memory_space<hbm>>) dst(%dma_wait3A_1847 : memref<16x128xf32, #tpu.memory_space<vmem>>)
      %dma_wait3A_1851 = arith.constant 1 : i32
      %dma_wait3A_1852 = arith.constant 0 : i32
      %dma_wait3A_1853 = arith.constant 0 : i32
      %dma_wait3A_1854 = arith.constant 0 : i32
      %dma_wait3A_1855 = tpu.memref_slice %arg9[%dma_wait3A_1851, %dma_wait3A_1852, %dma_wait3A_1853, %dma_wait3A_1854] : memref<3x8x16x128xf32, #tpu.memory_space<vmem>> -> memref<1x1x16x128xf32, #tpu.memory_space<vmem>>
      %dma_wait3A_1856 = tpu.memref_squeeze %dma_wait3A_1855 : memref<1x1x16x128xf32, #tpu.memory_space<vmem>> -> memref<16x128xf32, #tpu.memory_space<vmem>>
      %dma_wait3A_1857 = arith.constant 0 : i32
      %dma_wait3A_1858 = arith.constant 0 : i32
      %dma_wait3A_1859 = tpu.memref_slice %arg4[%dma_wait3A_1857, %dma_wait3A_1858] : memref<16x1000000xf32, #tpu.memory_space<hbm>> -> memref<16x128xf32, #tpu.memory_space<hbm>>
      %dma_wait3A_1860 = arith.constant 0 : i32
      %dma_wait3A_1861 = arith.constant 0 : i32
      %dma_wait3A_1862 = tpu.memref_slice %arg9[%dma_wait3A_1851, %dma_wait3A_1852, %dma_wait3A_1860, %dma_wait3A_1861] : memref<3x8x16x128xf32, #tpu.memory_space<vmem>> -> memref<1x1x16x128xf32, #tpu.memory_space<vmem>>
      %dma_wait3A_1863 = tpu.memref_squeeze %dma_wait3A_1862 : memref<1x1x16x128xf32, #tpu.memory_space<vmem>> -> memref<16x128xf32, #tpu.memory_space<vmem>>
      %dma_wait3A_1864 = arith.constant 0 : i32
      %dma_wait3A_1865 = arith.constant 0 : i32
      %dma_wait3A_1866 = tpu.memref_slice %arg4[%dma_wait3A_1864, %dma_wait3A_1865] : memref<16x1000000xf32, #tpu.memory_space<hbm>> -> memref<16x128xf32, #tpu.memory_space<hbm>>
      tpu.wait_dma2 semaphore(%arg15 : memref<!tpu.dma_semaphore, #tpu.memory_space<semaphore_mem>>) src(%dma_wait3A_1866 : memref<16x128xf32, #tpu.memory_space<hbm>>) dst(%dma_wait3A_1863 : memref<16x128xf32, #tpu.memory_space<vmem>>)
      %dma_wait3A_1867 = arith.constant 1 : i32
      %dma_wait3A_1868 = arith.constant 0 : i32
      %dma_wait3A_1869 = arith.constant 0 : i32
      %dma_wait3A_1870 = arith.constant 0 : i32
      %dma_wait3A_1871 = tpu.memref_slice %arg10[%dma_wait3A_1867, %dma_wait3A_1868, %dma_wait3A_1869, %dma_wait3A_1870] : memref<3x8x16x128xf32, #tpu.memory_space<vmem>> -> memref<1x1x16x128xf32, #tpu.memory_space<vmem>>
      %dma_wait3A_1872 = tpu.memref_squeeze %dma_wait3A_1871 : memref<1x1x16x128xf32, #tpu.memory_space<vmem>> -> memref<16x128xf32, #tpu.memory_space<vmem>>
      %dma_wait3A_1873 = arith.constant 0 : i32
      %dma_wait3A_1874 = arith.constant 0 : i32
      %dma_wait3A_1875 = tpu.memref_slice %arg5[%dma_wait3A_1873, %dma_wait3A_1874] : memref<16x1000000xf32, #tpu.memory_space<hbm>> -> memref<16x128xf32, #tpu.memory_space<hbm>>
      %dma_wait3A_1876 = arith.constant 0 : i32
      %dma_wait3A_1877 = arith.constant 0 : i32
      %dma_wait3A_1878 = tpu.memref_slice %arg10[%dma_wait3A_1867, %dma_wait3A_1868, %dma_wait3A_1876, %dma_wait3A_1877] : memref<3x8x16x128xf32, #tpu.memory_space<vmem>> -> memref<1x1x16x128xf32, #tpu.memory_space<vmem>>
      %dma_wait3A_1879 = tpu.memref_squeeze %dma_wait3A_1878 : memref<1x1x16x128xf32, #tpu.memory_space<vmem>> -> memref<16x128xf32, #tpu.memory_space<vmem>>
      %dma_wait3A_1880 = arith.constant 0 : i32
      %dma_wait3A_1881 = arith.constant 0 : i32
      %dma_wait3A_1882 = tpu.memref_slice %arg5[%dma_wait3A_1880, %dma_wait3A_1881] : memref<16x1000000xf32, #tpu.memory_space<hbm>> -> memref<16x128xf32, #tpu.memory_space<hbm>>
      tpu.wait_dma2 semaphore(%arg16 : memref<!tpu.dma_semaphore, #tpu.memory_space<semaphore_mem>>) src(%dma_wait3A_1882 : memref<16x128xf32, #tpu.memory_space<hbm>>) dst(%dma_wait3A_1879 : memref<16x128xf32, #tpu.memory_space<vmem>>)
      %dma_wait3A_1883 = arith.constant 1 : i32
      %dma_wait3A_1884 = arith.constant 0 : i32
      %dma_wait3A_1885 = arith.constant 0 : i32
      %dma_wait3A_1886 = arith.constant 0 : i32
      %dma_wait3A_1887 = tpu.memref_slice %arg9[%dma_wait3A_1883, %dma_wait3A_1884, %dma_wait3A_1885, %dma_wait3A_1886] : memref<3x8x16x128xf32, #tpu.memory_space<vmem>> -> memref<1x1x16x128xf32, #tpu.memory_space<vmem>>
      %dma_wait3A_1888 = tpu.memref_squeeze %dma_wait3A_1887 : memref<1x1x16x128xf32, #tpu.memory_space<vmem>> -> memref<16x128xf32, #tpu.memory_space<vmem>>
      %dma_wait3A_1889 = arith.constant 0 : i32
      %dma_wait3A_1890 = arith.constant 0 : i32
      %dma_wait3A_1891 = tpu.memref_slice %arg4[%dma_wait3A_1889, %dma_wait3A_1890] : memref<16x1000000xf32, #tpu.memory_space<hbm>> -> memref<16x128xf32, #tpu.memory_space<hbm>>
      %dma_wait3A_1892 = arith.constant 0 : i32
      %dma_wait3A_1893 = arith.constant 0 : i32
      %dma_wait3A_1894 = tpu.memref_slice %arg9[%dma_wait3A_1883, %dma_wait3A_1884, %dma_wait3A_1892, %dma_wait3A_1893] : memref<3x8x16x128xf32, #tpu.memory_space<vmem>> -> memref<1x1x16x128xf32, #tpu.memory_space<vmem>>
      %dma_wait3A_1895 = tpu.memref_squeeze %dma_wait3A_1894 : memref<1x1x16x128xf32, #tpu.memory_space<vmem>> -> memref<16x128xf32, #tpu.memory_space<vmem>>
      %dma_wait3A_1896 = arith.constant 0 : i32
      %dma_wait3A_1897 = arith.constant 0 : i32
      %dma_wait3A_1898 = tpu.memref_slice %arg4[%dma_wait3A_1896, %dma_wait3A_1897] : memref<16x1000000xf32, #tpu.memory_space<hbm>> -> memref<16x128xf32, #tpu.memory_space<hbm>>
      tpu.wait_dma2 semaphore(%arg15 : memref<!tpu.dma_semaphore, #tpu.memory_space<semaphore_mem>>) src(%dma_wait3A_1898 : memref<16x128xf32, #tpu.memory_space<hbm>>) dst(%dma_wait3A_1895 : memref<16x128xf32, #tpu.memory_space<vmem>>)
      %dma_wait3A_1899 = arith.constant 1 : i32
      %dma_wait3A_1900 = arith.constant 0 : i32
      %dma_wait3A_1901 = arith.constant 0 : i32
      %dma_wait3A_1902 = arith.constant 0 : i32
      %dma_wait3A_1903 = tpu.memref_slice %arg10[%dma_wait3A_1899, %dma_wait3A_1900, %dma_wait3A_1901, %dma_wait3A_1902] : memref<3x8x16x128xf32, #tpu.memory_space<vmem>> -> memref<1x1x16x128xf32, #tpu.memory_space<vmem>>
      %dma_wait3A_1904 = tpu.memref_squeeze %dma_wait3A_1903 : memref<1x1x16x128xf32, #tpu.memory_space<vmem>> -> memref<16x128xf32, #tpu.memory_space<vmem>>
      %dma_wait3A_1905 = arith.constant 0 : i32
      %dma_wait3A_1906 = arith.constant 0 : i32
      %dma_wait3A_1907 = tpu.memref_slice %arg5[%dma_wait3A_1905, %dma_wait3A_1906] : memref<16x1000000xf32, #tpu.memory_space<hbm>> -> memref<16x128xf32, #tpu.memory_space<hbm>>
      %dma_wait3A_1908 = arith.constant 0 : i32
      %dma_wait3A_1909 = arith.constant 0 : i32
      %dma_wait3A_1910 = tpu.memref_slice %arg10[%dma_wait3A_1899, %dma_wait3A_1900, %dma_wait3A_1908, %dma_wait3A_1909] : memref<3x8x16x128xf32, #tpu.memory_space<vmem>> -> memref<1x1x16x128xf32, #tpu.memory_space<vmem>>
      %dma_wait3A_1911 = tpu.memref_squeeze %dma_wait3A_1910 : memref<1x1x16x128xf32, #tpu.memory_space<vmem>> -> memref<16x128xf32, #tpu.memory_space<vmem>>
      %dma_wait3A_1912 = arith.constant 0 : i32
      %dma_wait3A_1913 = arith.constant 0 : i32
      %dma_wait3A_1914 = tpu.memref_slice %arg5[%dma_wait3A_1912, %dma_wait3A_1913] : memref<16x1000000xf32, #tpu.memory_space<hbm>> -> memref<16x128xf32, #tpu.memory_space<hbm>>
      tpu.wait_dma2 semaphore(%arg16 : memref<!tpu.dma_semaphore, #tpu.memory_space<semaphore_mem>>) src(%dma_wait3A_1914 : memref<16x128xf32, #tpu.memory_space<hbm>>) dst(%dma_wait3A_1911 : memref<16x128xf32, #tpu.memory_space<vmem>>)
      %mul3A_1915 = arith.constant 8 : i32
      %mul3A_1916 = arith.muli %add3A_1640, %mul3A_1915 : i32
      %get3A_1917 = arith.index_cast %mul3A_1916 : i32 to index
      %get3A_1918 = tpu.vector_load %arg7[%get3A_1917] {strides = array<i32>} : memref<520xi32, #tpu.memory_space<vmem>>, vector<16xi32>,
      %and3A_1919 = arith.constant 127 : i32
      %and3A_1920 = vector.broadcast %and3A_1919 : i32 to vector<16xi32>
      %and3A_1921 = arith.andi %get3A_1918, %and3A_1920 : vector<16xi32>
      %mul3A_1922 = arith.constant 8 : i32
      %mul3A_1923 = arith.muli %add3A_1640, %mul3A_1922 : i32
      %get3A_1924 = arith.index_cast %mul3A_1923 : i32 to index
      %get3A_1925 = tpu.vector_load %arg8[%get3A_1924] {strides = array<i32>} : memref<520xi32, #tpu.memory_space<vmem>>, vector<16xi32>,
      %and3A_1926 = arith.constant 127 : i32
      %and3A_1927 = vector.broadcast %and3A_1926 : i32 to vector<16xi32>
      %and3A_1928 = arith.andi %get3A_1925, %and3A_1927 : vector<16xi32>
      %slice3A_1929 = vector.extract_strided_slice %and3A_1921 {offsets = [0], sizes = [1], strides = [1]} : vector<16xi32> to vector<1xi32>
      %reshape3A_1930 = vector.extract %slice3A_1929[0] : i32 from vector<1xi32>
      %broadcast_in_dim3A_1931 = vector.broadcast %reshape3A_1930 : i32 to vector<16xi32>
      %slice3A_1932 = vector.extract_strided_slice %and3A_1928 {offsets = [0], sizes = [1], strides = [1]} : vector<16xi32> to vector<1xi32>
      %reshape3A_1933 = vector.extract %slice3A_1932[0] : i32 from vector<1xi32>
      %broadcast_in_dim3A_1934 = vector.broadcast %reshape3A_1933 : i32 to vector<16xi32>
      %gather3A_1935 = arith.constant 1 : i32
      %gather3A_1936 = arith.constant 0 : i32
      %gather3A_1937 = arith.constant 0 : i32
      %gather3A_1938 = arith.constant 0 : i32
      %gather3A_1939 = tpu.memref_slice %arg9[%gather3A_1935, %gather3A_1936, %gather3A_1937, %gather3A_1938] : memref<3x8x16x128xf32, #tpu.memory_space<vmem>> -> memref<1x1x16x128xf32, #tpu.memory_space<vmem>>
      %gather3A_1940 = tpu.memref_squeeze %gather3A_1939 : memref<1x1x16x128xf32, #tpu.memory_space<vmem>> -> memref<16x128xf32, #tpu.memory_space<vmem>>
      %gather3A_1941 = tpu.vector_load_idx %gather3A_1940[%iota3A, %broadcast_in_dim3A_1931] : memref<16x128xf32, #tpu.memory_space<vmem>>[vector<16xi32>, vector<16xi32>], vector<16xf32>,
      %gather3A_1942 = arith.constant 1 : i32
      %gather3A_1943 = arith.constant 0 : i32
      %gather3A_1944 = arith.constant 0 : i32
      %gather3A_1945 = arith.constant 0 : i32
      %gather3A_1946 = tpu.memref_slice %arg10[%gather3A_1942, %gather3A_1943, %gather3A_1944, %gather3A_1945] : memref<3x8x16x128xf32, #tpu.memory_space<vmem>> -> memref<1x1x16x128xf32, #tpu.memory_space<vmem>>
      %gather3A_1947 = tpu.memref_squeeze %gather3A_1946 : memref<1x1x16x128xf32, #tpu.memory_space<vmem>> -> memref<16x128xf32, #tpu.memory_space<vmem>>
      %gather3A_1948 = tpu.vector_load_idx %gather3A_1947[%iota3A, %broadcast_in_dim3A_1934] : memref<16x128xf32, #tpu.memory_space<vmem>>[vector<16xi32>, vector<16xi32>], vector<16xf32>,
      %mul3A_1949 = arith.constant 16 : i32
      %mul3A_1950 = vector.broadcast %mul3A_1949 : i32 to vector<16xi32>
      %mul3A_1951 = arith.muli %iota3A, %mul3A_1950 : vector<16xi32>
      %mul3A_1952 = arith.constant 8 : i32
      %mul3A_1953 = arith.muli %select_n3A_1658, %mul3A_1952 : i32
      %add3A_1954 = arith.constant 0 : i32
      %add3A_1955 = arith.addi %mul3A_1953, %add3A_1954 : i32
      %add3A_1956 = vector.broadcast %add3A_1955 : i32 to vector<16xi32>
      %add3A_1957 = arith.addi %mul3A_1951, %add3A_1956 : vector<16xi32>
      %mul3A_1958 = arith.mulf %gather3A_1941, %gather3A_1948 : vector<16xf32>
      tpu.vector_store_idx %arg11[%add3A_1957], %mul3A_1958 : memref<256xf32, #tpu.memory_space<vmem>>[vector<16xi32>], vector<16xf32>,
      %slice3A_1959 = vector.extract_strided_slice %and3A_1921 {offsets = [1], sizes = [1], strides = [1]} : vector<16xi32> to vector<1xi32>
      %reshape3A_1960 = vector.extract %slice3A_1959[0] : i32 from vector<1xi32>
      %broadcast_in_dim3A_1961 = vector.broadcast %reshape3A_1960 : i32 to vector<16xi32>
      %slice3A_1962 = vector.extract_strided_slice %and3A_1928 {offsets = [1], sizes = [1], strides = [1]} : vector<16xi32> to vector<1xi32>
      %reshape3A_1963 = vector.extract %slice3A_1962[0] : i32 from vector<1xi32>
      %broadcast_in_dim3A_1964 = vector.broadcast %reshape3A_1963 : i32 to vector<16xi32>
      %gather3A_1965 = arith.constant 1 : i32
      %gather3A_1966 = arith.constant 1 : i32
      %gather3A_1967 = arith.constant 0 : i32
      %gather3A_1968 = arith.constant 0 : i32
      %gather3A_1969 = tpu.memref_slice %arg9[%gather3A_1965, %gather3A_1966, %gather3A_1967, %gather3A_1968] : memref<3x8x16x128xf32, #tpu.memory_space<vmem>> -> memref<1x1x16x128xf32, #tpu.memory_space<vmem>>
      %gather3A_1970 = tpu.memref_squeeze %gather3A_1969 : memref<1x1x16x128xf32, #tpu.memory_space<vmem>> -> memref<16x128xf32, #tpu.memory_space<vmem>>
      %gather3A_1971 = tpu.vector_load_idx %gather3A_1970[%iota3A, %broadcast_in_dim3A_1961] : memref<16x128xf32, #tpu.memory_space<vmem>>[vector<16xi32>, vector<16xi32>], vector<16xf32>,
      %gather3A_1972 = arith.constant 1 : i32
      %gather3A_1973 = arith.constant 1 : i32
      %gather3A_1974 = arith.constant 0 : i32
      %gather3A_1975 = arith.constant 0 : i32
      %gather3A_1976 = tpu.memref_slice %arg10[%gather3A_1972, %gather3A_1973, %gather3A_1974, %gather3A_1975] : memref<3x8x16x128xf32, #tpu.memory_space<vmem>> -> memref<1x1x16x128xf32, #tpu.memory_space<vmem>>
      %gather3A_1977 = tpu.memref_squeeze %gather3A_1976 : memref<1x1x16x128xf32, #tpu.memory_space<vmem>> -> memref<16x128xf32, #tpu.memory_space<vmem>>
      %gather3A_1978 = tpu.vector_load_idx %gather3A_1977[%iota3A, %broadcast_in_dim3A_1964] : memref<16x128xf32, #tpu.memory_space<vmem>>[vector<16xi32>, vector<16xi32>], vector<16xf32>,
      %mul3A_1979 = arith.constant 16 : i32
      %mul3A_1980 = vector.broadcast %mul3A_1979 : i32 to vector<16xi32>
      %mul3A_1981 = arith.muli %iota3A, %mul3A_1980 : vector<16xi32>
      %mul3A_1982 = arith.constant 8 : i32
      %mul3A_1983 = arith.muli %select_n3A_1658, %mul3A_1982 : i32
      %add3A_1984 = arith.constant 1 : i32
      %add3A_1985 = arith.addi %mul3A_1983, %add3A_1984 : i32
      %add3A_1986 = vector.broadcast %add3A_1985 : i32 to vector<16xi32>
      %add3A_1987 = arith.addi %mul3A_1981, %add3A_1986 : vector<16xi32>
      %mul3A_1988 = arith.mulf %gather3A_1971, %gather3A_1978 : vector<16xf32>
      tpu.vector_store_idx %arg11[%add3A_1987], %mul3A_1988 : memref<256xf32, #tpu.memory_space<vmem>>[vector<16xi32>], vector<16xf32>,
      %slice3A_1989 = vector.extract_strided_slice %and3A_1921 {offsets = [2], sizes = [1], strides = [1]} : vector<16xi32> to vector<1xi32>
      %reshape3A_1990 = vector.extract %slice3A_1989[0] : i32 from vector<1xi32>
      %broadcast_in_dim3A_1991 = vector.broadcast %reshape3A_1990 : i32 to vector<16xi32>
      %slice3A_1992 = vector.extract_strided_slice %and3A_1928 {offsets = [2], sizes = [1], strides = [1]} : vector<16xi32> to vector<1xi32>
      %reshape3A_1993 = vector.extract %slice3A_1992[0] : i32 from vector<1xi32>
      %broadcast_in_dim3A_1994 = vector.broadcast %reshape3A_1993 : i32 to vector<16xi32>
      %gather3A_1995 = arith.constant 1 : i32
      %gather3A_1996 = arith.constant 2 : i32
      %gather3A_1997 = arith.constant 0 : i32
      %gather3A_1998 = arith.constant 0 : i32
      %gather3A_1999 = tpu.memref_slice %arg9[%gather3A_1995, %gather3A_1996, %gather3A_1997, %gather3A_1998] : memref<3x8x16x128xf32, #tpu.memory_space<vmem>> -> memref<1x1x16x128xf32, #tpu.memory_space<vmem>>
      %gather3A_2000 = tpu.memref_squeeze %gather3A_1999 : memref<1x1x16x128xf32, #tpu.memory_space<vmem>> -> memref<16x128xf32, #tpu.memory_space<vmem>>
      %gather3A_2001 = tpu.vector_load_idx %gather3A_2000[%iota3A, %broadcast_in_dim3A_1991] : memref<16x128xf32, #tpu.memory_space<vmem>>[vector<16xi32>, vector<16xi32>], vector<16xf32>,
      %gather3A_2002 = arith.constant 1 : i32
      %gather3A_2003 = arith.constant 2 : i32
      %gather3A_2004 = arith.constant 0 : i32
      %gather3A_2005 = arith.constant 0 : i32
      %gather3A_2006 = tpu.memref_slice %arg10[%gather3A_2002, %gather3A_2003, %gather3A_2004, %gather3A_2005] : memref<3x8x16x128xf32, #tpu.memory_space<vmem>> -> memref<1x1x16x128xf32, #tpu.memory_space<vmem>>
      %gather3A_2007 = tpu.memref_squeeze %gather3A_2006 : memref<1x1x16x128xf32, #tpu.memory_space<vmem>> -> memref<16x128xf32, #tpu.memory_space<vmem>>
      %gather3A_2008 = tpu.vector_load_idx %gather3A_2007[%iota3A, %broadcast_in_dim3A_1994] : memref<16x128xf32, #tpu.memory_space<vmem>>[vector<16xi32>, vector<16xi32>], vector<16xf32>,
      %mul3A_2009 = arith.constant 16 : i32
      %mul3A_2010 = vector.broadcast %mul3A_2009 : i32 to vector<16xi32>
      %mul3A_2011 = arith.muli %iota3A, %mul3A_2010 : vector<16xi32>
      %mul3A_2012 = arith.constant 8 : i32
      %mul3A_2013 = arith.muli %select_n3A_1658, %mul3A_2012 : i32
      %add3A_2014 = arith.constant 2 : i32
      %add3A_2015 = arith.addi %mul3A_2013, %add3A_2014 : i32
      %add3A_2016 = vector.broadcast %add3A_2015 : i32 to vector<16xi32>
      %add3A_2017 = arith.addi %mul3A_2011, %add3A_2016 : vector<16xi32>
      %mul3A_2018 = arith.mulf %gather3A_2001, %gather3A_2008 : vector<16xf32>
      tpu.vector_store_idx %arg11[%add3A_2017], %mul3A_2018 : memref<256xf32, #tpu.memory_space<vmem>>[vector<16xi32>], vector<16xf32>,
      %slice3A_2019 = vector.extract_strided_slice %and3A_1921 {offsets = [3], sizes = [1], strides = [1]} : vector<16xi32> to vector<1xi32>
      %reshape3A_2020 = vector.extract %slice3A_2019[0] : i32 from vector<1xi32>
      %broadcast_in_dim3A_2021 = vector.broadcast %reshape3A_2020 : i32 to vector<16xi32>
      %slice3A_2022 = vector.extract_strided_slice %and3A_1928 {offsets = [3], sizes = [1], strides = [1]} : vector<16xi32> to vector<1xi32>
      %reshape3A_2023 = vector.extract %slice3A_2022[0] : i32 from vector<1xi32>
      %broadcast_in_dim3A_2024 = vector.broadcast %reshape3A_2023 : i32 to vector<16xi32>
      %gather3A_2025 = arith.constant 1 : i32
      %gather3A_2026 = arith.constant 3 : i32
      %gather3A_2027 = arith.constant 0 : i32
      %gather3A_2028 = arith.constant 0 : i32
      %gather3A_2029 = tpu.memref_slice %arg9[%gather3A_2025, %gather3A_2026, %gather3A_2027, %gather3A_2028] : memref<3x8x16x128xf32, #tpu.memory_space<vmem>> -> memref<1x1x16x128xf32, #tpu.memory_space<vmem>>
      %gather3A_2030 = tpu.memref_squeeze %gather3A_2029 : memref<1x1x16x128xf32, #tpu.memory_space<vmem>> -> memref<16x128xf32, #tpu.memory_space<vmem>>
      %gather3A_2031 = tpu.vector_load_idx %gather3A_2030[%iota3A, %broadcast_in_dim3A_2021] : memref<16x128xf32, #tpu.memory_space<vmem>>[vector<16xi32>, vector<16xi32>], vector<16xf32>,
      %gather3A_2032 = arith.constant 1 : i32
      %gather3A_2033 = arith.constant 3 : i32
      %gather3A_2034 = arith.constant 0 : i32
      %gather3A_2035 = arith.constant 0 : i32
      %gather3A_2036 = tpu.memref_slice %arg10[%gather3A_2032, %gather3A_2033, %gather3A_2034, %gather3A_2035] : memref<3x8x16x128xf32, #tpu.memory_space<vmem>> -> memref<1x1x16x128xf32, #tpu.memory_space<vmem>>
      %gather3A_2037 = tpu.memref_squeeze %gather3A_2036 : memref<1x1x16x128xf32, #tpu.memory_space<vmem>> -> memref<16x128xf32, #tpu.memory_space<vmem>>
      %gather3A_2038 = tpu.vector_load_idx %gather3A_2037[%iota3A, %broadcast_in_dim3A_2024] : memref<16x128xf32, #tpu.memory_space<vmem>>[vector<16xi32>, vector<16xi32>], vector<16xf32>,
      %mul3A_2039 = arith.constant 16 : i32
      %mul3A_2040 = vector.broadcast %mul3A_2039 : i32 to vector<16xi32>
      %mul3A_2041 = arith.muli %iota3A, %mul3A_2040 : vector<16xi32>
      %mul3A_2042 = arith.constant 8 : i32
      %mul3A_2043 = arith.muli %select_n3A_1658, %mul3A_2042 : i32
      %add3A_2044 = arith.constant 3 : i32
      %add3A_2045 = arith.addi %mul3A_2043, %add3A_2044 : i32
      %add3A_2046 = vector.broadcast %add3A_2045 : i32 to vector<16xi32>
      %add3A_2047 = arith.addi %mul3A_2041, %add3A_2046 : vector<16xi32>
      %mul3A_2048 = arith.mulf %gather3A_2031, %gather3A_2038 : vector<16xf32>
      tpu.vector_store_idx %arg11[%add3A_2047], %mul3A_2048 : memref<256xf32, #tpu.memory_space<vmem>>[vector<16xi32>], vector<16xf32>,
      %slice3A_2049 = vector.extract_strided_slice %and3A_1921 {offsets = [4], sizes = [1], strides = [1]} : vector<16xi32> to vector<1xi32>
      %reshape3A_2050 = vector.extract %slice3A_2049[0] : i32 from vector<1xi32>
      %broadcast_in_dim3A_2051 = vector.broadcast %reshape3A_2050 : i32 to vector<16xi32>
      %slice3A_2052 = vector.extract_strided_slice %and3A_1928 {offsets = [4], sizes = [1], strides = [1]} : vector<16xi32> to vector<1xi32>
      %reshape3A_2053 = vector.extract %slice3A_2052[0] : i32 from vector<1xi32>
      %broadcast_in_dim3A_2054 = vector.broadcast %reshape3A_2053 : i32 to vector<16xi32>
      %gather3A_2055 = arith.constant 1 : i32
      %gather3A_2056 = arith.constant 4 : i32
      %gather3A_2057 = arith.constant 0 : i32
      %gather3A_2058 = arith.constant 0 : i32
      %gather3A_2059 = tpu.memref_slice %arg9[%gather3A_2055, %gather3A_2056, %gather3A_2057, %gather3A_2058] : memref<3x8x16x128xf32, #tpu.memory_space<vmem>> -> memref<1x1x16x128xf32, #tpu.memory_space<vmem>>
      %gather3A_2060 = tpu.memref_squeeze %gather3A_2059 : memref<1x1x16x128xf32, #tpu.memory_space<vmem>> -> memref<16x128xf32, #tpu.memory_space<vmem>>
      %gather3A_2061 = tpu.vector_load_idx %gather3A_2060[%iota3A, %broadcast_in_dim3A_2051] : memref<16x128xf32, #tpu.memory_space<vmem>>[vector<16xi32>, vector<16xi32>], vector<16xf32>,
      %gather3A_2062 = arith.constant 1 : i32
      %gather3A_2063 = arith.constant 4 : i32
      %gather3A_2064 = arith.constant 0 : i32
      %gather3A_2065 = arith.constant 0 : i32
      %gather3A_2066 = tpu.memref_slice %arg10[%gather3A_2062, %gather3A_2063, %gather3A_2064, %gather3A_2065] : memref<3x8x16x128xf32, #tpu.memory_space<vmem>> -> memref<1x1x16x128xf32, #tpu.memory_space<vmem>>
      %gather3A_2067 = tpu.memref_squeeze %gather3A_2066 : memref<1x1x16x128xf32, #tpu.memory_space<vmem>> -> memref<16x128xf32, #tpu.memory_space<vmem>>
      %gather3A_2068 = tpu.vector_load_idx %gather3A_2067[%iota3A, %broadcast_in_dim3A_2054] : memref<16x128xf32, #tpu.memory_space<vmem>>[vector<16xi32>, vector<16xi32>], vector<16xf32>,
      %mul3A_2069 = arith.constant 16 : i32
      %mul3A_2070 = vector.broadcast %mul3A_2069 : i32 to vector<16xi32>
      %mul3A_2071 = arith.muli %iota3A, %mul3A_2070 : vector<16xi32>
      %mul3A_2072 = arith.constant 8 : i32
      %mul3A_2073 = arith.muli %select_n3A_1658, %mul3A_2072 : i32
      %add3A_2074 = arith.constant 4 : i32
      %add3A_2075 = arith.addi %mul3A_2073, %add3A_2074 : i32
      %add3A_2076 = vector.broadcast %add3A_2075 : i32 to vector<16xi32>
      %add3A_2077 = arith.addi %mul3A_2071, %add3A_2076 : vector<16xi32>
      %mul3A_2078 = arith.mulf %gather3A_2061, %gather3A_2068 : vector<16xf32>
      tpu.vector_store_idx %arg11[%add3A_2077], %mul3A_2078 : memref<256xf32, #tpu.memory_space<vmem>>[vector<16xi32>], vector<16xf32>,
      %slice3A_2079 = vector.extract_strided_slice %and3A_1921 {offsets = [5], sizes = [1], strides = [1]} : vector<16xi32> to vector<1xi32>
      %reshape3A_2080 = vector.extract %slice3A_2079[0] : i32 from vector<1xi32>
      %broadcast_in_dim3A_2081 = vector.broadcast %reshape3A_2080 : i32 to vector<16xi32>
      %slice3A_2082 = vector.extract_strided_slice %and3A_1928 {offsets = [5], sizes = [1], strides = [1]} : vector<16xi32> to vector<1xi32>
      %reshape3A_2083 = vector.extract %slice3A_2082[0] : i32 from vector<1xi32>
      %broadcast_in_dim3A_2084 = vector.broadcast %reshape3A_2083 : i32 to vector<16xi32>
      %gather3A_2085 = arith.constant 1 : i32
      %gather3A_2086 = arith.constant 5 : i32
      %gather3A_2087 = arith.constant 0 : i32
      %gather3A_2088 = arith.constant 0 : i32
      %gather3A_2089 = tpu.memref_slice %arg9[%gather3A_2085, %gather3A_2086, %gather3A_2087, %gather3A_2088] : memref<3x8x16x128xf32, #tpu.memory_space<vmem>> -> memref<1x1x16x128xf32, #tpu.memory_space<vmem>>
      %gather3A_2090 = tpu.memref_squeeze %gather3A_2089 : memref<1x1x16x128xf32, #tpu.memory_space<vmem>> -> memref<16x128xf32, #tpu.memory_space<vmem>>
      %gather3A_2091 = tpu.vector_load_idx %gather3A_2090[%iota3A, %broadcast_in_dim3A_2081] : memref<16x128xf32, #tpu.memory_space<vmem>>[vector<16xi32>, vector<16xi32>], vector<16xf32>,
      %gather3A_2092 = arith.constant 1 : i32
      %gather3A_2093 = arith.constant 5 : i32
      %gather3A_2094 = arith.constant 0 : i32
      %gather3A_2095 = arith.constant 0 : i32
      %gather3A_2096 = tpu.memref_slice %arg10[%gather3A_2092, %gather3A_2093, %gather3A_2094, %gather3A_2095] : memref<3x8x16x128xf32, #tpu.memory_space<vmem>> -> memref<1x1x16x128xf32, #tpu.memory_space<vmem>>
      %gather3A_2097 = tpu.memref_squeeze %gather3A_2096 : memref<1x1x16x128xf32, #tpu.memory_space<vmem>> -> memref<16x128xf32, #tpu.memory_space<vmem>>
      %gather3A_2098 = tpu.vector_load_idx %gather3A_2097[%iota3A, %broadcast_in_dim3A_2084] : memref<16x128xf32, #tpu.memory_space<vmem>>[vector<16xi32>, vector<16xi32>], vector<16xf32>,
      %mul3A_2099 = arith.constant 16 : i32
      %mul3A_2100 = vector.broadcast %mul3A_2099 : i32 to vector<16xi32>
      %mul3A_2101 = arith.muli %iota3A, %mul3A_2100 : vector<16xi32>
      %mul3A_2102 = arith.constant 8 : i32
      %mul3A_2103 = arith.muli %select_n3A_1658, %mul3A_2102 : i32
      %add3A_2104 = arith.constant 5 : i32
      %add3A_2105 = arith.addi %mul3A_2103, %add3A_2104 : i32
      %add3A_2106 = vector.broadcast %add3A_2105 : i32 to vector<16xi32>
      %add3A_2107 = arith.addi %mul3A_2101, %add3A_2106 : vector<16xi32>
      %mul3A_2108 = arith.mulf %gather3A_2091, %gather3A_2098 : vector<16xf32>
      tpu.vector_store_idx %arg11[%add3A_2107], %mul3A_2108 : memref<256xf32, #tpu.memory_space<vmem>>[vector<16xi32>], vector<16xf32>,
      %slice3A_2109 = vector.extract_strided_slice %and3A_1921 {offsets = [6], sizes = [1], strides = [1]} : vector<16xi32> to vector<1xi32>
      %reshape3A_2110 = vector.extract %slice3A_2109[0] : i32 from vector<1xi32>
      %broadcast_in_dim3A_2111 = vector.broadcast %reshape3A_2110 : i32 to vector<16xi32>
      %slice3A_2112 = vector.extract_strided_slice %and3A_1928 {offsets = [6], sizes = [1], strides = [1]} : vector<16xi32> to vector<1xi32>
      %reshape3A_2113 = vector.extract %slice3A_2112[0] : i32 from vector<1xi32>
      %broadcast_in_dim3A_2114 = vector.broadcast %reshape3A_2113 : i32 to vector<16xi32>
      %gather3A_2115 = arith.constant 1 : i32
      %gather3A_2116 = arith.constant 6 : i32
      %gather3A_2117 = arith.constant 0 : i32
      %gather3A_2118 = arith.constant 0 : i32
      %gather3A_2119 = tpu.memref_slice %arg9[%gather3A_2115, %gather3A_2116, %gather3A_2117, %gather3A_2118] : memref<3x8x16x128xf32, #tpu.memory_space<vmem>> -> memref<1x1x16x128xf32, #tpu.memory_space<vmem>>
      %gather3A_2120 = tpu.memref_squeeze %gather3A_2119 : memref<1x1x16x128xf32, #tpu.memory_space<vmem>> -> memref<16x128xf32, #tpu.memory_space<vmem>>
      %gather3A_2121 = tpu.vector_load_idx %gather3A_2120[%iota3A, %broadcast_in_dim3A_2111] : memref<16x128xf32, #tpu.memory_space<vmem>>[vector<16xi32>, vector<16xi32>], vector<16xf32>,
      %gather3A_2122 = arith.constant 1 : i32
      %gather3A_2123 = arith.constant 6 : i32
      %gather3A_2124 = arith.constant 0 : i32
      %gather3A_2125 = arith.constant 0 : i32
      %gather3A_2126 = tpu.memref_slice %arg10[%gather3A_2122, %gather3A_2123, %gather3A_2124, %gather3A_2125] : memref<3x8x16x128xf32, #tpu.memory_space<vmem>> -> memref<1x1x16x128xf32, #tpu.memory_space<vmem>>
      %gather3A_2127 = tpu.memref_squeeze %gather3A_2126 : memref<1x1x16x128xf32, #tpu.memory_space<vmem>> -> memref<16x128xf32, #tpu.memory_space<vmem>>
      %gather3A_2128 = tpu.vector_load_idx %gather3A_2127[%iota3A, %broadcast_in_dim3A_2114] : memref<16x128xf32, #tpu.memory_space<vmem>>[vector<16xi32>, vector<16xi32>], vector<16xf32>,
      %mul3A_2129 = arith.constant 16 : i32
      %mul3A_2130 = vector.broadcast %mul3A_2129 : i32 to vector<16xi32>
      %mul3A_2131 = arith.muli %iota3A, %mul3A_2130 : vector<16xi32>
      %mul3A_2132 = arith.constant 8 : i32
      %mul3A_2133 = arith.muli %select_n3A_1658, %mul3A_2132 : i32
      %add3A_2134 = arith.constant 6 : i32
      %add3A_2135 = arith.addi %mul3A_2133, %add3A_2134 : i32
      %add3A_2136 = vector.broadcast %add3A_2135 : i32 to vector<16xi32>
      %add3A_2137 = arith.addi %mul3A_2131, %add3A_2136 : vector<16xi32>
      %mul3A_2138 = arith.mulf %gather3A_2121, %gather3A_2128 : vector<16xf32>
      tpu.vector_store_idx %arg11[%add3A_2137], %mul3A_2138 : memref<256xf32, #tpu.memory_space<vmem>>[vector<16xi32>], vector<16xf32>,
      %slice3A_2139 = vector.extract_strided_slice %and3A_1921 {offsets = [7], sizes = [1], strides = [1]} : vector<16xi32> to vector<1xi32>
      %reshape3A_2140 = vector.extract %slice3A_2139[0] : i32 from vector<1xi32>
      %broadcast_in_dim3A_2141 = vector.broadcast %reshape3A_2140 : i32 to vector<16xi32>
      %slice3A_2142 = vector.extract_strided_slice %and3A_1928 {offsets = [7], sizes = [1], strides = [1]} : vector<16xi32> to vector<1xi32>
      %reshape3A_2143 = vector.extract %slice3A_2142[0] : i32 from vector<1xi32>
      %broadcast_in_dim3A_2144 = vector.broadcast %reshape3A_2143 : i32 to vector<16xi32>
      %gather3A_2145 = arith.constant 1 : i32
      %gather3A_2146 = arith.constant 7 : i32
      %gather3A_2147 = arith.constant 0 : i32
      %gather3A_2148 = arith.constant 0 : i32
      %gather3A_2149 = tpu.memref_slice %arg9[%gather3A_2145, %gather3A_2146, %gather3A_2147, %gather3A_2148] : memref<3x8x16x128xf32, #tpu.memory_space<vmem>> -> memref<1x1x16x128xf32, #tpu.memory_space<vmem>>
      %gather3A_2150 = tpu.memref_squeeze %gather3A_2149 : memref<1x1x16x128xf32, #tpu.memory_space<vmem>> -> memref<16x128xf32, #tpu.memory_space<vmem>>
      %gather3A_2151 = tpu.vector_load_idx %gather3A_2150[%iota3A, %broadcast_in_dim3A_2141] : memref<16x128xf32, #tpu.memory_space<vmem>>[vector<16xi32>, vector<16xi32>], vector<16xf32>,
      %gather3A_2152 = arith.constant 1 : i32
      %gather3A_2153 = arith.constant 7 : i32
      %gather3A_2154 = arith.constant 0 : i32
      %gather3A_2155 = arith.constant 0 : i32
      %gather3A_2156 = tpu.memref_slice %arg10[%gather3A_2152, %gather3A_2153, %gather3A_2154, %gather3A_2155] : memref<3x8x16x128xf32, #tpu.memory_space<vmem>> -> memref<1x1x16x128xf32, #tpu.memory_space<vmem>>
      %gather3A_2157 = tpu.memref_squeeze %gather3A_2156 : memref<1x1x16x128xf32, #tpu.memory_space<vmem>> -> memref<16x128xf32, #tpu.memory_space<vmem>>
      %gather3A_2158 = tpu.vector_load_idx %gather3A_2157[%iota3A, %broadcast_in_dim3A_2144] : memref<16x128xf32, #tpu.memory_space<vmem>>[vector<16xi32>, vector<16xi32>], vector<16xf32>,
      %mul3A_2159 = arith.constant 16 : i32
      %mul3A_2160 = vector.broadcast %mul3A_2159 : i32 to vector<16xi32>
      %mul3A_2161 = arith.muli %iota3A, %mul3A_2160 : vector<16xi32>
      %mul3A_2162 = arith.constant 8 : i32
      %mul3A_2163 = arith.muli %select_n3A_1658, %mul3A_2162 : i32
      %add3A_2164 = arith.constant 7 : i32
      %add3A_2165 = arith.addi %mul3A_2163, %add3A_2164 : i32
      %add3A_2166 = vector.broadcast %add3A_2165 : i32 to vector<16xi32>
      %add3A_2167 = arith.addi %mul3A_2161, %add3A_2166 : vector<16xi32>
      %mul3A_2168 = arith.mulf %gather3A_2151, %gather3A_2158 : vector<16xf32>
      tpu.vector_store_idx %arg11[%add3A_2167], %mul3A_2168 : memref<256xf32, #tpu.memory_space<vmem>>[vector<16xi32>], vector<16xf32>,
      %eq3A_2169 = arith.constant 1 : i32
      %eq3A_2170 = arith.cmpi eq, %select_n3A_1658, %eq3A_2169 : i32
      %convert_element_type3A_2171 = arith.extui %eq3A_2170 : i1 to i32
      %cond3A_2172 = arith.constant 0 : i32
      %cond3A_2173 = arith.cmpi ne, %convert_element_type3A_2171, %cond3A_2172 : i32
      scf.if %cond3A_2173 {
        %broadcast_in_dim3A_2723 = arith.constant 0.000000e+00 : f32
        %broadcast_in_dim3A_2724 = vector.broadcast %broadcast_in_dim3A_2723 : f32 to vector<16xf32>
        %get3A_2725 = arith.constant 0 : index
        %get3A_2726 = tpu.vector_load %arg11[%get3A_2725] {strides = array<i32>} : memref<256xf32, #tpu.memory_space<vmem>>, vector<16xf32>,
        %add3A_2727 = arith.addf %broadcast_in_dim3A_2724, %get3A_2726 : vector<16xf32>
        %get3A_2728 = arith.constant 16 : index
        %get3A_2729 = tpu.vector_load %arg11[%get3A_2728] {strides = array<i32>} : memref<256xf32, #tpu.memory_space<vmem>>, vector<16xf32>,
        %add3A_2730 = arith.addf %add3A_2727, %get3A_2729 : vector<16xf32>
        %get3A_2731 = arith.constant 32 : index
        %get3A_2732 = tpu.vector_load %arg11[%get3A_2731] {strides = array<i32>} : memref<256xf32, #tpu.memory_space<vmem>>, vector<16xf32>,
        %add3A_2733 = arith.addf %add3A_2730, %get3A_2732 : vector<16xf32>
        %get3A_2734 = arith.constant 48 : index
        %get3A_2735 = tpu.vector_load %arg11[%get3A_2734] {strides = array<i32>} : memref<256xf32, #tpu.memory_space<vmem>>, vector<16xf32>,
        %add3A_2736 = arith.addf %add3A_2733, %get3A_2735 : vector<16xf32>
        %get3A_2737 = arith.constant 64 : index
        %get3A_2738 = tpu.vector_load %arg11[%get3A_2737] {strides = array<i32>} : memref<256xf32, #tpu.memory_space<vmem>>, vector<16xf32>,
        %add3A_2739 = arith.addf %add3A_2736, %get3A_2738 : vector<16xf32>
        %get3A_2740 = arith.constant 80 : index
        %get3A_2741 = tpu.vector_load %arg11[%get3A_2740] {strides = array<i32>} : memref<256xf32, #tpu.memory_space<vmem>>, vector<16xf32>,
        %add3A_2742 = arith.addf %add3A_2739, %get3A_2741 : vector<16xf32>
        %get3A_2743 = arith.constant 96 : index
        %get3A_2744 = tpu.vector_load %arg11[%get3A_2743] {strides = array<i32>} : memref<256xf32, #tpu.memory_space<vmem>>, vector<16xf32>,
        %add3A_2745 = arith.addf %add3A_2742, %get3A_2744 : vector<16xf32>
        %get3A_2746 = arith.constant 112 : index
        %get3A_2747 = tpu.vector_load %arg11[%get3A_2746] {strides = array<i32>} : memref<256xf32, #tpu.memory_space<vmem>>, vector<16xf32>,
        %add3A_2748 = arith.addf %add3A_2745, %get3A_2747 : vector<16xf32>
        %get3A_2749 = arith.constant 128 : index
        %get3A_2750 = tpu.vector_load %arg11[%get3A_2749] {strides = array<i32>} : memref<256xf32, #tpu.memory_space<vmem>>, vector<16xf32>,
        %add3A_2751 = arith.addf %add3A_2748, %get3A_2750 : vector<16xf32>
        %get3A_2752 = arith.constant 144 : index
        %get3A_2753 = tpu.vector_load %arg11[%get3A_2752] {strides = array<i32>} : memref<256xf32, #tpu.memory_space<vmem>>, vector<16xf32>,
        %add3A_2754 = arith.addf %add3A_2751, %get3A_2753 : vector<16xf32>
        %get3A_2755 = arith.constant 160 : index
        %get3A_2756 = tpu.vector_load %arg11[%get3A_2755] {strides = array<i32>} : memref<256xf32, #tpu.memory_space<vmem>>, vector<16xf32>,
        %add3A_2757 = arith.addf %add3A_2754, %get3A_2756 : vector<16xf32>
        %get3A_2758 = arith.constant 176 : index
        %get3A_2759 = tpu.vector_load %arg11[%get3A_2758] {strides = array<i32>} : memref<256xf32, #tpu.memory_space<vmem>>, vector<16xf32>,
        %add3A_2760 = arith.addf %add3A_2757, %get3A_2759 : vector<16xf32>
        %get3A_2761 = arith.constant 192 : index
        %get3A_2762 = tpu.vector_load %arg11[%get3A_2761] {strides = array<i32>} : memref<256xf32, #tpu.memory_space<vmem>>, vector<16xf32>,
        %add3A_2763 = arith.addf %add3A_2760, %get3A_2762 : vector<16xf32>
        %get3A_2764 = arith.constant 208 : index
        %get3A_2765 = tpu.vector_load %arg11[%get3A_2764] {strides = array<i32>} : memref<256xf32, #tpu.memory_space<vmem>>, vector<16xf32>,
        %add3A_2766 = arith.addf %add3A_2763, %get3A_2765 : vector<16xf32>
        %get3A_2767 = arith.constant 224 : index
        %get3A_2768 = tpu.vector_load %arg11[%get3A_2767] {strides = array<i32>} : memref<256xf32, #tpu.memory_space<vmem>>, vector<16xf32>,
        %add3A_2769 = arith.addf %add3A_2766, %get3A_2768 : vector<16xf32>
        %get3A_2770 = arith.constant 240 : index
        %get3A_2771 = tpu.vector_load %arg11[%get3A_2770] {strides = array<i32>} : memref<256xf32, #tpu.memory_space<vmem>>, vector<16xf32>,
        %add3A_2772 = arith.addf %add3A_2769, %get3A_2771 : vector<16xf32>
        %sub3A = arith.constant 1 : i32
        %sub3A_2773 = arith.subi %add3A_1640, %sub3A : i32
        %mul3A_2774 = arith.constant 8 : i32
        %mul3A_2775 = arith.muli %sub3A_2773, %mul3A_2774 : i32
        %swap3A_2776 = arith.index_cast %mul3A_2775 : i32 to index
        %swap3A_2777 = tpu.vector_load %arg12[%swap3A_2776] {strides = array<i32>} : memref<512xf32, #tpu.memory_space<vmem>>, vector<16xf32>,
        tpu.vector_store %arg12[%swap3A_2776], %add3A_2772 {strides = array<i32>} : memref<512xf32, #tpu.memory_space<vmem>>, vector<16xf32>,
      } else {
      }
      %add3A_2174 = arith.constant 3 : i32
      %add3A_2175 = arith.addi %mul3A_1108, %add3A_2174 : i32
      %lt3A_2176 = arith.constant 64 : i32
      %lt3A_2177 = arith.cmpi slt, %add3A_2175, %lt3A_2176 : i32
      %convert_element_type3A_2178 = arith.extui %lt3A_2177 : i1 to i32
      %cond3A_2179 = arith.constant 0 : i32
      %cond3A_2180 = arith.cmpi ne, %convert_element_type3A_2178, %cond3A_2179 : i32
      scf.if %cond3A_2180 {
        %add3A_2723 = arith.constant 3 : i32
        %add3A_2724 = arith.addi %mul3A_1108, %add3A_2723 : i32
        %mul3A_2725 = arith.constant 8 : i32
        %mul3A_2726 = arith.muli %add3A_2724, %mul3A_2725 : i32
        %get3A_2727 = arith.index_cast %mul3A_2726 : i32 to index
        %get3A_2728 = tpu.vector_load %arg7[%get3A_2727] {strides = array<i32>} : memref<520xi32, #tpu.memory_space<vmem>>, vector<16xi32>,
        %mul3A_2729 = arith.constant 8 : i32
        %mul3A_2730 = arith.muli %add3A_2724, %mul3A_2729 : i32
        %get3A_2731 = arith.index_cast %mul3A_2730 : i32 to index
        %get3A_2732 = tpu.vector_load %arg8[%get3A_2731] {strides = array<i32>} : memref<520xi32, #tpu.memory_space<vmem>>, vector<16xi32>,
        %shift_right_arithmetic3A_2733 = arith.constant 7 : i32
        %shift_right_arithmetic3A_2734 = vector.broadcast %shift_right_arithmetic3A_2733 : i32 to vector<16xi32>
        %shift_right_arithmetic3A_2735 = arith.shrsi %get3A_2728, %shift_right_arithmetic3A_2734 : vector<16xi32>
        %shift_left3A_2736 = arith.constant 7 : i32
        %shift_left3A_2737 = vector.broadcast %shift_left3A_2736 : i32 to vector<16xi32>
        %shift_left3A_2738 = arith.shli %shift_right_arithmetic3A_2735, %shift_left3A_2737 : vector<16xi32>
        %shift_right_arithmetic3A_2739 = arith.constant 7 : i32
        %shift_right_arithmetic3A_2740 = vector.broadcast %shift_right_arithmetic3A_2739 : i32 to vector<16xi32>
        %shift_right_arithmetic3A_2741 = arith.shrsi %get3A_2732, %shift_right_arithmetic3A_2740 : vector<16xi32>
        %shift_left3A_2742 = arith.constant 7 : i32
        %shift_left3A_2743 = vector.broadcast %shift_left3A_2742 : i32 to vector<16xi32>
        %shift_left3A_2744 = arith.shli %shift_right_arithmetic3A_2741, %shift_left3A_2743 : vector<16xi32>
        %slice3A_2745 = vector.extract_strided_slice %shift_left3A_2738 {offsets = [0], sizes = [1], strides = [1]} : vector<16xi32> to vector<1xi32>
        %reshape3A_2746 = vector.extract %slice3A_2745[0] : i32 from vector<1xi32>
        %multiple_of3A_2747 = tpu.assume_multiple %reshape3A_2746, 128 : i32
        %slice3A_2748 = vector.extract_strided_slice %shift_left3A_2744 {offsets = [0], sizes = [1], strides = [1]} : vector<16xi32> to vector<1xi32>
        %reshape3A_2749 = vector.extract %slice3A_2748[0] : i32 from vector<1xi32>
        %multiple_of3A_2750 = tpu.assume_multiple %reshape3A_2749, 128 : i32
        %dma_start3A_2751 = arith.constant 0 : i32
        %dma_start3A_2752 = arith.constant 0 : i32
        %dma_start3A_2753 = arith.constant 0 : i32
        %dma_start3A_2754 = arith.constant 0 : i32
        %dma_start3A_2755 = tpu.memref_slice %arg9[%dma_start3A_2751, %dma_start3A_2752, %dma_start3A_2753, %dma_start3A_2754] : memref<3x8x16x128xf32, #tpu.memory_space<vmem>> -> memref<1x1x16x128xf32, #tpu.memory_space<vmem>>
        %dma_start3A_2756 = tpu.memref_squeeze %dma_start3A_2755 : memref<1x1x16x128xf32, #tpu.memory_space<vmem>> -> memref<16x128xf32, #tpu.memory_space<vmem>>
        %dma_start3A_2757 = arith.constant 0 : i32
        %dma_start3A_2758 = tpu.memref_slice %arg4[%dma_start3A_2757, %multiple_of3A_2747] : memref<16x1000000xf32, #tpu.memory_space<hbm>> -> memref<16x128xf32, #tpu.memory_space<hbm>>
        %dma_start3A_2759 = arith.constant 0 : i32
        %dma_start3A_2760 = arith.constant 0 : i32
        %dma_start3A_2761 = tpu.memref_slice %arg9[%dma_start3A_2751, %dma_start3A_2752, %dma_start3A_2759, %dma_start3A_2760] : memref<3x8x16x128xf32, #tpu.memory_space<vmem>> -> memref<1x1x16x128xf32, #tpu.memory_space<vmem>>
        %dma_start3A_2762 = tpu.memref_squeeze %dma_start3A_2761 : memref<1x1x16x128xf32, #tpu.memory_space<vmem>> -> memref<16x128xf32, #tpu.memory_space<vmem>>
        %dma_start3A_2763 = arith.constant 0 : i32
        %dma_start3A_2764 = tpu.memref_slice %arg4[%dma_start3A_2763, %multiple_of3A_2747] : memref<16x1000000xf32, #tpu.memory_space<hbm>> -> memref<16x128xf32, #tpu.memory_space<hbm>>
        tpu.enqueue_dma source(%dma_start3A_2764 : memref<16x128xf32, #tpu.memory_space<hbm>>) target(%dma_start3A_2762 : memref<16x128xf32, #tpu.memory_space<vmem>>) target_semaphore(%arg13 : memref<!tpu.dma_semaphore, #tpu.memory_space<semaphore_mem>>)
        %dma_start3A_2765 = arith.constant 0 : i32
        %dma_start3A_2766 = arith.constant 0 : i32
        %dma_start3A_2767 = arith.constant 0 : i32
        %dma_start3A_2768 = arith.constant 0 : i32
        %dma_start3A_2769 = tpu.memref_slice %arg10[%dma_start3A_2765, %dma_start3A_2766, %dma_start3A_2767, %dma_start3A_2768] : memref<3x8x16x128xf32, #tpu.memory_space<vmem>> -> memref<1x1x16x128xf32, #tpu.memory_space<vmem>>
        %dma_start3A_2770 = tpu.memref_squeeze %dma_start3A_2769 : memref<1x1x16x128xf32, #tpu.memory_space<vmem>> -> memref<16x128xf32, #tpu.memory_space<vmem>>
        %dma_start3A_2771 = arith.constant 0 : i32
        %dma_start3A_2772 = tpu.memref_slice %arg5[%dma_start3A_2771, %multiple_of3A_2750] : memref<16x1000000xf32, #tpu.memory_space<hbm>> -> memref<16x128xf32, #tpu.memory_space<hbm>>
        %dma_start3A_2773 = arith.constant 0 : i32
        %dma_start3A_2774 = arith.constant 0 : i32
        %dma_start3A_2775 = tpu.memref_slice %arg10[%dma_start3A_2765, %dma_start3A_2766, %dma_start3A_2773, %dma_start3A_2774] : memref<3x8x16x128xf32, #tpu.memory_space<vmem>> -> memref<1x1x16x128xf32, #tpu.memory_space<vmem>>
        %dma_start3A_2776 = tpu.memref_squeeze %dma_start3A_2775 : memref<1x1x16x128xf32, #tpu.memory_space<vmem>> -> memref<16x128xf32, #tpu.memory_space<vmem>>
        %dma_start3A_2777 = arith.constant 0 : i32
        %dma_start3A_2778 = tpu.memref_slice %arg5[%dma_start3A_2777, %multiple_of3A_2750] : memref<16x1000000xf32, #tpu.memory_space<hbm>> -> memref<16x128xf32, #tpu.memory_space<hbm>>
        tpu.enqueue_dma source(%dma_start3A_2778 : memref<16x128xf32, #tpu.memory_space<hbm>>) target(%dma_start3A_2776 : memref<16x128xf32, #tpu.memory_space<vmem>>) target_semaphore(%arg14 : memref<!tpu.dma_semaphore, #tpu.memory_space<semaphore_mem>>)
        %slice3A_2779 = vector.extract_strided_slice %shift_left3A_2738 {offsets = [1], sizes = [1], strides = [1]} : vector<16xi32> to vector<1xi32>
        %reshape3A_2780 = vector.extract %slice3A_2779[0] : i32 from vector<1xi32>
        %multiple_of3A_2781 = tpu.assume_multiple %reshape3A_2780, 128 : i32
        %slice3A_2782 = vector.extract_strided_slice %shift_left3A_2744 {offsets = [1], sizes = [1], strides = [1]} : vector<16xi32> to vector<1xi32>
        %reshape3A_2783 = vector.extract %slice3A_2782[0] : i32 from vector<1xi32>
        %multiple_of3A_2784 = tpu.assume_multiple %reshape3A_2783, 128 : i32
        %dma_start3A_2785 = arith.constant 0 : i32
        %dma_start3A_2786 = arith.constant 1 : i32
        %dma_start3A_2787 = arith.constant 0 : i32
        %dma_start3A_2788 = arith.constant 0 : i32
        %dma_start3A_2789 = tpu.memref_slice %arg9[%dma_start3A_2785, %dma_start3A_2786, %dma_start3A_2787, %dma_start3A_2788] : memref<3x8x16x128xf32, #tpu.memory_space<vmem>> -> memref<1x1x16x128xf32, #tpu.memory_space<vmem>>
        %dma_start3A_2790 = tpu.memref_squeeze %dma_start3A_2789 : memref<1x1x16x128xf32, #tpu.memory_space<vmem>> -> memref<16x128xf32, #tpu.memory_space<vmem>>
        %dma_start3A_2791 = arith.constant 0 : i32
        %dma_start3A_2792 = tpu.memref_slice %arg4[%dma_start3A_2791, %multiple_of3A_2781] : memref<16x1000000xf32, #tpu.memory_space<hbm>> -> memref<16x128xf32, #tpu.memory_space<hbm>>
        %dma_start3A_2793 = arith.constant 0 : i32
        %dma_start3A_2794 = arith.constant 0 : i32
        %dma_start3A_2795 = tpu.memref_slice %arg9[%dma_start3A_2785, %dma_start3A_2786, %dma_start3A_2793, %dma_start3A_2794] : memref<3x8x16x128xf32, #tpu.memory_space<vmem>> -> memref<1x1x16x128xf32, #tpu.memory_space<vmem>>
        %dma_start3A_2796 = tpu.memref_squeeze %dma_start3A_2795 : memref<1x1x16x128xf32, #tpu.memory_space<vmem>> -> memref<16x128xf32, #tpu.memory_space<vmem>>
        %dma_start3A_2797 = arith.constant 0 : i32
        %dma_start3A_2798 = tpu.memref_slice %arg4[%dma_start3A_2797, %multiple_of3A_2781] : memref<16x1000000xf32, #tpu.memory_space<hbm>> -> memref<16x128xf32, #tpu.memory_space<hbm>>
        tpu.enqueue_dma source(%dma_start3A_2798 : memref<16x128xf32, #tpu.memory_space<hbm>>) target(%dma_start3A_2796 : memref<16x128xf32, #tpu.memory_space<vmem>>) target_semaphore(%arg13 : memref<!tpu.dma_semaphore, #tpu.memory_space<semaphore_mem>>)
        %dma_start3A_2799 = arith.constant 0 : i32
        %dma_start3A_2800 = arith.constant 1 : i32
        %dma_start3A_2801 = arith.constant 0 : i32
        %dma_start3A_2802 = arith.constant 0 : i32
        %dma_start3A_2803 = tpu.memref_slice %arg10[%dma_start3A_2799, %dma_start3A_2800, %dma_start3A_2801, %dma_start3A_2802] : memref<3x8x16x128xf32, #tpu.memory_space<vmem>> -> memref<1x1x16x128xf32, #tpu.memory_space<vmem>>
        %dma_start3A_2804 = tpu.memref_squeeze %dma_start3A_2803 : memref<1x1x16x128xf32, #tpu.memory_space<vmem>> -> memref<16x128xf32, #tpu.memory_space<vmem>>
        %dma_start3A_2805 = arith.constant 0 : i32
        %dma_start3A_2806 = tpu.memref_slice %arg5[%dma_start3A_2805, %multiple_of3A_2784] : memref<16x1000000xf32, #tpu.memory_space<hbm>> -> memref<16x128xf32, #tpu.memory_space<hbm>>
        %dma_start3A_2807 = arith.constant 0 : i32
        %dma_start3A_2808 = arith.constant 0 : i32
        %dma_start3A_2809 = tpu.memref_slice %arg10[%dma_start3A_2799, %dma_start3A_2800, %dma_start3A_2807, %dma_start3A_2808] : memref<3x8x16x128xf32, #tpu.memory_space<vmem>> -> memref<1x1x16x128xf32, #tpu.memory_space<vmem>>
        %dma_start3A_2810 = tpu.memref_squeeze %dma_start3A_2809 : memref<1x1x16x128xf32, #tpu.memory_space<vmem>> -> memref<16x128xf32, #tpu.memory_space<vmem>>
        %dma_start3A_2811 = arith.constant 0 : i32
        %dma_start3A_2812 = tpu.memref_slice %arg5[%dma_start3A_2811, %multiple_of3A_2784] : memref<16x1000000xf32, #tpu.memory_space<hbm>> -> memref<16x128xf32, #tpu.memory_space<hbm>>
        tpu.enqueue_dma source(%dma_start3A_2812 : memref<16x128xf32, #tpu.memory_space<hbm>>) target(%dma_start3A_2810 : memref<16x128xf32, #tpu.memory_space<vmem>>) target_semaphore(%arg14 : memref<!tpu.dma_semaphore, #tpu.memory_space<semaphore_mem>>)
        %slice3A_2813 = vector.extract_strided_slice %shift_left3A_2738 {offsets = [2], sizes = [1], strides = [1]} : vector<16xi32> to vector<1xi32>
        %reshape3A_2814 = vector.extract %slice3A_2813[0] : i32 from vector<1xi32>
        %multiple_of3A_2815 = tpu.assume_multiple %reshape3A_2814, 128 : i32
        %slice3A_2816 = vector.extract_strided_slice %shift_left3A_2744 {offsets = [2], sizes = [1], strides = [1]} : vector<16xi32> to vector<1xi32>
        %reshape3A_2817 = vector.extract %slice3A_2816[0] : i32 from vector<1xi32>
        %multiple_of3A_2818 = tpu.assume_multiple %reshape3A_2817, 128 : i32
        %dma_start3A_2819 = arith.constant 0 : i32
        %dma_start3A_2820 = arith.constant 2 : i32
        %dma_start3A_2821 = arith.constant 0 : i32
        %dma_start3A_2822 = arith.constant 0 : i32
        %dma_start3A_2823 = tpu.memref_slice %arg9[%dma_start3A_2819, %dma_start3A_2820, %dma_start3A_2821, %dma_start3A_2822] : memref<3x8x16x128xf32, #tpu.memory_space<vmem>> -> memref<1x1x16x128xf32, #tpu.memory_space<vmem>>
        %dma_start3A_2824 = tpu.memref_squeeze %dma_start3A_2823 : memref<1x1x16x128xf32, #tpu.memory_space<vmem>> -> memref<16x128xf32, #tpu.memory_space<vmem>>
        %dma_start3A_2825 = arith.constant 0 : i32
        %dma_start3A_2826 = tpu.memref_slice %arg4[%dma_start3A_2825, %multiple_of3A_2815] : memref<16x1000000xf32, #tpu.memory_space<hbm>> -> memref<16x128xf32, #tpu.memory_space<hbm>>
        %dma_start3A_2827 = arith.constant 0 : i32
        %dma_start3A_2828 = arith.constant 0 : i32
        %dma_start3A_2829 = tpu.memref_slice %arg9[%dma_start3A_2819, %dma_start3A_2820, %dma_start3A_2827, %dma_start3A_2828] : memref<3x8x16x128xf32, #tpu.memory_space<vmem>> -> memref<1x1x16x128xf32, #tpu.memory_space<vmem>>
        %dma_start3A_2830 = tpu.memref_squeeze %dma_start3A_2829 : memref<1x1x16x128xf32, #tpu.memory_space<vmem>> -> memref<16x128xf32, #tpu.memory_space<vmem>>
        %dma_start3A_2831 = arith.constant 0 : i32
        %dma_start3A_2832 = tpu.memref_slice %arg4[%dma_start3A_2831, %multiple_of3A_2815] : memref<16x1000000xf32, #tpu.memory_space<hbm>> -> memref<16x128xf32, #tpu.memory_space<hbm>>
        tpu.enqueue_dma source(%dma_start3A_2832 : memref<16x128xf32, #tpu.memory_space<hbm>>) target(%dma_start3A_2830 : memref<16x128xf32, #tpu.memory_space<vmem>>) target_semaphore(%arg13 : memref<!tpu.dma_semaphore, #tpu.memory_space<semaphore_mem>>)
        %dma_start3A_2833 = arith.constant 0 : i32
        %dma_start3A_2834 = arith.constant 2 : i32
        %dma_start3A_2835 = arith.constant 0 : i32
        %dma_start3A_2836 = arith.constant 0 : i32
        %dma_start3A_2837 = tpu.memref_slice %arg10[%dma_start3A_2833, %dma_start3A_2834, %dma_start3A_2835, %dma_start3A_2836] : memref<3x8x16x128xf32, #tpu.memory_space<vmem>> -> memref<1x1x16x128xf32, #tpu.memory_space<vmem>>
        %dma_start3A_2838 = tpu.memref_squeeze %dma_start3A_2837 : memref<1x1x16x128xf32, #tpu.memory_space<vmem>> -> memref<16x128xf32, #tpu.memory_space<vmem>>
        %dma_start3A_2839 = arith.constant 0 : i32
        %dma_start3A_2840 = tpu.memref_slice %arg5[%dma_start3A_2839, %multiple_of3A_2818] : memref<16x1000000xf32, #tpu.memory_space<hbm>> -> memref<16x128xf32, #tpu.memory_space<hbm>>
        %dma_start3A_2841 = arith.constant 0 : i32
        %dma_start3A_2842 = arith.constant 0 : i32
        %dma_start3A_2843 = tpu.memref_slice %arg10[%dma_start3A_2833, %dma_start3A_2834, %dma_start3A_2841, %dma_start3A_2842] : memref<3x8x16x128xf32, #tpu.memory_space<vmem>> -> memref<1x1x16x128xf32, #tpu.memory_space<vmem>>
        %dma_start3A_2844 = tpu.memref_squeeze %dma_start3A_2843 : memref<1x1x16x128xf32, #tpu.memory_space<vmem>> -> memref<16x128xf32, #tpu.memory_space<vmem>>
        %dma_start3A_2845 = arith.constant 0 : i32
        %dma_start3A_2846 = tpu.memref_slice %arg5[%dma_start3A_2845, %multiple_of3A_2818] : memref<16x1000000xf32, #tpu.memory_space<hbm>> -> memref<16x128xf32, #tpu.memory_space<hbm>>
        tpu.enqueue_dma source(%dma_start3A_2846 : memref<16x128xf32, #tpu.memory_space<hbm>>) target(%dma_start3A_2844 : memref<16x128xf32, #tpu.memory_space<vmem>>) target_semaphore(%arg14 : memref<!tpu.dma_semaphore, #tpu.memory_space<semaphore_mem>>)
        %slice3A_2847 = vector.extract_strided_slice %shift_left3A_2738 {offsets = [3], sizes = [1], strides = [1]} : vector<16xi32> to vector<1xi32>
        %reshape3A_2848 = vector.extract %slice3A_2847[0] : i32 from vector<1xi32>
        %multiple_of3A_2849 = tpu.assume_multiple %reshape3A_2848, 128 : i32
        %slice3A_2850 = vector.extract_strided_slice %shift_left3A_2744 {offsets = [3], sizes = [1], strides = [1]} : vector<16xi32> to vector<1xi32>
        %reshape3A_2851 = vector.extract %slice3A_2850[0] : i32 from vector<1xi32>
        %multiple_of3A_2852 = tpu.assume_multiple %reshape3A_2851, 128 : i32
        %dma_start3A_2853 = arith.constant 0 : i32
        %dma_start3A_2854 = arith.constant 3 : i32
        %dma_start3A_2855 = arith.constant 0 : i32
        %dma_start3A_2856 = arith.constant 0 : i32
        %dma_start3A_2857 = tpu.memref_slice %arg9[%dma_start3A_2853, %dma_start3A_2854, %dma_start3A_2855, %dma_start3A_2856] : memref<3x8x16x128xf32, #tpu.memory_space<vmem>> -> memref<1x1x16x128xf32, #tpu.memory_space<vmem>>
        %dma_start3A_2858 = tpu.memref_squeeze %dma_start3A_2857 : memref<1x1x16x128xf32, #tpu.memory_space<vmem>> -> memref<16x128xf32, #tpu.memory_space<vmem>>
        %dma_start3A_2859 = arith.constant 0 : i32
        %dma_start3A_2860 = tpu.memref_slice %arg4[%dma_start3A_2859, %multiple_of3A_2849] : memref<16x1000000xf32, #tpu.memory_space<hbm>> -> memref<16x128xf32, #tpu.memory_space<hbm>>
        %dma_start3A_2861 = arith.constant 0 : i32
        %dma_start3A_2862 = arith.constant 0 : i32
        %dma_start3A_2863 = tpu.memref_slice %arg9[%dma_start3A_2853, %dma_start3A_2854, %dma_start3A_2861, %dma_start3A_2862] : memref<3x8x16x128xf32, #tpu.memory_space<vmem>> -> memref<1x1x16x128xf32, #tpu.memory_space<vmem>>
        %dma_start3A_2864 = tpu.memref_squeeze %dma_start3A_2863 : memref<1x1x16x128xf32, #tpu.memory_space<vmem>> -> memref<16x128xf32, #tpu.memory_space<vmem>>
        %dma_start3A_2865 = arith.constant 0 : i32
        %dma_start3A_2866 = tpu.memref_slice %arg4[%dma_start3A_2865, %multiple_of3A_2849] : memref<16x1000000xf32, #tpu.memory_space<hbm>> -> memref<16x128xf32, #tpu.memory_space<hbm>>
        tpu.enqueue_dma source(%dma_start3A_2866 : memref<16x128xf32, #tpu.memory_space<hbm>>) target(%dma_start3A_2864 : memref<16x128xf32, #tpu.memory_space<vmem>>) target_semaphore(%arg13 : memref<!tpu.dma_semaphore, #tpu.memory_space<semaphore_mem>>)
        %dma_start3A_2867 = arith.constant 0 : i32
        %dma_start3A_2868 = arith.constant 3 : i32
        %dma_start3A_2869 = arith.constant 0 : i32
        %dma_start3A_2870 = arith.constant 0 : i32
        %dma_start3A_2871 = tpu.memref_slice %arg10[%dma_start3A_2867, %dma_start3A_2868, %dma_start3A_2869, %dma_start3A_2870] : memref<3x8x16x128xf32, #tpu.memory_space<vmem>> -> memref<1x1x16x128xf32, #tpu.memory_space<vmem>>
        %dma_start3A_2872 = tpu.memref_squeeze %dma_start3A_2871 : memref<1x1x16x128xf32, #tpu.memory_space<vmem>> -> memref<16x128xf32, #tpu.memory_space<vmem>>
        %dma_start3A_2873 = arith.constant 0 : i32
        %dma_start3A_2874 = tpu.memref_slice %arg5[%dma_start3A_2873, %multiple_of3A_2852] : memref<16x1000000xf32, #tpu.memory_space<hbm>> -> memref<16x128xf32, #tpu.memory_space<hbm>>
        %dma_start3A_2875 = arith.constant 0 : i32
        %dma_start3A_2876 = arith.constant 0 : i32
        %dma_start3A_2877 = tpu.memref_slice %arg10[%dma_start3A_2867, %dma_start3A_2868, %dma_start3A_2875, %dma_start3A_2876] : memref<3x8x16x128xf32, #tpu.memory_space<vmem>> -> memref<1x1x16x128xf32, #tpu.memory_space<vmem>>
        %dma_start3A_2878 = tpu.memref_squeeze %dma_start3A_2877 : memref<1x1x16x128xf32, #tpu.memory_space<vmem>> -> memref<16x128xf32, #tpu.memory_space<vmem>>
        %dma_start3A_2879 = arith.constant 0 : i32
        %dma_start3A_2880 = tpu.memref_slice %arg5[%dma_start3A_2879, %multiple_of3A_2852] : memref<16x1000000xf32, #tpu.memory_space<hbm>> -> memref<16x128xf32, #tpu.memory_space<hbm>>
        tpu.enqueue_dma source(%dma_start3A_2880 : memref<16x128xf32, #tpu.memory_space<hbm>>) target(%dma_start3A_2878 : memref<16x128xf32, #tpu.memory_space<vmem>>) target_semaphore(%arg14 : memref<!tpu.dma_semaphore, #tpu.memory_space<semaphore_mem>>)
        %slice3A_2881 = vector.extract_strided_slice %shift_left3A_2738 {offsets = [4], sizes = [1], strides = [1]} : vector<16xi32> to vector<1xi32>
        %reshape3A_2882 = vector.extract %slice3A_2881[0] : i32 from vector<1xi32>
        %multiple_of3A_2883 = tpu.assume_multiple %reshape3A_2882, 128 : i32
        %slice3A_2884 = vector.extract_strided_slice %shift_left3A_2744 {offsets = [4], sizes = [1], strides = [1]} : vector<16xi32> to vector<1xi32>
        %reshape3A_2885 = vector.extract %slice3A_2884[0] : i32 from vector<1xi32>
        %multiple_of3A_2886 = tpu.assume_multiple %reshape3A_2885, 128 : i32
        %dma_start3A_2887 = arith.constant 0 : i32
        %dma_start3A_2888 = arith.constant 4 : i32
        %dma_start3A_2889 = arith.constant 0 : i32
        %dma_start3A_2890 = arith.constant 0 : i32
        %dma_start3A_2891 = tpu.memref_slice %arg9[%dma_start3A_2887, %dma_start3A_2888, %dma_start3A_2889, %dma_start3A_2890] : memref<3x8x16x128xf32, #tpu.memory_space<vmem>> -> memref<1x1x16x128xf32, #tpu.memory_space<vmem>>
        %dma_start3A_2892 = tpu.memref_squeeze %dma_start3A_2891 : memref<1x1x16x128xf32, #tpu.memory_space<vmem>> -> memref<16x128xf32, #tpu.memory_space<vmem>>
        %dma_start3A_2893 = arith.constant 0 : i32
        %dma_start3A_2894 = tpu.memref_slice %arg4[%dma_start3A_2893, %multiple_of3A_2883] : memref<16x1000000xf32, #tpu.memory_space<hbm>> -> memref<16x128xf32, #tpu.memory_space<hbm>>
        %dma_start3A_2895 = arith.constant 0 : i32
        %dma_start3A_2896 = arith.constant 0 : i32
        %dma_start3A_2897 = tpu.memref_slice %arg9[%dma_start3A_2887, %dma_start3A_2888, %dma_start3A_2895, %dma_start3A_2896] : memref<3x8x16x128xf32, #tpu.memory_space<vmem>> -> memref<1x1x16x128xf32, #tpu.memory_space<vmem>>
        %dma_start3A_2898 = tpu.memref_squeeze %dma_start3A_2897 : memref<1x1x16x128xf32, #tpu.memory_space<vmem>> -> memref<16x128xf32, #tpu.memory_space<vmem>>
        %dma_start3A_2899 = arith.constant 0 : i32
        %dma_start3A_2900 = tpu.memref_slice %arg4[%dma_start3A_2899, %multiple_of3A_2883] : memref<16x1000000xf32, #tpu.memory_space<hbm>> -> memref<16x128xf32, #tpu.memory_space<hbm>>
        tpu.enqueue_dma source(%dma_start3A_2900 : memref<16x128xf32, #tpu.memory_space<hbm>>) target(%dma_start3A_2898 : memref<16x128xf32, #tpu.memory_space<vmem>>) target_semaphore(%arg13 : memref<!tpu.dma_semaphore, #tpu.memory_space<semaphore_mem>>)
        %dma_start3A_2901 = arith.constant 0 : i32
        %dma_start3A_2902 = arith.constant 4 : i32
        %dma_start3A_2903 = arith.constant 0 : i32
        %dma_start3A_2904 = arith.constant 0 : i32
        %dma_start3A_2905 = tpu.memref_slice %arg10[%dma_start3A_2901, %dma_start3A_2902, %dma_start3A_2903, %dma_start3A_2904] : memref<3x8x16x128xf32, #tpu.memory_space<vmem>> -> memref<1x1x16x128xf32, #tpu.memory_space<vmem>>
        %dma_start3A_2906 = tpu.memref_squeeze %dma_start3A_2905 : memref<1x1x16x128xf32, #tpu.memory_space<vmem>> -> memref<16x128xf32, #tpu.memory_space<vmem>>
        %dma_start3A_2907 = arith.constant 0 : i32
        %dma_start3A_2908 = tpu.memref_slice %arg5[%dma_start3A_2907, %multiple_of3A_2886] : memref<16x1000000xf32, #tpu.memory_space<hbm>> -> memref<16x128xf32, #tpu.memory_space<hbm>>
        %dma_start3A_2909 = arith.constant 0 : i32
        %dma_start3A_2910 = arith.constant 0 : i32
        %dma_start3A_2911 = tpu.memref_slice %arg10[%dma_start3A_2901, %dma_start3A_2902, %dma_start3A_2909, %dma_start3A_2910] : memref<3x8x16x128xf32, #tpu.memory_space<vmem>> -> memref<1x1x16x128xf32, #tpu.memory_space<vmem>>
        %dma_start3A_2912 = tpu.memref_squeeze %dma_start3A_2911 : memref<1x1x16x128xf32, #tpu.memory_space<vmem>> -> memref<16x128xf32, #tpu.memory_space<vmem>>
        %dma_start3A_2913 = arith.constant 0 : i32
        %dma_start3A_2914 = tpu.memref_slice %arg5[%dma_start3A_2913, %multiple_of3A_2886] : memref<16x1000000xf32, #tpu.memory_space<hbm>> -> memref<16x128xf32, #tpu.memory_space<hbm>>
        tpu.enqueue_dma source(%dma_start3A_2914 : memref<16x128xf32, #tpu.memory_space<hbm>>) target(%dma_start3A_2912 : memref<16x128xf32, #tpu.memory_space<vmem>>) target_semaphore(%arg14 : memref<!tpu.dma_semaphore, #tpu.memory_space<semaphore_mem>>)
        %slice3A_2915 = vector.extract_strided_slice %shift_left3A_2738 {offsets = [5], sizes = [1], strides = [1]} : vector<16xi32> to vector<1xi32>
        %reshape3A_2916 = vector.extract %slice3A_2915[0] : i32 from vector<1xi32>
        %multiple_of3A_2917 = tpu.assume_multiple %reshape3A_2916, 128 : i32
        %slice3A_2918 = vector.extract_strided_slice %shift_left3A_2744 {offsets = [5], sizes = [1], strides = [1]} : vector<16xi32> to vector<1xi32>
        %reshape3A_2919 = vector.extract %slice3A_2918[0] : i32 from vector<1xi32>
        %multiple_of3A_2920 = tpu.assume_multiple %reshape3A_2919, 128 : i32
        %dma_start3A_2921 = arith.constant 0 : i32
        %dma_start3A_2922 = arith.constant 5 : i32
        %dma_start3A_2923 = arith.constant 0 : i32
        %dma_start3A_2924 = arith.constant 0 : i32
        %dma_start3A_2925 = tpu.memref_slice %arg9[%dma_start3A_2921, %dma_start3A_2922, %dma_start3A_2923, %dma_start3A_2924] : memref<3x8x16x128xf32, #tpu.memory_space<vmem>> -> memref<1x1x16x128xf32, #tpu.memory_space<vmem>>
        %dma_start3A_2926 = tpu.memref_squeeze %dma_start3A_2925 : memref<1x1x16x128xf32, #tpu.memory_space<vmem>> -> memref<16x128xf32, #tpu.memory_space<vmem>>
        %dma_start3A_2927 = arith.constant 0 : i32
        %dma_start3A_2928 = tpu.memref_slice %arg4[%dma_start3A_2927, %multiple_of3A_2917] : memref<16x1000000xf32, #tpu.memory_space<hbm>> -> memref<16x128xf32, #tpu.memory_space<hbm>>
        %dma_start3A_2929 = arith.constant 0 : i32
        %dma_start3A_2930 = arith.constant 0 : i32
        %dma_start3A_2931 = tpu.memref_slice %arg9[%dma_start3A_2921, %dma_start3A_2922, %dma_start3A_2929, %dma_start3A_2930] : memref<3x8x16x128xf32, #tpu.memory_space<vmem>> -> memref<1x1x16x128xf32, #tpu.memory_space<vmem>>
        %dma_start3A_2932 = tpu.memref_squeeze %dma_start3A_2931 : memref<1x1x16x128xf32, #tpu.memory_space<vmem>> -> memref<16x128xf32, #tpu.memory_space<vmem>>
        %dma_start3A_2933 = arith.constant 0 : i32
        %dma_start3A_2934 = tpu.memref_slice %arg4[%dma_start3A_2933, %multiple_of3A_2917] : memref<16x1000000xf32, #tpu.memory_space<hbm>> -> memref<16x128xf32, #tpu.memory_space<hbm>>
        tpu.enqueue_dma source(%dma_start3A_2934 : memref<16x128xf32, #tpu.memory_space<hbm>>) target(%dma_start3A_2932 : memref<16x128xf32, #tpu.memory_space<vmem>>) target_semaphore(%arg13 : memref<!tpu.dma_semaphore, #tpu.memory_space<semaphore_mem>>)
        %dma_start3A_2935 = arith.constant 0 : i32
        %dma_start3A_2936 = arith.constant 5 : i32
        %dma_start3A_2937 = arith.constant 0 : i32
        %dma_start3A_2938 = arith.constant 0 : i32
        %dma_start3A_2939 = tpu.memref_slice %arg10[%dma_start3A_2935, %dma_start3A_2936, %dma_start3A_2937, %dma_start3A_2938] : memref<3x8x16x128xf32, #tpu.memory_space<vmem>> -> memref<1x1x16x128xf32, #tpu.memory_space<vmem>>
        %dma_start3A_2940 = tpu.memref_squeeze %dma_start3A_2939 : memref<1x1x16x128xf32, #tpu.memory_space<vmem>> -> memref<16x128xf32, #tpu.memory_space<vmem>>
        %dma_start3A_2941 = arith.constant 0 : i32
        %dma_start3A_2942 = tpu.memref_slice %arg5[%dma_start3A_2941, %multiple_of3A_2920] : memref<16x1000000xf32, #tpu.memory_space<hbm>> -> memref<16x128xf32, #tpu.memory_space<hbm>>
        %dma_start3A_2943 = arith.constant 0 : i32
        %dma_start3A_2944 = arith.constant 0 : i32
        %dma_start3A_2945 = tpu.memref_slice %arg10[%dma_start3A_2935, %dma_start3A_2936, %dma_start3A_2943, %dma_start3A_2944] : memref<3x8x16x128xf32, #tpu.memory_space<vmem>> -> memref<1x1x16x128xf32, #tpu.memory_space<vmem>>
        %dma_start3A_2946 = tpu.memref_squeeze %dma_start3A_2945 : memref<1x1x16x128xf32, #tpu.memory_space<vmem>> -> memref<16x128xf32, #tpu.memory_space<vmem>>
        %dma_start3A_2947 = arith.constant 0 : i32
        %dma_start3A_2948 = tpu.memref_slice %arg5[%dma_start3A_2947, %multiple_of3A_2920] : memref<16x1000000xf32, #tpu.memory_space<hbm>> -> memref<16x128xf32, #tpu.memory_space<hbm>>
        tpu.enqueue_dma source(%dma_start3A_2948 : memref<16x128xf32, #tpu.memory_space<hbm>>) target(%dma_start3A_2946 : memref<16x128xf32, #tpu.memory_space<vmem>>) target_semaphore(%arg14 : memref<!tpu.dma_semaphore, #tpu.memory_space<semaphore_mem>>)
        %slice3A_2949 = vector.extract_strided_slice %shift_left3A_2738 {offsets = [6], sizes = [1], strides = [1]} : vector<16xi32> to vector<1xi32>
        %reshape3A_2950 = vector.extract %slice3A_2949[0] : i32 from vector<1xi32>
        %multiple_of3A_2951 = tpu.assume_multiple %reshape3A_2950, 128 : i32
        %slice3A_2952 = vector.extract_strided_slice %shift_left3A_2744 {offsets = [6], sizes = [1], strides = [1]} : vector<16xi32> to vector<1xi32>
        %reshape3A_2953 = vector.extract %slice3A_2952[0] : i32 from vector<1xi32>
        %multiple_of3A_2954 = tpu.assume_multiple %reshape3A_2953, 128 : i32
        %dma_start3A_2955 = arith.constant 0 : i32
        %dma_start3A_2956 = arith.constant 6 : i32
        %dma_start3A_2957 = arith.constant 0 : i32
        %dma_start3A_2958 = arith.constant 0 : i32
        %dma_start3A_2959 = tpu.memref_slice %arg9[%dma_start3A_2955, %dma_start3A_2956, %dma_start3A_2957, %dma_start3A_2958] : memref<3x8x16x128xf32, #tpu.memory_space<vmem>> -> memref<1x1x16x128xf32, #tpu.memory_space<vmem>>
        %dma_start3A_2960 = tpu.memref_squeeze %dma_start3A_2959 : memref<1x1x16x128xf32, #tpu.memory_space<vmem>> -> memref<16x128xf32, #tpu.memory_space<vmem>>
        %dma_start3A_2961 = arith.constant 0 : i32
        %dma_start3A_2962 = tpu.memref_slice %arg4[%dma_start3A_2961, %multiple_of3A_2951] : memref<16x1000000xf32, #tpu.memory_space<hbm>> -> memref<16x128xf32, #tpu.memory_space<hbm>>
        %dma_start3A_2963 = arith.constant 0 : i32
        %dma_start3A_2964 = arith.constant 0 : i32
        %dma_start3A_2965 = tpu.memref_slice %arg9[%dma_start3A_2955, %dma_start3A_2956, %dma_start3A_2963, %dma_start3A_2964] : memref<3x8x16x128xf32, #tpu.memory_space<vmem>> -> memref<1x1x16x128xf32, #tpu.memory_space<vmem>>
        %dma_start3A_2966 = tpu.memref_squeeze %dma_start3A_2965 : memref<1x1x16x128xf32, #tpu.memory_space<vmem>> -> memref<16x128xf32, #tpu.memory_space<vmem>>
        %dma_start3A_2967 = arith.constant 0 : i32
        %dma_start3A_2968 = tpu.memref_slice %arg4[%dma_start3A_2967, %multiple_of3A_2951] : memref<16x1000000xf32, #tpu.memory_space<hbm>> -> memref<16x128xf32, #tpu.memory_space<hbm>>
        tpu.enqueue_dma source(%dma_start3A_2968 : memref<16x128xf32, #tpu.memory_space<hbm>>) target(%dma_start3A_2966 : memref<16x128xf32, #tpu.memory_space<vmem>>) target_semaphore(%arg13 : memref<!tpu.dma_semaphore, #tpu.memory_space<semaphore_mem>>)
        %dma_start3A_2969 = arith.constant 0 : i32
        %dma_start3A_2970 = arith.constant 6 : i32
        %dma_start3A_2971 = arith.constant 0 : i32
        %dma_start3A_2972 = arith.constant 0 : i32
        %dma_start3A_2973 = tpu.memref_slice %arg10[%dma_start3A_2969, %dma_start3A_2970, %dma_start3A_2971, %dma_start3A_2972] : memref<3x8x16x128xf32, #tpu.memory_space<vmem>> -> memref<1x1x16x128xf32, #tpu.memory_space<vmem>>
        %dma_start3A_2974 = tpu.memref_squeeze %dma_start3A_2973 : memref<1x1x16x128xf32, #tpu.memory_space<vmem>> -> memref<16x128xf32, #tpu.memory_space<vmem>>
        %dma_start3A_2975 = arith.constant 0 : i32
        %dma_start3A_2976 = tpu.memref_slice %arg5[%dma_start3A_2975, %multiple_of3A_2954] : memref<16x1000000xf32, #tpu.memory_space<hbm>> -> memref<16x128xf32, #tpu.memory_space<hbm>>
        %dma_start3A_2977 = arith.constant 0 : i32
        %dma_start3A_2978 = arith.constant 0 : i32
        %dma_start3A_2979 = tpu.memref_slice %arg10[%dma_start3A_2969, %dma_start3A_2970, %dma_start3A_2977, %dma_start3A_2978] : memref<3x8x16x128xf32, #tpu.memory_space<vmem>> -> memref<1x1x16x128xf32, #tpu.memory_space<vmem>>
        %dma_start3A_2980 = tpu.memref_squeeze %dma_start3A_2979 : memref<1x1x16x128xf32, #tpu.memory_space<vmem>> -> memref<16x128xf32, #tpu.memory_space<vmem>>
        %dma_start3A_2981 = arith.constant 0 : i32
        %dma_start3A_2982 = tpu.memref_slice %arg5[%dma_start3A_2981, %multiple_of3A_2954] : memref<16x1000000xf32, #tpu.memory_space<hbm>> -> memref<16x128xf32, #tpu.memory_space<hbm>>
        tpu.enqueue_dma source(%dma_start3A_2982 : memref<16x128xf32, #tpu.memory_space<hbm>>) target(%dma_start3A_2980 : memref<16x128xf32, #tpu.memory_space<vmem>>) target_semaphore(%arg14 : memref<!tpu.dma_semaphore, #tpu.memory_space<semaphore_mem>>)
        %slice3A_2983 = vector.extract_strided_slice %shift_left3A_2738 {offsets = [7], sizes = [1], strides = [1]} : vector<16xi32> to vector<1xi32>
        %reshape3A_2984 = vector.extract %slice3A_2983[0] : i32 from vector<1xi32>
        %multiple_of3A_2985 = tpu.assume_multiple %reshape3A_2984, 128 : i32
        %slice3A_2986 = vector.extract_strided_slice %shift_left3A_2744 {offsets = [7], sizes = [1], strides = [1]} : vector<16xi32> to vector<1xi32>
        %reshape3A_2987 = vector.extract %slice3A_2986[0] : i32 from vector<1xi32>
        %multiple_of3A_2988 = tpu.assume_multiple %reshape3A_2987, 128 : i32
        %dma_start3A_2989 = arith.constant 0 : i32
        %dma_start3A_2990 = arith.constant 7 : i32
        %dma_start3A_2991 = arith.constant 0 : i32
        %dma_start3A_2992 = arith.constant 0 : i32
        %dma_start3A_2993 = tpu.memref_slice %arg9[%dma_start3A_2989, %dma_start3A_2990, %dma_start3A_2991, %dma_start3A_2992] : memref<3x8x16x128xf32, #tpu.memory_space<vmem>> -> memref<1x1x16x128xf32, #tpu.memory_space<vmem>>
        %dma_start3A_2994 = tpu.memref_squeeze %dma_start3A_2993 : memref<1x1x16x128xf32, #tpu.memory_space<vmem>> -> memref<16x128xf32, #tpu.memory_space<vmem>>
        %dma_start3A_2995 = arith.constant 0 : i32
        %dma_start3A_2996 = tpu.memref_slice %arg4[%dma_start3A_2995, %multiple_of3A_2985] : memref<16x1000000xf32, #tpu.memory_space<hbm>> -> memref<16x128xf32, #tpu.memory_space<hbm>>
        %dma_start3A_2997 = arith.constant 0 : i32
        %dma_start3A_2998 = arith.constant 0 : i32
        %dma_start3A_2999 = tpu.memref_slice %arg9[%dma_start3A_2989, %dma_start3A_2990, %dma_start3A_2997, %dma_start3A_2998] : memref<3x8x16x128xf32, #tpu.memory_space<vmem>> -> memref<1x1x16x128xf32, #tpu.memory_space<vmem>>
        %dma_start3A_3000 = tpu.memref_squeeze %dma_start3A_2999 : memref<1x1x16x128xf32, #tpu.memory_space<vmem>> -> memref<16x128xf32, #tpu.memory_space<vmem>>
        %dma_start3A_3001 = arith.constant 0 : i32
        %dma_start3A_3002 = tpu.memref_slice %arg4[%dma_start3A_3001, %multiple_of3A_2985] : memref<16x1000000xf32, #tpu.memory_space<hbm>> -> memref<16x128xf32, #tpu.memory_space<hbm>>
        tpu.enqueue_dma source(%dma_start3A_3002 : memref<16x128xf32, #tpu.memory_space<hbm>>) target(%dma_start3A_3000 : memref<16x128xf32, #tpu.memory_space<vmem>>) target_semaphore(%arg13 : memref<!tpu.dma_semaphore, #tpu.memory_space<semaphore_mem>>)
        %dma_start3A_3003 = arith.constant 0 : i32
        %dma_start3A_3004 = arith.constant 7 : i32
        %dma_start3A_3005 = arith.constant 0 : i32
        %dma_start3A_3006 = arith.constant 0 : i32
        %dma_start3A_3007 = tpu.memref_slice %arg10[%dma_start3A_3003, %dma_start3A_3004, %dma_start3A_3005, %dma_start3A_3006] : memref<3x8x16x128xf32, #tpu.memory_space<vmem>> -> memref<1x1x16x128xf32, #tpu.memory_space<vmem>>
        %dma_start3A_3008 = tpu.memref_squeeze %dma_start3A_3007 : memref<1x1x16x128xf32, #tpu.memory_space<vmem>> -> memref<16x128xf32, #tpu.memory_space<vmem>>
        %dma_start3A_3009 = arith.constant 0 : i32
        %dma_start3A_3010 = tpu.memref_slice %arg5[%dma_start3A_3009, %multiple_of3A_2988] : memref<16x1000000xf32, #tpu.memory_space<hbm>> -> memref<16x128xf32, #tpu.memory_space<hbm>>
        %dma_start3A_3011 = arith.constant 0 : i32
        %dma_start3A_3012 = arith.constant 0 : i32
        %dma_start3A_3013 = tpu.memref_slice %arg10[%dma_start3A_3003, %dma_start3A_3004, %dma_start3A_3011, %dma_start3A_3012] : memref<3x8x16x128xf32, #tpu.memory_space<vmem>> -> memref<1x1x16x128xf32, #tpu.memory_space<vmem>>
        %dma_start3A_3014 = tpu.memref_squeeze %dma_start3A_3013 : memref<1x1x16x128xf32, #tpu.memory_space<vmem>> -> memref<16x128xf32, #tpu.memory_space<vmem>>
        %dma_start3A_3015 = arith.constant 0 : i32
        %dma_start3A_3016 = tpu.memref_slice %arg5[%dma_start3A_3015, %multiple_of3A_2988] : memref<16x1000000xf32, #tpu.memory_space<hbm>> -> memref<16x128xf32, #tpu.memory_space<hbm>>
        tpu.enqueue_dma source(%dma_start3A_3016 : memref<16x128xf32, #tpu.memory_space<hbm>>) target(%dma_start3A_3014 : memref<16x128xf32, #tpu.memory_space<vmem>>) target_semaphore(%arg14 : memref<!tpu.dma_semaphore, #tpu.memory_space<semaphore_mem>>)
      } else {
      }
      %add3A_2181 = arith.constant 2 : i32
      %add3A_2182 = arith.addi %mul3A_1108, %add3A_2181 : i32
      %add3A_2183 = arith.constant 2 : i32
      %add3A_2184 = arith.addi %mul3A_1108, %add3A_2183 : i32
      %jit3A_2185 = arith.constant 2 : i32
      %eq3A_2186 = arith.constant 0 : i32
      %eq3A_2187 = arith.cmpi eq, %jit3A_2185, %eq3A_2186 : i32
      %jit3A_2188 = arith.constant 1 : i32
      %select_n3A_2189 = arith.select %eq3A_2187, %jit3A_2188, %jit3A_2185 : i32
      %rem3A_2190 = arith.remsi %add3A_2184, %select_n3A_2189 : i32
      %ne3A_2191 = arith.constant 0 : i32
      %ne3A_2192 = arith.cmpi ne, %rem3A_2190, %ne3A_2191 : i32
      %lt3A_2193 = arith.constant 0 : i32
      %lt3A_2194 = arith.cmpi slt, %rem3A_2190, %lt3A_2193 : i32
      %lt3A_2195 = arith.constant 0 : i32
      %lt3A_2196 = arith.cmpi slt, %select_n3A_2189, %lt3A_2195 : i32
      %ne3A_2197 = arith.xori %lt3A_2194, %lt3A_2196 : i1
      %and3A_2198 = arith.andi %ne3A_2197, %ne3A_2192 : i1
      %add3A_2199 = arith.addi %rem3A_2190, %select_n3A_2189 : i32
      %select_n3A_2200 = arith.select %and3A_2198, %add3A_2199, %rem3A_2190 : i32
      %dma_wait3A_2201 = arith.constant 2 : i32
      %dma_wait3A_2202 = arith.constant 0 : i32
      %dma_wait3A_2203 = arith.constant 0 : i32
      %dma_wait3A_2204 = arith.constant 0 : i32
      %dma_wait3A_2205 = tpu.memref_slice %arg9[%dma_wait3A_2201, %dma_wait3A_2202, %dma_wait3A_2203, %dma_wait3A_2204] : memref<3x8x16x128xf32, #tpu.memory_space<vmem>> -> memref<1x1x16x128xf32, #tpu.memory_space<vmem>>
      %dma_wait3A_2206 = tpu.memref_squeeze %dma_wait3A_2205 : memref<1x1x16x128xf32, #tpu.memory_space<vmem>> -> memref<16x128xf32, #tpu.memory_space<vmem>>
      %dma_wait3A_2207 = arith.constant 0 : i32
      %dma_wait3A_2208 = arith.constant 0 : i32
      %dma_wait3A_2209 = tpu.memref_slice %arg4[%dma_wait3A_2207, %dma_wait3A_2208] : memref<16x1000000xf32, #tpu.memory_space<hbm>> -> memref<16x128xf32, #tpu.memory_space<hbm>>
      %dma_wait3A_2210 = arith.constant 0 : i32
      %dma_wait3A_2211 = arith.constant 0 : i32
      %dma_wait3A_2212 = tpu.memref_slice %arg9[%dma_wait3A_2201, %dma_wait3A_2202, %dma_wait3A_2210, %dma_wait3A_2211] : memref<3x8x16x128xf32, #tpu.memory_space<vmem>> -> memref<1x1x16x128xf32, #tpu.memory_space<vmem>>
      %dma_wait3A_2213 = tpu.memref_squeeze %dma_wait3A_2212 : memref<1x1x16x128xf32, #tpu.memory_space<vmem>> -> memref<16x128xf32, #tpu.memory_space<vmem>>
      %dma_wait3A_2214 = arith.constant 0 : i32
      %dma_wait3A_2215 = arith.constant 0 : i32
      %dma_wait3A_2216 = tpu.memref_slice %arg4[%dma_wait3A_2214, %dma_wait3A_2215] : memref<16x1000000xf32, #tpu.memory_space<hbm>> -> memref<16x128xf32, #tpu.memory_space<hbm>>
      tpu.wait_dma2 semaphore(%arg17 : memref<!tpu.dma_semaphore, #tpu.memory_space<semaphore_mem>>) src(%dma_wait3A_2216 : memref<16x128xf32, #tpu.memory_space<hbm>>) dst(%dma_wait3A_2213 : memref<16x128xf32, #tpu.memory_space<vmem>>)
      %dma_wait3A_2217 = arith.constant 2 : i32
      %dma_wait3A_2218 = arith.constant 0 : i32
      %dma_wait3A_2219 = arith.constant 0 : i32
      %dma_wait3A_2220 = arith.constant 0 : i32
      %dma_wait3A_2221 = tpu.memref_slice %arg10[%dma_wait3A_2217, %dma_wait3A_2218, %dma_wait3A_2219, %dma_wait3A_2220] : memref<3x8x16x128xf32, #tpu.memory_space<vmem>> -> memref<1x1x16x128xf32, #tpu.memory_space<vmem>>
      %dma_wait3A_2222 = tpu.memref_squeeze %dma_wait3A_2221 : memref<1x1x16x128xf32, #tpu.memory_space<vmem>> -> memref<16x128xf32, #tpu.memory_space<vmem>>
      %dma_wait3A_2223 = arith.constant 0 : i32
      %dma_wait3A_2224 = arith.constant 0 : i32
      %dma_wait3A_2225 = tpu.memref_slice %arg5[%dma_wait3A_2223, %dma_wait3A_2224] : memref<16x1000000xf32, #tpu.memory_space<hbm>> -> memref<16x128xf32, #tpu.memory_space<hbm>>
      %dma_wait3A_2226 = arith.constant 0 : i32
      %dma_wait3A_2227 = arith.constant 0 : i32
      %dma_wait3A_2228 = tpu.memref_slice %arg10[%dma_wait3A_2217, %dma_wait3A_2218, %dma_wait3A_2226, %dma_wait3A_2227] : memref<3x8x16x128xf32, #tpu.memory_space<vmem>> -> memref<1x1x16x128xf32, #tpu.memory_space<vmem>>
      %dma_wait3A_2229 = tpu.memref_squeeze %dma_wait3A_2228 : memref<1x1x16x128xf32, #tpu.memory_space<vmem>> -> memref<16x128xf32, #tpu.memory_space<vmem>>
      %dma_wait3A_2230 = arith.constant 0 : i32
      %dma_wait3A_2231 = arith.constant 0 : i32
      %dma_wait3A_2232 = tpu.memref_slice %arg5[%dma_wait3A_2230, %dma_wait3A_2231] : memref<16x1000000xf32, #tpu.memory_space<hbm>> -> memref<16x128xf32, #tpu.memory_space<hbm>>
      tpu.wait_dma2 semaphore(%arg18 : memref<!tpu.dma_semaphore, #tpu.memory_space<semaphore_mem>>) src(%dma_wait3A_2232 : memref<16x128xf32, #tpu.memory_space<hbm>>) dst(%dma_wait3A_2229 : memref<16x128xf32, #tpu.memory_space<vmem>>)
      %dma_wait3A_2233 = arith.constant 2 : i32
      %dma_wait3A_2234 = arith.constant 0 : i32
      %dma_wait3A_2235 = arith.constant 0 : i32
      %dma_wait3A_2236 = arith.constant 0 : i32
      %dma_wait3A_2237 = tpu.memref_slice %arg9[%dma_wait3A_2233, %dma_wait3A_2234, %dma_wait3A_2235, %dma_wait3A_2236] : memref<3x8x16x128xf32, #tpu.memory_space<vmem>> -> memref<1x1x16x128xf32, #tpu.memory_space<vmem>>
      %dma_wait3A_2238 = tpu.memref_squeeze %dma_wait3A_2237 : memref<1x1x16x128xf32, #tpu.memory_space<vmem>> -> memref<16x128xf32, #tpu.memory_space<vmem>>
      %dma_wait3A_2239 = arith.constant 0 : i32
      %dma_wait3A_2240 = arith.constant 0 : i32
      %dma_wait3A_2241 = tpu.memref_slice %arg4[%dma_wait3A_2239, %dma_wait3A_2240] : memref<16x1000000xf32, #tpu.memory_space<hbm>> -> memref<16x128xf32, #tpu.memory_space<hbm>>
      %dma_wait3A_2242 = arith.constant 0 : i32
      %dma_wait3A_2243 = arith.constant 0 : i32
      %dma_wait3A_2244 = tpu.memref_slice %arg9[%dma_wait3A_2233, %dma_wait3A_2234, %dma_wait3A_2242, %dma_wait3A_2243] : memref<3x8x16x128xf32, #tpu.memory_space<vmem>> -> memref<1x1x16x128xf32, #tpu.memory_space<vmem>>
      %dma_wait3A_2245 = tpu.memref_squeeze %dma_wait3A_2244 : memref<1x1x16x128xf32, #tpu.memory_space<vmem>> -> memref<16x128xf32, #tpu.memory_space<vmem>>
      %dma_wait3A_2246 = arith.constant 0 : i32
      %dma_wait3A_2247 = arith.constant 0 : i32
      %dma_wait3A_2248 = tpu.memref_slice %arg4[%dma_wait3A_2246, %dma_wait3A_2247] : memref<16x1000000xf32, #tpu.memory_space<hbm>> -> memref<16x128xf32, #tpu.memory_space<hbm>>
      tpu.wait_dma2 semaphore(%arg17 : memref<!tpu.dma_semaphore, #tpu.memory_space<semaphore_mem>>) src(%dma_wait3A_2248 : memref<16x128xf32, #tpu.memory_space<hbm>>) dst(%dma_wait3A_2245 : memref<16x128xf32, #tpu.memory_space<vmem>>)
      %dma_wait3A_2249 = arith.constant 2 : i32
      %dma_wait3A_2250 = arith.constant 0 : i32
      %dma_wait3A_2251 = arith.constant 0 : i32
      %dma_wait3A_2252 = arith.constant 0 : i32
      %dma_wait3A_2253 = tpu.memref_slice %arg10[%dma_wait3A_2249, %dma_wait3A_2250, %dma_wait3A_2251, %dma_wait3A_2252] : memref<3x8x16x128xf32, #tpu.memory_space<vmem>> -> memref<1x1x16x128xf32, #tpu.memory_space<vmem>>
      %dma_wait3A_2254 = tpu.memref_squeeze %dma_wait3A_2253 : memref<1x1x16x128xf32, #tpu.memory_space<vmem>> -> memref<16x128xf32, #tpu.memory_space<vmem>>
      %dma_wait3A_2255 = arith.constant 0 : i32
      %dma_wait3A_2256 = arith.constant 0 : i32
      %dma_wait3A_2257 = tpu.memref_slice %arg5[%dma_wait3A_2255, %dma_wait3A_2256] : memref<16x1000000xf32, #tpu.memory_space<hbm>> -> memref<16x128xf32, #tpu.memory_space<hbm>>
      %dma_wait3A_2258 = arith.constant 0 : i32
      %dma_wait3A_2259 = arith.constant 0 : i32
      %dma_wait3A_2260 = tpu.memref_slice %arg10[%dma_wait3A_2249, %dma_wait3A_2250, %dma_wait3A_2258, %dma_wait3A_2259] : memref<3x8x16x128xf32, #tpu.memory_space<vmem>> -> memref<1x1x16x128xf32, #tpu.memory_space<vmem>>
      %dma_wait3A_2261 = tpu.memref_squeeze %dma_wait3A_2260 : memref<1x1x16x128xf32, #tpu.memory_space<vmem>> -> memref<16x128xf32, #tpu.memory_space<vmem>>
      %dma_wait3A_2262 = arith.constant 0 : i32
      %dma_wait3A_2263 = arith.constant 0 : i32
      %dma_wait3A_2264 = tpu.memref_slice %arg5[%dma_wait3A_2262, %dma_wait3A_2263] : memref<16x1000000xf32, #tpu.memory_space<hbm>> -> memref<16x128xf32, #tpu.memory_space<hbm>>
      tpu.wait_dma2 semaphore(%arg18 : memref<!tpu.dma_semaphore, #tpu.memory_space<semaphore_mem>>) src(%dma_wait3A_2264 : memref<16x128xf32, #tpu.memory_space<hbm>>) dst(%dma_wait3A_2261 : memref<16x128xf32, #tpu.memory_space<vmem>>)
      %dma_wait3A_2265 = arith.constant 2 : i32
      %dma_wait3A_2266 = arith.constant 0 : i32
      %dma_wait3A_2267 = arith.constant 0 : i32
      %dma_wait3A_2268 = arith.constant 0 : i32
      %dma_wait3A_2269 = tpu.memref_slice %arg9[%dma_wait3A_2265, %dma_wait3A_2266, %dma_wait3A_2267, %dma_wait3A_2268] : memref<3x8x16x128xf32, #tpu.memory_space<vmem>> -> memref<1x1x16x128xf32, #tpu.memory_space<vmem>>
      %dma_wait3A_2270 = tpu.memref_squeeze %dma_wait3A_2269 : memref<1x1x16x128xf32, #tpu.memory_space<vmem>> -> memref<16x128xf32, #tpu.memory_space<vmem>>
      %dma_wait3A_2271 = arith.constant 0 : i32
      %dma_wait3A_2272 = arith.constant 0 : i32
      %dma_wait3A_2273 = tpu.memref_slice %arg4[%dma_wait3A_2271, %dma_wait3A_2272] : memref<16x1000000xf32, #tpu.memory_space<hbm>> -> memref<16x128xf32, #tpu.memory_space<hbm>>
      %dma_wait3A_2274 = arith.constant 0 : i32
      %dma_wait3A_2275 = arith.constant 0 : i32
      %dma_wait3A_2276 = tpu.memref_slice %arg9[%dma_wait3A_2265, %dma_wait3A_2266, %dma_wait3A_2274, %dma_wait3A_2275] : memref<3x8x16x128xf32, #tpu.memory_space<vmem>> -> memref<1x1x16x128xf32, #tpu.memory_space<vmem>>
      %dma_wait3A_2277 = tpu.memref_squeeze %dma_wait3A_2276 : memref<1x1x16x128xf32, #tpu.memory_space<vmem>> -> memref<16x128xf32, #tpu.memory_space<vmem>>
      %dma_wait3A_2278 = arith.constant 0 : i32
      %dma_wait3A_2279 = arith.constant 0 : i32
      %dma_wait3A_2280 = tpu.memref_slice %arg4[%dma_wait3A_2278, %dma_wait3A_2279] : memref<16x1000000xf32, #tpu.memory_space<hbm>> -> memref<16x128xf32, #tpu.memory_space<hbm>>
      tpu.wait_dma2 semaphore(%arg17 : memref<!tpu.dma_semaphore, #tpu.memory_space<semaphore_mem>>) src(%dma_wait3A_2280 : memref<16x128xf32, #tpu.memory_space<hbm>>) dst(%dma_wait3A_2277 : memref<16x128xf32, #tpu.memory_space<vmem>>)
      %dma_wait3A_2281 = arith.constant 2 : i32
      %dma_wait3A_2282 = arith.constant 0 : i32
      %dma_wait3A_2283 = arith.constant 0 : i32
      %dma_wait3A_2284 = arith.constant 0 : i32
      %dma_wait3A_2285 = tpu.memref_slice %arg10[%dma_wait3A_2281, %dma_wait3A_2282, %dma_wait3A_2283, %dma_wait3A_2284] : memref<3x8x16x128xf32, #tpu.memory_space<vmem>> -> memref<1x1x16x128xf32, #tpu.memory_space<vmem>>
      %dma_wait3A_2286 = tpu.memref_squeeze %dma_wait3A_2285 : memref<1x1x16x128xf32, #tpu.memory_space<vmem>> -> memref<16x128xf32, #tpu.memory_space<vmem>>
      %dma_wait3A_2287 = arith.constant 0 : i32
      %dma_wait3A_2288 = arith.constant 0 : i32
      %dma_wait3A_2289 = tpu.memref_slice %arg5[%dma_wait3A_2287, %dma_wait3A_2288] : memref<16x1000000xf32, #tpu.memory_space<hbm>> -> memref<16x128xf32, #tpu.memory_space<hbm>>
      %dma_wait3A_2290 = arith.constant 0 : i32
      %dma_wait3A_2291 = arith.constant 0 : i32
      %dma_wait3A_2292 = tpu.memref_slice %arg10[%dma_wait3A_2281, %dma_wait3A_2282, %dma_wait3A_2290, %dma_wait3A_2291] : memref<3x8x16x128xf32, #tpu.memory_space<vmem>> -> memref<1x1x16x128xf32, #tpu.memory_space<vmem>>
      %dma_wait3A_2293 = tpu.memref_squeeze %dma_wait3A_2292 : memref<1x1x16x128xf32, #tpu.memory_space<vmem>> -> memref<16x128xf32, #tpu.memory_space<vmem>>
      %dma_wait3A_2294 = arith.constant 0 : i32
      %dma_wait3A_2295 = arith.constant 0 : i32
      %dma_wait3A_2296 = tpu.memref_slice %arg5[%dma_wait3A_2294, %dma_wait3A_2295] : memref<16x1000000xf32, #tpu.memory_space<hbm>> -> memref<16x128xf32, #tpu.memory_space<hbm>>
      tpu.wait_dma2 semaphore(%arg18 : memref<!tpu.dma_semaphore, #tpu.memory_space<semaphore_mem>>) src(%dma_wait3A_2296 : memref<16x128xf32, #tpu.memory_space<hbm>>) dst(%dma_wait3A_2293 : memref<16x128xf32, #tpu.memory_space<vmem>>)
      %dma_wait3A_2297 = arith.constant 2 : i32
      %dma_wait3A_2298 = arith.constant 0 : i32
      %dma_wait3A_2299 = arith.constant 0 : i32
      %dma_wait3A_2300 = arith.constant 0 : i32
      %dma_wait3A_2301 = tpu.memref_slice %arg9[%dma_wait3A_2297, %dma_wait3A_2298, %dma_wait3A_2299, %dma_wait3A_2300] : memref<3x8x16x128xf32, #tpu.memory_space<vmem>> -> memref<1x1x16x128xf32, #tpu.memory_space<vmem>>
      %dma_wait3A_2302 = tpu.memref_squeeze %dma_wait3A_2301 : memref<1x1x16x128xf32, #tpu.memory_space<vmem>> -> memref<16x128xf32, #tpu.memory_space<vmem>>
      %dma_wait3A_2303 = arith.constant 0 : i32
      %dma_wait3A_2304 = arith.constant 0 : i32
      %dma_wait3A_2305 = tpu.memref_slice %arg4[%dma_wait3A_2303, %dma_wait3A_2304] : memref<16x1000000xf32, #tpu.memory_space<hbm>> -> memref<16x128xf32, #tpu.memory_space<hbm>>
      %dma_wait3A_2306 = arith.constant 0 : i32
      %dma_wait3A_2307 = arith.constant 0 : i32
      %dma_wait3A_2308 = tpu.memref_slice %arg9[%dma_wait3A_2297, %dma_wait3A_2298, %dma_wait3A_2306, %dma_wait3A_2307] : memref<3x8x16x128xf32, #tpu.memory_space<vmem>> -> memref<1x1x16x128xf32, #tpu.memory_space<vmem>>
      %dma_wait3A_2309 = tpu.memref_squeeze %dma_wait3A_2308 : memref<1x1x16x128xf32, #tpu.memory_space<vmem>> -> memref<16x128xf32, #tpu.memory_space<vmem>>
      %dma_wait3A_2310 = arith.constant 0 : i32
      %dma_wait3A_2311 = arith.constant 0 : i32
      %dma_wait3A_2312 = tpu.memref_slice %arg4[%dma_wait3A_2310, %dma_wait3A_2311] : memref<16x1000000xf32, #tpu.memory_space<hbm>> -> memref<16x128xf32, #tpu.memory_space<hbm>>
      tpu.wait_dma2 semaphore(%arg17 : memref<!tpu.dma_semaphore, #tpu.memory_space<semaphore_mem>>) src(%dma_wait3A_2312 : memref<16x128xf32, #tpu.memory_space<hbm>>) dst(%dma_wait3A_2309 : memref<16x128xf32, #tpu.memory_space<vmem>>)
      %dma_wait3A_2313 = arith.constant 2 : i32
      %dma_wait3A_2314 = arith.constant 0 : i32
      %dma_wait3A_2315 = arith.constant 0 : i32
      %dma_wait3A_2316 = arith.constant 0 : i32
      %dma_wait3A_2317 = tpu.memref_slice %arg10[%dma_wait3A_2313, %dma_wait3A_2314, %dma_wait3A_2315, %dma_wait3A_2316] : memref<3x8x16x128xf32, #tpu.memory_space<vmem>> -> memref<1x1x16x128xf32, #tpu.memory_space<vmem>>
      %dma_wait3A_2318 = tpu.memref_squeeze %dma_wait3A_2317 : memref<1x1x16x128xf32, #tpu.memory_space<vmem>> -> memref<16x128xf32, #tpu.memory_space<vmem>>
      %dma_wait3A_2319 = arith.constant 0 : i32
      %dma_wait3A_2320 = arith.constant 0 : i32
      %dma_wait3A_2321 = tpu.memref_slice %arg5[%dma_wait3A_2319, %dma_wait3A_2320] : memref<16x1000000xf32, #tpu.memory_space<hbm>> -> memref<16x128xf32, #tpu.memory_space<hbm>>
      %dma_wait3A_2322 = arith.constant 0 : i32
      %dma_wait3A_2323 = arith.constant 0 : i32
      %dma_wait3A_2324 = tpu.memref_slice %arg10[%dma_wait3A_2313, %dma_wait3A_2314, %dma_wait3A_2322, %dma_wait3A_2323] : memref<3x8x16x128xf32, #tpu.memory_space<vmem>> -> memref<1x1x16x128xf32, #tpu.memory_space<vmem>>
      %dma_wait3A_2325 = tpu.memref_squeeze %dma_wait3A_2324 : memref<1x1x16x128xf32, #tpu.memory_space<vmem>> -> memref<16x128xf32, #tpu.memory_space<vmem>>
      %dma_wait3A_2326 = arith.constant 0 : i32
      %dma_wait3A_2327 = arith.constant 0 : i32
      %dma_wait3A_2328 = tpu.memref_slice %arg5[%dma_wait3A_2326, %dma_wait3A_2327] : memref<16x1000000xf32, #tpu.memory_space<hbm>> -> memref<16x128xf32, #tpu.memory_space<hbm>>
      tpu.wait_dma2 semaphore(%arg18 : memref<!tpu.dma_semaphore, #tpu.memory_space<semaphore_mem>>) src(%dma_wait3A_2328 : memref<16x128xf32, #tpu.memory_space<hbm>>) dst(%dma_wait3A_2325 : memref<16x128xf32, #tpu.memory_space<vmem>>)
      %dma_wait3A_2329 = arith.constant 2 : i32
      %dma_wait3A_2330 = arith.constant 0 : i32
      %dma_wait3A_2331 = arith.constant 0 : i32
      %dma_wait3A_2332 = arith.constant 0 : i32
      %dma_wait3A_2333 = tpu.memref_slice %arg9[%dma_wait3A_2329, %dma_wait3A_2330, %dma_wait3A_2331, %dma_wait3A_2332] : memref<3x8x16x128xf32, #tpu.memory_space<vmem>> -> memref<1x1x16x128xf32, #tpu.memory_space<vmem>>
      %dma_wait3A_2334 = tpu.memref_squeeze %dma_wait3A_2333 : memref<1x1x16x128xf32, #tpu.memory_space<vmem>> -> memref<16x128xf32, #tpu.memory_space<vmem>>
      %dma_wait3A_2335 = arith.constant 0 : i32
      %dma_wait3A_2336 = arith.constant 0 : i32
      %dma_wait3A_2337 = tpu.memref_slice %arg4[%dma_wait3A_2335, %dma_wait3A_2336] : memref<16x1000000xf32, #tpu.memory_space<hbm>> -> memref<16x128xf32, #tpu.memory_space<hbm>>
      %dma_wait3A_2338 = arith.constant 0 : i32
      %dma_wait3A_2339 = arith.constant 0 : i32
      %dma_wait3A_2340 = tpu.memref_slice %arg9[%dma_wait3A_2329, %dma_wait3A_2330, %dma_wait3A_2338, %dma_wait3A_2339] : memref<3x8x16x128xf32, #tpu.memory_space<vmem>> -> memref<1x1x16x128xf32, #tpu.memory_space<vmem>>
      %dma_wait3A_2341 = tpu.memref_squeeze %dma_wait3A_2340 : memref<1x1x16x128xf32, #tpu.memory_space<vmem>> -> memref<16x128xf32, #tpu.memory_space<vmem>>
      %dma_wait3A_2342 = arith.constant 0 : i32
      %dma_wait3A_2343 = arith.constant 0 : i32
      %dma_wait3A_2344 = tpu.memref_slice %arg4[%dma_wait3A_2342, %dma_wait3A_2343] : memref<16x1000000xf32, #tpu.memory_space<hbm>> -> memref<16x128xf32, #tpu.memory_space<hbm>>
      tpu.wait_dma2 semaphore(%arg17 : memref<!tpu.dma_semaphore, #tpu.memory_space<semaphore_mem>>) src(%dma_wait3A_2344 : memref<16x128xf32, #tpu.memory_space<hbm>>) dst(%dma_wait3A_2341 : memref<16x128xf32, #tpu.memory_space<vmem>>)
      %dma_wait3A_2345 = arith.constant 2 : i32
      %dma_wait3A_2346 = arith.constant 0 : i32
      %dma_wait3A_2347 = arith.constant 0 : i32
      %dma_wait3A_2348 = arith.constant 0 : i32
      %dma_wait3A_2349 = tpu.memref_slice %arg10[%dma_wait3A_2345, %dma_wait3A_2346, %dma_wait3A_2347, %dma_wait3A_2348] : memref<3x8x16x128xf32, #tpu.memory_space<vmem>> -> memref<1x1x16x128xf32, #tpu.memory_space<vmem>>
      %dma_wait3A_2350 = tpu.memref_squeeze %dma_wait3A_2349 : memref<1x1x16x128xf32, #tpu.memory_space<vmem>> -> memref<16x128xf32, #tpu.memory_space<vmem>>
      %dma_wait3A_2351 = arith.constant 0 : i32
      %dma_wait3A_2352 = arith.constant 0 : i32
      %dma_wait3A_2353 = tpu.memref_slice %arg5[%dma_wait3A_2351, %dma_wait3A_2352] : memref<16x1000000xf32, #tpu.memory_space<hbm>> -> memref<16x128xf32, #tpu.memory_space<hbm>>
      %dma_wait3A_2354 = arith.constant 0 : i32
      %dma_wait3A_2355 = arith.constant 0 : i32
      %dma_wait3A_2356 = tpu.memref_slice %arg10[%dma_wait3A_2345, %dma_wait3A_2346, %dma_wait3A_2354, %dma_wait3A_2355] : memref<3x8x16x128xf32, #tpu.memory_space<vmem>> -> memref<1x1x16x128xf32, #tpu.memory_space<vmem>>
      %dma_wait3A_2357 = tpu.memref_squeeze %dma_wait3A_2356 : memref<1x1x16x128xf32, #tpu.memory_space<vmem>> -> memref<16x128xf32, #tpu.memory_space<vmem>>
      %dma_wait3A_2358 = arith.constant 0 : i32
      %dma_wait3A_2359 = arith.constant 0 : i32
      %dma_wait3A_2360 = tpu.memref_slice %arg5[%dma_wait3A_2358, %dma_wait3A_2359] : memref<16x1000000xf32, #tpu.memory_space<hbm>> -> memref<16x128xf32, #tpu.memory_space<hbm>>
      tpu.wait_dma2 semaphore(%arg18 : memref<!tpu.dma_semaphore, #tpu.memory_space<semaphore_mem>>) src(%dma_wait3A_2360 : memref<16x128xf32, #tpu.memory_space<hbm>>) dst(%dma_wait3A_2357 : memref<16x128xf32, #tpu.memory_space<vmem>>)
      %dma_wait3A_2361 = arith.constant 2 : i32
      %dma_wait3A_2362 = arith.constant 0 : i32
      %dma_wait3A_2363 = arith.constant 0 : i32
      %dma_wait3A_2364 = arith.constant 0 : i32
      %dma_wait3A_2365 = tpu.memref_slice %arg9[%dma_wait3A_2361, %dma_wait3A_2362, %dma_wait3A_2363, %dma_wait3A_2364] : memref<3x8x16x128xf32, #tpu.memory_space<vmem>> -> memref<1x1x16x128xf32, #tpu.memory_space<vmem>>
      %dma_wait3A_2366 = tpu.memref_squeeze %dma_wait3A_2365 : memref<1x1x16x128xf32, #tpu.memory_space<vmem>> -> memref<16x128xf32, #tpu.memory_space<vmem>>
      %dma_wait3A_2367 = arith.constant 0 : i32
      %dma_wait3A_2368 = arith.constant 0 : i32
      %dma_wait3A_2369 = tpu.memref_slice %arg4[%dma_wait3A_2367, %dma_wait3A_2368] : memref<16x1000000xf32, #tpu.memory_space<hbm>> -> memref<16x128xf32, #tpu.memory_space<hbm>>
      %dma_wait3A_2370 = arith.constant 0 : i32
      %dma_wait3A_2371 = arith.constant 0 : i32
      %dma_wait3A_2372 = tpu.memref_slice %arg9[%dma_wait3A_2361, %dma_wait3A_2362, %dma_wait3A_2370, %dma_wait3A_2371] : memref<3x8x16x128xf32, #tpu.memory_space<vmem>> -> memref<1x1x16x128xf32, #tpu.memory_space<vmem>>
      %dma_wait3A_2373 = tpu.memref_squeeze %dma_wait3A_2372 : memref<1x1x16x128xf32, #tpu.memory_space<vmem>> -> memref<16x128xf32, #tpu.memory_space<vmem>>
      %dma_wait3A_2374 = arith.constant 0 : i32
      %dma_wait3A_2375 = arith.constant 0 : i32
      %dma_wait3A_2376 = tpu.memref_slice %arg4[%dma_wait3A_2374, %dma_wait3A_2375] : memref<16x1000000xf32, #tpu.memory_space<hbm>> -> memref<16x128xf32, #tpu.memory_space<hbm>>
      tpu.wait_dma2 semaphore(%arg17 : memref<!tpu.dma_semaphore, #tpu.memory_space<semaphore_mem>>) src(%dma_wait3A_2376 : memref<16x128xf32, #tpu.memory_space<hbm>>) dst(%dma_wait3A_2373 : memref<16x128xf32, #tpu.memory_space<vmem>>)
      %dma_wait3A_2377 = arith.constant 2 : i32
      %dma_wait3A_2378 = arith.constant 0 : i32
      %dma_wait3A_2379 = arith.constant 0 : i32
      %dma_wait3A_2380 = arith.constant 0 : i32
      %dma_wait3A_2381 = tpu.memref_slice %arg10[%dma_wait3A_2377, %dma_wait3A_2378, %dma_wait3A_2379, %dma_wait3A_2380] : memref<3x8x16x128xf32, #tpu.memory_space<vmem>> -> memref<1x1x16x128xf32, #tpu.memory_space<vmem>>
      %dma_wait3A_2382 = tpu.memref_squeeze %dma_wait3A_2381 : memref<1x1x16x128xf32, #tpu.memory_space<vmem>> -> memref<16x128xf32, #tpu.memory_space<vmem>>
      %dma_wait3A_2383 = arith.constant 0 : i32
      %dma_wait3A_2384 = arith.constant 0 : i32
      %dma_wait3A_2385 = tpu.memref_slice %arg5[%dma_wait3A_2383, %dma_wait3A_2384] : memref<16x1000000xf32, #tpu.memory_space<hbm>> -> memref<16x128xf32, #tpu.memory_space<hbm>>
      %dma_wait3A_2386 = arith.constant 0 : i32
      %dma_wait3A_2387 = arith.constant 0 : i32
      %dma_wait3A_2388 = tpu.memref_slice %arg10[%dma_wait3A_2377, %dma_wait3A_2378, %dma_wait3A_2386, %dma_wait3A_2387] : memref<3x8x16x128xf32, #tpu.memory_space<vmem>> -> memref<1x1x16x128xf32, #tpu.memory_space<vmem>>
      %dma_wait3A_2389 = tpu.memref_squeeze %dma_wait3A_2388 : memref<1x1x16x128xf32, #tpu.memory_space<vmem>> -> memref<16x128xf32, #tpu.memory_space<vmem>>
      %dma_wait3A_2390 = arith.constant 0 : i32
      %dma_wait3A_2391 = arith.constant 0 : i32
      %dma_wait3A_2392 = tpu.memref_slice %arg5[%dma_wait3A_2390, %dma_wait3A_2391] : memref<16x1000000xf32, #tpu.memory_space<hbm>> -> memref<16x128xf32, #tpu.memory_space<hbm>>
      tpu.wait_dma2 semaphore(%arg18 : memref<!tpu.dma_semaphore, #tpu.memory_space<semaphore_mem>>) src(%dma_wait3A_2392 : memref<16x128xf32, #tpu.memory_space<hbm>>) dst(%dma_wait3A_2389 : memref<16x128xf32, #tpu.memory_space<vmem>>)
      %dma_wait3A_2393 = arith.constant 2 : i32
      %dma_wait3A_2394 = arith.constant 0 : i32
      %dma_wait3A_2395 = arith.constant 0 : i32
      %dma_wait3A_2396 = arith.constant 0 : i32
      %dma_wait3A_2397 = tpu.memref_slice %arg9[%dma_wait3A_2393, %dma_wait3A_2394, %dma_wait3A_2395, %dma_wait3A_2396] : memref<3x8x16x128xf32, #tpu.memory_space<vmem>> -> memref<1x1x16x128xf32, #tpu.memory_space<vmem>>
      %dma_wait3A_2398 = tpu.memref_squeeze %dma_wait3A_2397 : memref<1x1x16x128xf32, #tpu.memory_space<vmem>> -> memref<16x128xf32, #tpu.memory_space<vmem>>
      %dma_wait3A_2399 = arith.constant 0 : i32
      %dma_wait3A_2400 = arith.constant 0 : i32
      %dma_wait3A_2401 = tpu.memref_slice %arg4[%dma_wait3A_2399, %dma_wait3A_2400] : memref<16x1000000xf32, #tpu.memory_space<hbm>> -> memref<16x128xf32, #tpu.memory_space<hbm>>
      %dma_wait3A_2402 = arith.constant 0 : i32
      %dma_wait3A_2403 = arith.constant 0 : i32
      %dma_wait3A_2404 = tpu.memref_slice %arg9[%dma_wait3A_2393, %dma_wait3A_2394, %dma_wait3A_2402, %dma_wait3A_2403] : memref<3x8x16x128xf32, #tpu.memory_space<vmem>> -> memref<1x1x16x128xf32, #tpu.memory_space<vmem>>
      %dma_wait3A_2405 = tpu.memref_squeeze %dma_wait3A_2404 : memref<1x1x16x128xf32, #tpu.memory_space<vmem>> -> memref<16x128xf32, #tpu.memory_space<vmem>>
      %dma_wait3A_2406 = arith.constant 0 : i32
      %dma_wait3A_2407 = arith.constant 0 : i32
      %dma_wait3A_2408 = tpu.memref_slice %arg4[%dma_wait3A_2406, %dma_wait3A_2407] : memref<16x1000000xf32, #tpu.memory_space<hbm>> -> memref<16x128xf32, #tpu.memory_space<hbm>>
      tpu.wait_dma2 semaphore(%arg17 : memref<!tpu.dma_semaphore, #tpu.memory_space<semaphore_mem>>) src(%dma_wait3A_2408 : memref<16x128xf32, #tpu.memory_space<hbm>>) dst(%dma_wait3A_2405 : memref<16x128xf32, #tpu.memory_space<vmem>>)
      %dma_wait3A_2409 = arith.constant 2 : i32
      %dma_wait3A_2410 = arith.constant 0 : i32
      %dma_wait3A_2411 = arith.constant 0 : i32
      %dma_wait3A_2412 = arith.constant 0 : i32
      %dma_wait3A_2413 = tpu.memref_slice %arg10[%dma_wait3A_2409, %dma_wait3A_2410, %dma_wait3A_2411, %dma_wait3A_2412] : memref<3x8x16x128xf32, #tpu.memory_space<vmem>> -> memref<1x1x16x128xf32, #tpu.memory_space<vmem>>
      %dma_wait3A_2414 = tpu.memref_squeeze %dma_wait3A_2413 : memref<1x1x16x128xf32, #tpu.memory_space<vmem>> -> memref<16x128xf32, #tpu.memory_space<vmem>>
      %dma_wait3A_2415 = arith.constant 0 : i32
      %dma_wait3A_2416 = arith.constant 0 : i32
      %dma_wait3A_2417 = tpu.memref_slice %arg5[%dma_wait3A_2415, %dma_wait3A_2416] : memref<16x1000000xf32, #tpu.memory_space<hbm>> -> memref<16x128xf32, #tpu.memory_space<hbm>>
      %dma_wait3A_2418 = arith.constant 0 : i32
      %dma_wait3A_2419 = arith.constant 0 : i32
      %dma_wait3A_2420 = tpu.memref_slice %arg10[%dma_wait3A_2409, %dma_wait3A_2410, %dma_wait3A_2418, %dma_wait3A_2419] : memref<3x8x16x128xf32, #tpu.memory_space<vmem>> -> memref<1x1x16x128xf32, #tpu.memory_space<vmem>>
      %dma_wait3A_2421 = tpu.memref_squeeze %dma_wait3A_2420 : memref<1x1x16x128xf32, #tpu.memory_space<vmem>> -> memref<16x128xf32, #tpu.memory_space<vmem>>
      %dma_wait3A_2422 = arith.constant 0 : i32
      %dma_wait3A_2423 = arith.constant 0 : i32
      %dma_wait3A_2424 = tpu.memref_slice %arg5[%dma_wait3A_2422, %dma_wait3A_2423] : memref<16x1000000xf32, #tpu.memory_space<hbm>> -> memref<16x128xf32, #tpu.memory_space<hbm>>
      tpu.wait_dma2 semaphore(%arg18 : memref<!tpu.dma_semaphore, #tpu.memory_space<semaphore_mem>>) src(%dma_wait3A_2424 : memref<16x128xf32, #tpu.memory_space<hbm>>) dst(%dma_wait3A_2421 : memref<16x128xf32, #tpu.memory_space<vmem>>)
      %dma_wait3A_2425 = arith.constant 2 : i32
      %dma_wait3A_2426 = arith.constant 0 : i32
      %dma_wait3A_2427 = arith.constant 0 : i32
      %dma_wait3A_2428 = arith.constant 0 : i32
      %dma_wait3A_2429 = tpu.memref_slice %arg9[%dma_wait3A_2425, %dma_wait3A_2426, %dma_wait3A_2427, %dma_wait3A_2428] : memref<3x8x16x128xf32, #tpu.memory_space<vmem>> -> memref<1x1x16x128xf32, #tpu.memory_space<vmem>>
      %dma_wait3A_2430 = tpu.memref_squeeze %dma_wait3A_2429 : memref<1x1x16x128xf32, #tpu.memory_space<vmem>> -> memref<16x128xf32, #tpu.memory_space<vmem>>
      %dma_wait3A_2431 = arith.constant 0 : i32
      %dma_wait3A_2432 = arith.constant 0 : i32
      %dma_wait3A_2433 = tpu.memref_slice %arg4[%dma_wait3A_2431, %dma_wait3A_2432] : memref<16x1000000xf32, #tpu.memory_space<hbm>> -> memref<16x128xf32, #tpu.memory_space<hbm>>
      %dma_wait3A_2434 = arith.constant 0 : i32
      %dma_wait3A_2435 = arith.constant 0 : i32
      %dma_wait3A_2436 = tpu.memref_slice %arg9[%dma_wait3A_2425, %dma_wait3A_2426, %dma_wait3A_2434, %dma_wait3A_2435] : memref<3x8x16x128xf32, #tpu.memory_space<vmem>> -> memref<1x1x16x128xf32, #tpu.memory_space<vmem>>
      %dma_wait3A_2437 = tpu.memref_squeeze %dma_wait3A_2436 : memref<1x1x16x128xf32, #tpu.memory_space<vmem>> -> memref<16x128xf32, #tpu.memory_space<vmem>>
      %dma_wait3A_2438 = arith.constant 0 : i32
      %dma_wait3A_2439 = arith.constant 0 : i32
      %dma_wait3A_2440 = tpu.memref_slice %arg4[%dma_wait3A_2438, %dma_wait3A_2439] : memref<16x1000000xf32, #tpu.memory_space<hbm>> -> memref<16x128xf32, #tpu.memory_space<hbm>>
      tpu.wait_dma2 semaphore(%arg17 : memref<!tpu.dma_semaphore, #tpu.memory_space<semaphore_mem>>) src(%dma_wait3A_2440 : memref<16x128xf32, #tpu.memory_space<hbm>>) dst(%dma_wait3A_2437 : memref<16x128xf32, #tpu.memory_space<vmem>>)
      %dma_wait3A_2441 = arith.constant 2 : i32
      %dma_wait3A_2442 = arith.constant 0 : i32
      %dma_wait3A_2443 = arith.constant 0 : i32
      %dma_wait3A_2444 = arith.constant 0 : i32
      %dma_wait3A_2445 = tpu.memref_slice %arg10[%dma_wait3A_2441, %dma_wait3A_2442, %dma_wait3A_2443, %dma_wait3A_2444] : memref<3x8x16x128xf32, #tpu.memory_space<vmem>> -> memref<1x1x16x128xf32, #tpu.memory_space<vmem>>
      %dma_wait3A_2446 = tpu.memref_squeeze %dma_wait3A_2445 : memref<1x1x16x128xf32, #tpu.memory_space<vmem>> -> memref<16x128xf32, #tpu.memory_space<vmem>>
      %dma_wait3A_2447 = arith.constant 0 : i32
      %dma_wait3A_2448 = arith.constant 0 : i32
      %dma_wait3A_2449 = tpu.memref_slice %arg5[%dma_wait3A_2447, %dma_wait3A_2448] : memref<16x1000000xf32, #tpu.memory_space<hbm>> -> memref<16x128xf32, #tpu.memory_space<hbm>>
      %dma_wait3A_2450 = arith.constant 0 : i32
      %dma_wait3A_2451 = arith.constant 0 : i32
      %dma_wait3A_2452 = tpu.memref_slice %arg10[%dma_wait3A_2441, %dma_wait3A_2442, %dma_wait3A_2450, %dma_wait3A_2451] : memref<3x8x16x128xf32, #tpu.memory_space<vmem>> -> memref<1x1x16x128xf32, #tpu.memory_space<vmem>>
      %dma_wait3A_2453 = tpu.memref_squeeze %dma_wait3A_2452 : memref<1x1x16x128xf32, #tpu.memory_space<vmem>> -> memref<16x128xf32, #tpu.memory_space<vmem>>
      %dma_wait3A_2454 = arith.constant 0 : i32
      %dma_wait3A_2455 = arith.constant 0 : i32
      %dma_wait3A_2456 = tpu.memref_slice %arg5[%dma_wait3A_2454, %dma_wait3A_2455] : memref<16x1000000xf32, #tpu.memory_space<hbm>> -> memref<16x128xf32, #tpu.memory_space<hbm>>
      tpu.wait_dma2 semaphore(%arg18 : memref<!tpu.dma_semaphore, #tpu.memory_space<semaphore_mem>>) src(%dma_wait3A_2456 : memref<16x128xf32, #tpu.memory_space<hbm>>) dst(%dma_wait3A_2453 : memref<16x128xf32, #tpu.memory_space<vmem>>)
      %mul3A_2457 = arith.constant 8 : i32
      %mul3A_2458 = arith.muli %add3A_2182, %mul3A_2457 : i32
      %get3A_2459 = arith.index_cast %mul3A_2458 : i32 to index
      %get3A_2460 = tpu.vector_load %arg7[%get3A_2459] {strides = array<i32>} : memref<520xi32, #tpu.memory_space<vmem>>, vector<16xi32>,
      %and3A_2461 = arith.constant 127 : i32
      %and3A_2462 = vector.broadcast %and3A_2461 : i32 to vector<16xi32>
      %and3A_2463 = arith.andi %get3A_2460, %and3A_2462 : vector<16xi32>
      %mul3A_2464 = arith.constant 8 : i32
      %mul3A_2465 = arith.muli %add3A_2182, %mul3A_2464 : i32
      %get3A_2466 = arith.index_cast %mul3A_2465 : i32 to index
      %get3A_2467 = tpu.vector_load %arg8[%get3A_2466] {strides = array<i32>} : memref<520xi32, #tpu.memory_space<vmem>>, vector<16xi32>,
      %and3A_2468 = arith.constant 127 : i32
      %and3A_2469 = vector.broadcast %and3A_2468 : i32 to vector<16xi32>
      %and3A_2470 = arith.andi %get3A_2467, %and3A_2469 : vector<16xi32>
      %slice3A_2471 = vector.extract_strided_slice %and3A_2463 {offsets = [0], sizes = [1], strides = [1]} : vector<16xi32> to vector<1xi32>
      %reshape3A_2472 = vector.extract %slice3A_2471[0] : i32 from vector<1xi32>
      %broadcast_in_dim3A_2473 = vector.broadcast %reshape3A_2472 : i32 to vector<16xi32>
      %slice3A_2474 = vector.extract_strided_slice %and3A_2470 {offsets = [0], sizes = [1], strides = [1]} : vector<16xi32> to vector<1xi32>
      %reshape3A_2475 = vector.extract %slice3A_2474[0] : i32 from vector<1xi32>
      %broadcast_in_dim3A_2476 = vector.broadcast %reshape3A_2475 : i32 to vector<16xi32>
      %gather3A_2477 = arith.constant 2 : i32
      %gather3A_2478 = arith.constant 0 : i32
      %gather3A_2479 = arith.constant 0 : i32
      %gather3A_2480 = arith.constant 0 : i32
      %gather3A_2481 = tpu.memref_slice %arg9[%gather3A_2477, %gather3A_2478, %gather3A_2479, %gather3A_2480] : memref<3x8x16x128xf32, #tpu.memory_space<vmem>> -> memref<1x1x16x128xf32, #tpu.memory_space<vmem>>
      %gather3A_2482 = tpu.memref_squeeze %gather3A_2481 : memref<1x1x16x128xf32, #tpu.memory_space<vmem>> -> memref<16x128xf32, #tpu.memory_space<vmem>>
      %gather3A_2483 = tpu.vector_load_idx %gather3A_2482[%iota3A, %broadcast_in_dim3A_2473] : memref<16x128xf32, #tpu.memory_space<vmem>>[vector<16xi32>, vector<16xi32>], vector<16xf32>,
      %gather3A_2484 = arith.constant 2 : i32
      %gather3A_2485 = arith.constant 0 : i32
      %gather3A_2486 = arith.constant 0 : i32
      %gather3A_2487 = arith.constant 0 : i32
      %gather3A_2488 = tpu.memref_slice %arg10[%gather3A_2484, %gather3A_2485, %gather3A_2486, %gather3A_2487] : memref<3x8x16x128xf32, #tpu.memory_space<vmem>> -> memref<1x1x16x128xf32, #tpu.memory_space<vmem>>
      %gather3A_2489 = tpu.memref_squeeze %gather3A_2488 : memref<1x1x16x128xf32, #tpu.memory_space<vmem>> -> memref<16x128xf32, #tpu.memory_space<vmem>>
      %gather3A_2490 = tpu.vector_load_idx %gather3A_2489[%iota3A, %broadcast_in_dim3A_2476] : memref<16x128xf32, #tpu.memory_space<vmem>>[vector<16xi32>, vector<16xi32>], vector<16xf32>,
      %mul3A_2491 = arith.constant 16 : i32
      %mul3A_2492 = vector.broadcast %mul3A_2491 : i32 to vector<16xi32>
      %mul3A_2493 = arith.muli %iota3A, %mul3A_2492 : vector<16xi32>
      %mul3A_2494 = arith.constant 8 : i32
      %mul3A_2495 = arith.muli %select_n3A_2200, %mul3A_2494 : i32
      %add3A_2496 = arith.constant 0 : i32
      %add3A_2497 = arith.addi %mul3A_2495, %add3A_2496 : i32
      %add3A_2498 = vector.broadcast %add3A_2497 : i32 to vector<16xi32>
      %add3A_2499 = arith.addi %mul3A_2493, %add3A_2498 : vector<16xi32>
      %mul3A_2500 = arith.mulf %gather3A_2483, %gather3A_2490 : vector<16xf32>
      tpu.vector_store_idx %arg11[%add3A_2499], %mul3A_2500 : memref<256xf32, #tpu.memory_space<vmem>>[vector<16xi32>], vector<16xf32>,
      %slice3A_2501 = vector.extract_strided_slice %and3A_2463 {offsets = [1], sizes = [1], strides = [1]} : vector<16xi32> to vector<1xi32>
      %reshape3A_2502 = vector.extract %slice3A_2501[0] : i32 from vector<1xi32>
      %broadcast_in_dim3A_2503 = vector.broadcast %reshape3A_2502 : i32 to vector<16xi32>
      %slice3A_2504 = vector.extract_strided_slice %and3A_2470 {offsets = [1], sizes = [1], strides = [1]} : vector<16xi32> to vector<1xi32>
      %reshape3A_2505 = vector.extract %slice3A_2504[0] : i32 from vector<1xi32>
      %broadcast_in_dim3A_2506 = vector.broadcast %reshape3A_2505 : i32 to vector<16xi32>
      %gather3A_2507 = arith.constant 2 : i32
      %gather3A_2508 = arith.constant 1 : i32
      %gather3A_2509 = arith.constant 0 : i32
      %gather3A_2510 = arith.constant 0 : i32
      %gather3A_2511 = tpu.memref_slice %arg9[%gather3A_2507, %gather3A_2508, %gather3A_2509, %gather3A_2510] : memref<3x8x16x128xf32, #tpu.memory_space<vmem>> -> memref<1x1x16x128xf32, #tpu.memory_space<vmem>>
      %gather3A_2512 = tpu.memref_squeeze %gather3A_2511 : memref<1x1x16x128xf32, #tpu.memory_space<vmem>> -> memref<16x128xf32, #tpu.memory_space<vmem>>
      %gather3A_2513 = tpu.vector_load_idx %gather3A_2512[%iota3A, %broadcast_in_dim3A_2503] : memref<16x128xf32, #tpu.memory_space<vmem>>[vector<16xi32>, vector<16xi32>], vector<16xf32>,
      %gather3A_2514 = arith.constant 2 : i32
      %gather3A_2515 = arith.constant 1 : i32
      %gather3A_2516 = arith.constant 0 : i32
      %gather3A_2517 = arith.constant 0 : i32
      %gather3A_2518 = tpu.memref_slice %arg10[%gather3A_2514, %gather3A_2515, %gather3A_2516, %gather3A_2517] : memref<3x8x16x128xf32, #tpu.memory_space<vmem>> -> memref<1x1x16x128xf32, #tpu.memory_space<vmem>>
      %gather3A_2519 = tpu.memref_squeeze %gather3A_2518 : memref<1x1x16x128xf32, #tpu.memory_space<vmem>> -> memref<16x128xf32, #tpu.memory_space<vmem>>
      %gather3A_2520 = tpu.vector_load_idx %gather3A_2519[%iota3A, %broadcast_in_dim3A_2506] : memref<16x128xf32, #tpu.memory_space<vmem>>[vector<16xi32>, vector<16xi32>], vector<16xf32>,
      %mul3A_2521 = arith.constant 16 : i32
      %mul3A_2522 = vector.broadcast %mul3A_2521 : i32 to vector<16xi32>
      %mul3A_2523 = arith.muli %iota3A, %mul3A_2522 : vector<16xi32>
      %mul3A_2524 = arith.constant 8 : i32
      %mul3A_2525 = arith.muli %select_n3A_2200, %mul3A_2524 : i32
      %add3A_2526 = arith.constant 1 : i32
      %add3A_2527 = arith.addi %mul3A_2525, %add3A_2526 : i32
      %add3A_2528 = vector.broadcast %add3A_2527 : i32 to vector<16xi32>
      %add3A_2529 = arith.addi %mul3A_2523, %add3A_2528 : vector<16xi32>
      %mul3A_2530 = arith.mulf %gather3A_2513, %gather3A_2520 : vector<16xf32>
      tpu.vector_store_idx %arg11[%add3A_2529], %mul3A_2530 : memref<256xf32, #tpu.memory_space<vmem>>[vector<16xi32>], vector<16xf32>,
      %slice3A_2531 = vector.extract_strided_slice %and3A_2463 {offsets = [2], sizes = [1], strides = [1]} : vector<16xi32> to vector<1xi32>
      %reshape3A_2532 = vector.extract %slice3A_2531[0] : i32 from vector<1xi32>
      %broadcast_in_dim3A_2533 = vector.broadcast %reshape3A_2532 : i32 to vector<16xi32>
      %slice3A_2534 = vector.extract_strided_slice %and3A_2470 {offsets = [2], sizes = [1], strides = [1]} : vector<16xi32> to vector<1xi32>
      %reshape3A_2535 = vector.extract %slice3A_2534[0] : i32 from vector<1xi32>
      %broadcast_in_dim3A_2536 = vector.broadcast %reshape3A_2535 : i32 to vector<16xi32>
      %gather3A_2537 = arith.constant 2 : i32
      %gather3A_2538 = arith.constant 2 : i32
      %gather3A_2539 = arith.constant 0 : i32
      %gather3A_2540 = arith.constant 0 : i32
      %gather3A_2541 = tpu.memref_slice %arg9[%gather3A_2537, %gather3A_2538, %gather3A_2539, %gather3A_2540] : memref<3x8x16x128xf32, #tpu.memory_space<vmem>> -> memref<1x1x16x128xf32, #tpu.memory_space<vmem>>
      %gather3A_2542 = tpu.memref_squeeze %gather3A_2541 : memref<1x1x16x128xf32, #tpu.memory_space<vmem>> -> memref<16x128xf32, #tpu.memory_space<vmem>>
      %gather3A_2543 = tpu.vector_load_idx %gather3A_2542[%iota3A, %broadcast_in_dim3A_2533] : memref<16x128xf32, #tpu.memory_space<vmem>>[vector<16xi32>, vector<16xi32>], vector<16xf32>,
      %gather3A_2544 = arith.constant 2 : i32
      %gather3A_2545 = arith.constant 2 : i32
      %gather3A_2546 = arith.constant 0 : i32
      %gather3A_2547 = arith.constant 0 : i32
      %gather3A_2548 = tpu.memref_slice %arg10[%gather3A_2544, %gather3A_2545, %gather3A_2546, %gather3A_2547] : memref<3x8x16x128xf32, #tpu.memory_space<vmem>> -> memref<1x1x16x128xf32, #tpu.memory_space<vmem>>
      %gather3A_2549 = tpu.memref_squeeze %gather3A_2548 : memref<1x1x16x128xf32, #tpu.memory_space<vmem>> -> memref<16x128xf32, #tpu.memory_space<vmem>>
      %gather3A_2550 = tpu.vector_load_idx %gather3A_2549[%iota3A, %broadcast_in_dim3A_2536] : memref<16x128xf32, #tpu.memory_space<vmem>>[vector<16xi32>, vector<16xi32>], vector<16xf32>,
      %mul3A_2551 = arith.constant 16 : i32
      %mul3A_2552 = vector.broadcast %mul3A_2551 : i32 to vector<16xi32>
      %mul3A_2553 = arith.muli %iota3A, %mul3A_2552 : vector<16xi32>
      %mul3A_2554 = arith.constant 8 : i32
      %mul3A_2555 = arith.muli %select_n3A_2200, %mul3A_2554 : i32
      %add3A_2556 = arith.constant 2 : i32
      %add3A_2557 = arith.addi %mul3A_2555, %add3A_2556 : i32
      %add3A_2558 = vector.broadcast %add3A_2557 : i32 to vector<16xi32>
      %add3A_2559 = arith.addi %mul3A_2553, %add3A_2558 : vector<16xi32>
      %mul3A_2560 = arith.mulf %gather3A_2543, %gather3A_2550 : vector<16xf32>
      tpu.vector_store_idx %arg11[%add3A_2559], %mul3A_2560 : memref<256xf32, #tpu.memory_space<vmem>>[vector<16xi32>], vector<16xf32>,
      %slice3A_2561 = vector.extract_strided_slice %and3A_2463 {offsets = [3], sizes = [1], strides = [1]} : vector<16xi32> to vector<1xi32>
      %reshape3A_2562 = vector.extract %slice3A_2561[0] : i32 from vector<1xi32>
      %broadcast_in_dim3A_2563 = vector.broadcast %reshape3A_2562 : i32 to vector<16xi32>
      %slice3A_2564 = vector.extract_strided_slice %and3A_2470 {offsets = [3], sizes = [1], strides = [1]} : vector<16xi32> to vector<1xi32>
      %reshape3A_2565 = vector.extract %slice3A_2564[0] : i32 from vector<1xi32>
      %broadcast_in_dim3A_2566 = vector.broadcast %reshape3A_2565 : i32 to vector<16xi32>
      %gather3A_2567 = arith.constant 2 : i32
      %gather3A_2568 = arith.constant 3 : i32
      %gather3A_2569 = arith.constant 0 : i32
      %gather3A_2570 = arith.constant 0 : i32
      %gather3A_2571 = tpu.memref_slice %arg9[%gather3A_2567, %gather3A_2568, %gather3A_2569, %gather3A_2570] : memref<3x8x16x128xf32, #tpu.memory_space<vmem>> -> memref<1x1x16x128xf32, #tpu.memory_space<vmem>>
      %gather3A_2572 = tpu.memref_squeeze %gather3A_2571 : memref<1x1x16x128xf32, #tpu.memory_space<vmem>> -> memref<16x128xf32, #tpu.memory_space<vmem>>
      %gather3A_2573 = tpu.vector_load_idx %gather3A_2572[%iota3A, %broadcast_in_dim3A_2563] : memref<16x128xf32, #tpu.memory_space<vmem>>[vector<16xi32>, vector<16xi32>], vector<16xf32>,
      %gather3A_2574 = arith.constant 2 : i32
      %gather3A_2575 = arith.constant 3 : i32
      %gather3A_2576 = arith.constant 0 : i32
      %gather3A_2577 = arith.constant 0 : i32
      %gather3A_2578 = tpu.memref_slice %arg10[%gather3A_2574, %gather3A_2575, %gather3A_2576, %gather3A_2577] : memref<3x8x16x128xf32, #tpu.memory_space<vmem>> -> memref<1x1x16x128xf32, #tpu.memory_space<vmem>>
      %gather3A_2579 = tpu.memref_squeeze %gather3A_2578 : memref<1x1x16x128xf32, #tpu.memory_space<vmem>> -> memref<16x128xf32, #tpu.memory_space<vmem>>
      %gather3A_2580 = tpu.vector_load_idx %gather3A_2579[%iota3A, %broadcast_in_dim3A_2566] : memref<16x128xf32, #tpu.memory_space<vmem>>[vector<16xi32>, vector<16xi32>], vector<16xf32>,
      %mul3A_2581 = arith.constant 16 : i32
      %mul3A_2582 = vector.broadcast %mul3A_2581 : i32 to vector<16xi32>
      %mul3A_2583 = arith.muli %iota3A, %mul3A_2582 : vector<16xi32>
      %mul3A_2584 = arith.constant 8 : i32
      %mul3A_2585 = arith.muli %select_n3A_2200, %mul3A_2584 : i32
      %add3A_2586 = arith.constant 3 : i32
      %add3A_2587 = arith.addi %mul3A_2585, %add3A_2586 : i32
      %add3A_2588 = vector.broadcast %add3A_2587 : i32 to vector<16xi32>
      %add3A_2589 = arith.addi %mul3A_2583, %add3A_2588 : vector<16xi32>
      %mul3A_2590 = arith.mulf %gather3A_2573, %gather3A_2580 : vector<16xf32>
      tpu.vector_store_idx %arg11[%add3A_2589], %mul3A_2590 : memref<256xf32, #tpu.memory_space<vmem>>[vector<16xi32>], vector<16xf32>,
      %slice3A_2591 = vector.extract_strided_slice %and3A_2463 {offsets = [4], sizes = [1], strides = [1]} : vector<16xi32> to vector<1xi32>
      %reshape3A_2592 = vector.extract %slice3A_2591[0] : i32 from vector<1xi32>
      %broadcast_in_dim3A_2593 = vector.broadcast %reshape3A_2592 : i32 to vector<16xi32>
      %slice3A_2594 = vector.extract_strided_slice %and3A_2470 {offsets = [4], sizes = [1], strides = [1]} : vector<16xi32> to vector<1xi32>
      %reshape3A_2595 = vector.extract %slice3A_2594[0] : i32 from vector<1xi32>
      %broadcast_in_dim3A_2596 = vector.broadcast %reshape3A_2595 : i32 to vector<16xi32>
      %gather3A_2597 = arith.constant 2 : i32
      %gather3A_2598 = arith.constant 4 : i32
      %gather3A_2599 = arith.constant 0 : i32
      %gather3A_2600 = arith.constant 0 : i32
      %gather3A_2601 = tpu.memref_slice %arg9[%gather3A_2597, %gather3A_2598, %gather3A_2599, %gather3A_2600] : memref<3x8x16x128xf32, #tpu.memory_space<vmem>> -> memref<1x1x16x128xf32, #tpu.memory_space<vmem>>
      %gather3A_2602 = tpu.memref_squeeze %gather3A_2601 : memref<1x1x16x128xf32, #tpu.memory_space<vmem>> -> memref<16x128xf32, #tpu.memory_space<vmem>>
      %gather3A_2603 = tpu.vector_load_idx %gather3A_2602[%iota3A, %broadcast_in_dim3A_2593] : memref<16x128xf32, #tpu.memory_space<vmem>>[vector<16xi32>, vector<16xi32>], vector<16xf32>,
      %gather3A_2604 = arith.constant 2 : i32
      %gather3A_2605 = arith.constant 4 : i32
      %gather3A_2606 = arith.constant 0 : i32
      %gather3A_2607 = arith.constant 0 : i32
      %gather3A_2608 = tpu.memref_slice %arg10[%gather3A_2604, %gather3A_2605, %gather3A_2606, %gather3A_2607] : memref<3x8x16x128xf32, #tpu.memory_space<vmem>> -> memref<1x1x16x128xf32, #tpu.memory_space<vmem>>
      %gather3A_2609 = tpu.memref_squeeze %gather3A_2608 : memref<1x1x16x128xf32, #tpu.memory_space<vmem>> -> memref<16x128xf32, #tpu.memory_space<vmem>>
      %gather3A_2610 = tpu.vector_load_idx %gather3A_2609[%iota3A, %broadcast_in_dim3A_2596] : memref<16x128xf32, #tpu.memory_space<vmem>>[vector<16xi32>, vector<16xi32>], vector<16xf32>,
      %mul3A_2611 = arith.constant 16 : i32
      %mul3A_2612 = vector.broadcast %mul3A_2611 : i32 to vector<16xi32>
      %mul3A_2613 = arith.muli %iota3A, %mul3A_2612 : vector<16xi32>
      %mul3A_2614 = arith.constant 8 : i32
      %mul3A_2615 = arith.muli %select_n3A_2200, %mul3A_2614 : i32
      %add3A_2616 = arith.constant 4 : i32
      %add3A_2617 = arith.addi %mul3A_2615, %add3A_2616 : i32
      %add3A_2618 = vector.broadcast %add3A_2617 : i32 to vector<16xi32>
      %add3A_2619 = arith.addi %mul3A_2613, %add3A_2618 : vector<16xi32>
      %mul3A_2620 = arith.mulf %gather3A_2603, %gather3A_2610 : vector<16xf32>
      tpu.vector_store_idx %arg11[%add3A_2619], %mul3A_2620 : memref<256xf32, #tpu.memory_space<vmem>>[vector<16xi32>], vector<16xf32>,
      %slice3A_2621 = vector.extract_strided_slice %and3A_2463 {offsets = [5], sizes = [1], strides = [1]} : vector<16xi32> to vector<1xi32>
      %reshape3A_2622 = vector.extract %slice3A_2621[0] : i32 from vector<1xi32>
      %broadcast_in_dim3A_2623 = vector.broadcast %reshape3A_2622 : i32 to vector<16xi32>
      %slice3A_2624 = vector.extract_strided_slice %and3A_2470 {offsets = [5], sizes = [1], strides = [1]} : vector<16xi32> to vector<1xi32>
      %reshape3A_2625 = vector.extract %slice3A_2624[0] : i32 from vector<1xi32>
      %broadcast_in_dim3A_2626 = vector.broadcast %reshape3A_2625 : i32 to vector<16xi32>
      %gather3A_2627 = arith.constant 2 : i32
      %gather3A_2628 = arith.constant 5 : i32
      %gather3A_2629 = arith.constant 0 : i32
      %gather3A_2630 = arith.constant 0 : i32
      %gather3A_2631 = tpu.memref_slice %arg9[%gather3A_2627, %gather3A_2628, %gather3A_2629, %gather3A_2630] : memref<3x8x16x128xf32, #tpu.memory_space<vmem>> -> memref<1x1x16x128xf32, #tpu.memory_space<vmem>>
      %gather3A_2632 = tpu.memref_squeeze %gather3A_2631 : memref<1x1x16x128xf32, #tpu.memory_space<vmem>> -> memref<16x128xf32, #tpu.memory_space<vmem>>
      %gather3A_2633 = tpu.vector_load_idx %gather3A_2632[%iota3A, %broadcast_in_dim3A_2623] : memref<16x128xf32, #tpu.memory_space<vmem>>[vector<16xi32>, vector<16xi32>], vector<16xf32>,
      %gather3A_2634 = arith.constant 2 : i32
      %gather3A_2635 = arith.constant 5 : i32
      %gather3A_2636 = arith.constant 0 : i32
      %gather3A_2637 = arith.constant 0 : i32
      %gather3A_2638 = tpu.memref_slice %arg10[%gather3A_2634, %gather3A_2635, %gather3A_2636, %gather3A_2637] : memref<3x8x16x128xf32, #tpu.memory_space<vmem>> -> memref<1x1x16x128xf32, #tpu.memory_space<vmem>>
      %gather3A_2639 = tpu.memref_squeeze %gather3A_2638 : memref<1x1x16x128xf32, #tpu.memory_space<vmem>> -> memref<16x128xf32, #tpu.memory_space<vmem>>
      %gather3A_2640 = tpu.vector_load_idx %gather3A_2639[%iota3A, %broadcast_in_dim3A_2626] : memref<16x128xf32, #tpu.memory_space<vmem>>[vector<16xi32>, vector<16xi32>], vector<16xf32>,
      %mul3A_2641 = arith.constant 16 : i32
      %mul3A_2642 = vector.broadcast %mul3A_2641 : i32 to vector<16xi32>
      %mul3A_2643 = arith.muli %iota3A, %mul3A_2642 : vector<16xi32>
      %mul3A_2644 = arith.constant 8 : i32
      %mul3A_2645 = arith.muli %select_n3A_2200, %mul3A_2644 : i32
      %add3A_2646 = arith.constant 5 : i32
      %add3A_2647 = arith.addi %mul3A_2645, %add3A_2646 : i32
      %add3A_2648 = vector.broadcast %add3A_2647 : i32 to vector<16xi32>
      %add3A_2649 = arith.addi %mul3A_2643, %add3A_2648 : vector<16xi32>
      %mul3A_2650 = arith.mulf %gather3A_2633, %gather3A_2640 : vector<16xf32>
      tpu.vector_store_idx %arg11[%add3A_2649], %mul3A_2650 : memref<256xf32, #tpu.memory_space<vmem>>[vector<16xi32>], vector<16xf32>,
      %slice3A_2651 = vector.extract_strided_slice %and3A_2463 {offsets = [6], sizes = [1], strides = [1]} : vector<16xi32> to vector<1xi32>
      %reshape3A_2652 = vector.extract %slice3A_2651[0] : i32 from vector<1xi32>
      %broadcast_in_dim3A_2653 = vector.broadcast %reshape3A_2652 : i32 to vector<16xi32>
      %slice3A_2654 = vector.extract_strided_slice %and3A_2470 {offsets = [6], sizes = [1], strides = [1]} : vector<16xi32> to vector<1xi32>
      %reshape3A_2655 = vector.extract %slice3A_2654[0] : i32 from vector<1xi32>
      %broadcast_in_dim3A_2656 = vector.broadcast %reshape3A_2655 : i32 to vector<16xi32>
      %gather3A_2657 = arith.constant 2 : i32
      %gather3A_2658 = arith.constant 6 : i32
      %gather3A_2659 = arith.constant 0 : i32
      %gather3A_2660 = arith.constant 0 : i32
      %gather3A_2661 = tpu.memref_slice %arg9[%gather3A_2657, %gather3A_2658, %gather3A_2659, %gather3A_2660] : memref<3x8x16x128xf32, #tpu.memory_space<vmem>> -> memref<1x1x16x128xf32, #tpu.memory_space<vmem>>
      %gather3A_2662 = tpu.memref_squeeze %gather3A_2661 : memref<1x1x16x128xf32, #tpu.memory_space<vmem>> -> memref<16x128xf32, #tpu.memory_space<vmem>>
      %gather3A_2663 = tpu.vector_load_idx %gather3A_2662[%iota3A, %broadcast_in_dim3A_2653] : memref<16x128xf32, #tpu.memory_space<vmem>>[vector<16xi32>, vector<16xi32>], vector<16xf32>,
      %gather3A_2664 = arith.constant 2 : i32
      %gather3A_2665 = arith.constant 6 : i32
      %gather3A_2666 = arith.constant 0 : i32
      %gather3A_2667 = arith.constant 0 : i32
      %gather3A_2668 = tpu.memref_slice %arg10[%gather3A_2664, %gather3A_2665, %gather3A_2666, %gather3A_2667] : memref<3x8x16x128xf32, #tpu.memory_space<vmem>> -> memref<1x1x16x128xf32, #tpu.memory_space<vmem>>
      %gather3A_2669 = tpu.memref_squeeze %gather3A_2668 : memref<1x1x16x128xf32, #tpu.memory_space<vmem>> -> memref<16x128xf32, #tpu.memory_space<vmem>>
      %gather3A_2670 = tpu.vector_load_idx %gather3A_2669[%iota3A, %broadcast_in_dim3A_2656] : memref<16x128xf32, #tpu.memory_space<vmem>>[vector<16xi32>, vector<16xi32>], vector<16xf32>,
      %mul3A_2671 = arith.constant 16 : i32
      %mul3A_2672 = vector.broadcast %mul3A_2671 : i32 to vector<16xi32>
      %mul3A_2673 = arith.muli %iota3A, %mul3A_2672 : vector<16xi32>
      %mul3A_2674 = arith.constant 8 : i32
      %mul3A_2675 = arith.muli %select_n3A_2200, %mul3A_2674 : i32
      %add3A_2676 = arith.constant 6 : i32
      %add3A_2677 = arith.addi %mul3A_2675, %add3A_2676 : i32
      %add3A_2678 = vector.broadcast %add3A_2677 : i32 to vector<16xi32>
      %add3A_2679 = arith.addi %mul3A_2673, %add3A_2678 : vector<16xi32>
      %mul3A_2680 = arith.mulf %gather3A_2663, %gather3A_2670 : vector<16xf32>
      tpu.vector_store_idx %arg11[%add3A_2679], %mul3A_2680 : memref<256xf32, #tpu.memory_space<vmem>>[vector<16xi32>], vector<16xf32>,
      %slice3A_2681 = vector.extract_strided_slice %and3A_2463 {offsets = [7], sizes = [1], strides = [1]} : vector<16xi32> to vector<1xi32>
      %reshape3A_2682 = vector.extract %slice3A_2681[0] : i32 from vector<1xi32>
      %broadcast_in_dim3A_2683 = vector.broadcast %reshape3A_2682 : i32 to vector<16xi32>
      %slice3A_2684 = vector.extract_strided_slice %and3A_2470 {offsets = [7], sizes = [1], strides = [1]} : vector<16xi32> to vector<1xi32>
      %reshape3A_2685 = vector.extract %slice3A_2684[0] : i32 from vector<1xi32>
      %broadcast_in_dim3A_2686 = vector.broadcast %reshape3A_2685 : i32 to vector<16xi32>
      %gather3A_2687 = arith.constant 2 : i32
      %gather3A_2688 = arith.constant 7 : i32
      %gather3A_2689 = arith.constant 0 : i32
      %gather3A_2690 = arith.constant 0 : i32
      %gather3A_2691 = tpu.memref_slice %arg9[%gather3A_2687, %gather3A_2688, %gather3A_2689, %gather3A_2690] : memref<3x8x16x128xf32, #tpu.memory_space<vmem>> -> memref<1x1x16x128xf32, #tpu.memory_space<vmem>>
      %gather3A_2692 = tpu.memref_squeeze %gather3A_2691 : memref<1x1x16x128xf32, #tpu.memory_space<vmem>> -> memref<16x128xf32, #tpu.memory_space<vmem>>
      %gather3A_2693 = tpu.vector_load_idx %gather3A_2692[%iota3A, %broadcast_in_dim3A_2683] : memref<16x128xf32, #tpu.memory_space<vmem>>[vector<16xi32>, vector<16xi32>], vector<16xf32>,
      %gather3A_2694 = arith.constant 2 : i32
      %gather3A_2695 = arith.constant 7 : i32
      %gather3A_2696 = arith.constant 0 : i32
      %gather3A_2697 = arith.constant 0 : i32
      %gather3A_2698 = tpu.memref_slice %arg10[%gather3A_2694, %gather3A_2695, %gather3A_2696, %gather3A_2697] : memref<3x8x16x128xf32, #tpu.memory_space<vmem>> -> memref<1x1x16x128xf32, #tpu.memory_space<vmem>>
      %gather3A_2699 = tpu.memref_squeeze %gather3A_2698 : memref<1x1x16x128xf32, #tpu.memory_space<vmem>> -> memref<16x128xf32, #tpu.memory_space<vmem>>
      %gather3A_2700 = tpu.vector_load_idx %gather3A_2699[%iota3A, %broadcast_in_dim3A_2686] : memref<16x128xf32, #tpu.memory_space<vmem>>[vector<16xi32>, vector<16xi32>], vector<16xf32>,
      %mul3A_2701 = arith.constant 16 : i32
      %mul3A_2702 = vector.broadcast %mul3A_2701 : i32 to vector<16xi32>
      %mul3A_2703 = arith.muli %iota3A, %mul3A_2702 : vector<16xi32>
      %mul3A_2704 = arith.constant 8 : i32
      %mul3A_2705 = arith.muli %select_n3A_2200, %mul3A_2704 : i32
      %add3A_2706 = arith.constant 7 : i32
      %add3A_2707 = arith.addi %mul3A_2705, %add3A_2706 : i32
      %add3A_2708 = vector.broadcast %add3A_2707 : i32 to vector<16xi32>
      %add3A_2709 = arith.addi %mul3A_2703, %add3A_2708 : vector<16xi32>
      %mul3A_2710 = arith.mulf %gather3A_2693, %gather3A_2700 : vector<16xf32>
      tpu.vector_store_idx %arg11[%add3A_2709], %mul3A_2710 : memref<256xf32, #tpu.memory_space<vmem>>[vector<16xi32>], vector<16xf32>,
      %eq3A_2711 = arith.constant 1 : i32
      %eq3A_2712 = arith.cmpi eq, %select_n3A_2200, %eq3A_2711 : i32
      %convert_element_type3A_2713 = arith.extui %eq3A_2712 : i1 to i32
      %cond3A_2714 = arith.constant 0 : i32
      %cond3A_2715 = arith.cmpi ne, %convert_element_type3A_2713, %cond3A_2714 : i32
      scf.if %cond3A_2715 {
        %broadcast_in_dim3A_2723 = arith.constant 0.000000e+00 : f32
        %broadcast_in_dim3A_2724 = vector.broadcast %broadcast_in_dim3A_2723 : f32 to vector<16xf32>
        %get3A_2725 = arith.constant 0 : index
        %get3A_2726 = tpu.vector_load %arg11[%get3A_2725] {strides = array<i32>} : memref<256xf32, #tpu.memory_space<vmem>>, vector<16xf32>,
        %add3A_2727 = arith.addf %broadcast_in_dim3A_2724, %get3A_2726 : vector<16xf32>
        %get3A_2728 = arith.constant 16 : index
        %get3A_2729 = tpu.vector_load %arg11[%get3A_2728] {strides = array<i32>} : memref<256xf32, #tpu.memory_space<vmem>>, vector<16xf32>,
        %add3A_2730 = arith.addf %add3A_2727, %get3A_2729 : vector<16xf32>
        %get3A_2731 = arith.constant 32 : index
        %get3A_2732 = tpu.vector_load %arg11[%get3A_2731] {strides = array<i32>} : memref<256xf32, #tpu.memory_space<vmem>>, vector<16xf32>,
        %add3A_2733 = arith.addf %add3A_2730, %get3A_2732 : vector<16xf32>
        %get3A_2734 = arith.constant 48 : index
        %get3A_2735 = tpu.vector_load %arg11[%get3A_2734] {strides = array<i32>} : memref<256xf32, #tpu.memory_space<vmem>>, vector<16xf32>,
        %add3A_2736 = arith.addf %add3A_2733, %get3A_2735 : vector<16xf32>
        %get3A_2737 = arith.constant 64 : index
        %get3A_2738 = tpu.vector_load %arg11[%get3A_2737] {strides = array<i32>} : memref<256xf32, #tpu.memory_space<vmem>>, vector<16xf32>,
        %add3A_2739 = arith.addf %add3A_2736, %get3A_2738 : vector<16xf32>
        %get3A_2740 = arith.constant 80 : index
        %get3A_2741 = tpu.vector_load %arg11[%get3A_2740] {strides = array<i32>} : memref<256xf32, #tpu.memory_space<vmem>>, vector<16xf32>,
        %add3A_2742 = arith.addf %add3A_2739, %get3A_2741 : vector<16xf32>
        %get3A_2743 = arith.constant 96 : index
        %get3A_2744 = tpu.vector_load %arg11[%get3A_2743] {strides = array<i32>} : memref<256xf32, #tpu.memory_space<vmem>>, vector<16xf32>,
        %add3A_2745 = arith.addf %add3A_2742, %get3A_2744 : vector<16xf32>
        %get3A_2746 = arith.constant 112 : index
        %get3A_2747 = tpu.vector_load %arg11[%get3A_2746] {strides = array<i32>} : memref<256xf32, #tpu.memory_space<vmem>>, vector<16xf32>,
        %add3A_2748 = arith.addf %add3A_2745, %get3A_2747 : vector<16xf32>
        %get3A_2749 = arith.constant 128 : index
        %get3A_2750 = tpu.vector_load %arg11[%get3A_2749] {strides = array<i32>} : memref<256xf32, #tpu.memory_space<vmem>>, vector<16xf32>,
        %add3A_2751 = arith.addf %add3A_2748, %get3A_2750 : vector<16xf32>
        %get3A_2752 = arith.constant 144 : index
        %get3A_2753 = tpu.vector_load %arg11[%get3A_2752] {strides = array<i32>} : memref<256xf32, #tpu.memory_space<vmem>>, vector<16xf32>,
        %add3A_2754 = arith.addf %add3A_2751, %get3A_2753 : vector<16xf32>
        %get3A_2755 = arith.constant 160 : index
        %get3A_2756 = tpu.vector_load %arg11[%get3A_2755] {strides = array<i32>} : memref<256xf32, #tpu.memory_space<vmem>>, vector<16xf32>,
        %add3A_2757 = arith.addf %add3A_2754, %get3A_2756 : vector<16xf32>
        %get3A_2758 = arith.constant 176 : index
        %get3A_2759 = tpu.vector_load %arg11[%get3A_2758] {strides = array<i32>} : memref<256xf32, #tpu.memory_space<vmem>>, vector<16xf32>,
        %add3A_2760 = arith.addf %add3A_2757, %get3A_2759 : vector<16xf32>
        %get3A_2761 = arith.constant 192 : index
        %get3A_2762 = tpu.vector_load %arg11[%get3A_2761] {strides = array<i32>} : memref<256xf32, #tpu.memory_space<vmem>>, vector<16xf32>,
        %add3A_2763 = arith.addf %add3A_2760, %get3A_2762 : vector<16xf32>
        %get3A_2764 = arith.constant 208 : index
        %get3A_2765 = tpu.vector_load %arg11[%get3A_2764] {strides = array<i32>} : memref<256xf32, #tpu.memory_space<vmem>>, vector<16xf32>,
        %add3A_2766 = arith.addf %add3A_2763, %get3A_2765 : vector<16xf32>
        %get3A_2767 = arith.constant 224 : index
        %get3A_2768 = tpu.vector_load %arg11[%get3A_2767] {strides = array<i32>} : memref<256xf32, #tpu.memory_space<vmem>>, vector<16xf32>,
        %add3A_2769 = arith.addf %add3A_2766, %get3A_2768 : vector<16xf32>
        %get3A_2770 = arith.constant 240 : index
        %get3A_2771 = tpu.vector_load %arg11[%get3A_2770] {strides = array<i32>} : memref<256xf32, #tpu.memory_space<vmem>>, vector<16xf32>,
        %add3A_2772 = arith.addf %add3A_2769, %get3A_2771 : vector<16xf32>
        %sub3A = arith.constant 1 : i32
        %sub3A_2773 = arith.subi %add3A_2182, %sub3A : i32
        %mul3A_2774 = arith.constant 8 : i32
        %mul3A_2775 = arith.muli %sub3A_2773, %mul3A_2774 : i32
        %swap3A_2776 = arith.index_cast %mul3A_2775 : i32 to index
        %swap3A_2777 = tpu.vector_load %arg12[%swap3A_2776] {strides = array<i32>} : memref<512xf32, #tpu.memory_space<vmem>>, vector<16xf32>,
        tpu.vector_store %arg12[%swap3A_2776], %add3A_2772 {strides = array<i32>} : memref<512xf32, #tpu.memory_space<vmem>>, vector<16xf32>,
      } else {
      }
      %add3A_2716 = arith.constant 4 : i32
      %add3A_2717 = arith.addi %mul3A_1108, %add3A_2716 : i32
      %lt3A_2718 = arith.constant 64 : i32
      %lt3A_2719 = arith.cmpi slt, %add3A_2717, %lt3A_2718 : i32
      %convert_element_type3A_2720 = arith.extui %lt3A_2719 : i1 to i32
      %cond3A_2721 = arith.constant 0 : i32
      %cond3A_2722 = arith.cmpi ne, %convert_element_type3A_2720, %cond3A_2721 : i32
      scf.if %cond3A_2722 {
        %add3A_2723 = arith.constant 4 : i32
        %add3A_2724 = arith.addi %mul3A_1108, %add3A_2723 : i32
        %mul3A_2725 = arith.constant 8 : i32
        %mul3A_2726 = arith.muli %add3A_2724, %mul3A_2725 : i32
        %get3A_2727 = arith.index_cast %mul3A_2726 : i32 to index
        %get3A_2728 = tpu.vector_load %arg7[%get3A_2727] {strides = array<i32>} : memref<520xi32, #tpu.memory_space<vmem>>, vector<16xi32>,
        %mul3A_2729 = arith.constant 8 : i32
        %mul3A_2730 = arith.muli %add3A_2724, %mul3A_2729 : i32
        %get3A_2731 = arith.index_cast %mul3A_2730 : i32 to index
        %get3A_2732 = tpu.vector_load %arg8[%get3A_2731] {strides = array<i32>} : memref<520xi32, #tpu.memory_space<vmem>>, vector<16xi32>,
        %shift_right_arithmetic3A_2733 = arith.constant 7 : i32
        %shift_right_arithmetic3A_2734 = vector.broadcast %shift_right_arithmetic3A_2733 : i32 to vector<16xi32>
        %shift_right_arithmetic3A_2735 = arith.shrsi %get3A_2728, %shift_right_arithmetic3A_2734 : vector<16xi32>
        %shift_left3A_2736 = arith.constant 7 : i32
        %shift_left3A_2737 = vector.broadcast %shift_left3A_2736 : i32 to vector<16xi32>
        %shift_left3A_2738 = arith.shli %shift_right_arithmetic3A_2735, %shift_left3A_2737 : vector<16xi32>
        %shift_right_arithmetic3A_2739 = arith.constant 7 : i32
        %shift_right_arithmetic3A_2740 = vector.broadcast %shift_right_arithmetic3A_2739 : i32 to vector<16xi32>
        %shift_right_arithmetic3A_2741 = arith.shrsi %get3A_2732, %shift_right_arithmetic3A_2740 : vector<16xi32>
        %shift_left3A_2742 = arith.constant 7 : i32
        %shift_left3A_2743 = vector.broadcast %shift_left3A_2742 : i32 to vector<16xi32>
        %shift_left3A_2744 = arith.shli %shift_right_arithmetic3A_2741, %shift_left3A_2743 : vector<16xi32>
        %slice3A_2745 = vector.extract_strided_slice %shift_left3A_2738 {offsets = [0], sizes = [1], strides = [1]} : vector<16xi32> to vector<1xi32>
        %reshape3A_2746 = vector.extract %slice3A_2745[0] : i32 from vector<1xi32>
        %multiple_of3A_2747 = tpu.assume_multiple %reshape3A_2746, 128 : i32
        %slice3A_2748 = vector.extract_strided_slice %shift_left3A_2744 {offsets = [0], sizes = [1], strides = [1]} : vector<16xi32> to vector<1xi32>
        %reshape3A_2749 = vector.extract %slice3A_2748[0] : i32 from vector<1xi32>
        %multiple_of3A_2750 = tpu.assume_multiple %reshape3A_2749, 128 : i32
        %dma_start3A_2751 = arith.constant 1 : i32
        %dma_start3A_2752 = arith.constant 0 : i32
        %dma_start3A_2753 = arith.constant 0 : i32
        %dma_start3A_2754 = arith.constant 0 : i32
        %dma_start3A_2755 = tpu.memref_slice %arg9[%dma_start3A_2751, %dma_start3A_2752, %dma_start3A_2753, %dma_start3A_2754] : memref<3x8x16x128xf32, #tpu.memory_space<vmem>> -> memref<1x1x16x128xf32, #tpu.memory_space<vmem>>
        %dma_start3A_2756 = tpu.memref_squeeze %dma_start3A_2755 : memref<1x1x16x128xf32, #tpu.memory_space<vmem>> -> memref<16x128xf32, #tpu.memory_space<vmem>>
        %dma_start3A_2757 = arith.constant 0 : i32
        %dma_start3A_2758 = tpu.memref_slice %arg4[%dma_start3A_2757, %multiple_of3A_2747] : memref<16x1000000xf32, #tpu.memory_space<hbm>> -> memref<16x128xf32, #tpu.memory_space<hbm>>
        %dma_start3A_2759 = arith.constant 0 : i32
        %dma_start3A_2760 = arith.constant 0 : i32
        %dma_start3A_2761 = tpu.memref_slice %arg9[%dma_start3A_2751, %dma_start3A_2752, %dma_start3A_2759, %dma_start3A_2760] : memref<3x8x16x128xf32, #tpu.memory_space<vmem>> -> memref<1x1x16x128xf32, #tpu.memory_space<vmem>>
        %dma_start3A_2762 = tpu.memref_squeeze %dma_start3A_2761 : memref<1x1x16x128xf32, #tpu.memory_space<vmem>> -> memref<16x128xf32, #tpu.memory_space<vmem>>
        %dma_start3A_2763 = arith.constant 0 : i32
        %dma_start3A_2764 = tpu.memref_slice %arg4[%dma_start3A_2763, %multiple_of3A_2747] : memref<16x1000000xf32, #tpu.memory_space<hbm>> -> memref<16x128xf32, #tpu.memory_space<hbm>>
        tpu.enqueue_dma source(%dma_start3A_2764 : memref<16x128xf32, #tpu.memory_space<hbm>>) target(%dma_start3A_2762 : memref<16x128xf32, #tpu.memory_space<vmem>>) target_semaphore(%arg15 : memref<!tpu.dma_semaphore, #tpu.memory_space<semaphore_mem>>)
        %dma_start3A_2765 = arith.constant 1 : i32
        %dma_start3A_2766 = arith.constant 0 : i32
        %dma_start3A_2767 = arith.constant 0 : i32
        %dma_start3A_2768 = arith.constant 0 : i32
        %dma_start3A_2769 = tpu.memref_slice %arg10[%dma_start3A_2765, %dma_start3A_2766, %dma_start3A_2767, %dma_start3A_2768] : memref<3x8x16x128xf32, #tpu.memory_space<vmem>> -> memref<1x1x16x128xf32, #tpu.memory_space<vmem>>
        %dma_start3A_2770 = tpu.memref_squeeze %dma_start3A_2769 : memref<1x1x16x128xf32, #tpu.memory_space<vmem>> -> memref<16x128xf32, #tpu.memory_space<vmem>>
        %dma_start3A_2771 = arith.constant 0 : i32
        %dma_start3A_2772 = tpu.memref_slice %arg5[%dma_start3A_2771, %multiple_of3A_2750] : memref<16x1000000xf32, #tpu.memory_space<hbm>> -> memref<16x128xf32, #tpu.memory_space<hbm>>
        %dma_start3A_2773 = arith.constant 0 : i32
        %dma_start3A_2774 = arith.constant 0 : i32
        %dma_start3A_2775 = tpu.memref_slice %arg10[%dma_start3A_2765, %dma_start3A_2766, %dma_start3A_2773, %dma_start3A_2774] : memref<3x8x16x128xf32, #tpu.memory_space<vmem>> -> memref<1x1x16x128xf32, #tpu.memory_space<vmem>>
        %dma_start3A_2776 = tpu.memref_squeeze %dma_start3A_2775 : memref<1x1x16x128xf32, #tpu.memory_space<vmem>> -> memref<16x128xf32, #tpu.memory_space<vmem>>
        %dma_start3A_2777 = arith.constant 0 : i32
        %dma_start3A_2778 = tpu.memref_slice %arg5[%dma_start3A_2777, %multiple_of3A_2750] : memref<16x1000000xf32, #tpu.memory_space<hbm>> -> memref<16x128xf32, #tpu.memory_space<hbm>>
        tpu.enqueue_dma source(%dma_start3A_2778 : memref<16x128xf32, #tpu.memory_space<hbm>>) target(%dma_start3A_2776 : memref<16x128xf32, #tpu.memory_space<vmem>>) target_semaphore(%arg16 : memref<!tpu.dma_semaphore, #tpu.memory_space<semaphore_mem>>)
        %slice3A_2779 = vector.extract_strided_slice %shift_left3A_2738 {offsets = [1], sizes = [1], strides = [1]} : vector<16xi32> to vector<1xi32>
        %reshape3A_2780 = vector.extract %slice3A_2779[0] : i32 from vector<1xi32>
        %multiple_of3A_2781 = tpu.assume_multiple %reshape3A_2780, 128 : i32
        %slice3A_2782 = vector.extract_strided_slice %shift_left3A_2744 {offsets = [1], sizes = [1], strides = [1]} : vector<16xi32> to vector<1xi32>
        %reshape3A_2783 = vector.extract %slice3A_2782[0] : i32 from vector<1xi32>
        %multiple_of3A_2784 = tpu.assume_multiple %reshape3A_2783, 128 : i32
        %dma_start3A_2785 = arith.constant 1 : i32
        %dma_start3A_2786 = arith.constant 1 : i32
        %dma_start3A_2787 = arith.constant 0 : i32
        %dma_start3A_2788 = arith.constant 0 : i32
        %dma_start3A_2789 = tpu.memref_slice %arg9[%dma_start3A_2785, %dma_start3A_2786, %dma_start3A_2787, %dma_start3A_2788] : memref<3x8x16x128xf32, #tpu.memory_space<vmem>> -> memref<1x1x16x128xf32, #tpu.memory_space<vmem>>
        %dma_start3A_2790 = tpu.memref_squeeze %dma_start3A_2789 : memref<1x1x16x128xf32, #tpu.memory_space<vmem>> -> memref<16x128xf32, #tpu.memory_space<vmem>>
        %dma_start3A_2791 = arith.constant 0 : i32
        %dma_start3A_2792 = tpu.memref_slice %arg4[%dma_start3A_2791, %multiple_of3A_2781] : memref<16x1000000xf32, #tpu.memory_space<hbm>> -> memref<16x128xf32, #tpu.memory_space<hbm>>
        %dma_start3A_2793 = arith.constant 0 : i32
        %dma_start3A_2794 = arith.constant 0 : i32
        %dma_start3A_2795 = tpu.memref_slice %arg9[%dma_start3A_2785, %dma_start3A_2786, %dma_start3A_2793, %dma_start3A_2794] : memref<3x8x16x128xf32, #tpu.memory_space<vmem>> -> memref<1x1x16x128xf32, #tpu.memory_space<vmem>>
        %dma_start3A_2796 = tpu.memref_squeeze %dma_start3A_2795 : memref<1x1x16x128xf32, #tpu.memory_space<vmem>> -> memref<16x128xf32, #tpu.memory_space<vmem>>
        %dma_start3A_2797 = arith.constant 0 : i32
        %dma_start3A_2798 = tpu.memref_slice %arg4[%dma_start3A_2797, %multiple_of3A_2781] : memref<16x1000000xf32, #tpu.memory_space<hbm>> -> memref<16x128xf32, #tpu.memory_space<hbm>>
        tpu.enqueue_dma source(%dma_start3A_2798 : memref<16x128xf32, #tpu.memory_space<hbm>>) target(%dma_start3A_2796 : memref<16x128xf32, #tpu.memory_space<vmem>>) target_semaphore(%arg15 : memref<!tpu.dma_semaphore, #tpu.memory_space<semaphore_mem>>)
        %dma_start3A_2799 = arith.constant 1 : i32
        %dma_start3A_2800 = arith.constant 1 : i32
        %dma_start3A_2801 = arith.constant 0 : i32
        %dma_start3A_2802 = arith.constant 0 : i32
        %dma_start3A_2803 = tpu.memref_slice %arg10[%dma_start3A_2799, %dma_start3A_2800, %dma_start3A_2801, %dma_start3A_2802] : memref<3x8x16x128xf32, #tpu.memory_space<vmem>> -> memref<1x1x16x128xf32, #tpu.memory_space<vmem>>
        %dma_start3A_2804 = tpu.memref_squeeze %dma_start3A_2803 : memref<1x1x16x128xf32, #tpu.memory_space<vmem>> -> memref<16x128xf32, #tpu.memory_space<vmem>>
        %dma_start3A_2805 = arith.constant 0 : i32
        %dma_start3A_2806 = tpu.memref_slice %arg5[%dma_start3A_2805, %multiple_of3A_2784] : memref<16x1000000xf32, #tpu.memory_space<hbm>> -> memref<16x128xf32, #tpu.memory_space<hbm>>
        %dma_start3A_2807 = arith.constant 0 : i32
        %dma_start3A_2808 = arith.constant 0 : i32
        %dma_start3A_2809 = tpu.memref_slice %arg10[%dma_start3A_2799, %dma_start3A_2800, %dma_start3A_2807, %dma_start3A_2808] : memref<3x8x16x128xf32, #tpu.memory_space<vmem>> -> memref<1x1x16x128xf32, #tpu.memory_space<vmem>>
        %dma_start3A_2810 = tpu.memref_squeeze %dma_start3A_2809 : memref<1x1x16x128xf32, #tpu.memory_space<vmem>> -> memref<16x128xf32, #tpu.memory_space<vmem>>
        %dma_start3A_2811 = arith.constant 0 : i32
        %dma_start3A_2812 = tpu.memref_slice %arg5[%dma_start3A_2811, %multiple_of3A_2784] : memref<16x1000000xf32, #tpu.memory_space<hbm>> -> memref<16x128xf32, #tpu.memory_space<hbm>>
        tpu.enqueue_dma source(%dma_start3A_2812 : memref<16x128xf32, #tpu.memory_space<hbm>>) target(%dma_start3A_2810 : memref<16x128xf32, #tpu.memory_space<vmem>>) target_semaphore(%arg16 : memref<!tpu.dma_semaphore, #tpu.memory_space<semaphore_mem>>)
        %slice3A_2813 = vector.extract_strided_slice %shift_left3A_2738 {offsets = [2], sizes = [1], strides = [1]} : vector<16xi32> to vector<1xi32>
        %reshape3A_2814 = vector.extract %slice3A_2813[0] : i32 from vector<1xi32>
        %multiple_of3A_2815 = tpu.assume_multiple %reshape3A_2814, 128 : i32
        %slice3A_2816 = vector.extract_strided_slice %shift_left3A_2744 {offsets = [2], sizes = [1], strides = [1]} : vector<16xi32> to vector<1xi32>
        %reshape3A_2817 = vector.extract %slice3A_2816[0] : i32 from vector<1xi32>
        %multiple_of3A_2818 = tpu.assume_multiple %reshape3A_2817, 128 : i32
        %dma_start3A_2819 = arith.constant 1 : i32
        %dma_start3A_2820 = arith.constant 2 : i32
        %dma_start3A_2821 = arith.constant 0 : i32
        %dma_start3A_2822 = arith.constant 0 : i32
        %dma_start3A_2823 = tpu.memref_slice %arg9[%dma_start3A_2819, %dma_start3A_2820, %dma_start3A_2821, %dma_start3A_2822] : memref<3x8x16x128xf32, #tpu.memory_space<vmem>> -> memref<1x1x16x128xf32, #tpu.memory_space<vmem>>
        %dma_start3A_2824 = tpu.memref_squeeze %dma_start3A_2823 : memref<1x1x16x128xf32, #tpu.memory_space<vmem>> -> memref<16x128xf32, #tpu.memory_space<vmem>>
        %dma_start3A_2825 = arith.constant 0 : i32
        %dma_start3A_2826 = tpu.memref_slice %arg4[%dma_start3A_2825, %multiple_of3A_2815] : memref<16x1000000xf32, #tpu.memory_space<hbm>> -> memref<16x128xf32, #tpu.memory_space<hbm>>
        %dma_start3A_2827 = arith.constant 0 : i32
        %dma_start3A_2828 = arith.constant 0 : i32
        %dma_start3A_2829 = tpu.memref_slice %arg9[%dma_start3A_2819, %dma_start3A_2820, %dma_start3A_2827, %dma_start3A_2828] : memref<3x8x16x128xf32, #tpu.memory_space<vmem>> -> memref<1x1x16x128xf32, #tpu.memory_space<vmem>>
        %dma_start3A_2830 = tpu.memref_squeeze %dma_start3A_2829 : memref<1x1x16x128xf32, #tpu.memory_space<vmem>> -> memref<16x128xf32, #tpu.memory_space<vmem>>
        %dma_start3A_2831 = arith.constant 0 : i32
        %dma_start3A_2832 = tpu.memref_slice %arg4[%dma_start3A_2831, %multiple_of3A_2815] : memref<16x1000000xf32, #tpu.memory_space<hbm>> -> memref<16x128xf32, #tpu.memory_space<hbm>>
        tpu.enqueue_dma source(%dma_start3A_2832 : memref<16x128xf32, #tpu.memory_space<hbm>>) target(%dma_start3A_2830 : memref<16x128xf32, #tpu.memory_space<vmem>>) target_semaphore(%arg15 : memref<!tpu.dma_semaphore, #tpu.memory_space<semaphore_mem>>)
        %dma_start3A_2833 = arith.constant 1 : i32
        %dma_start3A_2834 = arith.constant 2 : i32
        %dma_start3A_2835 = arith.constant 0 : i32
        %dma_start3A_2836 = arith.constant 0 : i32
        %dma_start3A_2837 = tpu.memref_slice %arg10[%dma_start3A_2833, %dma_start3A_2834, %dma_start3A_2835, %dma_start3A_2836] : memref<3x8x16x128xf32, #tpu.memory_space<vmem>> -> memref<1x1x16x128xf32, #tpu.memory_space<vmem>>
        %dma_start3A_2838 = tpu.memref_squeeze %dma_start3A_2837 : memref<1x1x16x128xf32, #tpu.memory_space<vmem>> -> memref<16x128xf32, #tpu.memory_space<vmem>>
        %dma_start3A_2839 = arith.constant 0 : i32
        %dma_start3A_2840 = tpu.memref_slice %arg5[%dma_start3A_2839, %multiple_of3A_2818] : memref<16x1000000xf32, #tpu.memory_space<hbm>> -> memref<16x128xf32, #tpu.memory_space<hbm>>
        %dma_start3A_2841 = arith.constant 0 : i32
        %dma_start3A_2842 = arith.constant 0 : i32
        %dma_start3A_2843 = tpu.memref_slice %arg10[%dma_start3A_2833, %dma_start3A_2834, %dma_start3A_2841, %dma_start3A_2842] : memref<3x8x16x128xf32, #tpu.memory_space<vmem>> -> memref<1x1x16x128xf32, #tpu.memory_space<vmem>>
        %dma_start3A_2844 = tpu.memref_squeeze %dma_start3A_2843 : memref<1x1x16x128xf32, #tpu.memory_space<vmem>> -> memref<16x128xf32, #tpu.memory_space<vmem>>
        %dma_start3A_2845 = arith.constant 0 : i32
        %dma_start3A_2846 = tpu.memref_slice %arg5[%dma_start3A_2845, %multiple_of3A_2818] : memref<16x1000000xf32, #tpu.memory_space<hbm>> -> memref<16x128xf32, #tpu.memory_space<hbm>>
        tpu.enqueue_dma source(%dma_start3A_2846 : memref<16x128xf32, #tpu.memory_space<hbm>>) target(%dma_start3A_2844 : memref<16x128xf32, #tpu.memory_space<vmem>>) target_semaphore(%arg16 : memref<!tpu.dma_semaphore, #tpu.memory_space<semaphore_mem>>)
        %slice3A_2847 = vector.extract_strided_slice %shift_left3A_2738 {offsets = [3], sizes = [1], strides = [1]} : vector<16xi32> to vector<1xi32>
        %reshape3A_2848 = vector.extract %slice3A_2847[0] : i32 from vector<1xi32>
        %multiple_of3A_2849 = tpu.assume_multiple %reshape3A_2848, 128 : i32
        %slice3A_2850 = vector.extract_strided_slice %shift_left3A_2744 {offsets = [3], sizes = [1], strides = [1]} : vector<16xi32> to vector<1xi32>
        %reshape3A_2851 = vector.extract %slice3A_2850[0] : i32 from vector<1xi32>
        %multiple_of3A_2852 = tpu.assume_multiple %reshape3A_2851, 128 : i32
        %dma_start3A_2853 = arith.constant 1 : i32
        %dma_start3A_2854 = arith.constant 3 : i32
        %dma_start3A_2855 = arith.constant 0 : i32
        %dma_start3A_2856 = arith.constant 0 : i32
        %dma_start3A_2857 = tpu.memref_slice %arg9[%dma_start3A_2853, %dma_start3A_2854, %dma_start3A_2855, %dma_start3A_2856] : memref<3x8x16x128xf32, #tpu.memory_space<vmem>> -> memref<1x1x16x128xf32, #tpu.memory_space<vmem>>
        %dma_start3A_2858 = tpu.memref_squeeze %dma_start3A_2857 : memref<1x1x16x128xf32, #tpu.memory_space<vmem>> -> memref<16x128xf32, #tpu.memory_space<vmem>>
        %dma_start3A_2859 = arith.constant 0 : i32
        %dma_start3A_2860 = tpu.memref_slice %arg4[%dma_start3A_2859, %multiple_of3A_2849] : memref<16x1000000xf32, #tpu.memory_space<hbm>> -> memref<16x128xf32, #tpu.memory_space<hbm>>
        %dma_start3A_2861 = arith.constant 0 : i32
        %dma_start3A_2862 = arith.constant 0 : i32
        %dma_start3A_2863 = tpu.memref_slice %arg9[%dma_start3A_2853, %dma_start3A_2854, %dma_start3A_2861, %dma_start3A_2862] : memref<3x8x16x128xf32, #tpu.memory_space<vmem>> -> memref<1x1x16x128xf32, #tpu.memory_space<vmem>>
        %dma_start3A_2864 = tpu.memref_squeeze %dma_start3A_2863 : memref<1x1x16x128xf32, #tpu.memory_space<vmem>> -> memref<16x128xf32, #tpu.memory_space<vmem>>
        %dma_start3A_2865 = arith.constant 0 : i32
        %dma_start3A_2866 = tpu.memref_slice %arg4[%dma_start3A_2865, %multiple_of3A_2849] : memref<16x1000000xf32, #tpu.memory_space<hbm>> -> memref<16x128xf32, #tpu.memory_space<hbm>>
        tpu.enqueue_dma source(%dma_start3A_2866 : memref<16x128xf32, #tpu.memory_space<hbm>>) target(%dma_start3A_2864 : memref<16x128xf32, #tpu.memory_space<vmem>>) target_semaphore(%arg15 : memref<!tpu.dma_semaphore, #tpu.memory_space<semaphore_mem>>)
        %dma_start3A_2867 = arith.constant 1 : i32
        %dma_start3A_2868 = arith.constant 3 : i32
        %dma_start3A_2869 = arith.constant 0 : i32
        %dma_start3A_2870 = arith.constant 0 : i32
        %dma_start3A_2871 = tpu.memref_slice %arg10[%dma_start3A_2867, %dma_start3A_2868, %dma_start3A_2869, %dma_start3A_2870] : memref<3x8x16x128xf32, #tpu.memory_space<vmem>> -> memref<1x1x16x128xf32, #tpu.memory_space<vmem>>
        %dma_start3A_2872 = tpu.memref_squeeze %dma_start3A_2871 : memref<1x1x16x128xf32, #tpu.memory_space<vmem>> -> memref<16x128xf32, #tpu.memory_space<vmem>>
        %dma_start3A_2873 = arith.constant 0 : i32
        %dma_start3A_2874 = tpu.memref_slice %arg5[%dma_start3A_2873, %multiple_of3A_2852] : memref<16x1000000xf32, #tpu.memory_space<hbm>> -> memref<16x128xf32, #tpu.memory_space<hbm>>
        %dma_start3A_2875 = arith.constant 0 : i32
        %dma_start3A_2876 = arith.constant 0 : i32
        %dma_start3A_2877 = tpu.memref_slice %arg10[%dma_start3A_2867, %dma_start3A_2868, %dma_start3A_2875, %dma_start3A_2876] : memref<3x8x16x128xf32, #tpu.memory_space<vmem>> -> memref<1x1x16x128xf32, #tpu.memory_space<vmem>>
        %dma_start3A_2878 = tpu.memref_squeeze %dma_start3A_2877 : memref<1x1x16x128xf32, #tpu.memory_space<vmem>> -> memref<16x128xf32, #tpu.memory_space<vmem>>
        %dma_start3A_2879 = arith.constant 0 : i32
        %dma_start3A_2880 = tpu.memref_slice %arg5[%dma_start3A_2879, %multiple_of3A_2852] : memref<16x1000000xf32, #tpu.memory_space<hbm>> -> memref<16x128xf32, #tpu.memory_space<hbm>>
        tpu.enqueue_dma source(%dma_start3A_2880 : memref<16x128xf32, #tpu.memory_space<hbm>>) target(%dma_start3A_2878 : memref<16x128xf32, #tpu.memory_space<vmem>>) target_semaphore(%arg16 : memref<!tpu.dma_semaphore, #tpu.memory_space<semaphore_mem>>)
        %slice3A_2881 = vector.extract_strided_slice %shift_left3A_2738 {offsets = [4], sizes = [1], strides = [1]} : vector<16xi32> to vector<1xi32>
        %reshape3A_2882 = vector.extract %slice3A_2881[0] : i32 from vector<1xi32>
        %multiple_of3A_2883 = tpu.assume_multiple %reshape3A_2882, 128 : i32
        %slice3A_2884 = vector.extract_strided_slice %shift_left3A_2744 {offsets = [4], sizes = [1], strides = [1]} : vector<16xi32> to vector<1xi32>
        %reshape3A_2885 = vector.extract %slice3A_2884[0] : i32 from vector<1xi32>
        %multiple_of3A_2886 = tpu.assume_multiple %reshape3A_2885, 128 : i32
        %dma_start3A_2887 = arith.constant 1 : i32
        %dma_start3A_2888 = arith.constant 4 : i32
        %dma_start3A_2889 = arith.constant 0 : i32
        %dma_start3A_2890 = arith.constant 0 : i32
        %dma_start3A_2891 = tpu.memref_slice %arg9[%dma_start3A_2887, %dma_start3A_2888, %dma_start3A_2889, %dma_start3A_2890] : memref<3x8x16x128xf32, #tpu.memory_space<vmem>> -> memref<1x1x16x128xf32, #tpu.memory_space<vmem>>
        %dma_start3A_2892 = tpu.memref_squeeze %dma_start3A_2891 : memref<1x1x16x128xf32, #tpu.memory_space<vmem>> -> memref<16x128xf32, #tpu.memory_space<vmem>>
        %dma_start3A_2893 = arith.constant 0 : i32
        %dma_start3A_2894 = tpu.memref_slice %arg4[%dma_start3A_2893, %multiple_of3A_2883] : memref<16x1000000xf32, #tpu.memory_space<hbm>> -> memref<16x128xf32, #tpu.memory_space<hbm>>
        %dma_start3A_2895 = arith.constant 0 : i32
        %dma_start3A_2896 = arith.constant 0 : i32
        %dma_start3A_2897 = tpu.memref_slice %arg9[%dma_start3A_2887, %dma_start3A_2888, %dma_start3A_2895, %dma_start3A_2896] : memref<3x8x16x128xf32, #tpu.memory_space<vmem>> -> memref<1x1x16x128xf32, #tpu.memory_space<vmem>>
        %dma_start3A_2898 = tpu.memref_squeeze %dma_start3A_2897 : memref<1x1x16x128xf32, #tpu.memory_space<vmem>> -> memref<16x128xf32, #tpu.memory_space<vmem>>
        %dma_start3A_2899 = arith.constant 0 : i32
        %dma_start3A_2900 = tpu.memref_slice %arg4[%dma_start3A_2899, %multiple_of3A_2883] : memref<16x1000000xf32, #tpu.memory_space<hbm>> -> memref<16x128xf32, #tpu.memory_space<hbm>>
        tpu.enqueue_dma source(%dma_start3A_2900 : memref<16x128xf32, #tpu.memory_space<hbm>>) target(%dma_start3A_2898 : memref<16x128xf32, #tpu.memory_space<vmem>>) target_semaphore(%arg15 : memref<!tpu.dma_semaphore, #tpu.memory_space<semaphore_mem>>)
        %dma_start3A_2901 = arith.constant 1 : i32
        %dma_start3A_2902 = arith.constant 4 : i32
        %dma_start3A_2903 = arith.constant 0 : i32
        %dma_start3A_2904 = arith.constant 0 : i32
        %dma_start3A_2905 = tpu.memref_slice %arg10[%dma_start3A_2901, %dma_start3A_2902, %dma_start3A_2903, %dma_start3A_2904] : memref<3x8x16x128xf32, #tpu.memory_space<vmem>> -> memref<1x1x16x128xf32, #tpu.memory_space<vmem>>
        %dma_start3A_2906 = tpu.memref_squeeze %dma_start3A_2905 : memref<1x1x16x128xf32, #tpu.memory_space<vmem>> -> memref<16x128xf32, #tpu.memory_space<vmem>>
        %dma_start3A_2907 = arith.constant 0 : i32
        %dma_start3A_2908 = tpu.memref_slice %arg5[%dma_start3A_2907, %multiple_of3A_2886] : memref<16x1000000xf32, #tpu.memory_space<hbm>> -> memref<16x128xf32, #tpu.memory_space<hbm>>
        %dma_start3A_2909 = arith.constant 0 : i32
        %dma_start3A_2910 = arith.constant 0 : i32
        %dma_start3A_2911 = tpu.memref_slice %arg10[%dma_start3A_2901, %dma_start3A_2902, %dma_start3A_2909, %dma_start3A_2910] : memref<3x8x16x128xf32, #tpu.memory_space<vmem>> -> memref<1x1x16x128xf32, #tpu.memory_space<vmem>>
        %dma_start3A_2912 = tpu.memref_squeeze %dma_start3A_2911 : memref<1x1x16x128xf32, #tpu.memory_space<vmem>> -> memref<16x128xf32, #tpu.memory_space<vmem>>
        %dma_start3A_2913 = arith.constant 0 : i32
        %dma_start3A_2914 = tpu.memref_slice %arg5[%dma_start3A_2913, %multiple_of3A_2886] : memref<16x1000000xf32, #tpu.memory_space<hbm>> -> memref<16x128xf32, #tpu.memory_space<hbm>>
        tpu.enqueue_dma source(%dma_start3A_2914 : memref<16x128xf32, #tpu.memory_space<hbm>>) target(%dma_start3A_2912 : memref<16x128xf32, #tpu.memory_space<vmem>>) target_semaphore(%arg16 : memref<!tpu.dma_semaphore, #tpu.memory_space<semaphore_mem>>)
        %slice3A_2915 = vector.extract_strided_slice %shift_left3A_2738 {offsets = [5], sizes = [1], strides = [1]} : vector<16xi32> to vector<1xi32>
        %reshape3A_2916 = vector.extract %slice3A_2915[0] : i32 from vector<1xi32>
        %multiple_of3A_2917 = tpu.assume_multiple %reshape3A_2916, 128 : i32
        %slice3A_2918 = vector.extract_strided_slice %shift_left3A_2744 {offsets = [5], sizes = [1], strides = [1]} : vector<16xi32> to vector<1xi32>
        %reshape3A_2919 = vector.extract %slice3A_2918[0] : i32 from vector<1xi32>
        %multiple_of3A_2920 = tpu.assume_multiple %reshape3A_2919, 128 : i32
        %dma_start3A_2921 = arith.constant 1 : i32
        %dma_start3A_2922 = arith.constant 5 : i32
        %dma_start3A_2923 = arith.constant 0 : i32
        %dma_start3A_2924 = arith.constant 0 : i32
        %dma_start3A_2925 = tpu.memref_slice %arg9[%dma_start3A_2921, %dma_start3A_2922, %dma_start3A_2923, %dma_start3A_2924] : memref<3x8x16x128xf32, #tpu.memory_space<vmem>> -> memref<1x1x16x128xf32, #tpu.memory_space<vmem>>
        %dma_start3A_2926 = tpu.memref_squeeze %dma_start3A_2925 : memref<1x1x16x128xf32, #tpu.memory_space<vmem>> -> memref<16x128xf32, #tpu.memory_space<vmem>>
        %dma_start3A_2927 = arith.constant 0 : i32
        %dma_start3A_2928 = tpu.memref_slice %arg4[%dma_start3A_2927, %multiple_of3A_2917] : memref<16x1000000xf32, #tpu.memory_space<hbm>> -> memref<16x128xf32, #tpu.memory_space<hbm>>
        %dma_start3A_2929 = arith.constant 0 : i32
        %dma_start3A_2930 = arith.constant 0 : i32
        %dma_start3A_2931 = tpu.memref_slice %arg9[%dma_start3A_2921, %dma_start3A_2922, %dma_start3A_2929, %dma_start3A_2930] : memref<3x8x16x128xf32, #tpu.memory_space<vmem>> -> memref<1x1x16x128xf32, #tpu.memory_space<vmem>>
        %dma_start3A_2932 = tpu.memref_squeeze %dma_start3A_2931 : memref<1x1x16x128xf32, #tpu.memory_space<vmem>> -> memref<16x128xf32, #tpu.memory_space<vmem>>
        %dma_start3A_2933 = arith.constant 0 : i32
        %dma_start3A_2934 = tpu.memref_slice %arg4[%dma_start3A_2933, %multiple_of3A_2917] : memref<16x1000000xf32, #tpu.memory_space<hbm>> -> memref<16x128xf32, #tpu.memory_space<hbm>>
        tpu.enqueue_dma source(%dma_start3A_2934 : memref<16x128xf32, #tpu.memory_space<hbm>>) target(%dma_start3A_2932 : memref<16x128xf32, #tpu.memory_space<vmem>>) target_semaphore(%arg15 : memref<!tpu.dma_semaphore, #tpu.memory_space<semaphore_mem>>)
        %dma_start3A_2935 = arith.constant 1 : i32
        %dma_start3A_2936 = arith.constant 5 : i32
        %dma_start3A_2937 = arith.constant 0 : i32
        %dma_start3A_2938 = arith.constant 0 : i32
        %dma_start3A_2939 = tpu.memref_slice %arg10[%dma_start3A_2935, %dma_start3A_2936, %dma_start3A_2937, %dma_start3A_2938] : memref<3x8x16x128xf32, #tpu.memory_space<vmem>> -> memref<1x1x16x128xf32, #tpu.memory_space<vmem>>
        %dma_start3A_2940 = tpu.memref_squeeze %dma_start3A_2939 : memref<1x1x16x128xf32, #tpu.memory_space<vmem>> -> memref<16x128xf32, #tpu.memory_space<vmem>>
        %dma_start3A_2941 = arith.constant 0 : i32
        %dma_start3A_2942 = tpu.memref_slice %arg5[%dma_start3A_2941, %multiple_of3A_2920] : memref<16x1000000xf32, #tpu.memory_space<hbm>> -> memref<16x128xf32, #tpu.memory_space<hbm>>
        %dma_start3A_2943 = arith.constant 0 : i32
        %dma_start3A_2944 = arith.constant 0 : i32
        %dma_start3A_2945 = tpu.memref_slice %arg10[%dma_start3A_2935, %dma_start3A_2936, %dma_start3A_2943, %dma_start3A_2944] : memref<3x8x16x128xf32, #tpu.memory_space<vmem>> -> memref<1x1x16x128xf32, #tpu.memory_space<vmem>>
        %dma_start3A_2946 = tpu.memref_squeeze %dma_start3A_2945 : memref<1x1x16x128xf32, #tpu.memory_space<vmem>> -> memref<16x128xf32, #tpu.memory_space<vmem>>
        %dma_start3A_2947 = arith.constant 0 : i32
        %dma_start3A_2948 = tpu.memref_slice %arg5[%dma_start3A_2947, %multiple_of3A_2920] : memref<16x1000000xf32, #tpu.memory_space<hbm>> -> memref<16x128xf32, #tpu.memory_space<hbm>>
        tpu.enqueue_dma source(%dma_start3A_2948 : memref<16x128xf32, #tpu.memory_space<hbm>>) target(%dma_start3A_2946 : memref<16x128xf32, #tpu.memory_space<vmem>>) target_semaphore(%arg16 : memref<!tpu.dma_semaphore, #tpu.memory_space<semaphore_mem>>)
        %slice3A_2949 = vector.extract_strided_slice %shift_left3A_2738 {offsets = [6], sizes = [1], strides = [1]} : vector<16xi32> to vector<1xi32>
        %reshape3A_2950 = vector.extract %slice3A_2949[0] : i32 from vector<1xi32>
        %multiple_of3A_2951 = tpu.assume_multiple %reshape3A_2950, 128 : i32
        %slice3A_2952 = vector.extract_strided_slice %shift_left3A_2744 {offsets = [6], sizes = [1], strides = [1]} : vector<16xi32> to vector<1xi32>
        %reshape3A_2953 = vector.extract %slice3A_2952[0] : i32 from vector<1xi32>
        %multiple_of3A_2954 = tpu.assume_multiple %reshape3A_2953, 128 : i32
        %dma_start3A_2955 = arith.constant 1 : i32
        %dma_start3A_2956 = arith.constant 6 : i32
        %dma_start3A_2957 = arith.constant 0 : i32
        %dma_start3A_2958 = arith.constant 0 : i32
        %dma_start3A_2959 = tpu.memref_slice %arg9[%dma_start3A_2955, %dma_start3A_2956, %dma_start3A_2957, %dma_start3A_2958] : memref<3x8x16x128xf32, #tpu.memory_space<vmem>> -> memref<1x1x16x128xf32, #tpu.memory_space<vmem>>
        %dma_start3A_2960 = tpu.memref_squeeze %dma_start3A_2959 : memref<1x1x16x128xf32, #tpu.memory_space<vmem>> -> memref<16x128xf32, #tpu.memory_space<vmem>>
        %dma_start3A_2961 = arith.constant 0 : i32
        %dma_start3A_2962 = tpu.memref_slice %arg4[%dma_start3A_2961, %multiple_of3A_2951] : memref<16x1000000xf32, #tpu.memory_space<hbm>> -> memref<16x128xf32, #tpu.memory_space<hbm>>
        %dma_start3A_2963 = arith.constant 0 : i32
        %dma_start3A_2964 = arith.constant 0 : i32
        %dma_start3A_2965 = tpu.memref_slice %arg9[%dma_start3A_2955, %dma_start3A_2956, %dma_start3A_2963, %dma_start3A_2964] : memref<3x8x16x128xf32, #tpu.memory_space<vmem>> -> memref<1x1x16x128xf32, #tpu.memory_space<vmem>>
        %dma_start3A_2966 = tpu.memref_squeeze %dma_start3A_2965 : memref<1x1x16x128xf32, #tpu.memory_space<vmem>> -> memref<16x128xf32, #tpu.memory_space<vmem>>
        %dma_start3A_2967 = arith.constant 0 : i32
        %dma_start3A_2968 = tpu.memref_slice %arg4[%dma_start3A_2967, %multiple_of3A_2951] : memref<16x1000000xf32, #tpu.memory_space<hbm>> -> memref<16x128xf32, #tpu.memory_space<hbm>>
        tpu.enqueue_dma source(%dma_start3A_2968 : memref<16x128xf32, #tpu.memory_space<hbm>>) target(%dma_start3A_2966 : memref<16x128xf32, #tpu.memory_space<vmem>>) target_semaphore(%arg15 : memref<!tpu.dma_semaphore, #tpu.memory_space<semaphore_mem>>)
        %dma_start3A_2969 = arith.constant 1 : i32
        %dma_start3A_2970 = arith.constant 6 : i32
        %dma_start3A_2971 = arith.constant 0 : i32
        %dma_start3A_2972 = arith.constant 0 : i32
        %dma_start3A_2973 = tpu.memref_slice %arg10[%dma_start3A_2969, %dma_start3A_2970, %dma_start3A_2971, %dma_start3A_2972] : memref<3x8x16x128xf32, #tpu.memory_space<vmem>> -> memref<1x1x16x128xf32, #tpu.memory_space<vmem>>
        %dma_start3A_2974 = tpu.memref_squeeze %dma_start3A_2973 : memref<1x1x16x128xf32, #tpu.memory_space<vmem>> -> memref<16x128xf32, #tpu.memory_space<vmem>>
        %dma_start3A_2975 = arith.constant 0 : i32
        %dma_start3A_2976 = tpu.memref_slice %arg5[%dma_start3A_2975, %multiple_of3A_2954] : memref<16x1000000xf32, #tpu.memory_space<hbm>> -> memref<16x128xf32, #tpu.memory_space<hbm>>
        %dma_start3A_2977 = arith.constant 0 : i32
        %dma_start3A_2978 = arith.constant 0 : i32
        %dma_start3A_2979 = tpu.memref_slice %arg10[%dma_start3A_2969, %dma_start3A_2970, %dma_start3A_2977, %dma_start3A_2978] : memref<3x8x16x128xf32, #tpu.memory_space<vmem>> -> memref<1x1x16x128xf32, #tpu.memory_space<vmem>>
        %dma_start3A_2980 = tpu.memref_squeeze %dma_start3A_2979 : memref<1x1x16x128xf32, #tpu.memory_space<vmem>> -> memref<16x128xf32, #tpu.memory_space<vmem>>
        %dma_start3A_2981 = arith.constant 0 : i32
        %dma_start3A_2982 = tpu.memref_slice %arg5[%dma_start3A_2981, %multiple_of3A_2954] : memref<16x1000000xf32, #tpu.memory_space<hbm>> -> memref<16x128xf32, #tpu.memory_space<hbm>>
        tpu.enqueue_dma source(%dma_start3A_2982 : memref<16x128xf32, #tpu.memory_space<hbm>>) target(%dma_start3A_2980 : memref<16x128xf32, #tpu.memory_space<vmem>>) target_semaphore(%arg16 : memref<!tpu.dma_semaphore, #tpu.memory_space<semaphore_mem>>)
        %slice3A_2983 = vector.extract_strided_slice %shift_left3A_2738 {offsets = [7], sizes = [1], strides = [1]} : vector<16xi32> to vector<1xi32>
        %reshape3A_2984 = vector.extract %slice3A_2983[0] : i32 from vector<1xi32>
        %multiple_of3A_2985 = tpu.assume_multiple %reshape3A_2984, 128 : i32
        %slice3A_2986 = vector.extract_strided_slice %shift_left3A_2744 {offsets = [7], sizes = [1], strides = [1]} : vector<16xi32> to vector<1xi32>
        %reshape3A_2987 = vector.extract %slice3A_2986[0] : i32 from vector<1xi32>
        %multiple_of3A_2988 = tpu.assume_multiple %reshape3A_2987, 128 : i32
        %dma_start3A_2989 = arith.constant 1 : i32
        %dma_start3A_2990 = arith.constant 7 : i32
        %dma_start3A_2991 = arith.constant 0 : i32
        %dma_start3A_2992 = arith.constant 0 : i32
        %dma_start3A_2993 = tpu.memref_slice %arg9[%dma_start3A_2989, %dma_start3A_2990, %dma_start3A_2991, %dma_start3A_2992] : memref<3x8x16x128xf32, #tpu.memory_space<vmem>> -> memref<1x1x16x128xf32, #tpu.memory_space<vmem>>
        %dma_start3A_2994 = tpu.memref_squeeze %dma_start3A_2993 : memref<1x1x16x128xf32, #tpu.memory_space<vmem>> -> memref<16x128xf32, #tpu.memory_space<vmem>>
        %dma_start3A_2995 = arith.constant 0 : i32
        %dma_start3A_2996 = tpu.memref_slice %arg4[%dma_start3A_2995, %multiple_of3A_2985] : memref<16x1000000xf32, #tpu.memory_space<hbm>> -> memref<16x128xf32, #tpu.memory_space<hbm>>
        %dma_start3A_2997 = arith.constant 0 : i32
        %dma_start3A_2998 = arith.constant 0 : i32
        %dma_start3A_2999 = tpu.memref_slice %arg9[%dma_start3A_2989, %dma_start3A_2990, %dma_start3A_2997, %dma_start3A_2998] : memref<3x8x16x128xf32, #tpu.memory_space<vmem>> -> memref<1x1x16x128xf32, #tpu.memory_space<vmem>>
        %dma_start3A_3000 = tpu.memref_squeeze %dma_start3A_2999 : memref<1x1x16x128xf32, #tpu.memory_space<vmem>> -> memref<16x128xf32, #tpu.memory_space<vmem>>
        %dma_start3A_3001 = arith.constant 0 : i32
        %dma_start3A_3002 = tpu.memref_slice %arg4[%dma_start3A_3001, %multiple_of3A_2985] : memref<16x1000000xf32, #tpu.memory_space<hbm>> -> memref<16x128xf32, #tpu.memory_space<hbm>>
        tpu.enqueue_dma source(%dma_start3A_3002 : memref<16x128xf32, #tpu.memory_space<hbm>>) target(%dma_start3A_3000 : memref<16x128xf32, #tpu.memory_space<vmem>>) target_semaphore(%arg15 : memref<!tpu.dma_semaphore, #tpu.memory_space<semaphore_mem>>)
        %dma_start3A_3003 = arith.constant 1 : i32
        %dma_start3A_3004 = arith.constant 7 : i32
        %dma_start3A_3005 = arith.constant 0 : i32
        %dma_start3A_3006 = arith.constant 0 : i32
        %dma_start3A_3007 = tpu.memref_slice %arg10[%dma_start3A_3003, %dma_start3A_3004, %dma_start3A_3005, %dma_start3A_3006] : memref<3x8x16x128xf32, #tpu.memory_space<vmem>> -> memref<1x1x16x128xf32, #tpu.memory_space<vmem>>
        %dma_start3A_3008 = tpu.memref_squeeze %dma_start3A_3007 : memref<1x1x16x128xf32, #tpu.memory_space<vmem>> -> memref<16x128xf32, #tpu.memory_space<vmem>>
        %dma_start3A_3009 = arith.constant 0 : i32
        %dma_start3A_3010 = tpu.memref_slice %arg5[%dma_start3A_3009, %multiple_of3A_2988] : memref<16x1000000xf32, #tpu.memory_space<hbm>> -> memref<16x128xf32, #tpu.memory_space<hbm>>
        %dma_start3A_3011 = arith.constant 0 : i32
        %dma_start3A_3012 = arith.constant 0 : i32
        %dma_start3A_3013 = tpu.memref_slice %arg10[%dma_start3A_3003, %dma_start3A_3004, %dma_start3A_3011, %dma_start3A_3012] : memref<3x8x16x128xf32, #tpu.memory_space<vmem>> -> memref<1x1x16x128xf32, #tpu.memory_space<vmem>>
        %dma_start3A_3014 = tpu.memref_squeeze %dma_start3A_3013 : memref<1x1x16x128xf32, #tpu.memory_space<vmem>> -> memref<16x128xf32, #tpu.memory_space<vmem>>
        %dma_start3A_3015 = arith.constant 0 : i32
        %dma_start3A_3016 = tpu.memref_slice %arg5[%dma_start3A_3015, %multiple_of3A_2988] : memref<16x1000000xf32, #tpu.memory_space<hbm>> -> memref<16x128xf32, #tpu.memory_space<hbm>>
        tpu.enqueue_dma source(%dma_start3A_3016 : memref<16x128xf32, #tpu.memory_space<hbm>>) target(%dma_start3A_3014 : memref<16x128xf32, #tpu.memory_space<vmem>>) target_semaphore(%arg16 : memref<!tpu.dma_semaphore, #tpu.memory_space<semaphore_mem>>)
      } else {
      }
    }
    %scan3A_576 = arith.constant 21 : i32
    %dma_wait3A = arith.constant 0 : i32
    %dma_wait3A_577 = arith.constant 0 : i32
    %dma_wait3A_578 = arith.constant 0 : i32
    %dma_wait3A_579 = arith.constant 0 : i32
    %dma_wait3A_580 = tpu.memref_slice %arg9[%dma_wait3A, %dma_wait3A_577, %dma_wait3A_578, %dma_wait3A_579] : memref<3x8x16x128xf32, #tpu.memory_space<vmem>> -> memref<1x1x16x128xf32, #tpu.memory_space<vmem>>
    %dma_wait3A_581 = tpu.memref_squeeze %dma_wait3A_580 : memref<1x1x16x128xf32, #tpu.memory_space<vmem>> -> memref<16x128xf32, #tpu.memory_space<vmem>>
    %dma_wait3A_582 = arith.constant 0 : i32
    %dma_wait3A_583 = arith.constant 0 : i32
    %dma_wait3A_584 = tpu.memref_slice %arg4[%dma_wait3A_582, %dma_wait3A_583] : memref<16x1000000xf32, #tpu.memory_space<hbm>> -> memref<16x128xf32, #tpu.memory_space<hbm>>
    %dma_wait3A_585 = arith.constant 0 : i32
    %dma_wait3A_586 = arith.constant 0 : i32
    %dma_wait3A_587 = tpu.memref_slice %arg9[%dma_wait3A, %dma_wait3A_577, %dma_wait3A_585, %dma_wait3A_586] : memref<3x8x16x128xf32, #tpu.memory_space<vmem>> -> memref<1x1x16x128xf32, #tpu.memory_space<vmem>>
    %dma_wait3A_588 = tpu.memref_squeeze %dma_wait3A_587 : memref<1x1x16x128xf32, #tpu.memory_space<vmem>> -> memref<16x128xf32, #tpu.memory_space<vmem>>
    %dma_wait3A_589 = arith.constant 0 : i32
    %dma_wait3A_590 = arith.constant 0 : i32
    %dma_wait3A_591 = tpu.memref_slice %arg4[%dma_wait3A_589, %dma_wait3A_590] : memref<16x1000000xf32, #tpu.memory_space<hbm>> -> memref<16x128xf32, #tpu.memory_space<hbm>>
    tpu.wait_dma2 semaphore(%arg13 : memref<!tpu.dma_semaphore, #tpu.memory_space<semaphore_mem>>) src(%dma_wait3A_591 : memref<16x128xf32, #tpu.memory_space<hbm>>) dst(%dma_wait3A_588 : memref<16x128xf32, #tpu.memory_space<vmem>>)
    %dma_wait3A_592 = arith.constant 0 : i32
    %dma_wait3A_593 = arith.constant 0 : i32
    %dma_wait3A_594 = arith.constant 0 : i32
    %dma_wait3A_595 = arith.constant 0 : i32
    %dma_wait3A_596 = tpu.memref_slice %arg10[%dma_wait3A_592, %dma_wait3A_593, %dma_wait3A_594, %dma_wait3A_595] : memref<3x8x16x128xf32, #tpu.memory_space<vmem>> -> memref<1x1x16x128xf32, #tpu.memory_space<vmem>>
    %dma_wait3A_597 = tpu.memref_squeeze %dma_wait3A_596 : memref<1x1x16x128xf32, #tpu.memory_space<vmem>> -> memref<16x128xf32, #tpu.memory_space<vmem>>
    %dma_wait3A_598 = arith.constant 0 : i32
    %dma_wait3A_599 = arith.constant 0 : i32
    %dma_wait3A_600 = tpu.memref_slice %arg5[%dma_wait3A_598, %dma_wait3A_599] : memref<16x1000000xf32, #tpu.memory_space<hbm>> -> memref<16x128xf32, #tpu.memory_space<hbm>>
    %dma_wait3A_601 = arith.constant 0 : i32
    %dma_wait3A_602 = arith.constant 0 : i32
    %dma_wait3A_603 = tpu.memref_slice %arg10[%dma_wait3A_592, %dma_wait3A_593, %dma_wait3A_601, %dma_wait3A_602] : memref<3x8x16x128xf32, #tpu.memory_space<vmem>> -> memref<1x1x16x128xf32, #tpu.memory_space<vmem>>
    %dma_wait3A_604 = tpu.memref_squeeze %dma_wait3A_603 : memref<1x1x16x128xf32, #tpu.memory_space<vmem>> -> memref<16x128xf32, #tpu.memory_space<vmem>>
    %dma_wait3A_605 = arith.constant 0 : i32
    %dma_wait3A_606 = arith.constant 0 : i32
    %dma_wait3A_607 = tpu.memref_slice %arg5[%dma_wait3A_605, %dma_wait3A_606] : memref<16x1000000xf32, #tpu.memory_space<hbm>> -> memref<16x128xf32, #tpu.memory_space<hbm>>
    tpu.wait_dma2 semaphore(%arg14 : memref<!tpu.dma_semaphore, #tpu.memory_space<semaphore_mem>>) src(%dma_wait3A_607 : memref<16x128xf32, #tpu.memory_space<hbm>>) dst(%dma_wait3A_604 : memref<16x128xf32, #tpu.memory_space<vmem>>)
    %dma_wait3A_608 = arith.constant 0 : i32
    %dma_wait3A_609 = arith.constant 0 : i32
    %dma_wait3A_610 = arith.constant 0 : i32
    %dma_wait3A_611 = arith.constant 0 : i32
    %dma_wait3A_612 = tpu.memref_slice %arg9[%dma_wait3A_608, %dma_wait3A_609, %dma_wait3A_610, %dma_wait3A_611] : memref<3x8x16x128xf32, #tpu.memory_space<vmem>> -> memref<1x1x16x128xf32, #tpu.memory_space<vmem>>
    %dma_wait3A_613 = tpu.memref_squeeze %dma_wait3A_612 : memref<1x1x16x128xf32, #tpu.memory_space<vmem>> -> memref<16x128xf32, #tpu.memory_space<vmem>>
    %dma_wait3A_614 = arith.constant 0 : i32
    %dma_wait3A_615 = arith.constant 0 : i32
    %dma_wait3A_616 = tpu.memref_slice %arg4[%dma_wait3A_614, %dma_wait3A_615] : memref<16x1000000xf32, #tpu.memory_space<hbm>> -> memref<16x128xf32, #tpu.memory_space<hbm>>
    %dma_wait3A_617 = arith.constant 0 : i32
    %dma_wait3A_618 = arith.constant 0 : i32
    %dma_wait3A_619 = tpu.memref_slice %arg9[%dma_wait3A_608, %dma_wait3A_609, %dma_wait3A_617, %dma_wait3A_618] : memref<3x8x16x128xf32, #tpu.memory_space<vmem>> -> memref<1x1x16x128xf32, #tpu.memory_space<vmem>>
    %dma_wait3A_620 = tpu.memref_squeeze %dma_wait3A_619 : memref<1x1x16x128xf32, #tpu.memory_space<vmem>> -> memref<16x128xf32, #tpu.memory_space<vmem>>
    %dma_wait3A_621 = arith.constant 0 : i32
    %dma_wait3A_622 = arith.constant 0 : i32
    %dma_wait3A_623 = tpu.memref_slice %arg4[%dma_wait3A_621, %dma_wait3A_622] : memref<16x1000000xf32, #tpu.memory_space<hbm>> -> memref<16x128xf32, #tpu.memory_space<hbm>>
    tpu.wait_dma2 semaphore(%arg13 : memref<!tpu.dma_semaphore, #tpu.memory_space<semaphore_mem>>) src(%dma_wait3A_623 : memref<16x128xf32, #tpu.memory_space<hbm>>) dst(%dma_wait3A_620 : memref<16x128xf32, #tpu.memory_space<vmem>>)
    %dma_wait3A_624 = arith.constant 0 : i32
    %dma_wait3A_625 = arith.constant 0 : i32
    %dma_wait3A_626 = arith.constant 0 : i32
    %dma_wait3A_627 = arith.constant 0 : i32
    %dma_wait3A_628 = tpu.memref_slice %arg10[%dma_wait3A_624, %dma_wait3A_625, %dma_wait3A_626, %dma_wait3A_627] : memref<3x8x16x128xf32, #tpu.memory_space<vmem>> -> memref<1x1x16x128xf32, #tpu.memory_space<vmem>>
    %dma_wait3A_629 = tpu.memref_squeeze %dma_wait3A_628 : memref<1x1x16x128xf32, #tpu.memory_space<vmem>> -> memref<16x128xf32, #tpu.memory_space<vmem>>
    %dma_wait3A_630 = arith.constant 0 : i32
    %dma_wait3A_631 = arith.constant 0 : i32
    %dma_wait3A_632 = tpu.memref_slice %arg5[%dma_wait3A_630, %dma_wait3A_631] : memref<16x1000000xf32, #tpu.memory_space<hbm>> -> memref<16x128xf32, #tpu.memory_space<hbm>>
    %dma_wait3A_633 = arith.constant 0 : i32
    %dma_wait3A_634 = arith.constant 0 : i32
    %dma_wait3A_635 = tpu.memref_slice %arg10[%dma_wait3A_624, %dma_wait3A_625, %dma_wait3A_633, %dma_wait3A_634] : memref<3x8x16x128xf32, #tpu.memory_space<vmem>> -> memref<1x1x16x128xf32, #tpu.memory_space<vmem>>
    %dma_wait3A_636 = tpu.memref_squeeze %dma_wait3A_635 : memref<1x1x16x128xf32, #tpu.memory_space<vmem>> -> memref<16x128xf32, #tpu.memory_space<vmem>>
    %dma_wait3A_637 = arith.constant 0 : i32
    %dma_wait3A_638 = arith.constant 0 : i32
    %dma_wait3A_639 = tpu.memref_slice %arg5[%dma_wait3A_637, %dma_wait3A_638] : memref<16x1000000xf32, #tpu.memory_space<hbm>> -> memref<16x128xf32, #tpu.memory_space<hbm>>
    tpu.wait_dma2 semaphore(%arg14 : memref<!tpu.dma_semaphore, #tpu.memory_space<semaphore_mem>>) src(%dma_wait3A_639 : memref<16x128xf32, #tpu.memory_space<hbm>>) dst(%dma_wait3A_636 : memref<16x128xf32, #tpu.memory_space<vmem>>)
    %dma_wait3A_640 = arith.constant 0 : i32
    %dma_wait3A_641 = arith.constant 0 : i32
    %dma_wait3A_642 = arith.constant 0 : i32
    %dma_wait3A_643 = arith.constant 0 : i32
    %dma_wait3A_644 = tpu.memref_slice %arg9[%dma_wait3A_640, %dma_wait3A_641, %dma_wait3A_642, %dma_wait3A_643] : memref<3x8x16x128xf32, #tpu.memory_space<vmem>> -> memref<1x1x16x128xf32, #tpu.memory_space<vmem>>
    %dma_wait3A_645 = tpu.memref_squeeze %dma_wait3A_644 : memref<1x1x16x128xf32, #tpu.memory_space<vmem>> -> memref<16x128xf32, #tpu.memory_space<vmem>>
    %dma_wait3A_646 = arith.constant 0 : i32
    %dma_wait3A_647 = arith.constant 0 : i32
    %dma_wait3A_648 = tpu.memref_slice %arg4[%dma_wait3A_646, %dma_wait3A_647] : memref<16x1000000xf32, #tpu.memory_space<hbm>> -> memref<16x128xf32, #tpu.memory_space<hbm>>
    %dma_wait3A_649 = arith.constant 0 : i32
    %dma_wait3A_650 = arith.constant 0 : i32
    %dma_wait3A_651 = tpu.memref_slice %arg9[%dma_wait3A_640, %dma_wait3A_641, %dma_wait3A_649, %dma_wait3A_650] : memref<3x8x16x128xf32, #tpu.memory_space<vmem>> -> memref<1x1x16x128xf32, #tpu.memory_space<vmem>>
    %dma_wait3A_652 = tpu.memref_squeeze %dma_wait3A_651 : memref<1x1x16x128xf32, #tpu.memory_space<vmem>> -> memref<16x128xf32, #tpu.memory_space<vmem>>
    %dma_wait3A_653 = arith.constant 0 : i32
    %dma_wait3A_654 = arith.constant 0 : i32
    %dma_wait3A_655 = tpu.memref_slice %arg4[%dma_wait3A_653, %dma_wait3A_654] : memref<16x1000000xf32, #tpu.memory_space<hbm>> -> memref<16x128xf32, #tpu.memory_space<hbm>>
    tpu.wait_dma2 semaphore(%arg13 : memref<!tpu.dma_semaphore, #tpu.memory_space<semaphore_mem>>) src(%dma_wait3A_655 : memref<16x128xf32, #tpu.memory_space<hbm>>) dst(%dma_wait3A_652 : memref<16x128xf32, #tpu.memory_space<vmem>>)
    %dma_wait3A_656 = arith.constant 0 : i32
    %dma_wait3A_657 = arith.constant 0 : i32
    %dma_wait3A_658 = arith.constant 0 : i32
    %dma_wait3A_659 = arith.constant 0 : i32
    %dma_wait3A_660 = tpu.memref_slice %arg10[%dma_wait3A_656, %dma_wait3A_657, %dma_wait3A_658, %dma_wait3A_659] : memref<3x8x16x128xf32, #tpu.memory_space<vmem>> -> memref<1x1x16x128xf32, #tpu.memory_space<vmem>>
    %dma_wait3A_661 = tpu.memref_squeeze %dma_wait3A_660 : memref<1x1x16x128xf32, #tpu.memory_space<vmem>> -> memref<16x128xf32, #tpu.memory_space<vmem>>
    %dma_wait3A_662 = arith.constant 0 : i32
    %dma_wait3A_663 = arith.constant 0 : i32
    %dma_wait3A_664 = tpu.memref_slice %arg5[%dma_wait3A_662, %dma_wait3A_663] : memref<16x1000000xf32, #tpu.memory_space<hbm>> -> memref<16x128xf32, #tpu.memory_space<hbm>>
    %dma_wait3A_665 = arith.constant 0 : i32
    %dma_wait3A_666 = arith.constant 0 : i32
    %dma_wait3A_667 = tpu.memref_slice %arg10[%dma_wait3A_656, %dma_wait3A_657, %dma_wait3A_665, %dma_wait3A_666] : memref<3x8x16x128xf32, #tpu.memory_space<vmem>> -> memref<1x1x16x128xf32, #tpu.memory_space<vmem>>
    %dma_wait3A_668 = tpu.memref_squeeze %dma_wait3A_667 : memref<1x1x16x128xf32, #tpu.memory_space<vmem>> -> memref<16x128xf32, #tpu.memory_space<vmem>>
    %dma_wait3A_669 = arith.constant 0 : i32
    %dma_wait3A_670 = arith.constant 0 : i32
    %dma_wait3A_671 = tpu.memref_slice %arg5[%dma_wait3A_669, %dma_wait3A_670] : memref<16x1000000xf32, #tpu.memory_space<hbm>> -> memref<16x128xf32, #tpu.memory_space<hbm>>
    tpu.wait_dma2 semaphore(%arg14 : memref<!tpu.dma_semaphore, #tpu.memory_space<semaphore_mem>>) src(%dma_wait3A_671 : memref<16x128xf32, #tpu.memory_space<hbm>>) dst(%dma_wait3A_668 : memref<16x128xf32, #tpu.memory_space<vmem>>)
    %dma_wait3A_672 = arith.constant 0 : i32
    %dma_wait3A_673 = arith.constant 0 : i32
    %dma_wait3A_674 = arith.constant 0 : i32
    %dma_wait3A_675 = arith.constant 0 : i32
    %dma_wait3A_676 = tpu.memref_slice %arg9[%dma_wait3A_672, %dma_wait3A_673, %dma_wait3A_674, %dma_wait3A_675] : memref<3x8x16x128xf32, #tpu.memory_space<vmem>> -> memref<1x1x16x128xf32, #tpu.memory_space<vmem>>
    %dma_wait3A_677 = tpu.memref_squeeze %dma_wait3A_676 : memref<1x1x16x128xf32, #tpu.memory_space<vmem>> -> memref<16x128xf32, #tpu.memory_space<vmem>>
    %dma_wait3A_678 = arith.constant 0 : i32
    %dma_wait3A_679 = arith.constant 0 : i32
    %dma_wait3A_680 = tpu.memref_slice %arg4[%dma_wait3A_678, %dma_wait3A_679] : memref<16x1000000xf32, #tpu.memory_space<hbm>> -> memref<16x128xf32, #tpu.memory_space<hbm>>
    %dma_wait3A_681 = arith.constant 0 : i32
    %dma_wait3A_682 = arith.constant 0 : i32
    %dma_wait3A_683 = tpu.memref_slice %arg9[%dma_wait3A_672, %dma_wait3A_673, %dma_wait3A_681, %dma_wait3A_682] : memref<3x8x16x128xf32, #tpu.memory_space<vmem>> -> memref<1x1x16x128xf32, #tpu.memory_space<vmem>>
    %dma_wait3A_684 = tpu.memref_squeeze %dma_wait3A_683 : memref<1x1x16x128xf32, #tpu.memory_space<vmem>> -> memref<16x128xf32, #tpu.memory_space<vmem>>
    %dma_wait3A_685 = arith.constant 0 : i32
    %dma_wait3A_686 = arith.constant 0 : i32
    %dma_wait3A_687 = tpu.memref_slice %arg4[%dma_wait3A_685, %dma_wait3A_686] : memref<16x1000000xf32, #tpu.memory_space<hbm>> -> memref<16x128xf32, #tpu.memory_space<hbm>>
    tpu.wait_dma2 semaphore(%arg13 : memref<!tpu.dma_semaphore, #tpu.memory_space<semaphore_mem>>) src(%dma_wait3A_687 : memref<16x128xf32, #tpu.memory_space<hbm>>) dst(%dma_wait3A_684 : memref<16x128xf32, #tpu.memory_space<vmem>>)
    %dma_wait3A_688 = arith.constant 0 : i32
    %dma_wait3A_689 = arith.constant 0 : i32
    %dma_wait3A_690 = arith.constant 0 : i32
    %dma_wait3A_691 = arith.constant 0 : i32
    %dma_wait3A_692 = tpu.memref_slice %arg10[%dma_wait3A_688, %dma_wait3A_689, %dma_wait3A_690, %dma_wait3A_691] : memref<3x8x16x128xf32, #tpu.memory_space<vmem>> -> memref<1x1x16x128xf32, #tpu.memory_space<vmem>>
    %dma_wait3A_693 = tpu.memref_squeeze %dma_wait3A_692 : memref<1x1x16x128xf32, #tpu.memory_space<vmem>> -> memref<16x128xf32, #tpu.memory_space<vmem>>
    %dma_wait3A_694 = arith.constant 0 : i32
    %dma_wait3A_695 = arith.constant 0 : i32
    %dma_wait3A_696 = tpu.memref_slice %arg5[%dma_wait3A_694, %dma_wait3A_695] : memref<16x1000000xf32, #tpu.memory_space<hbm>> -> memref<16x128xf32, #tpu.memory_space<hbm>>
    %dma_wait3A_697 = arith.constant 0 : i32
    %dma_wait3A_698 = arith.constant 0 : i32
    %dma_wait3A_699 = tpu.memref_slice %arg10[%dma_wait3A_688, %dma_wait3A_689, %dma_wait3A_697, %dma_wait3A_698] : memref<3x8x16x128xf32, #tpu.memory_space<vmem>> -> memref<1x1x16x128xf32, #tpu.memory_space<vmem>>
    %dma_wait3A_700 = tpu.memref_squeeze %dma_wait3A_699 : memref<1x1x16x128xf32, #tpu.memory_space<vmem>> -> memref<16x128xf32, #tpu.memory_space<vmem>>
    %dma_wait3A_701 = arith.constant 0 : i32
    %dma_wait3A_702 = arith.constant 0 : i32
    %dma_wait3A_703 = tpu.memref_slice %arg5[%dma_wait3A_701, %dma_wait3A_702] : memref<16x1000000xf32, #tpu.memory_space<hbm>> -> memref<16x128xf32, #tpu.memory_space<hbm>>
    tpu.wait_dma2 semaphore(%arg14 : memref<!tpu.dma_semaphore, #tpu.memory_space<semaphore_mem>>) src(%dma_wait3A_703 : memref<16x128xf32, #tpu.memory_space<hbm>>) dst(%dma_wait3A_700 : memref<16x128xf32, #tpu.memory_space<vmem>>)
    %dma_wait3A_704 = arith.constant 0 : i32
    %dma_wait3A_705 = arith.constant 0 : i32
    %dma_wait3A_706 = arith.constant 0 : i32
    %dma_wait3A_707 = arith.constant 0 : i32
    %dma_wait3A_708 = tpu.memref_slice %arg9[%dma_wait3A_704, %dma_wait3A_705, %dma_wait3A_706, %dma_wait3A_707] : memref<3x8x16x128xf32, #tpu.memory_space<vmem>> -> memref<1x1x16x128xf32, #tpu.memory_space<vmem>>
    %dma_wait3A_709 = tpu.memref_squeeze %dma_wait3A_708 : memref<1x1x16x128xf32, #tpu.memory_space<vmem>> -> memref<16x128xf32, #tpu.memory_space<vmem>>
    %dma_wait3A_710 = arith.constant 0 : i32
    %dma_wait3A_711 = arith.constant 0 : i32
    %dma_wait3A_712 = tpu.memref_slice %arg4[%dma_wait3A_710, %dma_wait3A_711] : memref<16x1000000xf32, #tpu.memory_space<hbm>> -> memref<16x128xf32, #tpu.memory_space<hbm>>
    %dma_wait3A_713 = arith.constant 0 : i32
    %dma_wait3A_714 = arith.constant 0 : i32
    %dma_wait3A_715 = tpu.memref_slice %arg9[%dma_wait3A_704, %dma_wait3A_705, %dma_wait3A_713, %dma_wait3A_714] : memref<3x8x16x128xf32, #tpu.memory_space<vmem>> -> memref<1x1x16x128xf32, #tpu.memory_space<vmem>>
    %dma_wait3A_716 = tpu.memref_squeeze %dma_wait3A_715 : memref<1x1x16x128xf32, #tpu.memory_space<vmem>> -> memref<16x128xf32, #tpu.memory_space<vmem>>
    %dma_wait3A_717 = arith.constant 0 : i32
    %dma_wait3A_718 = arith.constant 0 : i32
    %dma_wait3A_719 = tpu.memref_slice %arg4[%dma_wait3A_717, %dma_wait3A_718] : memref<16x1000000xf32, #tpu.memory_space<hbm>> -> memref<16x128xf32, #tpu.memory_space<hbm>>
    tpu.wait_dma2 semaphore(%arg13 : memref<!tpu.dma_semaphore, #tpu.memory_space<semaphore_mem>>) src(%dma_wait3A_719 : memref<16x128xf32, #tpu.memory_space<hbm>>) dst(%dma_wait3A_716 : memref<16x128xf32, #tpu.memory_space<vmem>>)
    %dma_wait3A_720 = arith.constant 0 : i32
    %dma_wait3A_721 = arith.constant 0 : i32
    %dma_wait3A_722 = arith.constant 0 : i32
    %dma_wait3A_723 = arith.constant 0 : i32
    %dma_wait3A_724 = tpu.memref_slice %arg10[%dma_wait3A_720, %dma_wait3A_721, %dma_wait3A_722, %dma_wait3A_723] : memref<3x8x16x128xf32, #tpu.memory_space<vmem>> -> memref<1x1x16x128xf32, #tpu.memory_space<vmem>>
    %dma_wait3A_725 = tpu.memref_squeeze %dma_wait3A_724 : memref<1x1x16x128xf32, #tpu.memory_space<vmem>> -> memref<16x128xf32, #tpu.memory_space<vmem>>
    %dma_wait3A_726 = arith.constant 0 : i32
    %dma_wait3A_727 = arith.constant 0 : i32
    %dma_wait3A_728 = tpu.memref_slice %arg5[%dma_wait3A_726, %dma_wait3A_727] : memref<16x1000000xf32, #tpu.memory_space<hbm>> -> memref<16x128xf32, #tpu.memory_space<hbm>>
    %dma_wait3A_729 = arith.constant 0 : i32
    %dma_wait3A_730 = arith.constant 0 : i32
    %dma_wait3A_731 = tpu.memref_slice %arg10[%dma_wait3A_720, %dma_wait3A_721, %dma_wait3A_729, %dma_wait3A_730] : memref<3x8x16x128xf32, #tpu.memory_space<vmem>> -> memref<1x1x16x128xf32, #tpu.memory_space<vmem>>
    %dma_wait3A_732 = tpu.memref_squeeze %dma_wait3A_731 : memref<1x1x16x128xf32, #tpu.memory_space<vmem>> -> memref<16x128xf32, #tpu.memory_space<vmem>>
    %dma_wait3A_733 = arith.constant 0 : i32
    %dma_wait3A_734 = arith.constant 0 : i32
    %dma_wait3A_735 = tpu.memref_slice %arg5[%dma_wait3A_733, %dma_wait3A_734] : memref<16x1000000xf32, #tpu.memory_space<hbm>> -> memref<16x128xf32, #tpu.memory_space<hbm>>
    tpu.wait_dma2 semaphore(%arg14 : memref<!tpu.dma_semaphore, #tpu.memory_space<semaphore_mem>>) src(%dma_wait3A_735 : memref<16x128xf32, #tpu.memory_space<hbm>>) dst(%dma_wait3A_732 : memref<16x128xf32, #tpu.memory_space<vmem>>)
    %dma_wait3A_736 = arith.constant 0 : i32
    %dma_wait3A_737 = arith.constant 0 : i32
    %dma_wait3A_738 = arith.constant 0 : i32
    %dma_wait3A_739 = arith.constant 0 : i32
    %dma_wait3A_740 = tpu.memref_slice %arg9[%dma_wait3A_736, %dma_wait3A_737, %dma_wait3A_738, %dma_wait3A_739] : memref<3x8x16x128xf32, #tpu.memory_space<vmem>> -> memref<1x1x16x128xf32, #tpu.memory_space<vmem>>
    %dma_wait3A_741 = tpu.memref_squeeze %dma_wait3A_740 : memref<1x1x16x128xf32, #tpu.memory_space<vmem>> -> memref<16x128xf32, #tpu.memory_space<vmem>>
    %dma_wait3A_742 = arith.constant 0 : i32
    %dma_wait3A_743 = arith.constant 0 : i32
    %dma_wait3A_744 = tpu.memref_slice %arg4[%dma_wait3A_742, %dma_wait3A_743] : memref<16x1000000xf32, #tpu.memory_space<hbm>> -> memref<16x128xf32, #tpu.memory_space<hbm>>
    %dma_wait3A_745 = arith.constant 0 : i32
    %dma_wait3A_746 = arith.constant 0 : i32
    %dma_wait3A_747 = tpu.memref_slice %arg9[%dma_wait3A_736, %dma_wait3A_737, %dma_wait3A_745, %dma_wait3A_746] : memref<3x8x16x128xf32, #tpu.memory_space<vmem>> -> memref<1x1x16x128xf32, #tpu.memory_space<vmem>>
    %dma_wait3A_748 = tpu.memref_squeeze %dma_wait3A_747 : memref<1x1x16x128xf32, #tpu.memory_space<vmem>> -> memref<16x128xf32, #tpu.memory_space<vmem>>
    %dma_wait3A_749 = arith.constant 0 : i32
    %dma_wait3A_750 = arith.constant 0 : i32
    %dma_wait3A_751 = tpu.memref_slice %arg4[%dma_wait3A_749, %dma_wait3A_750] : memref<16x1000000xf32, #tpu.memory_space<hbm>> -> memref<16x128xf32, #tpu.memory_space<hbm>>
    tpu.wait_dma2 semaphore(%arg13 : memref<!tpu.dma_semaphore, #tpu.memory_space<semaphore_mem>>) src(%dma_wait3A_751 : memref<16x128xf32, #tpu.memory_space<hbm>>) dst(%dma_wait3A_748 : memref<16x128xf32, #tpu.memory_space<vmem>>)
    %dma_wait3A_752 = arith.constant 0 : i32
    %dma_wait3A_753 = arith.constant 0 : i32
    %dma_wait3A_754 = arith.constant 0 : i32
    %dma_wait3A_755 = arith.constant 0 : i32
    %dma_wait3A_756 = tpu.memref_slice %arg10[%dma_wait3A_752, %dma_wait3A_753, %dma_wait3A_754, %dma_wait3A_755] : memref<3x8x16x128xf32, #tpu.memory_space<vmem>> -> memref<1x1x16x128xf32, #tpu.memory_space<vmem>>
    %dma_wait3A_757 = tpu.memref_squeeze %dma_wait3A_756 : memref<1x1x16x128xf32, #tpu.memory_space<vmem>> -> memref<16x128xf32, #tpu.memory_space<vmem>>
    %dma_wait3A_758 = arith.constant 0 : i32
    %dma_wait3A_759 = arith.constant 0 : i32
    %dma_wait3A_760 = tpu.memref_slice %arg5[%dma_wait3A_758, %dma_wait3A_759] : memref<16x1000000xf32, #tpu.memory_space<hbm>> -> memref<16x128xf32, #tpu.memory_space<hbm>>
    %dma_wait3A_761 = arith.constant 0 : i32
    %dma_wait3A_762 = arith.constant 0 : i32
    %dma_wait3A_763 = tpu.memref_slice %arg10[%dma_wait3A_752, %dma_wait3A_753, %dma_wait3A_761, %dma_wait3A_762] : memref<3x8x16x128xf32, #tpu.memory_space<vmem>> -> memref<1x1x16x128xf32, #tpu.memory_space<vmem>>
    %dma_wait3A_764 = tpu.memref_squeeze %dma_wait3A_763 : memref<1x1x16x128xf32, #tpu.memory_space<vmem>> -> memref<16x128xf32, #tpu.memory_space<vmem>>
    %dma_wait3A_765 = arith.constant 0 : i32
    %dma_wait3A_766 = arith.constant 0 : i32
    %dma_wait3A_767 = tpu.memref_slice %arg5[%dma_wait3A_765, %dma_wait3A_766] : memref<16x1000000xf32, #tpu.memory_space<hbm>> -> memref<16x128xf32, #tpu.memory_space<hbm>>
    tpu.wait_dma2 semaphore(%arg14 : memref<!tpu.dma_semaphore, #tpu.memory_space<semaphore_mem>>) src(%dma_wait3A_767 : memref<16x128xf32, #tpu.memory_space<hbm>>) dst(%dma_wait3A_764 : memref<16x128xf32, #tpu.memory_space<vmem>>)
    %dma_wait3A_768 = arith.constant 0 : i32
    %dma_wait3A_769 = arith.constant 0 : i32
    %dma_wait3A_770 = arith.constant 0 : i32
    %dma_wait3A_771 = arith.constant 0 : i32
    %dma_wait3A_772 = tpu.memref_slice %arg9[%dma_wait3A_768, %dma_wait3A_769, %dma_wait3A_770, %dma_wait3A_771] : memref<3x8x16x128xf32, #tpu.memory_space<vmem>> -> memref<1x1x16x128xf32, #tpu.memory_space<vmem>>
    %dma_wait3A_773 = tpu.memref_squeeze %dma_wait3A_772 : memref<1x1x16x128xf32, #tpu.memory_space<vmem>> -> memref<16x128xf32, #tpu.memory_space<vmem>>
    %dma_wait3A_774 = arith.constant 0 : i32
    %dma_wait3A_775 = arith.constant 0 : i32
    %dma_wait3A_776 = tpu.memref_slice %arg4[%dma_wait3A_774, %dma_wait3A_775] : memref<16x1000000xf32, #tpu.memory_space<hbm>> -> memref<16x128xf32, #tpu.memory_space<hbm>>
    %dma_wait3A_777 = arith.constant 0 : i32
    %dma_wait3A_778 = arith.constant 0 : i32
    %dma_wait3A_779 = tpu.memref_slice %arg9[%dma_wait3A_768, %dma_wait3A_769, %dma_wait3A_777, %dma_wait3A_778] : memref<3x8x16x128xf32, #tpu.memory_space<vmem>> -> memref<1x1x16x128xf32, #tpu.memory_space<vmem>>
    %dma_wait3A_780 = tpu.memref_squeeze %dma_wait3A_779 : memref<1x1x16x128xf32, #tpu.memory_space<vmem>> -> memref<16x128xf32, #tpu.memory_space<vmem>>
    %dma_wait3A_781 = arith.constant 0 : i32
    %dma_wait3A_782 = arith.constant 0 : i32
    %dma_wait3A_783 = tpu.memref_slice %arg4[%dma_wait3A_781, %dma_wait3A_782] : memref<16x1000000xf32, #tpu.memory_space<hbm>> -> memref<16x128xf32, #tpu.memory_space<hbm>>
    tpu.wait_dma2 semaphore(%arg13 : memref<!tpu.dma_semaphore, #tpu.memory_space<semaphore_mem>>) src(%dma_wait3A_783 : memref<16x128xf32, #tpu.memory_space<hbm>>) dst(%dma_wait3A_780 : memref<16x128xf32, #tpu.memory_space<vmem>>)
    %dma_wait3A_784 = arith.constant 0 : i32
    %dma_wait3A_785 = arith.constant 0 : i32
    %dma_wait3A_786 = arith.constant 0 : i32
    %dma_wait3A_787 = arith.constant 0 : i32
    %dma_wait3A_788 = tpu.memref_slice %arg10[%dma_wait3A_784, %dma_wait3A_785, %dma_wait3A_786, %dma_wait3A_787] : memref<3x8x16x128xf32, #tpu.memory_space<vmem>> -> memref<1x1x16x128xf32, #tpu.memory_space<vmem>>
    %dma_wait3A_789 = tpu.memref_squeeze %dma_wait3A_788 : memref<1x1x16x128xf32, #tpu.memory_space<vmem>> -> memref<16x128xf32, #tpu.memory_space<vmem>>
    %dma_wait3A_790 = arith.constant 0 : i32
    %dma_wait3A_791 = arith.constant 0 : i32
    %dma_wait3A_792 = tpu.memref_slice %arg5[%dma_wait3A_790, %dma_wait3A_791] : memref<16x1000000xf32, #tpu.memory_space<hbm>> -> memref<16x128xf32, #tpu.memory_space<hbm>>
    %dma_wait3A_793 = arith.constant 0 : i32
    %dma_wait3A_794 = arith.constant 0 : i32
    %dma_wait3A_795 = tpu.memref_slice %arg10[%dma_wait3A_784, %dma_wait3A_785, %dma_wait3A_793, %dma_wait3A_794] : memref<3x8x16x128xf32, #tpu.memory_space<vmem>> -> memref<1x1x16x128xf32, #tpu.memory_space<vmem>>
    %dma_wait3A_796 = tpu.memref_squeeze %dma_wait3A_795 : memref<1x1x16x128xf32, #tpu.memory_space<vmem>> -> memref<16x128xf32, #tpu.memory_space<vmem>>
    %dma_wait3A_797 = arith.constant 0 : i32
    %dma_wait3A_798 = arith.constant 0 : i32
    %dma_wait3A_799 = tpu.memref_slice %arg5[%dma_wait3A_797, %dma_wait3A_798] : memref<16x1000000xf32, #tpu.memory_space<hbm>> -> memref<16x128xf32, #tpu.memory_space<hbm>>
    tpu.wait_dma2 semaphore(%arg14 : memref<!tpu.dma_semaphore, #tpu.memory_space<semaphore_mem>>) src(%dma_wait3A_799 : memref<16x128xf32, #tpu.memory_space<hbm>>) dst(%dma_wait3A_796 : memref<16x128xf32, #tpu.memory_space<vmem>>)
    %dma_wait3A_800 = arith.constant 0 : i32
    %dma_wait3A_801 = arith.constant 0 : i32
    %dma_wait3A_802 = arith.constant 0 : i32
    %dma_wait3A_803 = arith.constant 0 : i32
    %dma_wait3A_804 = tpu.memref_slice %arg9[%dma_wait3A_800, %dma_wait3A_801, %dma_wait3A_802, %dma_wait3A_803] : memref<3x8x16x128xf32, #tpu.memory_space<vmem>> -> memref<1x1x16x128xf32, #tpu.memory_space<vmem>>
    %dma_wait3A_805 = tpu.memref_squeeze %dma_wait3A_804 : memref<1x1x16x128xf32, #tpu.memory_space<vmem>> -> memref<16x128xf32, #tpu.memory_space<vmem>>
    %dma_wait3A_806 = arith.constant 0 : i32
    %dma_wait3A_807 = arith.constant 0 : i32
    %dma_wait3A_808 = tpu.memref_slice %arg4[%dma_wait3A_806, %dma_wait3A_807] : memref<16x1000000xf32, #tpu.memory_space<hbm>> -> memref<16x128xf32, #tpu.memory_space<hbm>>
    %dma_wait3A_809 = arith.constant 0 : i32
    %dma_wait3A_810 = arith.constant 0 : i32
    %dma_wait3A_811 = tpu.memref_slice %arg9[%dma_wait3A_800, %dma_wait3A_801, %dma_wait3A_809, %dma_wait3A_810] : memref<3x8x16x128xf32, #tpu.memory_space<vmem>> -> memref<1x1x16x128xf32, #tpu.memory_space<vmem>>
    %dma_wait3A_812 = tpu.memref_squeeze %dma_wait3A_811 : memref<1x1x16x128xf32, #tpu.memory_space<vmem>> -> memref<16x128xf32, #tpu.memory_space<vmem>>
    %dma_wait3A_813 = arith.constant 0 : i32
    %dma_wait3A_814 = arith.constant 0 : i32
    %dma_wait3A_815 = tpu.memref_slice %arg4[%dma_wait3A_813, %dma_wait3A_814] : memref<16x1000000xf32, #tpu.memory_space<hbm>> -> memref<16x128xf32, #tpu.memory_space<hbm>>
    tpu.wait_dma2 semaphore(%arg13 : memref<!tpu.dma_semaphore, #tpu.memory_space<semaphore_mem>>) src(%dma_wait3A_815 : memref<16x128xf32, #tpu.memory_space<hbm>>) dst(%dma_wait3A_812 : memref<16x128xf32, #tpu.memory_space<vmem>>)
    %dma_wait3A_816 = arith.constant 0 : i32
    %dma_wait3A_817 = arith.constant 0 : i32
    %dma_wait3A_818 = arith.constant 0 : i32
    %dma_wait3A_819 = arith.constant 0 : i32
    %dma_wait3A_820 = tpu.memref_slice %arg10[%dma_wait3A_816, %dma_wait3A_817, %dma_wait3A_818, %dma_wait3A_819] : memref<3x8x16x128xf32, #tpu.memory_space<vmem>> -> memref<1x1x16x128xf32, #tpu.memory_space<vmem>>
    %dma_wait3A_821 = tpu.memref_squeeze %dma_wait3A_820 : memref<1x1x16x128xf32, #tpu.memory_space<vmem>> -> memref<16x128xf32, #tpu.memory_space<vmem>>
    %dma_wait3A_822 = arith.constant 0 : i32
    %dma_wait3A_823 = arith.constant 0 : i32
    %dma_wait3A_824 = tpu.memref_slice %arg5[%dma_wait3A_822, %dma_wait3A_823] : memref<16x1000000xf32, #tpu.memory_space<hbm>> -> memref<16x128xf32, #tpu.memory_space<hbm>>
    %dma_wait3A_825 = arith.constant 0 : i32
    %dma_wait3A_826 = arith.constant 0 : i32
    %dma_wait3A_827 = tpu.memref_slice %arg10[%dma_wait3A_816, %dma_wait3A_817, %dma_wait3A_825, %dma_wait3A_826] : memref<3x8x16x128xf32, #tpu.memory_space<vmem>> -> memref<1x1x16x128xf32, #tpu.memory_space<vmem>>
    %dma_wait3A_828 = tpu.memref_squeeze %dma_wait3A_827 : memref<1x1x16x128xf32, #tpu.memory_space<vmem>> -> memref<16x128xf32, #tpu.memory_space<vmem>>
    %dma_wait3A_829 = arith.constant 0 : i32
    %dma_wait3A_830 = arith.constant 0 : i32
    %dma_wait3A_831 = tpu.memref_slice %arg5[%dma_wait3A_829, %dma_wait3A_830] : memref<16x1000000xf32, #tpu.memory_space<hbm>> -> memref<16x128xf32, #tpu.memory_space<hbm>>
    tpu.wait_dma2 semaphore(%arg14 : memref<!tpu.dma_semaphore, #tpu.memory_space<semaphore_mem>>) src(%dma_wait3A_831 : memref<16x128xf32, #tpu.memory_space<hbm>>) dst(%dma_wait3A_828 : memref<16x128xf32, #tpu.memory_space<vmem>>)
    %get3A_832 = arith.constant 504 : index
    %get3A_833 = tpu.vector_load %arg7[%get3A_832] {strides = array<i32>} : memref<520xi32, #tpu.memory_space<vmem>>, vector<16xi32>,
    %and3A = arith.constant 127 : i32
    %and3A_834 = vector.broadcast %and3A : i32 to vector<16xi32>
    %and3A_835 = arith.andi %get3A_833, %and3A_834 : vector<16xi32>
    %get3A_836 = arith.constant 504 : index
    %get3A_837 = tpu.vector_load %arg8[%get3A_836] {strides = array<i32>} : memref<520xi32, #tpu.memory_space<vmem>>, vector<16xi32>,
    %and3A_838 = arith.constant 127 : i32
    %and3A_839 = vector.broadcast %and3A_838 : i32 to vector<16xi32>
    %and3A_840 = arith.andi %get3A_837, %and3A_839 : vector<16xi32>
    %slice3A_841 = vector.extract_strided_slice %and3A_835 {offsets = [0], sizes = [1], strides = [1]} : vector<16xi32> to vector<1xi32>
    %reshape3A_842 = vector.extract %slice3A_841[0] : i32 from vector<1xi32>
    %broadcast_in_dim3A = vector.broadcast %reshape3A_842 : i32 to vector<16xi32>
    %slice3A_843 = vector.extract_strided_slice %and3A_840 {offsets = [0], sizes = [1], strides = [1]} : vector<16xi32> to vector<1xi32>
    %reshape3A_844 = vector.extract %slice3A_843[0] : i32 from vector<1xi32>
    %broadcast_in_dim3A_845 = vector.broadcast %reshape3A_844 : i32 to vector<16xi32>
    %gather3A = arith.constant 0 : i32
    %gather3A_846 = arith.constant 0 : i32
    %gather3A_847 = arith.constant 0 : i32
    %gather3A_848 = arith.constant 0 : i32
    %gather3A_849 = tpu.memref_slice %arg9[%gather3A, %gather3A_846, %gather3A_847, %gather3A_848] : memref<3x8x16x128xf32, #tpu.memory_space<vmem>> -> memref<1x1x16x128xf32, #tpu.memory_space<vmem>>
    %gather3A_850 = tpu.memref_squeeze %gather3A_849 : memref<1x1x16x128xf32, #tpu.memory_space<vmem>> -> memref<16x128xf32, #tpu.memory_space<vmem>>
    %gather3A_851 = tpu.vector_load_idx %gather3A_850[%iota3A, %broadcast_in_dim3A] : memref<16x128xf32, #tpu.memory_space<vmem>>[vector<16xi32>, vector<16xi32>], vector<16xf32>,
    %gather3A_852 = arith.constant 0 : i32
    %gather3A_853 = arith.constant 0 : i32
    %gather3A_854 = arith.constant 0 : i32
    %gather3A_855 = arith.constant 0 : i32
    %gather3A_856 = tpu.memref_slice %arg10[%gather3A_852, %gather3A_853, %gather3A_854, %gather3A_855] : memref<3x8x16x128xf32, #tpu.memory_space<vmem>> -> memref<1x1x16x128xf32, #tpu.memory_space<vmem>>
    %gather3A_857 = tpu.memref_squeeze %gather3A_856 : memref<1x1x16x128xf32, #tpu.memory_space<vmem>> -> memref<16x128xf32, #tpu.memory_space<vmem>>
    %gather3A_858 = tpu.vector_load_idx %gather3A_857[%iota3A, %broadcast_in_dim3A_845] : memref<16x128xf32, #tpu.memory_space<vmem>>[vector<16xi32>, vector<16xi32>], vector<16xf32>,
    %mul3A_859 = arith.constant 16 : i32
    %mul3A_860 = vector.broadcast %mul3A_859 : i32 to vector<16xi32>
    %mul3A_861 = arith.muli %iota3A, %mul3A_860 : vector<16xi32>
    %add3A_862 = arith.constant 8 : i32
    %add3A_863 = vector.broadcast %add3A_862 : i32 to vector<16xi32>
    %add3A_864 = arith.addi %mul3A_861, %add3A_863 : vector<16xi32>
    %mul3A_865 = arith.mulf %gather3A_851, %gather3A_858 : vector<16xf32>
    tpu.vector_store_idx %arg11[%add3A_864], %mul3A_865 : memref<256xf32, #tpu.memory_space<vmem>>[vector<16xi32>], vector<16xf32>,
    %slice3A_866 = vector.extract_strided_slice %and3A_835 {offsets = [1], sizes = [1], strides = [1]} : vector<16xi32> to vector<1xi32>
    %reshape3A_867 = vector.extract %slice3A_866[0] : i32 from vector<1xi32>
    %broadcast_in_dim3A_868 = vector.broadcast %reshape3A_867 : i32 to vector<16xi32>
    %slice3A_869 = vector.extract_strided_slice %and3A_840 {offsets = [1], sizes = [1], strides = [1]} : vector<16xi32> to vector<1xi32>
    %reshape3A_870 = vector.extract %slice3A_869[0] : i32 from vector<1xi32>
    %broadcast_in_dim3A_871 = vector.broadcast %reshape3A_870 : i32 to vector<16xi32>
    %gather3A_872 = arith.constant 0 : i32
    %gather3A_873 = arith.constant 1 : i32
    %gather3A_874 = arith.constant 0 : i32
    %gather3A_875 = arith.constant 0 : i32
    %gather3A_876 = tpu.memref_slice %arg9[%gather3A_872, %gather3A_873, %gather3A_874, %gather3A_875] : memref<3x8x16x128xf32, #tpu.memory_space<vmem>> -> memref<1x1x16x128xf32, #tpu.memory_space<vmem>>
    %gather3A_877 = tpu.memref_squeeze %gather3A_876 : memref<1x1x16x128xf32, #tpu.memory_space<vmem>> -> memref<16x128xf32, #tpu.memory_space<vmem>>
    %gather3A_878 = tpu.vector_load_idx %gather3A_877[%iota3A, %broadcast_in_dim3A_868] : memref<16x128xf32, #tpu.memory_space<vmem>>[vector<16xi32>, vector<16xi32>], vector<16xf32>,
    %gather3A_879 = arith.constant 0 : i32
    %gather3A_880 = arith.constant 1 : i32
    %gather3A_881 = arith.constant 0 : i32
    %gather3A_882 = arith.constant 0 : i32
    %gather3A_883 = tpu.memref_slice %arg10[%gather3A_879, %gather3A_880, %gather3A_881, %gather3A_882] : memref<3x8x16x128xf32, #tpu.memory_space<vmem>> -> memref<1x1x16x128xf32, #tpu.memory_space<vmem>>
    %gather3A_884 = tpu.memref_squeeze %gather3A_883 : memref<1x1x16x128xf32, #tpu.memory_space<vmem>> -> memref<16x128xf32, #tpu.memory_space<vmem>>
    %gather3A_885 = tpu.vector_load_idx %gather3A_884[%iota3A, %broadcast_in_dim3A_871] : memref<16x128xf32, #tpu.memory_space<vmem>>[vector<16xi32>, vector<16xi32>], vector<16xf32>,
    %mul3A_886 = arith.constant 16 : i32
    %mul3A_887 = vector.broadcast %mul3A_886 : i32 to vector<16xi32>
    %mul3A_888 = arith.muli %iota3A, %mul3A_887 : vector<16xi32>
    %add3A_889 = arith.constant 9 : i32
    %add3A_890 = vector.broadcast %add3A_889 : i32 to vector<16xi32>
    %add3A_891 = arith.addi %mul3A_888, %add3A_890 : vector<16xi32>
    %mul3A_892 = arith.mulf %gather3A_878, %gather3A_885 : vector<16xf32>
    tpu.vector_store_idx %arg11[%add3A_891], %mul3A_892 : memref<256xf32, #tpu.memory_space<vmem>>[vector<16xi32>], vector<16xf32>,
    %slice3A_893 = vector.extract_strided_slice %and3A_835 {offsets = [2], sizes = [1], strides = [1]} : vector<16xi32> to vector<1xi32>
    %reshape3A_894 = vector.extract %slice3A_893[0] : i32 from vector<1xi32>
    %broadcast_in_dim3A_895 = vector.broadcast %reshape3A_894 : i32 to vector<16xi32>
    %slice3A_896 = vector.extract_strided_slice %and3A_840 {offsets = [2], sizes = [1], strides = [1]} : vector<16xi32> to vector<1xi32>
    %reshape3A_897 = vector.extract %slice3A_896[0] : i32 from vector<1xi32>
    %broadcast_in_dim3A_898 = vector.broadcast %reshape3A_897 : i32 to vector<16xi32>
    %gather3A_899 = arith.constant 0 : i32
    %gather3A_900 = arith.constant 2 : i32
    %gather3A_901 = arith.constant 0 : i32
    %gather3A_902 = arith.constant 0 : i32
    %gather3A_903 = tpu.memref_slice %arg9[%gather3A_899, %gather3A_900, %gather3A_901, %gather3A_902] : memref<3x8x16x128xf32, #tpu.memory_space<vmem>> -> memref<1x1x16x128xf32, #tpu.memory_space<vmem>>
    %gather3A_904 = tpu.memref_squeeze %gather3A_903 : memref<1x1x16x128xf32, #tpu.memory_space<vmem>> -> memref<16x128xf32, #tpu.memory_space<vmem>>
    %gather3A_905 = tpu.vector_load_idx %gather3A_904[%iota3A, %broadcast_in_dim3A_895] : memref<16x128xf32, #tpu.memory_space<vmem>>[vector<16xi32>, vector<16xi32>], vector<16xf32>,
    %gather3A_906 = arith.constant 0 : i32
    %gather3A_907 = arith.constant 2 : i32
    %gather3A_908 = arith.constant 0 : i32
    %gather3A_909 = arith.constant 0 : i32
    %gather3A_910 = tpu.memref_slice %arg10[%gather3A_906, %gather3A_907, %gather3A_908, %gather3A_909] : memref<3x8x16x128xf32, #tpu.memory_space<vmem>> -> memref<1x1x16x128xf32, #tpu.memory_space<vmem>>
    %gather3A_911 = tpu.memref_squeeze %gather3A_910 : memref<1x1x16x128xf32, #tpu.memory_space<vmem>> -> memref<16x128xf32, #tpu.memory_space<vmem>>
    %gather3A_912 = tpu.vector_load_idx %gather3A_911[%iota3A, %broadcast_in_dim3A_898] : memref<16x128xf32, #tpu.memory_space<vmem>>[vector<16xi32>, vector<16xi32>], vector<16xf32>,
    %mul3A_913 = arith.constant 16 : i32
    %mul3A_914 = vector.broadcast %mul3A_913 : i32 to vector<16xi32>
    %mul3A_915 = arith.muli %iota3A, %mul3A_914 : vector<16xi32>
    %add3A_916 = arith.constant 10 : i32
    %add3A_917 = vector.broadcast %add3A_916 : i32 to vector<16xi32>
    %add3A_918 = arith.addi %mul3A_915, %add3A_917 : vector<16xi32>
    %mul3A_919 = arith.mulf %gather3A_905, %gather3A_912 : vector<16xf32>
    tpu.vector_store_idx %arg11[%add3A_918], %mul3A_919 : memref<256xf32, #tpu.memory_space<vmem>>[vector<16xi32>], vector<16xf32>,
    %slice3A_920 = vector.extract_strided_slice %and3A_835 {offsets = [3], sizes = [1], strides = [1]} : vector<16xi32> to vector<1xi32>
    %reshape3A_921 = vector.extract %slice3A_920[0] : i32 from vector<1xi32>
    %broadcast_in_dim3A_922 = vector.broadcast %reshape3A_921 : i32 to vector<16xi32>
    %slice3A_923 = vector.extract_strided_slice %and3A_840 {offsets = [3], sizes = [1], strides = [1]} : vector<16xi32> to vector<1xi32>
    %reshape3A_924 = vector.extract %slice3A_923[0] : i32 from vector<1xi32>
    %broadcast_in_dim3A_925 = vector.broadcast %reshape3A_924 : i32 to vector<16xi32>
    %gather3A_926 = arith.constant 0 : i32
    %gather3A_927 = arith.constant 3 : i32
    %gather3A_928 = arith.constant 0 : i32
    %gather3A_929 = arith.constant 0 : i32
    %gather3A_930 = tpu.memref_slice %arg9[%gather3A_926, %gather3A_927, %gather3A_928, %gather3A_929] : memref<3x8x16x128xf32, #tpu.memory_space<vmem>> -> memref<1x1x16x128xf32, #tpu.memory_space<vmem>>
    %gather3A_931 = tpu.memref_squeeze %gather3A_930 : memref<1x1x16x128xf32, #tpu.memory_space<vmem>> -> memref<16x128xf32, #tpu.memory_space<vmem>>
    %gather3A_932 = tpu.vector_load_idx %gather3A_931[%iota3A, %broadcast_in_dim3A_922] : memref<16x128xf32, #tpu.memory_space<vmem>>[vector<16xi32>, vector<16xi32>], vector<16xf32>,
    %gather3A_933 = arith.constant 0 : i32
    %gather3A_934 = arith.constant 3 : i32
    %gather3A_935 = arith.constant 0 : i32
    %gather3A_936 = arith.constant 0 : i32
    %gather3A_937 = tpu.memref_slice %arg10[%gather3A_933, %gather3A_934, %gather3A_935, %gather3A_936] : memref<3x8x16x128xf32, #tpu.memory_space<vmem>> -> memref<1x1x16x128xf32, #tpu.memory_space<vmem>>
    %gather3A_938 = tpu.memref_squeeze %gather3A_937 : memref<1x1x16x128xf32, #tpu.memory_space<vmem>> -> memref<16x128xf32, #tpu.memory_space<vmem>>
    %gather3A_939 = tpu.vector_load_idx %gather3A_938[%iota3A, %broadcast_in_dim3A_925] : memref<16x128xf32, #tpu.memory_space<vmem>>[vector<16xi32>, vector<16xi32>], vector<16xf32>,
    %mul3A_940 = arith.constant 16 : i32
    %mul3A_941 = vector.broadcast %mul3A_940 : i32 to vector<16xi32>
    %mul3A_942 = arith.muli %iota3A, %mul3A_941 : vector<16xi32>
    %add3A_943 = arith.constant 11 : i32
    %add3A_944 = vector.broadcast %add3A_943 : i32 to vector<16xi32>
    %add3A_945 = arith.addi %mul3A_942, %add3A_944 : vector<16xi32>
    %mul3A_946 = arith.mulf %gather3A_932, %gather3A_939 : vector<16xf32>
    tpu.vector_store_idx %arg11[%add3A_945], %mul3A_946 : memref<256xf32, #tpu.memory_space<vmem>>[vector<16xi32>], vector<16xf32>,
    %slice3A_947 = vector.extract_strided_slice %and3A_835 {offsets = [4], sizes = [1], strides = [1]} : vector<16xi32> to vector<1xi32>
    %reshape3A_948 = vector.extract %slice3A_947[0] : i32 from vector<1xi32>
    %broadcast_in_dim3A_949 = vector.broadcast %reshape3A_948 : i32 to vector<16xi32>
    %slice3A_950 = vector.extract_strided_slice %and3A_840 {offsets = [4], sizes = [1], strides = [1]} : vector<16xi32> to vector<1xi32>
    %reshape3A_951 = vector.extract %slice3A_950[0] : i32 from vector<1xi32>
    %broadcast_in_dim3A_952 = vector.broadcast %reshape3A_951 : i32 to vector<16xi32>
    %gather3A_953 = arith.constant 0 : i32
    %gather3A_954 = arith.constant 4 : i32
    %gather3A_955 = arith.constant 0 : i32
    %gather3A_956 = arith.constant 0 : i32
    %gather3A_957 = tpu.memref_slice %arg9[%gather3A_953, %gather3A_954, %gather3A_955, %gather3A_956] : memref<3x8x16x128xf32, #tpu.memory_space<vmem>> -> memref<1x1x16x128xf32, #tpu.memory_space<vmem>>
    %gather3A_958 = tpu.memref_squeeze %gather3A_957 : memref<1x1x16x128xf32, #tpu.memory_space<vmem>> -> memref<16x128xf32, #tpu.memory_space<vmem>>
    %gather3A_959 = tpu.vector_load_idx %gather3A_958[%iota3A, %broadcast_in_dim3A_949] : memref<16x128xf32, #tpu.memory_space<vmem>>[vector<16xi32>, vector<16xi32>], vector<16xf32>,
    %gather3A_960 = arith.constant 0 : i32
    %gather3A_961 = arith.constant 4 : i32
    %gather3A_962 = arith.constant 0 : i32
    %gather3A_963 = arith.constant 0 : i32
    %gather3A_964 = tpu.memref_slice %arg10[%gather3A_960, %gather3A_961, %gather3A_962, %gather3A_963] : memref<3x8x16x128xf32, #tpu.memory_space<vmem>> -> memref<1x1x16x128xf32, #tpu.memory_space<vmem>>
    %gather3A_965 = tpu.memref_squeeze %gather3A_964 : memref<1x1x16x128xf32, #tpu.memory_space<vmem>> -> memref<16x128xf32, #tpu.memory_space<vmem>>
    %gather3A_966 = tpu.vector_load_idx %gather3A_965[%iota3A, %broadcast_in_dim3A_952] : memref<16x128xf32, #tpu.memory_space<vmem>>[vector<16xi32>, vector<16xi32>], vector<16xf32>,
    %mul3A_967 = arith.constant 16 : i32
    %mul3A_968 = vector.broadcast %mul3A_967 : i32 to vector<16xi32>
    %mul3A_969 = arith.muli %iota3A, %mul3A_968 : vector<16xi32>
    %add3A_970 = arith.constant 12 : i32
    %add3A_971 = vector.broadcast %add3A_970 : i32 to vector<16xi32>
    %add3A_972 = arith.addi %mul3A_969, %add3A_971 : vector<16xi32>
    %mul3A_973 = arith.mulf %gather3A_959, %gather3A_966 : vector<16xf32>
    tpu.vector_store_idx %arg11[%add3A_972], %mul3A_973 : memref<256xf32, #tpu.memory_space<vmem>>[vector<16xi32>], vector<16xf32>,
    %slice3A_974 = vector.extract_strided_slice %and3A_835 {offsets = [5], sizes = [1], strides = [1]} : vector<16xi32> to vector<1xi32>
    %reshape3A_975 = vector.extract %slice3A_974[0] : i32 from vector<1xi32>
    %broadcast_in_dim3A_976 = vector.broadcast %reshape3A_975 : i32 to vector<16xi32>
    %slice3A_977 = vector.extract_strided_slice %and3A_840 {offsets = [5], sizes = [1], strides = [1]} : vector<16xi32> to vector<1xi32>
    %reshape3A_978 = vector.extract %slice3A_977[0] : i32 from vector<1xi32>
    %broadcast_in_dim3A_979 = vector.broadcast %reshape3A_978 : i32 to vector<16xi32>
    %gather3A_980 = arith.constant 0 : i32
    %gather3A_981 = arith.constant 5 : i32
    %gather3A_982 = arith.constant 0 : i32
    %gather3A_983 = arith.constant 0 : i32
    %gather3A_984 = tpu.memref_slice %arg9[%gather3A_980, %gather3A_981, %gather3A_982, %gather3A_983] : memref<3x8x16x128xf32, #tpu.memory_space<vmem>> -> memref<1x1x16x128xf32, #tpu.memory_space<vmem>>
    %gather3A_985 = tpu.memref_squeeze %gather3A_984 : memref<1x1x16x128xf32, #tpu.memory_space<vmem>> -> memref<16x128xf32, #tpu.memory_space<vmem>>
    %gather3A_986 = tpu.vector_load_idx %gather3A_985[%iota3A, %broadcast_in_dim3A_976] : memref<16x128xf32, #tpu.memory_space<vmem>>[vector<16xi32>, vector<16xi32>], vector<16xf32>,
    %gather3A_987 = arith.constant 0 : i32
    %gather3A_988 = arith.constant 5 : i32
    %gather3A_989 = arith.constant 0 : i32
    %gather3A_990 = arith.constant 0 : i32
    %gather3A_991 = tpu.memref_slice %arg10[%gather3A_987, %gather3A_988, %gather3A_989, %gather3A_990] : memref<3x8x16x128xf32, #tpu.memory_space<vmem>> -> memref<1x1x16x128xf32, #tpu.memory_space<vmem>>
    %gather3A_992 = tpu.memref_squeeze %gather3A_991 : memref<1x1x16x128xf32, #tpu.memory_space<vmem>> -> memref<16x128xf32, #tpu.memory_space<vmem>>
    %gather3A_993 = tpu.vector_load_idx %gather3A_992[%iota3A, %broadcast_in_dim3A_979] : memref<16x128xf32, #tpu.memory_space<vmem>>[vector<16xi32>, vector<16xi32>], vector<16xf32>,
    %mul3A_994 = arith.constant 16 : i32
    %mul3A_995 = vector.broadcast %mul3A_994 : i32 to vector<16xi32>
    %mul3A_996 = arith.muli %iota3A, %mul3A_995 : vector<16xi32>
    %add3A_997 = arith.constant 13 : i32
    %add3A_998 = vector.broadcast %add3A_997 : i32 to vector<16xi32>
    %add3A_999 = arith.addi %mul3A_996, %add3A_998 : vector<16xi32>
    %mul3A_1000 = arith.mulf %gather3A_986, %gather3A_993 : vector<16xf32>
    tpu.vector_store_idx %arg11[%add3A_999], %mul3A_1000 : memref<256xf32, #tpu.memory_space<vmem>>[vector<16xi32>], vector<16xf32>,
    %slice3A_1001 = vector.extract_strided_slice %and3A_835 {offsets = [6], sizes = [1], strides = [1]} : vector<16xi32> to vector<1xi32>
    %reshape3A_1002 = vector.extract %slice3A_1001[0] : i32 from vector<1xi32>
    %broadcast_in_dim3A_1003 = vector.broadcast %reshape3A_1002 : i32 to vector<16xi32>
    %slice3A_1004 = vector.extract_strided_slice %and3A_840 {offsets = [6], sizes = [1], strides = [1]} : vector<16xi32> to vector<1xi32>
    %reshape3A_1005 = vector.extract %slice3A_1004[0] : i32 from vector<1xi32>
    %broadcast_in_dim3A_1006 = vector.broadcast %reshape3A_1005 : i32 to vector<16xi32>
    %gather3A_1007 = arith.constant 0 : i32
    %gather3A_1008 = arith.constant 6 : i32
    %gather3A_1009 = arith.constant 0 : i32
    %gather3A_1010 = arith.constant 0 : i32
    %gather3A_1011 = tpu.memref_slice %arg9[%gather3A_1007, %gather3A_1008, %gather3A_1009, %gather3A_1010] : memref<3x8x16x128xf32, #tpu.memory_space<vmem>> -> memref<1x1x16x128xf32, #tpu.memory_space<vmem>>
    %gather3A_1012 = tpu.memref_squeeze %gather3A_1011 : memref<1x1x16x128xf32, #tpu.memory_space<vmem>> -> memref<16x128xf32, #tpu.memory_space<vmem>>
    %gather3A_1013 = tpu.vector_load_idx %gather3A_1012[%iota3A, %broadcast_in_dim3A_1003] : memref<16x128xf32, #tpu.memory_space<vmem>>[vector<16xi32>, vector<16xi32>], vector<16xf32>,
    %gather3A_1014 = arith.constant 0 : i32
    %gather3A_1015 = arith.constant 6 : i32
    %gather3A_1016 = arith.constant 0 : i32
    %gather3A_1017 = arith.constant 0 : i32
    %gather3A_1018 = tpu.memref_slice %arg10[%gather3A_1014, %gather3A_1015, %gather3A_1016, %gather3A_1017] : memref<3x8x16x128xf32, #tpu.memory_space<vmem>> -> memref<1x1x16x128xf32, #tpu.memory_space<vmem>>
    %gather3A_1019 = tpu.memref_squeeze %gather3A_1018 : memref<1x1x16x128xf32, #tpu.memory_space<vmem>> -> memref<16x128xf32, #tpu.memory_space<vmem>>
    %gather3A_1020 = tpu.vector_load_idx %gather3A_1019[%iota3A, %broadcast_in_dim3A_1006] : memref<16x128xf32, #tpu.memory_space<vmem>>[vector<16xi32>, vector<16xi32>], vector<16xf32>,
    %mul3A_1021 = arith.constant 16 : i32
    %mul3A_1022 = vector.broadcast %mul3A_1021 : i32 to vector<16xi32>
    %mul3A_1023 = arith.muli %iota3A, %mul3A_1022 : vector<16xi32>
    %add3A_1024 = arith.constant 14 : i32
    %add3A_1025 = vector.broadcast %add3A_1024 : i32 to vector<16xi32>
    %add3A_1026 = arith.addi %mul3A_1023, %add3A_1025 : vector<16xi32>
    %mul3A_1027 = arith.mulf %gather3A_1013, %gather3A_1020 : vector<16xf32>
    tpu.vector_store_idx %arg11[%add3A_1026], %mul3A_1027 : memref<256xf32, #tpu.memory_space<vmem>>[vector<16xi32>], vector<16xf32>,
    %slice3A_1028 = vector.extract_strided_slice %and3A_835 {offsets = [7], sizes = [1], strides = [1]} : vector<16xi32> to vector<1xi32>
    %reshape3A_1029 = vector.extract %slice3A_1028[0] : i32 from vector<1xi32>
    %broadcast_in_dim3A_1030 = vector.broadcast %reshape3A_1029 : i32 to vector<16xi32>
    %slice3A_1031 = vector.extract_strided_slice %and3A_840 {offsets = [7], sizes = [1], strides = [1]} : vector<16xi32> to vector<1xi32>
    %reshape3A_1032 = vector.extract %slice3A_1031[0] : i32 from vector<1xi32>
    %broadcast_in_dim3A_1033 = vector.broadcast %reshape3A_1032 : i32 to vector<16xi32>
    %gather3A_1034 = arith.constant 0 : i32
    %gather3A_1035 = arith.constant 7 : i32
    %gather3A_1036 = arith.constant 0 : i32
    %gather3A_1037 = arith.constant 0 : i32
    %gather3A_1038 = tpu.memref_slice %arg9[%gather3A_1034, %gather3A_1035, %gather3A_1036, %gather3A_1037] : memref<3x8x16x128xf32, #tpu.memory_space<vmem>> -> memref<1x1x16x128xf32, #tpu.memory_space<vmem>>
    %gather3A_1039 = tpu.memref_squeeze %gather3A_1038 : memref<1x1x16x128xf32, #tpu.memory_space<vmem>> -> memref<16x128xf32, #tpu.memory_space<vmem>>
    %gather3A_1040 = tpu.vector_load_idx %gather3A_1039[%iota3A, %broadcast_in_dim3A_1030] : memref<16x128xf32, #tpu.memory_space<vmem>>[vector<16xi32>, vector<16xi32>], vector<16xf32>,
    %gather3A_1041 = arith.constant 0 : i32
    %gather3A_1042 = arith.constant 7 : i32
    %gather3A_1043 = arith.constant 0 : i32
    %gather3A_1044 = arith.constant 0 : i32
    %gather3A_1045 = tpu.memref_slice %arg10[%gather3A_1041, %gather3A_1042, %gather3A_1043, %gather3A_1044] : memref<3x8x16x128xf32, #tpu.memory_space<vmem>> -> memref<1x1x16x128xf32, #tpu.memory_space<vmem>>
    %gather3A_1046 = tpu.memref_squeeze %gather3A_1045 : memref<1x1x16x128xf32, #tpu.memory_space<vmem>> -> memref<16x128xf32, #tpu.memory_space<vmem>>
    %gather3A_1047 = tpu.vector_load_idx %gather3A_1046[%iota3A, %broadcast_in_dim3A_1033] : memref<16x128xf32, #tpu.memory_space<vmem>>[vector<16xi32>, vector<16xi32>], vector<16xf32>,
    %mul3A_1048 = arith.constant 16 : i32
    %mul3A_1049 = vector.broadcast %mul3A_1048 : i32 to vector<16xi32>
    %mul3A_1050 = arith.muli %iota3A, %mul3A_1049 : vector<16xi32>
    %add3A_1051 = arith.constant 15 : i32
    %add3A_1052 = vector.broadcast %add3A_1051 : i32 to vector<16xi32>
    %add3A_1053 = arith.addi %mul3A_1050, %add3A_1052 : vector<16xi32>
    %mul3A_1054 = arith.mulf %gather3A_1040, %gather3A_1047 : vector<16xf32>
    tpu.vector_store_idx %arg11[%add3A_1053], %mul3A_1054 : memref<256xf32, #tpu.memory_space<vmem>>[vector<16xi32>], vector<16xf32>,
    %broadcast_in_dim3A_1055 = arith.constant 0.000000e+00 : f32
    %broadcast_in_dim3A_1056 = vector.broadcast %broadcast_in_dim3A_1055 : f32 to vector<16xf32>
    %get3A_1057 = arith.constant 0 : index
    %get3A_1058 = tpu.vector_load %arg11[%get3A_1057] {strides = array<i32>} : memref<256xf32, #tpu.memory_space<vmem>>, vector<16xf32>,
    %add3A_1059 = arith.addf %broadcast_in_dim3A_1056, %get3A_1058 : vector<16xf32>
    %get3A_1060 = arith.constant 16 : index
    %get3A_1061 = tpu.vector_load %arg11[%get3A_1060] {strides = array<i32>} : memref<256xf32, #tpu.memory_space<vmem>>, vector<16xf32>,
    %add3A_1062 = arith.addf %add3A_1059, %get3A_1061 : vector<16xf32>
    %get3A_1063 = arith.constant 32 : index
    %get3A_1064 = tpu.vector_load %arg11[%get3A_1063] {strides = array<i32>} : memref<256xf32, #tpu.memory_space<vmem>>, vector<16xf32>,
    %add3A_1065 = arith.addf %add3A_1062, %get3A_1064 : vector<16xf32>
    %get3A_1066 = arith.constant 48 : index
    %get3A_1067 = tpu.vector_load %arg11[%get3A_1066] {strides = array<i32>} : memref<256xf32, #tpu.memory_space<vmem>>, vector<16xf32>,
    %add3A_1068 = arith.addf %add3A_1065, %get3A_1067 : vector<16xf32>
    %get3A_1069 = arith.constant 64 : index
    %get3A_1070 = tpu.vector_load %arg11[%get3A_1069] {strides = array<i32>} : memref<256xf32, #tpu.memory_space<vmem>>, vector<16xf32>,
    %add3A_1071 = arith.addf %add3A_1068, %get3A_1070 : vector<16xf32>
    %get3A_1072 = arith.constant 80 : index
    %get3A_1073 = tpu.vector_load %arg11[%get3A_1072] {strides = array<i32>} : memref<256xf32, #tpu.memory_space<vmem>>, vector<16xf32>,
    %add3A_1074 = arith.addf %add3A_1071, %get3A_1073 : vector<16xf32>
    %get3A_1075 = arith.constant 96 : index
    %get3A_1076 = tpu.vector_load %arg11[%get3A_1075] {strides = array<i32>} : memref<256xf32, #tpu.memory_space<vmem>>, vector<16xf32>,
    %add3A_1077 = arith.addf %add3A_1074, %get3A_1076 : vector<16xf32>
    %get3A_1078 = arith.constant 112 : index
    %get3A_1079 = tpu.vector_load %arg11[%get3A_1078] {strides = array<i32>} : memref<256xf32, #tpu.memory_space<vmem>>, vector<16xf32>,
    %add3A_1080 = arith.addf %add3A_1077, %get3A_1079 : vector<16xf32>
    %get3A_1081 = arith.constant 128 : index
    %get3A_1082 = tpu.vector_load %arg11[%get3A_1081] {strides = array<i32>} : memref<256xf32, #tpu.memory_space<vmem>>, vector<16xf32>,
    %add3A_1083 = arith.addf %add3A_1080, %get3A_1082 : vector<16xf32>
    %get3A_1084 = arith.constant 144 : index
    %get3A_1085 = tpu.vector_load %arg11[%get3A_1084] {strides = array<i32>} : memref<256xf32, #tpu.memory_space<vmem>>, vector<16xf32>,
    %add3A_1086 = arith.addf %add3A_1083, %get3A_1085 : vector<16xf32>
    %get3A_1087 = arith.constant 160 : index
    %get3A_1088 = tpu.vector_load %arg11[%get3A_1087] {strides = array<i32>} : memref<256xf32, #tpu.memory_space<vmem>>, vector<16xf32>,
    %add3A_1089 = arith.addf %add3A_1086, %get3A_1088 : vector<16xf32>
    %get3A_1090 = arith.constant 176 : index
    %get3A_1091 = tpu.vector_load %arg11[%get3A_1090] {strides = array<i32>} : memref<256xf32, #tpu.memory_space<vmem>>, vector<16xf32>,
    %add3A_1092 = arith.addf %add3A_1089, %get3A_1091 : vector<16xf32>
    %get3A_1093 = arith.constant 192 : index
    %get3A_1094 = tpu.vector_load %arg11[%get3A_1093] {strides = array<i32>} : memref<256xf32, #tpu.memory_space<vmem>>, vector<16xf32>,
    %add3A_1095 = arith.addf %add3A_1092, %get3A_1094 : vector<16xf32>
    %get3A_1096 = arith.constant 208 : index
    %get3A_1097 = tpu.vector_load %arg11[%get3A_1096] {strides = array<i32>} : memref<256xf32, #tpu.memory_space<vmem>>, vector<16xf32>,
    %add3A_1098 = arith.addf %add3A_1095, %get3A_1097 : vector<16xf32>
    %get3A_1099 = arith.constant 224 : index
    %get3A_1100 = tpu.vector_load %arg11[%get3A_1099] {strides = array<i32>} : memref<256xf32, #tpu.memory_space<vmem>>, vector<16xf32>,
    %add3A_1101 = arith.addf %add3A_1098, %get3A_1100 : vector<16xf32>
    %get3A_1102 = arith.constant 240 : index
    %get3A_1103 = tpu.vector_load %arg11[%get3A_1102] {strides = array<i32>} : memref<256xf32, #tpu.memory_space<vmem>>, vector<16xf32>,
    %add3A_1104 = arith.addf %add3A_1101, %get3A_1103 : vector<16xf32>
    %swap3A = arith.constant 496 : index
    %swap3A_1105 = tpu.vector_load %arg12[%swap3A] {strides = array<i32>} : memref<512xf32, #tpu.memory_space<vmem>>, vector<16xf32>,
    tpu.vector_store %arg12[%swap3A], %add3A_1104 {strides = array<i32>} : memref<512xf32, #tpu.memory_space<vmem>>, vector<16xf32>,
    "tpu.region"() ({
      %run_scoped3A = tpu.sem_alloc : memref<!tpu.dma_semaphore, #tpu.memory_space<semaphore_mem>>
      %dma_start3A_1106 = tpu.memref_slice %arg6[%mul3A_2] : memref<16384xf32, #tpu.memory_space<hbm>> -> memref<512xf32, #tpu.memory_space<hbm>>
      %dma_start3A_1107 = tpu.memref_slice %arg6[%mul3A_2] : memref<16384xf32, #tpu.memory_space<hbm>> -> memref<512xf32, #tpu.memory_space<hbm>>
      tpu.enqueue_dma source(%arg12 : memref<512xf32, #tpu.memory_space<vmem>>) target(%dma_start3A_1107 : memref<512xf32, #tpu.memory_space<hbm>>) target_semaphore(%run_scoped3A : memref<!tpu.dma_semaphore, #tpu.memory_space<semaphore_mem>>)
      %dma_wait3A_1108 = tpu.memref_slice %arg6[%mul3A_2] : memref<16384xf32, #tpu.memory_space<hbm>> -> memref<512xf32, #tpu.memory_space<hbm>>
      %dma_wait3A_1109 = tpu.memref_slice %arg6[%mul3A_2] : memref<16384xf32, #tpu.memory_space<hbm>> -> memref<512xf32, #tpu.memory_space<hbm>>
      tpu.wait_dma2 semaphore(%run_scoped3A : memref<!tpu.dma_semaphore, #tpu.memory_space<semaphore_mem>>) src(%arg12 : memref<512xf32, #tpu.memory_space<vmem>>) dst(%dma_wait3A_1109 : memref<512xf32, #tpu.memory_space<hbm>>)
      tpu.yield
    }) : () -> ()
    return
  }
}

</mosaic_0001>

<sc_bundles>
// kernel: kernel.3.cloned.1.call-start
scs
__scs_entry_jumppad:
0x0: {  	(pc) =	sbr.rel $0x88, $3  }
0x1: {  	(tag) =	ssettag $0x0;
	lr =	simm.s32 $0x1  }
0x2: {  	[smem:$0x3F9D] =	sst lr;
	_ =	strace $0xD0000000  }
0x3: {  	_ = 	snop  }
0x4: {  	_ = 	snop  }
0x5: {  	_ = 	snop  }
0x6: {  	_ = 	snop  }
0x7: {  	_ = 	snop  }
__scs_overlays_trampoline_lowered:
0x8: {  	[smem:$0x3FAC] =	sst s0  }
0x9: {  	[smem:$0x3FAD] =	sst s1  }
0xa: {  	[smem:$0x3FAE] =	sst s2  }
0xb: {  	[smem:$0x3FAF] =	sst s3  }
0xc: {  	[smem:$0x3FB0] =	sst s4  }
0xd: {  	[smem:$0x3FB1] =	sst s5  }
0xe: {  	[smem:$0x3FB2] =	sst s6  }
0xf: {  	[smem:$0x3FB3] =	sst s7  }
0x10: {  	[smem:$0x3FB4] =	sst s8  }
0x11: {  	[smem:$0x3FB5] =	sst s9;
	s0 =	simm.s32 @!p0 $0x0  }
0x12: {  	s1 =	sld [smem:$0x3F9B];
	s0 =	simm.s32 @p0 $0x1  }
0x13: {  	[smem:$0x3FB6] =	sst s0;
	s0 =	simm.s32 @!p1 $0x0  }
0x14: {  	s2 =	sld [smem:$0x3F9A];
	s0 =	simm.s32 @p1 $0x1  }
0x15: {  	[smem:$0x3FB7] =	sst s0;
	s0 =	simm.s32 @!p2 $0x0  }
0x16: {  	s3 =	sld [smem:$0x3FDB];
	s0 =	simm.s32 @p2 $0x1  }
0x17: {  	s4 =	simm.s32 $0x1BF5;
	[smem:$0x3FB9] =	sst s0  }
0x18: {  	s0 =	sld [smem:$0x3F9C];
	_ =	swait.ge [sflag:s4], $0x0  }
0x19: {  	s7 =	sld [smem:$0x3F9D]  }
0x1a: {  	s8 =	sadd.s32 $0xFFFFE003, lr  }
0x1b: {  	s9 =	sadd.s32 $0xFFFFFEF7, lr;
	s5 =	simm.s32 $0xFFFFFFFF;
	p2 =	slt.u32 s8, $0xFFFFF086  }
0x1c: {  	p1 =	slt.u32 s9, $0xF7A;
	s5 =	simm.s32 @!p2 $0x0  }
0x1d: {  	s5 =	simm.s32 @p1 $0x1;
	p0 =	seq.s32 s7, s2  }
0x1e: {  	s7 =	smul.u32 @!p0 $0xF7A, s2;
	p2 =	seq.s32 @!p0 s5, $0x0  }
0x1f: {  	s9 =	smul.u32 $0xF7A, s1;
	s8 =	simm.s32 @!p0 $0x1BF5;
	p2 =	por !p2, p0  }
0x20: {  	[sflag:s8] =	ssyncset.s32 @!p0 $0xFFFFF086;
	s6 =	sadd.s32 @!p0 s3, s7;
	s7 =	simm.s32 @!p0 $0x108  }
0x21: {  	s3 =	sadd.s32 s3, s9;
	s6 =	sadd.s32 @!p0 $0x88, s6;
	s7 =	simm.s32 @p2 $0x1082  }
0x22: {  	[simem:s7], [sflag:s8] =	dma.local @!p0 [hbm:s6], $0xF7A  }
0x23: {  	s9 =	sor.u32 $0xD0000000, s2;
	s6 =	simm.s32 $0x108;
	_ =	swait.ge @!p0 [sflag:s8], $0x0  }
0x24: {  	s3 =	sadd.s32 $0x88, s3;
	s6 =	simm.s32 @!p1 $0x1082;
	[sflag:s4] =	ssyncset.s32 $0xFFFFF086  }
0x25: {  	[simem:s6], [sflag:s4] =	dma.local [hbm:s3], $0xF7A  }
0x26: {  	[smem:$0x3F9D] =	sst s1;
	(tag) =	ssettag s2;
	_ =	strace s9  }
0x27: {  	s1 =	sld [smem:$0x3FAD]  }
0x28: {  	s2 =	sld [smem:$0x3FAE]  }
0x29: {  	s4 =	sld [smem:$0x3FB0]  }
0x2a: {  	p0 =	seq.s32 s5, $0x0;
	s5 =	sld [smem:$0x3FB1]  }
0x2b: {  	s6 =	sld [smem:$0x3FB2]  }
0x2c: {  	s7 =	sld [smem:$0x3FB3]  }
0x2d: {  	s3 =	simm.s32 $0x108;
	s8 =	sld [smem:$0x3FB4]  }
0x2e: {  	s3 =	simm.s32 @!p0 $0x1082;
	s9 =	sld [smem:$0x3FB5]  }
0x2f: {  	lr =	sadd.s32 s0, s3;
	s0 =	sld [smem:$0x3FAC]  }
0x30: {  	s3 =	sld [smem:$0x3FAF]  }
0x31: {  	[smem:$0x3FB8] =	sst s10  }
0x32: {  	s10 =	sld [smem:$0x3FB6];
	_ =	sdelay $0x3  }
0x33: {  	p0 =	seq.s32 s10, $0x1;
	s10 =	sld [smem:$0x3FB8];
	_ =	sdelay $0x3  }
0x34: {  	[smem:$0x3FB8] =	sst s10  }
0x35: {  	s10 =	sld [smem:$0x3FB7];
	_ =	sdelay $0x3  }
0x36: {  	p1 =	seq.s32 s10, $0x1;
	s10 =	sld [smem:$0x3FB8];
	_ =	sdelay $0x3  }
0x37: {  	[smem:$0x3FB8] =	sst s10  }
0x38: {  	s10 =	sld [smem:$0x3FB9]  }
0x39: {  	_ = 	snop;
	(pc) =	sbr.ind lr, $3  }
0x3a: {  	_ = 	snop  }
0x3b: {  	_ = 	snop  }
0x3c: {  	p2 =	seq.s32 s10, $0x1;
	s10 =	sld [smem:$0x3FB8]  }
0x3d: {  	_ =	shalt  }
0x3e: {  	_ =	shalt  }
0x3f: {  	_ =	shalt  }
0x40: {  	_ =	shalt  }
0x41: {  	_ =	shalt  }
0x42: {  	_ =	shalt  }
0x43: {  	_ =	shalt  }
0x44: {  	_ =	shalt  }
0x45: {  	_ =	shalt  }
0x46: {  	_ =	shalt  }
0x47: {  	_ =	shalt  }
0x48: {  	_ =	shalt  }
0x49: {  	_ =	shalt  }
0x4a: {  	_ =	shalt  }
0x4b: {  	_ =	shalt  }
0x4c: {  	_ =	shalt  }
0x4d: {  	_ =	shalt  }
0x4e: {  	_ =	shalt  }
0x4f: {  	_ =	shalt  }
0x50: {  	_ =	shalt  }
0x51: {  	_ =	shalt  }
0x52: {  	_ =	shalt  }
0x53: {  	_ =	shalt  }
0x54: {  	_ =	shalt  }
0x55: {  	_ =	shalt  }
0x56: {  	_ =	shalt  }
0x57: {  	_ =	shalt  }
0x58: {  	_ =	shalt  }
0x59: {  	_ =	shalt  }
0x5a: {  	_ =	shalt  }
0x5b: {  	_ =	shalt  }
0x5c: {  	_ =	shalt  }
0x5d: {  	_ =	shalt  }
0x5e: {  	_ =	shalt  }
0x5f: {  	_ =	shalt  }
0x60: {  	_ =	shalt  }
0x61: {  	_ =	shalt  }
0x62: {  	_ =	shalt  }
0x63: {  	_ =	shalt  }
0x64: {  	_ =	shalt  }
0x65: {  	_ =	shalt  }
0x66: {  	_ =	shalt  }
0x67: {  	_ =	shalt  }
0x68: {  	_ =	shalt  }
0x69: {  	_ =	shalt  }
0x6a: {  	_ =	shalt  }
0x6b: {  	_ =	shalt  }
0x6c: {  	_ =	shalt  }
0x6d: {  	_ =	shalt  }
0x6e: {  	_ =	shalt  }
0x6f: {  	_ =	shalt  }
0x70: {  	_ =	shalt  }
0x71: {  	_ =	shalt  }
0x72: {  	_ =	shalt  }
0x73: {  	_ =	shalt  }
0x74: {  	_ =	shalt  }
0x75: {  	_ =	shalt  }
0x76: {  	_ =	shalt  }
0x77: {  	_ =	shalt  }
0x78: {  	_ =	shalt  }
0x79: {  	_ =	shalt  }
0x7a: {  	_ =	shalt  }
0x7b: {  	_ =	shalt  }
0x7c: {  	_ =	shalt  }
0x7d: {  	_ =	shalt  }
0x7e: {  	_ =	shalt  }
0x7f: {  	_ =	shalt  }
0x80: {  	_ =	shalt  }
0x81: {  	_ =	shalt  }
0x82: {  	_ =	shalt  }
0x83: {  	_ =	shalt  }
0x84: {  	_ =	shalt  }
0x85: {  	_ =	shalt  }
0x86: {  	_ =	shalt  }
0x87: {  	_ =	shalt  }
.Lfunc_end0:
.L_simem_size_0:
called_computation_lowered:
.L_overlay_start_0:
0x88: {  	s2 =	sld [smem:$0x3FD9]  }
0x89: {  	s3 =	sld [smem:$0x3FFE];
	_ =	sdelay $0x1  }
0x8a: {  	s1 =	srdreg.scid  }
0x8b: {  	s0 =	sand.u32 $0x1, s1  }
0x8c: {  	s18 =	sshll.u32 s0, $0xA;
	s2 =	sadd.s32 s3, s2  }
0x8d: {  	s2 =	sadd.s32 s2, s18  }
0x8e: {  	[smem:$0x3FC4] =	sst s2  }
0x8f: {  	_ = 	snop  }
0x90: {  	s2 =	sld [smem:$0x3FC9]  }
0x91: {  	s19 =	sld [smem:$0x3FC8]  }
0x92: {  	s4 =	sld [smem:$0x3FC7]  }
0x93: {  	s5 =	sld [smem:$0x3FC6]  }
0x94: {  	s6 =	sld [smem:$0x3FD0];
	(tm) =	ssettm $0x1  }
0x95: {  	s7 =	sld [smem:$0x3FFB];
	_ =	sdelay $0x3  }
0x96: {  	_ =	strace s7  }
0x97: {  	s7 =	sld [smem:$0x3FFC];
	_ =	sdelay $0x3  }
0x98: {  	_ =	strace s7  }
0x99: {  	s7 =	sld [smem:$0x3FFD];
	_ =	sdelay $0x3  }
0x9a: {  	_ =	strace s7  }
0x9b: {  	_ =	strace $0x8FFFFFFF  }
0x9c: {  	s20 =	sld [smem:$0x3FDB];
	_ =	sdelay $0x1  }
0x9d: {  	s8 =	simm.s32 $_scs_section_size  }
0x9e: {  	s9 =	simm.s32 $_size__tile_overlayer_lowered;
	s10 =	simm.s32 $_tile_overlayer_lowered  }
0x9f: {  	s23 =	simm.s32 $0x1BFF;
	s22 =	sshll.u32 s10, $0x1;
	s7 =	sadd.s32 s8, s20  }
0xa0: {  	s11 =	simm.s32 $0x0;
	s21 =	sshll.u32 s9, $0x1;
	s9 =	sadd.s32 s22, s7  }
0xa1: {  	[timem:s11], [sflag:s23] =	dma.local [hbm:s9], s21  }
0xa2: {  	_ =	swait.ge [sflag:s23], s21  }
0xa3: {  	s8 =	ssub.s32 $0x0, s21;
	[sflag:s23] =	ssyncset.done $0x0  }
0xa4: {  	[sflag:s23] =	ssyncadd.s32 s8;
	_ =	sdelay $0x1  }
0xa5: {  	s24 =	simm.s32 $0x1B8B  }
0xa6: {  	_ =	swait.ge [sflag:s24], $0x1  }
0xa7: {  	[sflag:s24] =	ssyncset.done $0x0  }
0xa8: {  	s25 =	simm.s32 $0x1B8E;
	[sflag:s24] =	ssyncadd.s32 $0xFFFFFFFF  }
0xa9: {  	s26 =	simm.s32 $execute0_lowered;
	[smem:$0x3FD2] =	sst s25  }
0xaa: {  	s8 =	sshll.u32 s26, $0x1;
	_ =	strace $0x80000046;
	[dreg:$0x1] =	wrdreg $0xFFFFFFFF  }
0xab: {  	s28 =	simm.s32 $_size_execute0_lowered;
	s7 =	sadd.s32 s7, s8;
	[dreg:$0x0] =	wrdreg $0x0  }
0xac: {  	s8 =	sshll.u32 s28, $0x1;
	[dreg:$0x2] =	wrdreg s7  }
0xad: {  	[dreg:$0x3] =	wrdreg s8  }
0xae: {  	[dreg:$0x4] =	wrdreg $0xC0  }
0xaf: {  	_ =	task [dreg:s11], $0x5FFFF  }
0xb0: {  	[dreg:$0x1] =	wrdreg $0xFFFFFFFF  }
0xb1: {  	[dreg:$0x0] =	wrdreg $0x60  }
0xb2: {  	[dreg:$0x2] =	wrdreg s2  }
0xb3: {  	[dreg:$0x3] =	wrdreg s19  }
0xb4: {  	[dreg:$0x4] =	wrdreg s4  }
0xb5: {  	[dreg:$0x5] =	wrdreg s5  }
0xb6: {  	[dreg:$0x6] =	wrdreg s6  }
0xb7: {  	[dreg:$0x7] =	wrdreg $0x9  }
0xb8: {  	_ =	task.clear_ibuf [dreg:s11], $0x8FFFF;
	_ =	strace $0x90000046  }
0xb9: {  	s29 =	simm.s32 $0x9;
	_ =	strace $0x80000048  }
0xba: {  	_ =	swait.ge [sflag:s29], $0x1  }
0xbb: {  	[sflag:s29] =	ssyncadd.s32 $0xFFFFFFFF  }
0xbc: {  	_ =	strace $0x90000048  }
0xbd: {  	_ =	sfence  }
0xbe: {  	s30 =	sld [smem:$0x0];
	_ =	sdelay $0x2  }
0xbf: {  	s31 =	sshll.u32 s1, $0xD;
	s1 =	sshrl.u32 s1, $0x2  }
0xc0: {  	s3 =	sand.u32 $0x4000, s31;
	s1 =	sadd.s32 s1, s30  }
0xc1: {  	s0 =	sor.u32 s3, s0;
	s1 =	sshll.u32 s1, $0x11  }
0xc2: {  	s0 =	sor.u32 s1, s0  }
0xc3: {  	s0 =	sadd.s32 $0x8F2B, s0  }
0xc4: {  	[sflag:s0] =	ssyncadd.remote.s32 $0x1  }
0xc5: {  	_ =	sfence.sel $0xFFFF  }
0xc6: {  	[dreg:$0x0] =	wrdreg $0xFFFFFFFF;
	(pc) =	sbr.abs _section_cstart, $3  }
0xc7: {  	[dreg:$0x1] =	wrdreg $0xFFFFFFFF  }
0xc8: {  	_ =	task.clear_ibuf [dreg:s11], $0x2FFFF;
	_ =	strace $0x9FFFFFFF  }
0xc9: {  	(tm) =	ssettm $0x7FFFFFFF  }
tec
execute0_lowered:
.L_overlay_start_1:
0x0: {  	(tag) =	ssettag $0x1  }
0x1: {  	s0 =	rddreg [dreg:$0x0]  }
0x2: {  	s3 =	rddreg [dreg:$0x1]  }
0x3: {  	s4 =	rddreg [dreg:$0x4]  }
0x4: {  	s21 =	simm.s32 $0x0;
	s5 =	srdreg.scid;
	s7 =	stileid.u32  }
0x5: {  	s11 =	simm.s32 $0x400;
	s12 =	simm.s32 $0x7A1400;
	s23 =	simm.s32 $0xC500  }
0x6: {  	s29 =	simm.s32 $0xD00;
	s10 =	simm.s32 $0xCD00;
	s13 =	simm.s32 $0xD500  }
0x7: {  	s28 =	simm.s32 $0x1D00;
	s14 =	simm.s32 $0xDD00;
	s15 =	simm.s32 $0x2500  }
0x8: {  	s16 =	simm.s32 $0xE500;
	s17 =	simm.s32 $0xED00;
	s18 =	simm.s32 $0x3500  }
0x9: {  	s1 =	simm.s32 $0x3D00;
	s31 =	simm.s32 $0xFD00;
	s19 =	simm.s32 $0x3  }
0xa: {  	s9 =	simm.s32 $0x4;
	s20 =	simm.s32 $0x5;
	s30 =	simm.s32 $0x6  }
0xb: {  	s2 =	simm.s32 $0x0;
	[smem:$0x7FF] =	sst s21;
	s5 =	sand.u32 $0x1, s5  }
0xc: {  	s7 =	sshll.u32 s7, $0x7;
	s6 =	ssub.s32 $0x2, s5;
	s5 =	sshll.u32 s5, $0x6  }
0xd: {  	_ =	strace $0x80000047;
	s8 =	sshrl.u32 s6, $0x1;
	s5 =	sor.u32 s5, s7  }
0xe: {  	v1 =	vlaneseq.u32;
	s7 =	simm.s32 $0x18500;
	s6 =	ssub.s32 s6, s8;
	s0 =	sadd.s32 s0, s5  }
.Ltmp0:
0xf: {  	v0 =	vmul.u32 $0x10, v1;
	s24 =	sadd.s32 s3, s5;
	s25 =	sadd.s32 s4, s5;
	(pc) =	sbr.rel .LBB2_1-.Ltmp0, $4  }
0x10: {  	s3 =	simm.s32 $0x7;
	s8 =	simm.s32 $0x2D00;
	[dreg:$0x6] =	wrdreg s0  }
0x11: {  	v1 =	vmul.u32 $0x80, v1;
	v2 =	vor.u32 $0x8, v0;
	v3 =	vor.u32 $0x9, v0;
	s4 =	simm.s32 $0xF500;
	s5 =	simm.s32 $0x1;
	[dreg:$0x7] =	wrdreg s24  }
0x12: {  	v4 =	vor.u32 $0xA, v0;
	v5 =	vor.u32 $0xB, v0;
	v6 =	vor.u32 $0xC, v0;
	[dreg:$0x8] =	wrdreg s25;
	s26 =	smax.u32 s6, $0x1;
	s24 =	simm.s32 $0x500  }
0x13: {  	v7 =	vor.u32 $0xD, v0;
	v8 =	vor.u32 $0xE, v0;
	v9 =	vor.u32 $0xF, v0;
	s6 =	simm.s32 $0x2;
	[dreg:$0x9] =	wrdreg s26;
	s26 =	simm.s32 $0x1500  }
.LBB2_4:
0x14: {  	_ =	swait.ge [sflag:s5], $0x800  }
0x15: {  	[sflag:s5] =	ssyncset.done $0x0  }
0x16: {  	[sflag:s5] =	ssyncadd.s32 $0xFFFFF800  }
0x17: {  	_ =	swait.ge [sflag:s6], $0x800  }
0x18: {  	[sflag:s6] =	ssyncset.done $0x0  }
0x19: {  	[sflag:s6] =	ssyncadd.s32 $0xFFFFF800  }
0x1a: {  	_ =	swait.ge [sflag:s5], $0x800  }
0x1b: {  	[sflag:s5] =	ssyncset.done $0x0  }
0x1c: {  	[sflag:s5] =	ssyncadd.s32 $0xFFFFF800  }
0x1d: {  	_ =	swait.ge [sflag:s6], $0x800  }
0x1e: {  	[sflag:s6] =	ssyncset.done $0x0  }
0x1f: {  	[sflag:s6] =	ssyncadd.s32 $0xFFFFF800  }
0x20: {  	_ =	swait.ge [sflag:s5], $0x800  }
0x21: {  	[sflag:s5] =	ssyncset.done $0x0  }
0x22: {  	[sflag:s5] =	ssyncadd.s32 $0xFFFFF800  }
0x23: {  	_ =	swait.ge [sflag:s6], $0x800  }
0x24: {  	[sflag:s6] =	ssyncset.done $0x0  }
0x25: {  	[sflag:s6] =	ssyncadd.s32 $0xFFFFF800  }
0x26: {  	_ =	swait.ge [sflag:s5], $0x800  }
0x27: {  	[sflag:s5] =	ssyncset.done $0x0  }
0x28: {  	[sflag:s5] =	ssyncadd.s32 $0xFFFFF800  }
0x29: {  	_ =	swait.ge [sflag:s6], $0x800  }
0x2a: {  	[sflag:s6] =	ssyncset.done $0x0  }
0x2b: {  	[sflag:s6] =	ssyncadd.s32 $0xFFFFF800  }
0x2c: {  	_ =	swait.ge [sflag:s5], $0x800  }
0x2d: {  	[sflag:s5] =	ssyncset.done $0x0  }
0x2e: {  	[sflag:s5] =	ssyncadd.s32 $0xFFFFF800  }
0x2f: {  	_ =	swait.ge [sflag:s6], $0x800  }
0x30: {  	[sflag:s6] =	ssyncset.done $0x0  }
0x31: {  	[sflag:s6] =	ssyncadd.s32 $0xFFFFF800  }
0x32: {  	_ =	swait.ge [sflag:s5], $0x800  }
0x33: {  	[sflag:s5] =	ssyncset.done $0x0  }
0x34: {  	[sflag:s5] =	ssyncadd.s32 $0xFFFFF800  }
0x35: {  	_ =	swait.ge [sflag:s6], $0x800  }
0x36: {  	[sflag:s6] =	ssyncset.done $0x0  }
0x37: {  	[sflag:s6] =	ssyncadd.s32 $0xFFFFF800  }
0x38: {  	_ =	swait.ge [sflag:s5], $0x800  }
0x39: {  	[sflag:s5] =	ssyncset.done $0x0  }
0x3a: {  	[sflag:s5] =	ssyncadd.s32 $0xFFFFF800  }
0x3b: {  	_ =	swait.ge [sflag:s6], $0x800  }
0x3c: {  	[sflag:s6] =	ssyncset.done $0x0  }
0x3d: {  	[sflag:s6] =	ssyncadd.s32 $0xFFFFF800  }
0x3e: {  	_ =	swait.ge [sflag:s5], $0x800  }
0x3f: {  	[sflag:s5] =	ssyncset.done $0x0  }
0x40: {  	[sflag:s5] =	ssyncadd.s32 $0xFFFFF800  }
0x41: {  	_ =	swait.ge [sflag:s6], $0x800  }
0x42: {  	[sflag:s6] =	ssyncset.done $0x0  }
0x43: {  	[sflag:s6] =	ssyncadd.s32 $0xFFFFF800  }
0x44: {  	v10 =	vld [tilespmem:$0x1F8]  }
0x45: {  	v11 =	vld [tilespmem:$0x478];
	_ =	sdelay $0x3  }
0x46: {  	v10 =	vand.u32 $0x7F, v10  }
0x47: {  	v11 =	vand.u32 $0x7F, v11;
	v12 =	vbroadcast v10, $0x0  }
0x48: {  	v13 =	vbroadcast v11, $0x0  }
0x49: {  	v12 =	vor.u32 v1, v12  }
0x4a: {  	v13 =	vor.u32 v1, v13;
	_ =	sdelay $0x3  }
0x4b: {  	s23 =	simm.s32 $0xC500;
	v12 =	vld.idx.msk [tilespmem:v12+s24+$0x0], $0xffff  }
0x4c: {  	v13 =	vld.idx.msk [tilespmem:v13+s23+$0x0], $0xffff  }
0x4d: {  	v14 =	vbroadcast v10, $0x1  }
0x4e: {  	v15 =	vbroadcast v11, $0x1  }
0x4f: {  	v14 =	vor.u32 v1, v14  }
0x50: {  	v15 =	vor.u32 v1, v15  }
0x51: {  	v12 =	vmul.f32 v13, v12;
	_ =	sdelay $0x1  }
0x52: {  	s29 =	simm.s32 $0xD00;
	[tilespmem:v2+s7+$0x0] =	vst.idx.msk $0xffff, v12  }
0x53: {  	s10 =	simm.s32 $0xCD00;
	v12 =	vld.idx.msk [tilespmem:v14+s29+$0x0], $0xffff  }
0x54: {  	v39 =	vld.idx.msk [tilespmem:v15+s10+$0x0], $0xffff  }
0x55: {  	v40 =	vbroadcast v10, $0x2  }
0x56: {  	v41 =	vbroadcast v11, $0x2  }
0x57: {  	v14 =	vor.u32 v1, v40  }
0x58: {  	v15 =	vor.u32 v1, v41  }
0x59: {  	v12 =	vmul.f32 v39, v12;
	_ =	sdelay $0x1  }
0x5a: {  	s26 =	simm.s32 $0x1500;
	[tilespmem:v3+s7+$0x0] =	vst.idx.msk $0xffff, v12  }
0x5b: {  	s13 =	simm.s32 $0xD500;
	v12 =	vld.idx.msk [tilespmem:v14+s26+$0x0], $0xffff  }
0x5c: {  	v42 =	vld.idx.msk [tilespmem:v15+s13+$0x0], $0xffff  }
0x5d: {  	v43 =	vbroadcast v10, $0x3  }
0x5e: {  	v44 =	vbroadcast v11, $0x3  }
0x5f: {  	v14 =	vor.u32 v1, v43  }
0x60: {  	v15 =	vor.u32 v1, v44  }
0x61: {  	v12 =	vmul.f32 v42, v12;
	_ =	sdelay $0x1  }
0x62: {  	s28 =	simm.s32 $0x1D00;
	[tilespmem:v4+s7+$0x0] =	vst.idx.msk $0xffff, v12  }
0x63: {  	s14 =	simm.s32 $0xDD00;
	v12 =	vld.idx.msk [tilespmem:v14+s28+$0x0], $0xffff  }
0x64: {  	v45 =	vld.idx.msk [tilespmem:v15+s14+$0x0], $0xffff  }
0x65: {  	v46 =	vbroadcast v10, $0x4  }
0x66: {  	v47 =	vbroadcast v11, $0x4  }
0x67: {  	v14 =	vor.u32 v1, v46  }
0x68: {  	v15 =	vor.u32 v1, v47  }
0x69: {  	v12 =	vmul.f32 v45, v12;
	_ =	sdelay $0x1  }
0x6a: {  	s15 =	simm.s32 $0x2500;
	[tilespmem:v5+s7+$0x0] =	vst.idx.msk $0xffff, v12  }
0x6b: {  	s16 =	simm.s32 $0xE500;
	v12 =	vld.idx.msk [tilespmem:v14+s15+$0x0], $0xffff  }
0x6c: {  	v48 =	vld.idx.msk [tilespmem:v15+s16+$0x0], $0xffff  }
0x6d: {  	v49 =	vbroadcast v10, $0x5  }
0x6e: {  	v50 =	vbroadcast v11, $0x5  }
0x6f: {  	v14 =	vor.u32 v1, v49  }
0x70: {  	v15 =	vor.u32 v1, v50  }
0x71: {  	v12 =	vmul.f32 v48, v12;
	_ =	sdelay $0x1  }
0x72: {  	s8 =	simm.s32 $0x2D00;
	[tilespmem:v6+s7+$0x0] =	vst.idx.msk $0xffff, v12  }
0x73: {  	s17 =	simm.s32 $0xED00;
	v12 =	vld.idx.msk [tilespmem:v14+s8+$0x0], $0xffff  }
0x74: {  	v51 =	vld.idx.msk [tilespmem:v15+s17+$0x0], $0xffff  }
0x75: {  	v52 =	vbroadcast v10, $0x6  }
0x76: {  	v53 =	vbroadcast v11, $0x6  }
0x77: {  	v14 =	vor.u32 v1, v52  }
0x78: {  	v15 =	vor.u32 v1, v53  }
0x79: {  	v12 =	vmul.f32 v51, v12;
	_ =	sdelay $0x1  }
0x7a: {  	s18 =	simm.s32 $0x3500;
	[tilespmem:v7+s7+$0x0] =	vst.idx.msk $0xffff, v12  }
0x7b: {  	s4 =	simm.s32 $0xF500;
	v12 =	vld.idx.msk [tilespmem:v14+s18+$0x0], $0xffff  }
0x7c: {  	v54 =	vld.idx.msk [tilespmem:v15+s4+$0x0], $0xffff  }
0x7d: {  	v10 =	vbroadcast v10, $0x7  }
0x7e: {  	v11 =	vbroadcast v11, $0x7  }
0x7f: {  	v10 =	vor.u32 v1, v10  }
0x80: {  	v11 =	vor.u32 v1, v11  }
0x81: {  	v12 =	vmul.f32 v54, v12;
	_ =	sdelay $0x1  }
0x82: {  	s1 =	simm.s32 $0x3D00;
	[tilespmem:v8+s7+$0x0] =	vst.idx.msk $0xffff, v12  }
0x83: {  	s31 =	simm.s32 $0xFD00;
	v10 =	vld.idx.msk [tilespmem:v10+s1+$0x0], $0xffff  }
0x84: {  	v11 =	vld.idx.msk [tilespmem:v11+s31+$0x0], $0xffff;
	_ =	sdelay $0x4  }
0x85: {  	v10 =	vmul.f32 v11, v10;
	_ =	sdelay $0x1  }
0x86: {  	[tilespmem:v9+s7+$0x0] =	vst.idx.msk $0xffff, v10  }
0x87: {  	v10 =	vld [tilespmem:$0x18500];
	_ =	sdelay $0x1  }
0x88: {  	v11 =	vld [tilespmem:$0x18510];
	_ =	sdelay $0x1  }
0x89: {  	v12 =	vld [tilespmem:$0x18520]  }
0x8a: {  	v10 =	vadd.f32 $0.0e+00, v10  }
0x8b: {  	v55 =	vld [tilespmem:$0x18530]  }
0x8c: {  	v10 =	vadd.f32 v11, v10  }
0x8d: {  	v11 =	vld [tilespmem:$0x18540]  }
0x8e: {  	v10 =	vadd.f32 v12, v10  }
0x8f: {  	v56 =	vld [tilespmem:$0x18550]  }
0x90: {  	v10 =	vadd.f32 v55, v10  }
0x91: {  	v57 =	vld [tilespmem:$0x18560]  }
0x92: {  	v10 =	vadd.f32 v11, v10  }
0x93: {  	v11 =	vld [tilespmem:$0x18570]  }
0x94: {  	v10 =	vadd.f32 v56, v10  }
0x95: {  	v58 =	vld [tilespmem:$0x18580]  }
0x96: {  	v10 =	vadd.f32 v57, v10  }
0x97: {  	v59 =	vld [tilespmem:$0x18590]  }
0x98: {  	v10 =	vadd.f32 v11, v10  }
0x99: {  	v11 =	vld [tilespmem:$0x185A0]  }
0x9a: {  	v10 =	vadd.f32 v58, v10  }
0x9b: {  	v60 =	vld [tilespmem:$0x185B0]  }
0x9c: {  	v10 =	vadd.f32 v59, v10  }
0x9d: {  	v61 =	vld [tilespmem:$0x185C0]  }
0x9e: {  	v10 =	vadd.f32 v11, v10  }
0x9f: {  	v11 =	vld [tilespmem:$0x185D0]  }
0xa0: {  	v10 =	vadd.f32 v60, v10  }
0xa1: {  	v62 =	vld [tilespmem:$0x185E0]  }
0xa2: {  	v10 =	vadd.f32 v61, v10  }
0xa3: {  	v63 =	vld [tilespmem:$0x185F0]  }
0xa4: {  	v10 =	vadd.f32 v11, v10;
	_ =	sdelay $0x1  }
0xa5: {  	v10 =	vadd.f32 v62, v10;
	_ =	sdelay $0x1  }
0xa6: {  	v10 =	vadd.f32 v63, v10  }
0xa7: {  	s21 =	simm.s32 $0x0  }
0xa8: {  	s2 =	simm.s32 $0x18600;
	s3 =	simm.s32 $0x7;
	s0 =	rddreg [dreg:$0x8];
	[tilespmem:$0x187F0] =	vst v10  }
0xa9: {  	[hbm4b:s0+s21] =	stream.linear.scatter [tilespmem:s2], [sflag:$0x7], $0x200, $0x38;
	[tilespmem:$0x18800] =	vst v63  }
0xaa: {  	_ =	swait.ge [sflag:s3], $0x200  }
0xab: {  	s22 =	rddreg [dreg:$0xa]  }
0xac: {  	s25 =	rddreg [dreg:$0x9];
	s2 =	sadd.s32 $0x1, s22  }
0xad: {  	p0 =	sne.s32 s2, s25  }
.Ltmp1:
0xae: {  	_ = 	snop;
	(pc) =	sbr.rel @!p0 .LBB2_5-.Ltmp1, $3  }
0xaf: {  	_ =	sdelay $0x1  }
0xb0: {  	[sflag:s3] =	ssyncset.done $0x0  }
0xb1: {  	[sflag:s3] =	ssyncadd.s32 $0xFFFFFE00  }
.LBB2_1:
0xb2: {  	[dreg:$0xa] =	wrdreg s2  }
0xb3: {  	s0 =	rddreg [dreg:$0x6]  }
0xb4: {  	[tilespmem:s21], [sflag:$0x7] =	stream.linear.gather [hbm4b:s0+s21], $0x200, $0x38;
	[tilespmem:$0x18800] =	vst v63  }
0xb5: {  	_ =	swait.ge [sflag:s3], $0x200  }
0xb6: {  	[sflag:s3] =	ssyncset.done $0x0  }
0xb7: {  	s22 =	simm.s32 $0x280;
	s2 =	rddreg [dreg:$0x7];
	[sflag:s3] =	ssyncadd.s32 $0xFFFFFE00  }
0xb8: {  	[tilespmem:s22], [sflag:$0x7] =	stream.linear.gather [hbm4b:s2+s21], $0x200, $0x38;
	[tilespmem:$0x18800] =	vst v63  }
0xb9: {  	_ =	swait.ge [sflag:s3], $0x200  }
0xba: {  	[sflag:s3] =	ssyncset.done $0x0  }
0xbb: {  	[sflag:s3] =	ssyncadd.s32 $0xFFFFFE00  }
0xbc: {  	v10 =	vld [tilespmem:$0x0];
	_ =	sdelay $0x1  }
0xbd: {  	v11 =	vld [tilespmem:$0x280];
	_ =	sdelay $0x2  }
0xbe: {  	s2 =	rddreg [dreg:$0x2];
	v10 =	vand.u32 $0xFFFFFF80, v10  }
0xbf: {  	v10 =	vadd.s32 s2, v10  }
0xc0: {  	s25 =	rddreg [dreg:$0x3];
	v11 =	vand.u32 $0xFFFFFF80, v11;
	(v2sf) =	vpush v10, $0x0  }
0xc1: {  	v11 =	vadd.s32 s25, v11  }
0xc2: {  	(v2sf) =	vpush v11, $0x0;
	_ =	sdelay $0x1  }
0xc3: {  	(v2sf) =	vpush v10, $0x1;
	_ =	sdelay $0x1  }
0xc4: {  	(v2sf) =	vpush v11, $0x1;
	_ =	sdelay $0x1  }
0xc5: {  	(v2sf) =	vpush v10, $0x2;
	_ =	sdelay $0x1  }
0xc6: {  	(v2sf) =	vpush v11, $0x2;
	_ =	sdelay $0x1  }
0xc7: {  	(v2sf) =	vpush v10, $0x3;
	_ =	sdelay $0x1  }
0xc8: {  	(v2sf) =	vpush v11, $0x3  }
0xc9: {  	s3 =	spop (v2sf)  }
0xca: {  	(v2sf) =	vpush v10, $0x4;
	[tilespmem:s24], [sflag:$0x1] =	stream.strided.gather [hbm4b:s3+s11], $0x800, s12, s11, $0x38;
	[tilespmem:$0x18800] =	vst v63  }
0xcb: {  	s21 =	spop (v2sf)  }
0xcc: {  	(v2sf) =	vpush v11, $0x4;
	[tilespmem:s23], [sflag:$0x2] =	stream.strided.gather [hbm4b:s21+s11], $0x800, s12, s11, $0x38;
	[tilespmem:$0x18800] =	vst v63  }
0xcd: {  	s22 =	spop (v2sf)  }
0xce: {  	(v2sf) =	vpush v10, $0x5;
	[tilespmem:s29], [sflag:$0x1] =	stream.strided.gather [hbm4b:s22+s11], $0x800, s12, s11, $0x38;
	[tilespmem:$0x18800] =	vst v63  }
0xcf: {  	s23 =	spop (v2sf)  }
0xd0: {  	(v2sf) =	vpush v11, $0x5;
	[tilespmem:s10], [sflag:$0x2] =	stream.strided.gather [hbm4b:s23+s11], $0x800, s12, s11, $0x38;
	[tilespmem:$0x18800] =	vst v63  }
0xd1: {  	s29 =	spop (v2sf)  }
0xd2: {  	(v2sf) =	vpush v10, $0x6;
	[tilespmem:s26], [sflag:$0x1] =	stream.strided.gather [hbm4b:s29+s11], $0x800, s12, s11, $0x38;
	[tilespmem:$0x18800] =	vst v63  }
0xd3: {  	s3 =	spop (v2sf)  }
0xd4: {  	(v2sf) =	vpush v11, $0x6;
	[tilespmem:s13], [sflag:$0x2] =	stream.strided.gather [hbm4b:s3+s11], $0x800, s12, s11, $0x38;
	[tilespmem:$0x18800] =	vst v63  }
0xd5: {  	s10 =	spop (v2sf)  }
0xd6: {  	(v2sf) =	vpush v10, $0x7;
	[tilespmem:s28], [sflag:$0x1] =	stream.strided.gather [hbm4b:s10+s11], $0x800, s12, s11, $0x38;
	[tilespmem:$0x18800] =	vst v63  }
0xd7: {  	s13 =	spop (v2sf)  }
0xd8: {  	(v2sf) =	vpush v11, $0x7;
	[tilespmem:s14], [sflag:$0x2] =	stream.strided.gather [hbm4b:s13+s11], $0x800, s12, s11, $0x38;
	[tilespmem:$0x18800] =	vst v63  }
0xd9: {  	s14 =	spop (v2sf)  }
0xda: {  	[tilespmem:s15], [sflag:$0x1] =	stream.strided.gather [hbm4b:s14+s11], $0x800, s12, s11, $0x38;
	[tilespmem:$0x18800] =	vst v63  }
0xdb: {  	s21 =	spop (v2sf)  }
0xdc: {  	[tilespmem:s16], [sflag:$0x2] =	stream.strided.gather [hbm4b:s21+s11], $0x800, s12, s11, $0x38;
	[tilespmem:$0x18800] =	vst v63  }
0xdd: {  	s22 =	spop (v2sf)  }
0xde: {  	[tilespmem:s8], [sflag:$0x1] =	stream.strided.gather [hbm4b:s22+s11], $0x800, s12, s11, $0x38;
	[tilespmem:$0x18800] =	vst v63  }
0xdf: {  	s23 =	spop (v2sf)  }
0xe0: {  	[tilespmem:s17], [sflag:$0x2] =	stream.strided.gather [hbm4b:s23+s11], $0x800, s12, s11, $0x38;
	[tilespmem:$0x18800] =	vst v63  }
0xe1: {  	s26 =	spop (v2sf)  }
0xe2: {  	[tilespmem:s18], [sflag:$0x1] =	stream.strided.gather [hbm4b:s26+s11], $0x800, s12, s11, $0x38;
	[tilespmem:$0x18800] =	vst v63  }
0xe3: {  	s28 =	spop (v2sf)  }
0xe4: {  	[tilespmem:s4], [sflag:$0x2] =	stream.strided.gather [hbm4b:s28+s11], $0x800, s12, s11, $0x38;
	[tilespmem:$0x18800] =	vst v63  }
0xe5: {  	s29 =	spop (v2sf)  }
0xe6: {  	[tilespmem:s1], [sflag:$0x1] =	stream.strided.gather [hbm4b:s29+s11], $0x800, s12, s11, $0x38;
	[tilespmem:$0x18800] =	vst v63  }
0xe7: {  	s1 =	spop (v2sf)  }
0xe8: {  	[tilespmem:s31], [sflag:$0x2] =	stream.strided.gather [hbm4b:s1+s11], $0x800, s12, s11, $0x38;
	[tilespmem:$0x18800] =	vst v63  }
0xe9: {  	v10 =	vld [tilespmem:$0x8];
	_ =	sdelay $0x1  }
0xea: {  	v11 =	vld [tilespmem:$0x288];
	_ =	sdelay $0x2  }
0xeb: {  	v10 =	vand.u32 $0xFFFFFF80, v10  }
0xec: {  	v10 =	vadd.s32 s2, v10  }
0xed: {  	v11 =	vand.u32 $0xFFFFFF80, v11;
	(v2sf) =	vpush v10, $0x0  }
0xee: {  	v11 =	vadd.s32 s25, v11  }
0xef: {  	(v2sf) =	vpush v11, $0x0;
	_ =	sdelay $0x1  }
0xf0: {  	(v2sf) =	vpush v10, $0x1;
	_ =	sdelay $0x1  }
0xf1: {  	(v2sf) =	vpush v11, $0x1;
	_ =	sdelay $0x1  }
0xf2: {  	(v2sf) =	vpush v10, $0x2;
	_ =	sdelay $0x1  }
0xf3: {  	(v2sf) =	vpush v11, $0x2;
	_ =	sdelay $0x1  }
0xf4: {  	(v2sf) =	vpush v10, $0x3;
	_ =	sdelay $0x1  }
0xf5: {  	(v2sf) =	vpush v11, $0x3  }
0xf6: {  	s4 =	simm.s32 $0x4500;
	s3 =	spop (v2sf)  }
0xf7: {  	(v2sf) =	vpush v10, $0x4;
	[tilespmem:s4], [sflag:$0x3] =	stream.strided.gather [hbm4b:s3+s11], $0x800, s12, s11, $0x38;
	[tilespmem:$0x18800] =	vst v63  }
0xf8: {  	s10 =	simm.s32 $0x10500;
	s8 =	spop (v2sf);
	(v2sf) =	vpush v11, $0x4  }
0xf9: {  	[tilespmem:s10], [sflag:$0x4] =	stream.strided.gather [hbm4b:s8+s11], $0x800, s12, s11, $0x38;
	[tilespmem:$0x18800] =	vst v63  }
0xfa: {  	s14 =	simm.s32 $0x4D00;
	s13 =	spop (v2sf);
	(v2sf) =	vpush v10, $0x5  }
0xfb: {  	[tilespmem:s14], [sflag:$0x3] =	stream.strided.gather [hbm4b:s13+s11], $0x800, s12, s11, $0x38;
	[tilespmem:$0x18800] =	vst v63  }
0xfc: {  	s16 =	simm.s32 $0x10D00;
	s15 =	spop (v2sf);
	(v2sf) =	vpush v11, $0x5  }
0xfd: {  	[tilespmem:s16], [sflag:$0x4] =	stream.strided.gather [hbm4b:s15+s11], $0x800, s12, s11, $0x38;
	[tilespmem:$0x18800] =	vst v63  }
0xfe: {  	s18 =	simm.s32 $0x5500;
	s17 =	spop (v2sf);
	(v2sf) =	vpush v10, $0x6  }
0xff: {  	[tilespmem:s18], [sflag:$0x3] =	stream.strided.gather [hbm4b:s17+s11], $0x800, s12, s11, $0x38;
	[tilespmem:$0x18800] =	vst v63  }
0x100: {  	s22 =	simm.s32 $0x11500;
	s21 =	spop (v2sf);
	(v2sf) =	vpush v11, $0x6  }
0x101: {  	[tilespmem:s22], [sflag:$0x4] =	stream.strided.gather [hbm4b:s21+s11], $0x800, s12, s11, $0x38;
	[tilespmem:$0x18800] =	vst v63  }
0x102: {  	s26 =	simm.s32 $0x5D00;
	s23 =	spop (v2sf);
	(v2sf) =	vpush v10, $0x7  }
0x103: {  	[tilespmem:s26], [sflag:$0x3] =	stream.strided.gather [hbm4b:s23+s11], $0x800, s12, s11, $0x38;
	[tilespmem:$0x18800] =	vst v63  }
0x104: {  	s29 =	simm.s32 $0x11D00;
	s28 =	spop (v2sf);
	(v2sf) =	vpush v11, $0x7  }
0x105: {  	[tilespmem:s29], [sflag:$0x4] =	stream.strided.gather [hbm4b:s28+s11], $0x800, s12, s11, $0x38;
	[tilespmem:$0x18800] =	vst v63  }
0x106: {  	s3 =	spop (v2sf)  }
0x107: {  	s4 =	simm.s32 $0x6500;
	s8 =	spop (v2sf)  }
0x108: {  	[tilespmem:s4], [sflag:$0x3] =	stream.strided.gather [hbm4b:s3+s11], $0x800, s12, s11, $0x38;
	[tilespmem:$0x18800] =	vst v63  }
0x109: {  	s10 =	simm.s32 $0x12500;
	s13 =	spop (v2sf)  }
0x10a: {  	[tilespmem:s10], [sflag:$0x4] =	stream.strided.gather [hbm4b:s8+s11], $0x800, s12, s11, $0x38;
	[tilespmem:$0x18800] =	vst v63  }
0x10b: {  	s14 =	simm.s32 $0x6D00;
	s15 =	spop (v2sf)  }
0x10c: {  	[tilespmem:s14], [sflag:$0x3] =	stream.strided.gather [hbm4b:s13+s11], $0x800, s12, s11, $0x38;
	[tilespmem:$0x18800] =	vst v63  }
0x10d: {  	s16 =	simm.s32 $0x12D00;
	s17 =	spop (v2sf)  }
0x10e: {  	[tilespmem:s16], [sflag:$0x4] =	stream.strided.gather [hbm4b:s15+s11], $0x800, s12, s11, $0x38;
	[tilespmem:$0x18800] =	vst v63  }
0x10f: {  	s18 =	simm.s32 $0x7500;
	s21 =	spop (v2sf)  }
0x110: {  	[tilespmem:s18], [sflag:$0x3] =	stream.strided.gather [hbm4b:s17+s11], $0x800, s12, s11, $0x38;
	[tilespmem:$0x18800] =	vst v63  }
0x111: {  	s31 =	simm.s32 $0x18600;
	s22 =	simm.s32 $0x13500;
	s23 =	spop (v2sf)  }
0x112: {  	[tilespmem:s22], [sflag:$0x4] =	stream.strided.gather [hbm4b:s21+s11], $0x800, s12, s11, $0x38;
	[tilespmem:$0x18800] =	vst v63  }
0x113: {  	s26 =	simm.s32 $0x7D00;
	s29 =	simm.s32 $0x13D00;
	s28 =	spop (v2sf)  }
0x114: {  	[tilespmem:s26], [sflag:$0x3] =	stream.strided.gather [hbm4b:s23+s11], $0x800, s12, s11, $0x38;
	[tilespmem:$0x18800] =	vst v63  }
0x115: {  	s21 =	simm.s32 $0x290;
	s22 =	simm.s32 $0x10;
	s23 =	simm.s32 $0x1  }
0x116: {  	[tilespmem:s29], [sflag:$0x4] =	stream.strided.gather [hbm4b:s28+s11], $0x800, s12, s11, $0x38;
	[tilespmem:$0x18800] =	vst v63  }
.LBB2_2:
0x117: {  	_ =	swait.ge [sflag:s5], $0x800  }
0x118: {  	[sflag:s5] =	ssyncset.done $0x0  }
0x119: {  	[sflag:s5] =	ssyncadd.s32 $0xFFFFF800  }
0x11a: {  	_ =	swait.ge [sflag:s6], $0x800  }
0x11b: {  	[sflag:s6] =	ssyncset.done $0x0  }
0x11c: {  	[sflag:s6] =	ssyncadd.s32 $0xFFFFF800  }
0x11d: {  	_ =	swait.ge [sflag:s5], $0x800  }
0x11e: {  	[sflag:s5] =	ssyncset.done $0x0  }
0x11f: {  	[sflag:s5] =	ssyncadd.s32 $0xFFFFF800  }
0x120: {  	_ =	swait.ge [sflag:s6], $0x800  }
0x121: {  	[sflag:s6] =	ssyncset.done $0x0  }
0x122: {  	[sflag:s6] =	ssyncadd.s32 $0xFFFFF800  }
0x123: {  	_ =	swait.ge [sflag:s5], $0x800  }
0x124: {  	[sflag:s5] =	ssyncset.done $0x0  }
0x125: {  	[sflag:s5] =	ssyncadd.s32 $0xFFFFF800  }
0x126: {  	_ =	swait.ge [sflag:s6], $0x800  }
0x127: {  	[sflag:s6] =	ssyncset.done $0x0  }
0x128: {  	[sflag:s6] =	ssyncadd.s32 $0xFFFFF800  }
0x129: {  	_ =	swait.ge [sflag:s5], $0x800  }
0x12a: {  	[sflag:s5] =	ssyncset.done $0x0  }
0x12b: {  	[sflag:s5] =	ssyncadd.s32 $0xFFFFF800  }
0x12c: {  	_ =	swait.ge [sflag:s6], $0x800  }
0x12d: {  	[sflag:s6] =	ssyncset.done $0x0  }
0x12e: {  	[sflag:s6] =	ssyncadd.s32 $0xFFFFF800  }
0x12f: {  	_ =	swait.ge [sflag:s5], $0x800  }
0x130: {  	[sflag:s5] =	ssyncset.done $0x0  }
0x131: {  	[sflag:s5] =	ssyncadd.s32 $0xFFFFF800  }
0x132: {  	_ =	swait.ge [sflag:s6], $0x800  }
0x133: {  	[sflag:s6] =	ssyncset.done $0x0  }
0x134: {  	[sflag:s6] =	ssyncadd.s32 $0xFFFFF800  }
0x135: {  	_ =	swait.ge [sflag:s5], $0x800  }
0x136: {  	[sflag:s5] =	ssyncset.done $0x0  }
0x137: {  	[sflag:s5] =	ssyncadd.s32 $0xFFFFF800  }
0x138: {  	_ =	swait.ge [sflag:s6], $0x800  }
0x139: {  	[sflag:s6] =	ssyncset.done $0x0  }
0x13a: {  	[sflag:s6] =	ssyncadd.s32 $0xFFFFF800  }
0x13b: {  	_ =	swait.ge [sflag:s5], $0x800  }
0x13c: {  	[sflag:s5] =	ssyncset.done $0x0  }
0x13d: {  	[sflag:s5] =	ssyncadd.s32 $0xFFFFF800  }
0x13e: {  	_ =	swait.ge [sflag:s6], $0x800  }
0x13f: {  	[sflag:s6] =	ssyncset.done $0x0  }
0x140: {  	[sflag:s6] =	ssyncadd.s32 $0xFFFFF800  }
0x141: {  	_ =	swait.ge [sflag:s5], $0x800  }
0x142: {  	[sflag:s5] =	ssyncset.done $0x0  }
0x143: {  	[sflag:s5] =	ssyncadd.s32 $0xFFFFF800  }
0x144: {  	_ =	swait.ge [sflag:s6], $0x800  }
0x145: {  	[sflag:s6] =	ssyncset.done $0x0  }
0x146: {  	[sflag:s6] =	ssyncadd.s32 $0xFFFFF800  }
0x147: {  	v10 =	vld [tilespmem:s22+$0xFFFFFFF0]  }
0x148: {  	v11 =	vld [tilespmem:s21+$0xFFFFFFF0];
	_ =	sdelay $0x3  }
0x149: {  	v16 =	vand.u32 $0x7F, v10  }
0x14a: {  	v17 =	vand.u32 $0x7F, v11;
	v10 =	vbroadcast v16, $0x0  }
0x14b: {  	v11 =	vbroadcast v17, $0x0  }
0x14c: {  	v10 =	vor.u32 v1, v10  }
0x14d: {  	v11 =	vor.u32 v1, v11;
	_ =	sdelay $0x3  }
0x14e: {  	s0 =	sadd.s32 $0xFFFFFFFF, s23;
	s1 =	simm.s32 $0xC500;
	v12 =	vld.idx.msk [tilespmem:v10+s24+$0x0], $0xffff  }
0x14f: {  	s0 =	sand.u32 $0x1, s0;
	v11 =	vld.idx.msk [tilespmem:v11+s1+$0x0], $0xffff  }
0x150: {  	v13 =	vbroadcast v16, $0x1;
	s24 =	sshll.u32 s0, $0x3  }
0x151: {  	v14 =	vbroadcast v17, $0x1;
	v10 =	vor.u32 s24, v0  }
0x152: {  	v13 =	vor.u32 v1, v13  }
0x153: {  	v14 =	vor.u32 v1, v14  }
0x154: {  	v11 =	vmul.f32 v11, v12;
	_ =	sdelay $0x1  }
0x155: {  	s10 =	simm.s32 $0xD00;
	[tilespmem:v10+s7+$0x0] =	vst.idx.msk $0xffff, v11  }
0x156: {  	s13 =	simm.s32 $0xCD00;
	v35 =	vld.idx.msk [tilespmem:v13+s10+$0x0], $0xffff  }
0x157: {  	v36 =	vld.idx.msk [tilespmem:v14+s13+$0x0], $0xffff  }
0x158: {  	v37 =	vbroadcast v16, $0x2;
	s3 =	sor.u32 $0x1, s24  }
0x159: {  	v15 =	vbroadcast v17, $0x2;
	v11 =	vor.u32 s3, v0  }
0x15a: {  	v14 =	vor.u32 v1, v37  }
0x15b: {  	v15 =	vor.u32 v1, v15  }
0x15c: {  	v12 =	vmul.f32 v36, v35;
	_ =	sdelay $0x1  }
0x15d: {  	s14 =	simm.s32 $0x1500;
	[tilespmem:v11+s7+$0x0] =	vst.idx.msk $0xffff, v12  }
0x15e: {  	s15 =	simm.s32 $0xD500;
	v38 =	vld.idx.msk [tilespmem:v14+s14+$0x0], $0xffff  }
0x15f: {  	v39 =	vld.idx.msk [tilespmem:v15+s15+$0x0], $0xffff  }
0x160: {  	v40 =	vbroadcast v16, $0x3;
	s16 =	sor.u32 $0x2, s24  }
0x161: {  	v18 =	vbroadcast v17, $0x3;
	v12 =	vor.u32 s16, v0  }
0x162: {  	v15 =	vor.u32 v1, v40  }
0x163: {  	v18 =	vor.u32 v1, v18  }
0x164: {  	v13 =	vmul.f32 v39, v38;
	_ =	sdelay $0x1  }
0x165: {  	s17 =	simm.s32 $0x1D00;
	[tilespmem:v12+s7+$0x0] =	vst.idx.msk $0xffff, v13  }
0x166: {  	s18 =	simm.s32 $0xDD00;
	v41 =	vld.idx.msk [tilespmem:v15+s17+$0x0], $0xffff  }
0x167: {  	v42 =	vld.idx.msk [tilespmem:v18+s18+$0x0], $0xffff  }
0x168: {  	v43 =	vbroadcast v16, $0x4;
	s26 =	sor.u32 $0x3, s24  }
0x169: {  	v19 =	vbroadcast v17, $0x4;
	v13 =	vor.u32 s26, v0  }
0x16a: {  	v18 =	vor.u32 v1, v43  }
0x16b: {  	v19 =	vor.u32 v1, v19  }
0x16c: {  	v14 =	vmul.f32 v42, v41;
	_ =	sdelay $0x1  }
0x16d: {  	s28 =	simm.s32 $0x2500;
	[tilespmem:v13+s7+$0x0] =	vst.idx.msk $0xffff, v14  }
0x16e: {  	s29 =	simm.s32 $0xE500;
	v44 =	vld.idx.msk [tilespmem:v18+s28+$0x0], $0xffff  }
0x16f: {  	v45 =	vld.idx.msk [tilespmem:v19+s29+$0x0], $0xffff  }
0x170: {  	v46 =	vbroadcast v16, $0x5;
	s1 =	sor.u32 $0x4, s24  }
0x171: {  	v20 =	vbroadcast v17, $0x5;
	v14 =	vor.u32 s1, v0  }
0x172: {  	v19 =	vor.u32 v1, v46  }
0x173: {  	v20 =	vor.u32 v1, v20  }
0x174: {  	v15 =	vmul.f32 v45, v44;
	_ =	sdelay $0x1  }
0x175: {  	s3 =	simm.s32 $0x2D00;
	[tilespmem:v14+s7+$0x0] =	vst.idx.msk $0xffff, v15  }
0x176: {  	s4 =	simm.s32 $0xED00;
	v47 =	vld.idx.msk [tilespmem:v19+s3+$0x0], $0xffff  }
0x177: {  	v48 =	vld.idx.msk [tilespmem:v20+s4+$0x0], $0xffff  }
0x178: {  	v49 =	vbroadcast v16, $0x6;
	s8 =	sor.u32 $0x5, s24  }
0x179: {  	v21 =	vbroadcast v17, $0x6;
	v15 =	vor.u32 s8, v0  }
0x17a: {  	v20 =	vor.u32 v1, v49  }
0x17b: {  	v21 =	vor.u32 v1, v21  }
0x17c: {  	v18 =	vmul.f32 v48, v47;
	_ =	sdelay $0x1  }
0x17d: {  	s18 =	simm.s32 $0x3500;
	[tilespmem:v15+s7+$0x0] =	vst.idx.msk $0xffff, v18  }
0x17e: {  	s16 =	simm.s32 $0xF500;
	v18 =	vld.idx.msk [tilespmem:v20+s18+$0x0], $0xffff  }
0x17f: {  	v50 =	vld.idx.msk [tilespmem:v21+s16+$0x0], $0xffff  }
0x180: {  	v51 =	vbroadcast v16, $0x7;
	s10 =	sor.u32 $0x6, s24  }
0x181: {  	v17 =	vbroadcast v17, $0x7;
	v16 =	vor.u32 s10, v0  }
0x182: {  	v20 =	vor.u32 v1, v51  }
0x183: {  	v17 =	vor.u32 v1, v17  }
0x184: {  	v18 =	vmul.f32 v50, v18;
	_ =	sdelay $0x1  }
0x185: {  	s1 =	simm.s32 $0x3D00;
	[tilespmem:v16+s7+$0x0] =	vst.idx.msk $0xffff, v18  }
0x186: {  	s4 =	simm.s32 $0xFD00;
	v18 =	vld.idx.msk [tilespmem:v20+s1+$0x0], $0xffff  }
0x187: {  	v52 =	vld.idx.msk [tilespmem:v17+s4+$0x0], $0xffff  }
0x188: {  	s13 =	sshllo.u32 s0, $0x3  }
0x189: {  	v17 =	vor.u32 s13, v0;
	_ =	sdelay $0x2  }
0x18a: {  	v18 =	vmul.f32 v52, v18;
	_ =	sdelay $0x1  }
0x18b: {  	p0 =	seq.s32 s0, $0x0;
	[tilespmem:v17+s7+$0x0] =	vst.idx.msk $0xffff, v18  }
0x18c: {  	v18 =	vld @!p0 [tilespmem:$0x18500];
	_ =	sdelay $0x1  }
0x18d: {  	v19 =	vld @!p0 [tilespmem:$0x18510];
	_ =	sdelay $0x1  }
0x18e: {  	v20 =	vld @!p0 [tilespmem:$0x18520]  }
0x18f: {  	v18 =	vadd.f32 @!p0 $0.0e+00, v18  }
0x190: {  	v21 =	vld @!p0 [tilespmem:$0x18530]  }
0x191: {  	v18 =	vadd.f32 @!p0 v19, v18  }
0x192: {  	v19 =	vld @!p0 [tilespmem:$0x18540]  }
0x193: {  	v18 =	vadd.f32 @!p0 v20, v18  }
0x194: {  	v20 =	vld @!p0 [tilespmem:$0x18550]  }
0x195: {  	v18 =	vadd.f32 @!p0 v21, v18  }
0x196: {  	v21 =	vld @!p0 [tilespmem:$0x18560]  }
0x197: {  	v18 =	vadd.f32 @!p0 v19, v18  }
0x198: {  	v19 =	vld @!p0 [tilespmem:$0x18570]  }
0x199: {  	v18 =	vadd.f32 @!p0 v20, v18  }
0x19a: {  	v20 =	vld @!p0 [tilespmem:$0x18580]  }
0x19b: {  	v18 =	vadd.f32 @!p0 v21, v18  }
0x19c: {  	v21 =	vld @!p0 [tilespmem:$0x18590]  }
0x19d: {  	v18 =	vadd.f32 @!p0 v19, v18  }
0x19e: {  	v19 =	vld @!p0 [tilespmem:$0x185A0]  }
0x19f: {  	v18 =	vadd.f32 @!p0 v20, v18  }
0x1a0: {  	v20 =	vld @!p0 [tilespmem:$0x185B0]  }
0x1a1: {  	v18 =	vadd.f32 @!p0 v21, v18  }
0x1a2: {  	v21 =	vld @!p0 [tilespmem:$0x185C0]  }
0x1a3: {  	v18 =	vadd.f32 @!p0 v19, v18  }
0x1a4: {  	v19 =	vld @!p0 [tilespmem:$0x185D0]  }
0x1a5: {  	v18 =	vadd.f32 @!p0 v20, v18  }
0x1a6: {  	v20 =	vld @!p0 [tilespmem:$0x185E0]  }
0x1a7: {  	v18 =	vadd.f32 @!p0 v21, v18  }
0x1a8: {  	v21 =	vld @!p0 [tilespmem:$0x185F0]  }
0x1a9: {  	v18 =	vadd.f32 @!p0 v19, v18;
	_ =	sdelay $0x1  }
0x1aa: {  	v18 =	vadd.f32 @!p0 v20, v18;
	_ =	sdelay $0x1  }
0x1ab: {  	v18 =	vadd.f32 @!p0 v21, v18;
	_ =	sdelay $0x1  }
0x1ac: {  	[tilespmem:s31+$0xFFFFFFF8] =	vst @!p0 v18  }
0x1ad: {  	v18 =	vld [tilespmem:s22+$0x0];
	_ =	sdelay $0x1  }
0x1ae: {  	v53 =	vld [tilespmem:s21+$0x0];
	_ =	sdelay $0x2  }
0x1af: {  	v18 =	vand.u32 $0xFFFFFF80, v18  }
0x1b0: {  	v18 =	vadd.s32 s2, v18  }
0x1b1: {  	v19 =	vand.u32 $0xFFFFFF80, v53;
	(v2sf) =	vpush v18, $0x0  }
0x1b2: {  	v19 =	vadd.s32 s25, v19  }
0x1b3: {  	(v2sf) =	vpush v19, $0x0;
	_ =	sdelay $0x1  }
0x1b4: {  	(v2sf) =	vpush v18, $0x1;
	_ =	sdelay $0x1  }
0x1b5: {  	(v2sf) =	vpush v19, $0x1;
	_ =	sdelay $0x1  }
0x1b6: {  	(v2sf) =	vpush v18, $0x2;
	_ =	sdelay $0x1  }
0x1b7: {  	(v2sf) =	vpush v19, $0x2;
	_ =	sdelay $0x1  }
0x1b8: {  	(v2sf) =	vpush v18, $0x3;
	_ =	sdelay $0x1  }
0x1b9: {  	(v2sf) =	vpush v19, $0x3  }
0x1ba: {  	s10 =	simm.s32 $0x8500;
	s14 =	spop (v2sf)  }
0x1bb: {  	(v2sf) =	vpush v18, $0x4;
	[tilespmem:s10], [sflag:$0x5] =	stream.strided.gather [hbm4b:s14+s11], $0x800, s12, s11, $0x38;
	[tilespmem:$0x18800] =	vst v63  }
0x1bc: {  	s8 =	simm.s32 $0x14500;
	s15 =	spop (v2sf)  }
0x1bd: {  	(v2sf) =	vpush v19, $0x4;
	[tilespmem:s8], [sflag:$0x6] =	stream.strided.gather [hbm4b:s15+s11], $0x800, s12, s11, $0x38;
	[tilespmem:$0x18800] =	vst v63  }
0x1be: {  	s14 =	simm.s32 $0x8D00;
	s17 =	spop (v2sf)  }
0x1bf: {  	(v2sf) =	vpush v18, $0x5;
	[tilespmem:s14], [sflag:$0x5] =	stream.strided.gather [hbm4b:s17+s11], $0x800, s12, s11, $0x38;
	[tilespmem:$0x18800] =	vst v63  }
0x1c0: {  	s13 =	simm.s32 $0x14D00;
	s24 =	spop (v2sf)  }
0x1c1: {  	(v2sf) =	vpush v19, $0x5;
	[tilespmem:s13], [sflag:$0x6] =	stream.strided.gather [hbm4b:s24+s11], $0x800, s12, s11, $0x38;
	[tilespmem:$0x18800] =	vst v63  }
0x1c2: {  	s26 =	spop (v2sf);
	s17 =	simm.s32 $0x9500  }
0x1c3: {  	(v2sf) =	vpush v18, $0x6;
	[tilespmem:s17], [sflag:$0x5] =	stream.strided.gather [hbm4b:s26+s11], $0x800, s12, s11, $0x38;
	[tilespmem:$0x18800] =	vst v63  }
0x1c4: {  	s15 =	simm.s32 $0x15500;
	s28 =	spop (v2sf)  }
0x1c5: {  	(v2sf) =	vpush v19, $0x6;
	[tilespmem:s15], [sflag:$0x6] =	stream.strided.gather [hbm4b:s28+s11], $0x800, s12, s11, $0x38;
	[tilespmem:$0x18800] =	vst v63  }
0x1c6: {  	s29 =	spop (v2sf);
	s28 =	simm.s32 $0x9D00  }
0x1c7: {  	(v2sf) =	vpush v18, $0x7;
	[tilespmem:s28], [sflag:$0x5] =	stream.strided.gather [hbm4b:s29+s11], $0x800, s12, s11, $0x38;
	[tilespmem:$0x18800] =	vst v63  }
0x1c8: {  	s3 =	spop (v2sf);
	s26 =	simm.s32 $0x15D00  }
0x1c9: {  	(v2sf) =	vpush v19, $0x7;
	[tilespmem:s26], [sflag:$0x6] =	stream.strided.gather [hbm4b:s3+s11], $0x800, s12, s11, $0x38;
	[tilespmem:$0x18800] =	vst v63  }
0x1ca: {  	s29 =	simm.s32 $0xA500;
	s24 =	spop (v2sf)  }
0x1cb: {  	[tilespmem:s29], [sflag:$0x5] =	stream.strided.gather [hbm4b:s24+s11], $0x800, s12, s11, $0x38;
	[tilespmem:$0x18800] =	vst v63  }
0x1cc: {  	s24 =	spop (v2sf);
	s29 =	simm.s32 $0x16500  }
0x1cd: {  	[tilespmem:s29], [sflag:$0x6] =	stream.strided.gather [hbm4b:s24+s11], $0x800, s12, s11, $0x38;
	[tilespmem:$0x18800] =	vst v63  }
0x1ce: {  	s24 =	spop (v2sf);
	s29 =	simm.s32 $0xAD00  }
0x1cf: {  	[tilespmem:s29], [sflag:$0x5] =	stream.strided.gather [hbm4b:s24+s11], $0x800, s12, s11, $0x38;
	[tilespmem:$0x18800] =	vst v63  }
0x1d0: {  	s24 =	spop (v2sf);
	s29 =	simm.s32 $0x16D00  }
0x1d1: {  	[tilespmem:s29], [sflag:$0x6] =	stream.strided.gather [hbm4b:s24+s11], $0x800, s12, s11, $0x38;
	[tilespmem:$0x18800] =	vst v63  }
0x1d2: {  	s24 =	spop (v2sf);
	s29 =	simm.s32 $0xB500  }
0x1d3: {  	[tilespmem:s29], [sflag:$0x5] =	stream.strided.gather [hbm4b:s24+s11], $0x800, s12, s11, $0x38;
	[tilespmem:$0x18800] =	vst v63  }
0x1d4: {  	s24 =	spop (v2sf);
	s29 =	simm.s32 $0x17500  }
0x1d5: {  	[tilespmem:s29], [sflag:$0x6] =	stream.strided.gather [hbm4b:s24+s11], $0x800, s12, s11, $0x38;
	[tilespmem:$0x18800] =	vst v63  }
0x1d6: {  	s24 =	spop (v2sf);
	s29 =	simm.s32 $0xBD00  }
0x1d7: {  	[tilespmem:s29], [sflag:$0x5] =	stream.strided.gather [hbm4b:s24+s11], $0x800, s12, s11, $0x38;
	[tilespmem:$0x18800] =	vst v63  }
0x1d8: {  	s24 =	spop (v2sf);
	s29 =	simm.s32 $0x17D00  }
0x1d9: {  	[tilespmem:s29], [sflag:$0x6] =	stream.strided.gather [hbm4b:s24+s11], $0x800, s12, s11, $0x38;
	[tilespmem:$0x18800] =	vst v63  }
0x1da: {  	_ =	swait.ge [sflag:s19], $0x800  }
0x1db: {  	[sflag:s19] =	ssyncset.done $0x0  }
0x1dc: {  	[sflag:s19] =	ssyncadd.s32 $0xFFFFF800  }
0x1dd: {  	_ =	swait.ge [sflag:s9], $0x800  }
0x1de: {  	[sflag:s9] =	ssyncset.done $0x0  }
0x1df: {  	[sflag:s9] =	ssyncadd.s32 $0xFFFFF800  }
0x1e0: {  	_ =	swait.ge [sflag:s19], $0x800  }
0x1e1: {  	[sflag:s19] =	ssyncset.done $0x0  }
0x1e2: {  	[sflag:s19] =	ssyncadd.s32 $0xFFFFF800  }
0x1e3: {  	_ =	swait.ge [sflag:s9], $0x800  }
0x1e4: {  	[sflag:s9] =	ssyncset.done $0x0  }
0x1e5: {  	[sflag:s9] =	ssyncadd.s32 $0xFFFFF800  }
0x1e6: {  	_ =	swait.ge [sflag:s19], $0x800  }
0x1e7: {  	[sflag:s19] =	ssyncset.done $0x0  }
0x1e8: {  	[sflag:s19] =	ssyncadd.s32 $0xFFFFF800  }
0x1e9: {  	_ =	swait.ge [sflag:s9], $0x800  }
0x1ea: {  	[sflag:s9] =	ssyncset.done $0x0  }
0x1eb: {  	[sflag:s9] =	ssyncadd.s32 $0xFFFFF800  }
0x1ec: {  	_ =	swait.ge [sflag:s19], $0x800  }
0x1ed: {  	[sflag:s19] =	ssyncset.done $0x0  }
0x1ee: {  	[sflag:s19] =	ssyncadd.s32 $0xFFFFF800  }
0x1ef: {  	_ =	swait.ge [sflag:s9], $0x800  }
0x1f0: {  	[sflag:s9] =	ssyncset.done $0x0  }
0x1f1: {  	[sflag:s9] =	ssyncadd.s32 $0xFFFFF800  }
0x1f2: {  	_ =	swait.ge [sflag:s19], $0x800  }
0x1f3: {  	[sflag:s19] =	ssyncset.done $0x0  }
0x1f4: {  	[sflag:s19] =	ssyncadd.s32 $0xFFFFF800  }
0x1f5: {  	_ =	swait.ge [sflag:s9], $0x800  }
0x1f6: {  	[sflag:s9] =	ssyncset.done $0x0  }
0x1f7: {  	[sflag:s9] =	ssyncadd.s32 $0xFFFFF800  }
0x1f8: {  	_ =	swait.ge [sflag:s19], $0x800  }
0x1f9: {  	[sflag:s19] =	ssyncset.done $0x0  }
0x1fa: {  	[sflag:s19] =	ssyncadd.s32 $0xFFFFF800  }
0x1fb: {  	_ =	swait.ge [sflag:s9], $0x800  }
0x1fc: {  	[sflag:s9] =	ssyncset.done $0x0  }
0x1fd: {  	[sflag:s9] =	ssyncadd.s32 $0xFFFFF800  }
0x1fe: {  	_ =	swait.ge [sflag:s19], $0x800  }
0x1ff: {  	[sflag:s19] =	ssyncset.done $0x0  }
0x200: {  	[sflag:s19] =	ssyncadd.s32 $0xFFFFF800  }
0x201: {  	_ =	swait.ge [sflag:s9], $0x800  }
0x202: {  	[sflag:s9] =	ssyncset.done $0x0  }
0x203: {  	[sflag:s9] =	ssyncadd.s32 $0xFFFFF800  }
0x204: {  	_ =	swait.ge [sflag:s19], $0x800  }
0x205: {  	[sflag:s19] =	ssyncset.done $0x0  }
0x206: {  	[sflag:s19] =	ssyncadd.s32 $0xFFFFF800  }
0x207: {  	_ =	swait.ge [sflag:s9], $0x800  }
0x208: {  	[sflag:s9] =	ssyncset.done $0x0  }
0x209: {  	[sflag:s9] =	ssyncadd.s32 $0xFFFFF800  }
0x20a: {  	v54 =	vld [tilespmem:s22+$0xFFFFFFF8]  }
0x20b: {  	v55 =	vld [tilespmem:s21+$0xFFFFFFF8];
	_ =	sdelay $0x3  }
0x20c: {  	v18 =	vand.u32 $0x7F, v54  }
0x20d: {  	v19 =	vand.u32 $0x7F, v55;
	v56 =	vbroadcast v18, $0x0  }
0x20e: {  	v57 =	vbroadcast v19, $0x0  }
0x20f: {  	v20 =	vor.u32 v1, v56  }
0x210: {  	v21 =	vor.u32 v1, v57;
	_ =	sdelay $0x2  }
0x211: {  	s3 =	simm.s32 $0x4500  }
0x212: {  	s24 =	simm.s32 $0x10500;
	v20 =	vld.idx.msk [tilespmem:v20+s3+$0x0], $0xffff  }
0x213: {  	s0 =	sand.u32 $0x1, s23;
	v21 =	vld.idx.msk [tilespmem:v21+s24+$0x0], $0xffff  }
0x214: {  	v22 =	vbroadcast v18, $0x1;
	s3 =	sshll.u32 s0, $0x3  }
0x215: {  	v24 =	vbroadcast v19, $0x1;
	v23 =	vor.u32 s3, v0  }
0x216: {  	v22 =	vor.u32 v1, v22  }
0x217: {  	v24 =	vor.u32 v1, v24  }
0x218: {  	v20 =	vmul.f32 v21, v20;
	_ =	sdelay $0x1  }
0x219: {  	s29 =	simm.s32 $0x4D00;
	[tilespmem:v23+s7+$0x0] =	vst.idx.msk $0xffff, v20  }
0x21a: {  	v20 =	vld.idx.msk [tilespmem:v22+s29+$0x0], $0xffff;
	s29 =	simm.s32 $0x10D00  }
0x21b: {  	v58 =	vld.idx.msk [tilespmem:v24+s29+$0x0], $0xffff  }
0x21c: {  	v59 =	vbroadcast v18, $0x2;
	s29 =	sor.u32 $0x1, s3  }
0x21d: {  	v61 =	vbroadcast v19, $0x2;
	v60 =	vor.u32 s29, v0  }
0x21e: {  	v22 =	vor.u32 v1, v59  }
0x21f: {  	v24 =	vor.u32 v1, v61  }
0x220: {  	v20 =	vmul.f32 v58, v20;
	_ =	sdelay $0x1  }
0x221: {  	s29 =	simm.s32 $0x5500;
	[tilespmem:v60+s7+$0x0] =	vst.idx.msk $0xffff, v20  }
0x222: {  	v20 =	vld.idx.msk [tilespmem:v22+s29+$0x0], $0xffff;
	s29 =	simm.s32 $0x11500  }
0x223: {  	v62 =	vld.idx.msk [tilespmem:v24+s29+$0x0], $0xffff  }
0x224: {  	v63 =	vbroadcast v18, $0x3;
	s29 =	sor.u32 $0x2, s3  }
0x225: {  	v29 =	vbroadcast v19, $0x3;
	v28 =	vor.u32 s29, v0  }
0x226: {  	v22 =	vor.u32 v1, v63  }
0x227: {  	v24 =	vor.u32 v1, v29  }
0x228: {  	v20 =	vmul.f32 v62, v20;
	_ =	sdelay $0x1  }
0x229: {  	s29 =	simm.s32 $0x5D00;
	[tilespmem:v28+s7+$0x0] =	vst.idx.msk $0xffff, v20  }
0x22a: {  	v20 =	vld.idx.msk [tilespmem:v22+s29+$0x0], $0xffff;
	s29 =	simm.s32 $0x11D00  }
0x22b: {  	v30 =	vld.idx.msk [tilespmem:v24+s29+$0x0], $0xffff  }
0x22c: {  	v31 =	vbroadcast v18, $0x4;
	s29 =	sor.u32 $0x3, s3  }
0x22d: {  	v33 =	vbroadcast v19, $0x4;
	v32 =	vor.u32 s29, v0  }
0x22e: {  	v22 =	vor.u32 v1, v31  }
0x22f: {  	v24 =	vor.u32 v1, v33  }
0x230: {  	v20 =	vmul.f32 v30, v20;
	_ =	sdelay $0x1  }
0x231: {  	s29 =	simm.s32 $0x6500;
	[tilespmem:v32+s7+$0x0] =	vst.idx.msk $0xffff, v20  }
0x232: {  	v20 =	vld.idx.msk [tilespmem:v22+s29+$0x0], $0xffff;
	s29 =	simm.s32 $0x12500  }
0x233: {  	v34 =	vld.idx.msk [tilespmem:v24+s29+$0x0], $0xffff  }
0x234: {  	v35 =	vbroadcast v18, $0x5;
	s29 =	sor.u32 $0x4, s3  }
0x235: {  	v37 =	vbroadcast v19, $0x5;
	v36 =	vor.u32 s29, v0  }
0x236: {  	v22 =	vor.u32 v1, v35  }
0x237: {  	v24 =	vor.u32 v1, v37  }
0x238: {  	v20 =	vmul.f32 v34, v20;
	_ =	sdelay $0x1  }
0x239: {  	s29 =	simm.s32 $0x6D00;
	[tilespmem:v36+s7+$0x0] =	vst.idx.msk $0xffff, v20  }
0x23a: {  	v20 =	vld.idx.msk [tilespmem:v22+s29+$0x0], $0xffff;
	s29 =	simm.s32 $0x12D00  }
0x23b: {  	v38 =	vld.idx.msk [tilespmem:v24+s29+$0x0], $0xffff  }
0x23c: {  	v39 =	vbroadcast v18, $0x6;
	s29 =	sor.u32 $0x5, s3  }
0x23d: {  	v41 =	vbroadcast v19, $0x6;
	v40 =	vor.u32 s29, v0  }
0x23e: {  	v22 =	vor.u32 v1, v39  }
0x23f: {  	v24 =	vor.u32 v1, v41  }
0x240: {  	v20 =	vmul.f32 v38, v20;
	_ =	sdelay $0x1  }
0x241: {  	s29 =	simm.s32 $0x7500;
	[tilespmem:v40+s7+$0x0] =	vst.idx.msk $0xffff, v20  }
0x242: {  	v20 =	vld.idx.msk [tilespmem:v22+s29+$0x0], $0xffff;
	s29 =	simm.s32 $0x13500  }
0x243: {  	v42 =	vld.idx.msk [tilespmem:v24+s29+$0x0], $0xffff  }
0x244: {  	v18 =	vbroadcast v18, $0x7;
	s3 =	sor.u32 $0x6, s3  }
0x245: {  	v19 =	vbroadcast v19, $0x7;
	v43 =	vor.u32 s3, v0  }
0x246: {  	v18 =	vor.u32 v1, v18  }
0x247: {  	v19 =	vor.u32 v1, v19  }
0x248: {  	v20 =	vmul.f32 v42, v20;
	_ =	sdelay $0x1  }
0x249: {  	s29 =	simm.s32 $0x7D00;
	[tilespmem:v43+s7+$0x0] =	vst.idx.msk $0xffff, v20  }
0x24a: {  	v18 =	vld.idx.msk [tilespmem:v18+s29+$0x0], $0xffff;
	s29 =	simm.s32 $0x13D00  }
0x24b: {  	v19 =	vld.idx.msk [tilespmem:v19+s29+$0x0], $0xffff  }
0x24c: {  	s29 =	sshllo.u32 s0, $0x3  }
0x24d: {  	v44 =	vor.u32 s29, v0;
	_ =	sdelay $0x2  }
0x24e: {  	v18 =	vmul.f32 v19, v18;
	_ =	sdelay $0x1  }
0x24f: {  	p1 =	seq.s32 s0, $0x0;
	[tilespmem:v44+s7+$0x0] =	vst.idx.msk $0xffff, v18  }
0x250: {  	v18 =	vld @!p1 [tilespmem:$0x18500];
	_ =	sdelay $0x1  }
0x251: {  	v19 =	vld @!p1 [tilespmem:$0x18510];
	_ =	sdelay $0x1  }
0x252: {  	v20 =	vld @!p1 [tilespmem:$0x18520]  }
0x253: {  	v18 =	vadd.f32 @!p1 $0.0e+00, v18  }
0x254: {  	v21 =	vld @!p1 [tilespmem:$0x18530]  }
0x255: {  	v18 =	vadd.f32 @!p1 v19, v18  }
0x256: {  	v19 =	vld @!p1 [tilespmem:$0x18540]  }
0x257: {  	v18 =	vadd.f32 @!p1 v20, v18  }
0x258: {  	v20 =	vld @!p1 [tilespmem:$0x18550]  }
0x259: {  	v18 =	vadd.f32 @!p1 v21, v18  }
0x25a: {  	v21 =	vld @!p1 [tilespmem:$0x18560]  }
0x25b: {  	v18 =	vadd.f32 @!p1 v19, v18  }
0x25c: {  	v19 =	vld @!p1 [tilespmem:$0x18570]  }
0x25d: {  	v18 =	vadd.f32 @!p1 v20, v18  }
0x25e: {  	v20 =	vld @!p1 [tilespmem:$0x18580]  }
0x25f: {  	v18 =	vadd.f32 @!p1 v21, v18  }
0x260: {  	v21 =	vld @!p1 [tilespmem:$0x18590]  }
0x261: {  	v18 =	vadd.f32 @!p1 v19, v18  }
0x262: {  	v19 =	vld @!p1 [tilespmem:$0x185A0]  }
0x263: {  	v18 =	vadd.f32 @!p1 v20, v18  }
0x264: {  	v20 =	vld @!p1 [tilespmem:$0x185B0]  }
0x265: {  	v18 =	vadd.f32 @!p1 v21, v18  }
0x266: {  	v21 =	vld @!p1 [tilespmem:$0x185C0]  }
0x267: {  	v18 =	vadd.f32 @!p1 v19, v18  }
0x268: {  	v19 =	vld @!p1 [tilespmem:$0x185D0]  }
0x269: {  	v18 =	vadd.f32 @!p1 v20, v18  }
0x26a: {  	v20 =	vld @!p1 [tilespmem:$0x185E0]  }
0x26b: {  	v18 =	vadd.f32 @!p1 v21, v18  }
0x26c: {  	v21 =	vld @!p1 [tilespmem:$0x185F0]  }
0x26d: {  	v18 =	vadd.f32 @!p1 v19, v18;
	_ =	sdelay $0x1  }
0x26e: {  	v18 =	vadd.f32 @!p1 v20, v18;
	_ =	sdelay $0x1  }
0x26f: {  	v18 =	vadd.f32 @!p1 v21, v18;
	_ =	sdelay $0x1  }
0x270: {  	[tilespmem:s31+$0x0] =	vst @!p1 v18  }
0x271: {  	v18 =	vld [tilespmem:s22+$0x8];
	_ =	sdelay $0x1  }
0x272: {  	v45 =	vld [tilespmem:s21+$0x8];
	_ =	sdelay $0x2  }
0x273: {  	v18 =	vand.u32 $0xFFFFFF80, v18  }
0x274: {  	v18 =	vadd.s32 s2, v18  }
0x275: {  	v19 =	vand.u32 $0xFFFFFF80, v45;
	(v2sf) =	vpush v18, $0x0  }
0x276: {  	v19 =	vadd.s32 s25, v19  }
0x277: {  	(v2sf) =	vpush v19, $0x0;
	_ =	sdelay $0x1  }
0x278: {  	(v2sf) =	vpush v18, $0x1;
	_ =	sdelay $0x1  }
0x279: {  	(v2sf) =	vpush v19, $0x1;
	_ =	sdelay $0x1  }
0x27a: {  	(v2sf) =	vpush v18, $0x2;
	_ =	sdelay $0x1  }
0x27b: {  	(v2sf) =	vpush v19, $0x2;
	_ =	sdelay $0x1  }
0x27c: {  	(v2sf) =	vpush v18, $0x3;
	_ =	sdelay $0x1  }
0x27d: {  	(v2sf) =	vpush v19, $0x3  }
0x27e: {  	s24 =	simm.s32 $0x500;
	s29 =	spop (v2sf)  }
0x27f: {  	(v2sf) =	vpush v18, $0x4;
	[tilespmem:s24], [sflag:$0x1] =	stream.strided.gather [hbm4b:s29+s11], $0x800, s12, s11, $0x38;
	[tilespmem:$0x18800] =	vst v63  }
0x280: {  	s3 =	spop (v2sf);
	s29 =	simm.s32 $0xC500  }
0x281: {  	(v2sf) =	vpush v19, $0x4;
	[tilespmem:s29], [sflag:$0x2] =	stream.strided.gather [hbm4b:s3+s11], $0x800, s12, s11, $0x38;
	[tilespmem:$0x18800] =	vst v63  }
0x282: {  	s3 =	spop (v2sf);
	s29 =	simm.s32 $0xD00  }
0x283: {  	(v2sf) =	vpush v18, $0x5;
	[tilespmem:s29], [sflag:$0x1] =	stream.strided.gather [hbm4b:s3+s11], $0x800, s12, s11, $0x38;
	[tilespmem:$0x18800] =	vst v63  }
0x284: {  	s3 =	spop (v2sf);
	s29 =	simm.s32 $0xCD00  }
0x285: {  	(v2sf) =	vpush v19, $0x5;
	[tilespmem:s29], [sflag:$0x2] =	stream.strided.gather [hbm4b:s3+s11], $0x800, s12, s11, $0x38;
	[tilespmem:$0x18800] =	vst v63  }
0x286: {  	s3 =	spop (v2sf);
	s29 =	simm.s32 $0x1500  }
0x287: {  	(v2sf) =	vpush v18, $0x6;
	[tilespmem:s29], [sflag:$0x1] =	stream.strided.gather [hbm4b:s3+s11], $0x800, s12, s11, $0x38;
	[tilespmem:$0x18800] =	vst v63  }
0x288: {  	s3 =	spop (v2sf);
	s29 =	simm.s32 $0xD500  }
0x289: {  	(v2sf) =	vpush v19, $0x6;
	[tilespmem:s29], [sflag:$0x2] =	stream.strided.gather [hbm4b:s3+s11], $0x800, s12, s11, $0x38;
	[tilespmem:$0x18800] =	vst v63  }
0x28a: {  	s3 =	spop (v2sf);
	s29 =	simm.s32 $0x1D00  }
0x28b: {  	(v2sf) =	vpush v18, $0x7;
	[tilespmem:s29], [sflag:$0x1] =	stream.strided.gather [hbm4b:s3+s11], $0x800, s12, s11, $0x38;
	[tilespmem:$0x18800] =	vst v63  }
0x28c: {  	s3 =	spop (v2sf);
	s29 =	simm.s32 $0xDD00  }
0x28d: {  	(v2sf) =	vpush v19, $0x7;
	[tilespmem:s29], [sflag:$0x2] =	stream.strided.gather [hbm4b:s3+s11], $0x800, s12, s11, $0x38;
	[tilespmem:$0x18800] =	vst v63  }
0x28e: {  	s3 =	spop (v2sf);
	s29 =	simm.s32 $0x2500  }
0x28f: {  	[tilespmem:s29], [sflag:$0x1] =	stream.strided.gather [hbm4b:s3+s11], $0x800, s12, s11, $0x38;
	[tilespmem:$0x18800] =	vst v63  }
0x290: {  	s3 =	spop (v2sf);
	s29 =	simm.s32 $0xE500  }
0x291: {  	[tilespmem:s29], [sflag:$0x2] =	stream.strided.gather [hbm4b:s3+s11], $0x800, s12, s11, $0x38;
	[tilespmem:$0x18800] =	vst v63  }
0x292: {  	s3 =	spop (v2sf);
	s29 =	simm.s32 $0x2D00  }
0x293: {  	[tilespmem:s29], [sflag:$0x1] =	stream.strided.gather [hbm4b:s3+s11], $0x800, s12, s11, $0x38;
	[tilespmem:$0x18800] =	vst v63  }
0x294: {  	s3 =	spop (v2sf);
	s29 =	simm.s32 $0xED00  }
0x295: {  	[tilespmem:s29], [sflag:$0x2] =	stream.strided.gather [hbm4b:s3+s11], $0x800, s12, s11, $0x38;
	[tilespmem:$0x18800] =	vst v63  }
0x296: {  	s3 =	spop (v2sf)  }
0x297: {  	[tilespmem:s18], [sflag:$0x1] =	stream.strided.gather [hbm4b:s3+s11], $0x800, s12, s11, $0x38;
	[tilespmem:$0x18800] =	vst v63  }
0x298: {  	s18 =	spop (v2sf)  }
0x299: {  	[tilespmem:s16], [sflag:$0x2] =	stream.strided.gather [hbm4b:s18+s11], $0x800, s12, s11, $0x38;
	[tilespmem:$0x18800] =	vst v63  }
0x29a: {  	s29 =	spop (v2sf)  }
0x29b: {  	[tilespmem:s1], [sflag:$0x1] =	stream.strided.gather [hbm4b:s29+s11], $0x800, s12, s11, $0x38;
	[tilespmem:$0x18800] =	vst v63  }
0x29c: {  	s3 =	spop (v2sf)  }
0x29d: {  	[tilespmem:s4], [sflag:$0x2] =	stream.strided.gather [hbm4b:s3+s11], $0x800, s12, s11, $0x38;
	[tilespmem:$0x18800] =	vst v63  }
0x29e: {  	_ =	swait.ge [sflag:s20], $0x800  }
0x29f: {  	[sflag:s20] =	ssyncset.done $0x0  }
0x2a0: {  	[sflag:s20] =	ssyncadd.s32 $0xFFFFF800  }
0x2a1: {  	_ =	swait.ge [sflag:s30], $0x800  }
0x2a2: {  	[sflag:s30] =	ssyncset.done $0x0  }
0x2a3: {  	[sflag:s30] =	ssyncadd.s32 $0xFFFFF800  }
0x2a4: {  	_ =	swait.ge [sflag:s20], $0x800  }
0x2a5: {  	[sflag:s20] =	ssyncset.done $0x0  }
0x2a6: {  	[sflag:s20] =	ssyncadd.s32 $0xFFFFF800  }
0x2a7: {  	_ =	swait.ge [sflag:s30], $0x800  }
0x2a8: {  	[sflag:s30] =	ssyncset.done $0x0  }
0x2a9: {  	[sflag:s30] =	ssyncadd.s32 $0xFFFFF800  }
0x2aa: {  	_ =	swait.ge [sflag:s20], $0x800  }
0x2ab: {  	[sflag:s20] =	ssyncset.done $0x0  }
0x2ac: {  	[sflag:s20] =	ssyncadd.s32 $0xFFFFF800  }
0x2ad: {  	_ =	swait.ge [sflag:s30], $0x800  }
0x2ae: {  	[sflag:s30] =	ssyncset.done $0x0  }
0x2af: {  	[sflag:s30] =	ssyncadd.s32 $0xFFFFF800  }
0x2b0: {  	_ =	swait.ge [sflag:s20], $0x800  }
0x2b1: {  	[sflag:s20] =	ssyncset.done $0x0  }
0x2b2: {  	[sflag:s20] =	ssyncadd.s32 $0xFFFFF800  }
0x2b3: {  	_ =	swait.ge [sflag:s30], $0x800  }
0x2b4: {  	[sflag:s30] =	ssyncset.done $0x0  }
0x2b5: {  	[sflag:s30] =	ssyncadd.s32 $0xFFFFF800  }
0x2b6: {  	_ =	swait.ge [sflag:s20], $0x800  }
0x2b7: {  	[sflag:s20] =	ssyncset.done $0x0  }
0x2b8: {  	[sflag:s20] =	ssyncadd.s32 $0xFFFFF800  }
0x2b9: {  	_ =	swait.ge [sflag:s30], $0x800  }
0x2ba: {  	[sflag:s30] =	ssyncset.done $0x0  }
0x2bb: {  	[sflag:s30] =	ssyncadd.s32 $0xFFFFF800  }
0x2bc: {  	_ =	swait.ge [sflag:s20], $0x800  }
0x2bd: {  	[sflag:s20] =	ssyncset.done $0x0  }
0x2be: {  	[sflag:s20] =	ssyncadd.s32 $0xFFFFF800  }
0x2bf: {  	_ =	swait.ge [sflag:s30], $0x800  }
0x2c0: {  	[sflag:s30] =	ssyncset.done $0x0  }
0x2c1: {  	[sflag:s30] =	ssyncadd.s32 $0xFFFFF800  }
0x2c2: {  	_ =	swait.ge [sflag:s20], $0x800  }
0x2c3: {  	[sflag:s20] =	ssyncset.done $0x0  }
0x2c4: {  	[sflag:s20] =	ssyncadd.s32 $0xFFFFF800  }
0x2c5: {  	_ =	swait.ge [sflag:s30], $0x800  }
0x2c6: {  	[sflag:s30] =	ssyncset.done $0x0  }
0x2c7: {  	[sflag:s30] =	ssyncadd.s32 $0xFFFFF800  }
0x2c8: {  	_ =	swait.ge [sflag:s20], $0x800  }
0x2c9: {  	[sflag:s20] =	ssyncset.done $0x0  }
0x2ca: {  	[sflag:s20] =	ssyncadd.s32 $0xFFFFF800  }
0x2cb: {  	_ =	swait.ge [sflag:s30], $0x800  }
0x2cc: {  	[sflag:s30] =	ssyncset.done $0x0  }
0x2cd: {  	[sflag:s30] =	ssyncadd.s32 $0xFFFFF800  }
0x2ce: {  	v46 =	vld [tilespmem:s22+$0x0]  }
0x2cf: {  	v47 =	vld [tilespmem:s21+$0x0];
	_ =	sdelay $0x3  }
0x2d0: {  	v18 =	vand.u32 $0x7F, v46  }
0x2d1: {  	v19 =	vand.u32 $0x7F, v47;
	v48 =	vbroadcast v18, $0x0  }
0x2d2: {  	v49 =	vbroadcast v19, $0x0  }
0x2d3: {  	v20 =	vor.u32 v1, v48  }
0x2d4: {  	v21 =	vor.u32 v1, v49;
	_ =	sdelay $0x3  }
0x2d5: {  	v20 =	vld.idx.msk [tilespmem:v20+s10+$0x0], $0xffff  }
0x2d6: {  	v21 =	vld.idx.msk [tilespmem:v21+s8+$0x0], $0xffff  }
0x2d7: {  	v50 =	vbroadcast v18, $0x1  }
0x2d8: {  	v51 =	vbroadcast v19, $0x1  }
0x2d9: {  	v22 =	vor.u32 v1, v50  }
0x2da: {  	v23 =	vor.u32 v1, v51  }
0x2db: {  	v20 =	vmul.f32 v21, v20;
	_ =	sdelay $0x1  }
0x2dc: {  	[tilespmem:v10+s7+$0x0] =	vst.idx.msk $0xffff, v20  }
0x2dd: {  	v10 =	vld.idx.msk [tilespmem:v22+s14+$0x0], $0xffff  }
0x2de: {  	v20 =	vld.idx.msk [tilespmem:v23+s13+$0x0], $0xffff  }
0x2df: {  	v52 =	vbroadcast v18, $0x2  }
0x2e0: {  	v53 =	vbroadcast v19, $0x2  }
0x2e1: {  	v21 =	vor.u32 v1, v52  }
0x2e2: {  	v22 =	vor.u32 v1, v53  }
0x2e3: {  	v10 =	vmul.f32 v20, v10;
	_ =	sdelay $0x1  }
0x2e4: {  	[tilespmem:v11+s7+$0x0] =	vst.idx.msk $0xffff, v10  }
0x2e5: {  	v10 =	vld.idx.msk [tilespmem:v21+s17+$0x0], $0xffff  }
0x2e6: {  	v11 =	vld.idx.msk [tilespmem:v22+s15+$0x0], $0xffff  }
0x2e7: {  	v54 =	vbroadcast v18, $0x3  }
0x2e8: {  	v55 =	vbroadcast v19, $0x3  }
0x2e9: {  	v20 =	vor.u32 v1, v54  }
0x2ea: {  	v21 =	vor.u32 v1, v55  }
0x2eb: {  	v10 =	vmul.f32 v11, v10;
	_ =	sdelay $0x1  }
0x2ec: {  	[tilespmem:v12+s7+$0x0] =	vst.idx.msk $0xffff, v10  }
0x2ed: {  	v10 =	vld.idx.msk [tilespmem:v20+s28+$0x0], $0xffff  }
0x2ee: {  	v11 =	vld.idx.msk [tilespmem:v21+s26+$0x0], $0xffff  }
0x2ef: {  	v56 =	vbroadcast v18, $0x4  }
0x2f0: {  	v57 =	vbroadcast v19, $0x4  }
0x2f1: {  	v12 =	vor.u32 v1, v56  }
0x2f2: {  	v20 =	vor.u32 v1, v57  }
0x2f3: {  	v10 =	vmul.f32 v11, v10;
	_ =	sdelay $0x1  }
0x2f4: {  	s14 =	simm.s32 $0xA500;
	[tilespmem:v13+s7+$0x0] =	vst.idx.msk $0xffff, v10  }
0x2f5: {  	s15 =	simm.s32 $0x16500;
	v10 =	vld.idx.msk [tilespmem:v12+s14+$0x0], $0xffff  }
0x2f6: {  	v11 =	vld.idx.msk [tilespmem:v20+s15+$0x0], $0xffff  }
0x2f7: {  	v58 =	vbroadcast v18, $0x5  }
0x2f8: {  	v59 =	vbroadcast v19, $0x5  }
0x2f9: {  	v12 =	vor.u32 v1, v58  }
0x2fa: {  	v13 =	vor.u32 v1, v59  }
0x2fb: {  	v10 =	vmul.f32 v11, v10;
	_ =	sdelay $0x1  }
0x2fc: {  	s16 =	simm.s32 $0xAD00;
	[tilespmem:v14+s7+$0x0] =	vst.idx.msk $0xffff, v10  }
0x2fd: {  	s17 =	simm.s32 $0x16D00;
	v10 =	vld.idx.msk [tilespmem:v12+s16+$0x0], $0xffff  }
0x2fe: {  	v11 =	vld.idx.msk [tilespmem:v13+s17+$0x0], $0xffff  }
0x2ff: {  	v60 =	vbroadcast v18, $0x6  }
0x300: {  	v61 =	vbroadcast v19, $0x6  }
0x301: {  	v12 =	vor.u32 v1, v60  }
0x302: {  	v13 =	vor.u32 v1, v61  }
0x303: {  	v10 =	vmul.f32 v11, v10;
	_ =	sdelay $0x1  }
0x304: {  	s18 =	simm.s32 $0xB500;
	[tilespmem:v15+s7+$0x0] =	vst.idx.msk $0xffff, v10  }
0x305: {  	s26 =	simm.s32 $0x17500;
	v10 =	vld.idx.msk [tilespmem:v12+s18+$0x0], $0xffff  }
0x306: {  	v11 =	vld.idx.msk [tilespmem:v13+s26+$0x0], $0xffff  }
0x307: {  	v62 =	vbroadcast v18, $0x7  }
0x308: {  	v63 =	vbroadcast v19, $0x7  }
0x309: {  	v12 =	vor.u32 v1, v62  }
0x30a: {  	v13 =	vor.u32 v1, v63  }
0x30b: {  	v10 =	vmul.f32 v11, v10;
	_ =	sdelay $0x1  }
0x30c: {  	s28 =	simm.s32 $0xBD00;
	[tilespmem:v16+s7+$0x0] =	vst.idx.msk $0xffff, v10  }
0x30d: {  	s29 =	simm.s32 $0x17D00;
	v10 =	vld.idx.msk [tilespmem:v12+s28+$0x0], $0xffff  }
0x30e: {  	v11 =	vld.idx.msk [tilespmem:v13+s29+$0x0], $0xffff;
	_ =	sdelay $0x4  }
0x30f: {  	v10 =	vmul.f32 v11, v10;
	_ =	sdelay $0x1  }
0x310: {  	[tilespmem:v17+s7+$0x0] =	vst.idx.msk $0xffff, v10  }
0x311: {  	v10 =	vld @!p0 [tilespmem:$0x18500];
	_ =	sdelay $0x1  }
0x312: {  	v11 =	vld @!p0 [tilespmem:$0x18510];
	_ =	sdelay $0x1  }
0x313: {  	v12 =	vld @!p0 [tilespmem:$0x18520]  }
0x314: {  	v10 =	vadd.f32 @!p0 $0.0e+00, v10  }
0x315: {  	v13 =	vld @!p0 [tilespmem:$0x18530]  }
0x316: {  	v10 =	vadd.f32 @!p0 v11, v10  }
0x317: {  	v11 =	vld @!p0 [tilespmem:$0x18540]  }
0x318: {  	v10 =	vadd.f32 @!p0 v12, v10  }
0x319: {  	v12 =	vld @!p0 [tilespmem:$0x18550]  }
0x31a: {  	v10 =	vadd.f32 @!p0 v13, v10  }
0x31b: {  	v13 =	vld @!p0 [tilespmem:$0x18560]  }
0x31c: {  	v10 =	vadd.f32 @!p0 v11, v10  }
0x31d: {  	v11 =	vld @!p0 [tilespmem:$0x18570]  }
0x31e: {  	v10 =	vadd.f32 @!p0 v12, v10  }
0x31f: {  	v12 =	vld @!p0 [tilespmem:$0x18580]  }
0x320: {  	v10 =	vadd.f32 @!p0 v13, v10  }
0x321: {  	v13 =	vld @!p0 [tilespmem:$0x18590]  }
0x322: {  	v10 =	vadd.f32 @!p0 v11, v10  }
0x323: {  	v11 =	vld @!p0 [tilespmem:$0x185A0]  }
0x324: {  	v10 =	vadd.f32 @!p0 v12, v10  }
0x325: {  	v12 =	vld @!p0 [tilespmem:$0x185B0]  }
0x326: {  	v10 =	vadd.f32 @!p0 v13, v10  }
0x327: {  	v13 =	vld @!p0 [tilespmem:$0x185C0]  }
0x328: {  	v10 =	vadd.f32 @!p0 v11, v10  }
0x329: {  	v11 =	vld @!p0 [tilespmem:$0x185D0]  }
0x32a: {  	v10 =	vadd.f32 @!p0 v12, v10  }
0x32b: {  	v12 =	vld @!p0 [tilespmem:$0x185E0]  }
0x32c: {  	v10 =	vadd.f32 @!p0 v13, v10  }
0x32d: {  	v13 =	vld @!p0 [tilespmem:$0x185F0]  }
0x32e: {  	v10 =	vadd.f32 @!p0 v11, v10  }
0x32f: {  	p1 =	seq.s32 s23, $0x3D  }
.Ltmp2:
0x330: {  	v10 =	vadd.f32 @!p0 v12, v10;
	(pc) =	sbr.rel @p1 .LBB2_4-.Ltmp2, $3  }
0x331: {  	_ = 	snop  }
0x332: {  	v10 =	vadd.f32 @!p0 v13, v10;
	_ =	sdelay $0x1  }
0x333: {  	[tilespmem:s31+$0x8] =	vst @!p0 v10  }
0x334: {  	v10 =	vld [tilespmem:s22+$0x10];
	_ =	sdelay $0x1  }
0x335: {  	v11 =	vld [tilespmem:s21+$0x10];
	_ =	sdelay $0x2  }
0x336: {  	v10 =	vand.u32 $0xFFFFFF80, v10  }
0x337: {  	v10 =	vadd.s32 s2, v10  }
0x338: {  	v11 =	vand.u32 $0xFFFFFF80, v11;
	(v2sf) =	vpush v10, $0x0  }
0x339: {  	v11 =	vadd.s32 s25, v11  }
0x33a: {  	(v2sf) =	vpush v11, $0x0;
	_ =	sdelay $0x1  }
0x33b: {  	(v2sf) =	vpush v10, $0x1;
	_ =	sdelay $0x1  }
0x33c: {  	(v2sf) =	vpush v11, $0x1;
	_ =	sdelay $0x1  }
0x33d: {  	(v2sf) =	vpush v10, $0x2;
	_ =	sdelay $0x1  }
0x33e: {  	(v2sf) =	vpush v11, $0x2;
	_ =	sdelay $0x1  }
0x33f: {  	(v2sf) =	vpush v10, $0x3;
	_ =	sdelay $0x1  }
0x340: {  	(v2sf) =	vpush v11, $0x3  }
0x341: {  	s1 =	simm.s32 $0x4500;
	s0 =	spop (v2sf)  }
0x342: {  	(v2sf) =	vpush v10, $0x4;
	[tilespmem:s1], [sflag:$0x3] =	stream.strided.gather [hbm4b:s0+s11], $0x800, s12, s11, $0x38;
	[tilespmem:$0x18800] =	vst v63  }
0x343: {  	s29 =	simm.s32 $0x10500;
	s28 =	spop (v2sf)  }
0x344: {  	(v2sf) =	vpush v11, $0x4;
	[tilespmem:s29], [sflag:$0x4] =	stream.strided.gather [hbm4b:s28+s11], $0x800, s12, s11, $0x38;
	[tilespmem:$0x18800] =	vst v63  }
0x345: {  	s3 =	simm.s32 $0x4D00;
	s1 =	spop (v2sf)  }
0x346: {  	(v2sf) =	vpush v10, $0x5;
	[tilespmem:s3], [sflag:$0x3] =	stream.strided.gather [hbm4b:s1+s11], $0x800, s12, s11, $0x38;
	[tilespmem:$0x18800] =	vst v63  }
0x347: {  	s8 =	simm.s32 $0x10D00;
	s4 =	spop (v2sf)  }
0x348: {  	(v2sf) =	vpush v11, $0x5;
	[tilespmem:s8], [sflag:$0x4] =	stream.strided.gather [hbm4b:s4+s11], $0x800, s12, s11, $0x38;
	[tilespmem:$0x18800] =	vst v63  }
0x349: {  	s13 =	simm.s32 $0x5500;
	s10 =	spop (v2sf)  }
0x34a: {  	(v2sf) =	vpush v10, $0x6;
	[tilespmem:s13], [sflag:$0x3] =	stream.strided.gather [hbm4b:s10+s11], $0x800, s12, s11, $0x38;
	[tilespmem:$0x18800] =	vst v63  }
0x34b: {  	s15 =	simm.s32 $0x11500;
	s14 =	spop (v2sf)  }
0x34c: {  	(v2sf) =	vpush v11, $0x6;
	[tilespmem:s15], [sflag:$0x4] =	stream.strided.gather [hbm4b:s14+s11], $0x800, s12, s11, $0x38;
	[tilespmem:$0x18800] =	vst v63  }
0x34d: {  	s17 =	simm.s32 $0x5D00;
	s16 =	spop (v2sf)  }
0x34e: {  	[tilespmem:s17], [sflag:$0x3] =	stream.strided.gather [hbm4b:s16+s11], $0x800, s12, s11, $0x38;
	[tilespmem:$0x18800] =	vst v63  }
0x34f: {  	s26 =	simm.s32 $0x11D00;
	(v2sf) =	vpush v10, $0x7;
	s18 =	spop (v2sf)  }
0x350: {  	[tilespmem:s26], [sflag:$0x4] =	stream.strided.gather [hbm4b:s18+s11], $0x800, s12, s11, $0x38;
	[tilespmem:$0x18800] =	vst v63  }
0x351: {  	s29 =	simm.s32 $0x6500;
	(v2sf) =	vpush v11, $0x7;
	s28 =	spop (v2sf)  }
0x352: {  	[tilespmem:s29], [sflag:$0x3] =	stream.strided.gather [hbm4b:s28+s11], $0x800, s12, s11, $0x38;
	[tilespmem:$0x18800] =	vst v63  }
0x353: {  	s3 =	simm.s32 $0x12500;
	s1 =	spop (v2sf)  }
0x354: {  	[tilespmem:s3], [sflag:$0x4] =	stream.strided.gather [hbm4b:s1+s11], $0x800, s12, s11, $0x38;
	[tilespmem:$0x18800] =	vst v63  }
0x355: {  	s8 =	simm.s32 $0x6D00;
	s4 =	spop (v2sf)  }
0x356: {  	[tilespmem:s8], [sflag:$0x3] =	stream.strided.gather [hbm4b:s4+s11], $0x800, s12, s11, $0x38;
	[tilespmem:$0x18800] =	vst v63  }
0x357: {  	s13 =	simm.s32 $0x12D00;
	s10 =	spop (v2sf)  }
0x358: {  	[tilespmem:s13], [sflag:$0x4] =	stream.strided.gather [hbm4b:s10+s11], $0x800, s12, s11, $0x38;
	[tilespmem:$0x18800] =	vst v63  }
0x359: {  	s15 =	simm.s32 $0x7500;
	s14 =	spop (v2sf)  }
0x35a: {  	[tilespmem:s15], [sflag:$0x3] =	stream.strided.gather [hbm4b:s14+s11], $0x800, s12, s11, $0x38;
	[tilespmem:$0x18800] =	vst v63  }
0x35b: {  	s17 =	simm.s32 $0x13500;
	s16 =	spop (v2sf)  }
0x35c: {  	[tilespmem:s17], [sflag:$0x4] =	stream.strided.gather [hbm4b:s16+s11], $0x800, s12, s11, $0x38;
	[tilespmem:$0x18800] =	vst v63  }
.Ltmp3:
0x35d: {  	s23 =	sadd.s32 $0x3, s23;
	s31 =	sadd.s32 $0x18, s31;
	(pc) =	sbr.rel .LBB2_2-.Ltmp3, $4  }
0x35e: {  	s21 =	sadd.s32 $0x18, s21;
	s26 =	simm.s32 $0x7D00;
	s18 =	spop (v2sf)  }
0x35f: {  	[tilespmem:s26], [sflag:$0x3] =	stream.strided.gather [hbm4b:s18+s11], $0x800, s12, s11, $0x38;
	[tilespmem:$0x18800] =	vst v63  }
0x360: {  	s22 =	sadd.s32 $0x18, s22;
	s29 =	simm.s32 $0x13D00;
	s28 =	spop (v2sf)  }
0x361: {  	[tilespmem:s29], [sflag:$0x4] =	stream.strided.gather [hbm4b:s28+s11], $0x800, s12, s11, $0x38;
	[tilespmem:$0x18800] =	vst v63  }
.LBB2_5:
0x362: {  	_ =	sfence.sel $0x180000  }
0x363: {  	[bflag:$0x0] =	sbarrier.arrive $0xFFFF  }
0x364: {  	_ =	strace $0x90000047  }
0x365: {  	s0 =	stileid.u32;
	[bflag:$0x2] =	sbarrier.arrive $0xFFFF  }
0x366: {  	p0 =	sne.s32 s0, $0x0;
	s0 =	rddreg [dreg:$0x5]  }
0x367: {  	s0 =	sadd.s32 @!p0 $0x100000, s0  }
0x368: {  	[sflag:s0] =	ssyncadd.tile.s32 @!p0 $0x1;
	_ =	shalt  }
.Lfunc_end2:
_tile_overlayer_lowered:
.L_overlay_start_2:
0x369: {  	(tag) =	ssettag $0x2  }
0x36a: {  	s0 =	rddreg [dreg:$0x0];
	s2 =	stileid.u32  }
0x36b: {  	s1 =	rddreg [dreg:$0x1];
	p0 =	sne.s32 s2, $0x0  }
0x36c: {  	s3 =	rddreg [dreg:$0x2];
	[bflag:$0x3] =	sbarrier.arrive $0xFFFF;
	s2 =	simm.s32 @!p0 $0x1C07  }
0x36d: {  	[timem:s3], [sflag:s2] =	dma.local @!p0 [hbm:s0], s1  }
0x36e: {  	s0 =	simm.s32 @!p0 $0x7  }
0x36f: {  	_ =	swait.ge @!p0 [sflag:s0], s1  }
0x370: {  	s1 =	ssub.s32 @!p0 $0x0, s1;
	[sflag:s0] =	ssyncset.done @!p0 $0x0  }
0x371: {  	[sflag:s0] =	ssyncadd.s32 @!p0 s1  }
0x372: {  	[bflag:$0x3] =	sbarrier.arrive $0xFFFF  }
0x373: {  	_ =	shalt  }

</sc_bundles>
